<compile_context>
chip_gen: v7x
topology: tpu7x:2x2x1
jax: 0.10.2.dev20260603
libtpu: 0.0.44.dev20260713+nightly
codegen_flags: <defaults>
</compile_context>

<pallas_src>
import functools

import jax
import jax.numpy as jnp
from jax import lax
from jax.experimental import pallas as pl
from jax.experimental.pallas import tpu as pltpu
from jax.experimental.pallas import tpu_sc as plsc

_B = 16384

_NC = 2
_NS = 16
_NW = _NC * _NS
_BPW = _B // _NW
_CH = 16
_NCHUNK = _BPW // _CH


def _sc_gather(indices, table):
    mesh = plsc.VectorSubcoreMesh(core_axis_name="c", subcore_axis_name="s")

    @functools.partial(
        pl.kernel,
        mesh=mesh,
        out_type=jax.ShapeDtypeStruct((_B,), jnp.float32),
        scratch_types=[
            pltpu.VMEM((_BPW,), jnp.int32),
            pltpu.VMEM((_BPW,), jnp.int32),
            pltpu.VMEM((_CH * 8, 128), jnp.float32),
            pltpu.VMEM((_CH * 8, 128), jnp.float32),
            pltpu.VMEM((_CH * 8, 128), jnp.float32),
            pltpu.VMEM((_CH * 8, 128), jnp.float32),
            pltpu.VMEM((_BPW,), jnp.float32),
            pltpu.SemaphoreType.DMA,
            pltpu.SemaphoreType.DMA,
            pltpu.SemaphoreType.DMA,
            pltpu.SemaphoreType.DMA,
        ],
    )
    def k(idx_hbm, tab_hbm, out_hbm, row_v, col_v, b0, b1, b2, b3, val_v,
          s0, s1, s2, s3):
        wid = lax.axis_index("s") * _NC + lax.axis_index("c")
        base = wid * _BPW
        pltpu.sync_copy(idx_hbm.at[0, pl.ds(base, _BPW)], row_v)
        pltpu.sync_copy(idx_hbm.at[1, pl.ds(base, _BPW)], col_v)

        def fire(ch, bank, sem):
            off = pl.multiple_of(ch * _CH, _CH)
            r0v = (row_v[pl.ds(off, _CH)] >> 3) * 8
            c0v = (col_v[pl.ds(off, _CH)] >> 7) * 128
            for j in range(_CH):
                r0 = pl.multiple_of(r0v[j], 8)
                c0 = pl.multiple_of(c0v[j], 128)
                pltpu.make_async_copy(
                    tab_hbm.at[pl.ds(r0, 8), pl.ds(c0, 128)],
                    bank.at[pl.ds(j * 8, 8)],
                    sem,
                ).start()

        def drain(bank, sem):
            pltpu.make_async_copy(
                tab_hbm.at[pl.ds(0, _CH * 8), pl.ds(0, 128)],
                bank,
                sem,
            ).wait()

        def extract(ch, bank):
            off = pl.multiple_of(ch * _CH, _CH)
            rv = row_v[pl.ds(off, _CH)]
            cv = col_v[pl.ds(off, _CH)]
            acc = jnp.zeros((_CH,), jnp.float32)
            pos = lax.iota(jnp.int32, _CH)
            lanes = cv & 15
            subv = pos * 8 + (rv & 7)
            l0v = cv & 112
            for j in range(_CH):
                v = bank[subv[j], pl.ds(pl.multiple_of(l0v[j], 16), 16)]
                t = v.at[lanes].get(mode="promise_in_bounds")
                acc = jnp.where(pos == j, t, acc)
            val_v[pl.ds(off, _CH)] = acc

        banks = (b0, b1, b2, b3)
        sems = (s0, s1, s2, s3)

        fire(0, b0, s0)
        fire(1, b1, s1)
        fire(2, b2, s2)

        def quad(q, carry):
            c = q * 4
            for p in range(4):
                nxt = c + p + 3
                if p >= 1:
                    @pl.when(nxt < _NCHUNK)
                    def _():
                        fire(nxt, banks[(p + 3) % 4], sems[(p + 3) % 4])
                else:
                    fire(nxt, banks[3], sems[3])
                drain(banks[p], sems[p])
                extract(c + p, banks[p])
            return carry

        lax.fori_loop(0, _NCHUNK // 4, quad, 0)
        pltpu.sync_copy(val_v, out_hbm.at[pl.ds(base, _BPW)])

    return k(indices, table)


def kernel(indices, table):
    idx = indices.astype(jnp.int32)
    return _sc_gather(idx, table)

# --- scband reference (transcript-rebuilt; emitter-appended) ---
"""Pipeline reference for scband-reward-table-15298673508880 (READ-ONLY COPY).

The authoritative reference and input builder live on the scoring server;
editing this copy changes nothing except your own understanding.
"""

import jax, jax.numpy as jnp
import numpy as np

ROWS = 10000
COLS = 10000
B = 16384

def setup_inputs(seed: int = 0) -> dict:
    key = jax.random.key(seed)
    k1, k2 = jax.random.split(key)
    indices = jax.random.randint(k1, (2, B), 0, ROWS)
    table = jax.random.normal(k2, (ROWS, COLS), dtype=jnp.float32)
    return {"indices": indices, "table": table}

def reference(indices, table):
    # Faithful translation of RewardTable.forward: self.table[indices[0], indices[1]]
    # Advanced integer indexing -> per-element gather, output shape [B]
    return table[indices[0], indices[1]]

if __name__ == "__main__":
    import jax
    _d = setup_inputs()
    print(jax.jit(kernel)(*tuple(_d.values())))

</pallas_src>

<mosaic_0001>
#map = affine_map<(d0, d1) -> (0, 0)>
#map1 = affine_map<(d0, d1) -> (0)>
module attributes {stable_mosaic.version = 14 : i64} {
  func.func @k(%arg0: i32, %arg1: i32, %arg2: memref<2x16384xi32, #tpu.memory_space<hbm>>, %arg3: memref<10000x10000xf32, #tpu.memory_space<hbm>>, %arg4: memref<16384xf32, #tpu.memory_space<hbm>>, %arg5: memref<512xi32, #tpu.memory_space<vmem>>, %arg6: memref<512xi32, #tpu.memory_space<vmem>>, %arg7: memref<128x128xf32, #tpu.memory_space<vmem>>, %arg8: memref<128x128xf32, #tpu.memory_space<vmem>>, %arg9: memref<128x128xf32, #tpu.memory_space<vmem>>, %arg10: memref<128x128xf32, #tpu.memory_space<vmem>>, %arg11: memref<512xf32, #tpu.memory_space<vmem>>, %arg12: memref<!tpu.dma_semaphore, #tpu.memory_space<semaphore_mem>>, %arg13: memref<!tpu.dma_semaphore, #tpu.memory_space<semaphore_mem>>, %arg14: memref<!tpu.dma_semaphore, #tpu.memory_space<semaphore_mem>>, %arg15: memref<!tpu.dma_semaphore, #tpu.memory_space<semaphore_mem>>) attributes {dimension_semantics = [#tpu.dimension_semantics<core_parallel>, #tpu.dimension_semantics<subcore_parallel>], iteration_bounds = array<i64: 2, 16>, scalar_prefetch = 0 : i64, scratch_operands = 11 : i64, tpu.core_type = #tpu.core_type<sc_vector_subcore>, window_params = [{transform_indices = #map}, {transform_indices = #map}, {transform_indices = #map1}]} {
    %mul3A = arith.constant 2 : i32
    %mul3A_0 = arith.muli %arg1, %mul3A : i32
    %add3A = arith.addi %mul3A_0, %arg0 : i32
    %mul3A_1 = arith.constant 512 : i32
    %mul3A_2 = arith.muli %add3A, %mul3A_1 : i32
    %run_scoped3A = arith.constant 0 : i32
    "tpu.region"() ({
      %run_scoped3A_735 = tpu.sem_alloc : memref<!tpu.dma_semaphore, #tpu.memory_space<semaphore_mem>>
      %dma_start3A_736 = tpu.memref_slice %arg2[%run_scoped3A, %mul3A_2] : memref<2x16384xi32, #tpu.memory_space<hbm>> -> memref<1x512xi32, #tpu.memory_space<hbm>>
      %dma_start3A_737 = tpu.memref_squeeze %dma_start3A_736 : memref<1x512xi32, #tpu.memory_space<hbm>> -> memref<512xi32, #tpu.memory_space<hbm>>
      %dma_start3A_738 = tpu.memref_slice %arg2[%run_scoped3A, %mul3A_2] : memref<2x16384xi32, #tpu.memory_space<hbm>> -> memref<1x512xi32, #tpu.memory_space<hbm>>
      %dma_start3A_739 = tpu.memref_squeeze %dma_start3A_738 : memref<1x512xi32, #tpu.memory_space<hbm>> -> memref<512xi32, #tpu.memory_space<hbm>>
      tpu.enqueue_dma source(%dma_start3A_739 : memref<512xi32, #tpu.memory_space<hbm>>) target(%arg5 : memref<512xi32, #tpu.memory_space<vmem>>) target_semaphore(%run_scoped3A_735 : memref<!tpu.dma_semaphore, #tpu.memory_space<semaphore_mem>>)
      %dma_wait3A = tpu.memref_slice %arg2[%run_scoped3A, %mul3A_2] : memref<2x16384xi32, #tpu.memory_space<hbm>> -> memref<1x512xi32, #tpu.memory_space<hbm>>
      %dma_wait3A_740 = tpu.memref_squeeze %dma_wait3A : memref<1x512xi32, #tpu.memory_space<hbm>> -> memref<512xi32, #tpu.memory_space<hbm>>
      %dma_wait3A_741 = tpu.memref_slice %arg2[%run_scoped3A, %mul3A_2] : memref<2x16384xi32, #tpu.memory_space<hbm>> -> memref<1x512xi32, #tpu.memory_space<hbm>>
      %dma_wait3A_742 = tpu.memref_squeeze %dma_wait3A_741 : memref<1x512xi32, #tpu.memory_space<hbm>> -> memref<512xi32, #tpu.memory_space<hbm>>
      tpu.wait_dma2 semaphore(%run_scoped3A_735 : memref<!tpu.dma_semaphore, #tpu.memory_space<semaphore_mem>>) src(%dma_wait3A_742 : memref<512xi32, #tpu.memory_space<hbm>>) dst(%arg5 : memref<512xi32, #tpu.memory_space<vmem>>)
      tpu.yield
    }) : () -> ()
    %run_scoped3A_3 = arith.constant 1 : i32
    "tpu.region"() ({
      %run_scoped3A_735 = tpu.sem_alloc : memref<!tpu.dma_semaphore, #tpu.memory_space<semaphore_mem>>
      %dma_start3A_736 = tpu.memref_slice %arg2[%run_scoped3A_3, %mul3A_2] : memref<2x16384xi32, #tpu.memory_space<hbm>> -> memref<1x512xi32, #tpu.memory_space<hbm>>
      %dma_start3A_737 = tpu.memref_squeeze %dma_start3A_736 : memref<1x512xi32, #tpu.memory_space<hbm>> -> memref<512xi32, #tpu.memory_space<hbm>>
      %dma_start3A_738 = tpu.memref_slice %arg2[%run_scoped3A_3, %mul3A_2] : memref<2x16384xi32, #tpu.memory_space<hbm>> -> memref<1x512xi32, #tpu.memory_space<hbm>>
      %dma_start3A_739 = tpu.memref_squeeze %dma_start3A_738 : memref<1x512xi32, #tpu.memory_space<hbm>> -> memref<512xi32, #tpu.memory_space<hbm>>
      tpu.enqueue_dma source(%dma_start3A_739 : memref<512xi32, #tpu.memory_space<hbm>>) target(%arg6 : memref<512xi32, #tpu.memory_space<vmem>>) target_semaphore(%run_scoped3A_735 : memref<!tpu.dma_semaphore, #tpu.memory_space<semaphore_mem>>)
      %dma_wait3A = tpu.memref_slice %arg2[%run_scoped3A_3, %mul3A_2] : memref<2x16384xi32, #tpu.memory_space<hbm>> -> memref<1x512xi32, #tpu.memory_space<hbm>>
      %dma_wait3A_740 = tpu.memref_squeeze %dma_wait3A : memref<1x512xi32, #tpu.memory_space<hbm>> -> memref<512xi32, #tpu.memory_space<hbm>>
      %dma_wait3A_741 = tpu.memref_slice %arg2[%run_scoped3A_3, %mul3A_2] : memref<2x16384xi32, #tpu.memory_space<hbm>> -> memref<1x512xi32, #tpu.memory_space<hbm>>
      %dma_wait3A_742 = tpu.memref_squeeze %dma_wait3A_741 : memref<1x512xi32, #tpu.memory_space<hbm>> -> memref<512xi32, #tpu.memory_space<hbm>>
      tpu.wait_dma2 semaphore(%run_scoped3A_735 : memref<!tpu.dma_semaphore, #tpu.memory_space<semaphore_mem>>) src(%dma_wait3A_742 : memref<512xi32, #tpu.memory_space<hbm>>) dst(%arg6 : memref<512xi32, #tpu.memory_space<vmem>>)
      tpu.yield
    }) : () -> ()
    %multiple_of3A = arith.constant 0 : i32
    %multiple_of3A_4 = tpu.assume_multiple %multiple_of3A, 16 : i32
    %get3A = arith.index_cast %multiple_of3A_4 : i32 to index
    %get3A_5 = tpu.vector_load %arg5[%get3A] {strides = array<i32>} : memref<512xi32, #tpu.memory_space<vmem>>, vector<16xi32>,
    %get3A_6 = vector.shape_cast %get3A_5 : vector<16xi32> to vector<16xi32>
    %shift_right_arithmetic3A = arith.constant 3 : i32
    %shift_right_arithmetic3A_7 = vector.broadcast %shift_right_arithmetic3A : i32 to vector<16xi32>
    %shift_right_arithmetic3A_8 = arith.shrsi %get3A_6, %shift_right_arithmetic3A_7 : vector<16xi32>
    %mul3A_9 = arith.constant 8 : i32
    %mul3A_10 = vector.broadcast %mul3A_9 : i32 to vector<16xi32>
    %mul3A_11 = arith.muli %shift_right_arithmetic3A_8, %mul3A_10 : vector<16xi32>
    %get3A_12 = arith.index_cast %multiple_of3A_4 : i32 to index
    %get3A_13 = tpu.vector_load %arg6[%get3A_12] {strides = array<i32>} : memref<512xi32, #tpu.memory_space<vmem>>, vector<16xi32>,
    %get3A_14 = vector.shape_cast %get3A_13 : vector<16xi32> to vector<16xi32>
    %shift_right_arithmetic3A_15 = arith.constant 7 : i32
    %shift_right_arithmetic3A_16 = vector.broadcast %shift_right_arithmetic3A_15 : i32 to vector<16xi32>
    %shift_right_arithmetic3A_17 = arith.shrsi %get3A_14, %shift_right_arithmetic3A_16 : vector<16xi32>
    %mul3A_18 = arith.constant 128 : i32
    %mul3A_19 = vector.broadcast %mul3A_18 : i32 to vector<16xi32>
    %mul3A_20 = arith.muli %shift_right_arithmetic3A_17, %mul3A_19 : vector<16xi32>
    %slice3A = vector.extract_strided_slice %mul3A_11 {offsets = [0], sizes = [1], strides = [1]} : vector<16xi32> to vector<1xi32>
    %squeeze3A = vector.extract %slice3A[0] : i32 from vector<1xi32>
    %multiple_of3A_21 = tpu.assume_multiple %squeeze3A, 8 : i32
    %slice3A_22 = vector.extract_strided_slice %mul3A_20 {offsets = [0], sizes = [1], strides = [1]} : vector<16xi32> to vector<1xi32>
    %squeeze3A_23 = vector.extract %slice3A_22[0] : i32 from vector<1xi32>
    %multiple_of3A_24 = tpu.assume_multiple %squeeze3A_23, 128 : i32
    %dma_start3A = arith.constant 0 : i32
    %dma_start3A_25 = arith.constant 0 : i32
    %dma_start3A_26 = tpu.memref_slice %arg7[%dma_start3A, %dma_start3A_25] : memref<128x128xf32, #tpu.memory_space<vmem>> -> memref<8x128xf32, #tpu.memory_space<vmem>>
    %dma_start3A_27 = tpu.memref_slice %arg3[%multiple_of3A_21, %multiple_of3A_24] : memref<10000x10000xf32, #tpu.memory_space<hbm>> -> memref<8x128xf32, #tpu.memory_space<hbm>>
    %dma_start3A_28 = arith.constant 0 : i32
    %dma_start3A_29 = arith.constant 0 : i32
    %dma_start3A_30 = tpu.memref_slice %arg7[%dma_start3A_28, %dma_start3A_29] : memref<128x128xf32, #tpu.memory_space<vmem>> -> memref<8x128xf32, #tpu.memory_space<vmem>>
    %dma_start3A_31 = tpu.memref_slice %arg3[%multiple_of3A_21, %multiple_of3A_24] : memref<10000x10000xf32, #tpu.memory_space<hbm>> -> memref<8x128xf32, #tpu.memory_space<hbm>>
    tpu.enqueue_dma source(%dma_start3A_31 : memref<8x128xf32, #tpu.memory_space<hbm>>) target(%dma_start3A_30 : memref<8x128xf32, #tpu.memory_space<vmem>>) target_semaphore(%arg12 : memref<!tpu.dma_semaphore, #tpu.memory_space<semaphore_mem>>)
    %slice3A_32 = vector.extract_strided_slice %mul3A_11 {offsets = [1], sizes = [1], strides = [1]} : vector<16xi32> to vector<1xi32>
    %squeeze3A_33 = vector.extract %slice3A_32[0] : i32 from vector<1xi32>
    %multiple_of3A_34 = tpu.assume_multiple %squeeze3A_33, 8 : i32
    %slice3A_35 = vector.extract_strided_slice %mul3A_20 {offsets = [1], sizes = [1], strides = [1]} : vector<16xi32> to vector<1xi32>
    %squeeze3A_36 = vector.extract %slice3A_35[0] : i32 from vector<1xi32>
    %multiple_of3A_37 = tpu.assume_multiple %squeeze3A_36, 128 : i32
    %dma_start3A_38 = arith.constant 8 : i32
    %dma_start3A_39 = arith.constant 0 : i32
    %dma_start3A_40 = tpu.memref_slice %arg7[%dma_start3A_38, %dma_start3A_39] : memref<128x128xf32, #tpu.memory_space<vmem>> -> memref<8x128xf32, #tpu.memory_space<vmem>>
    %dma_start3A_41 = tpu.memref_slice %arg3[%multiple_of3A_34, %multiple_of3A_37] : memref<10000x10000xf32, #tpu.memory_space<hbm>> -> memref<8x128xf32, #tpu.memory_space<hbm>>
    %dma_start3A_42 = arith.constant 8 : i32
    %dma_start3A_43 = arith.constant 0 : i32
    %dma_start3A_44 = tpu.memref_slice %arg7[%dma_start3A_42, %dma_start3A_43] : memref<128x128xf32, #tpu.memory_space<vmem>> -> memref<8x128xf32, #tpu.memory_space<vmem>>
    %dma_start3A_45 = tpu.memref_slice %arg3[%multiple_of3A_34, %multiple_of3A_37] : memref<10000x10000xf32, #tpu.memory_space<hbm>> -> memref<8x128xf32, #tpu.memory_space<hbm>>
    tpu.enqueue_dma source(%dma_start3A_45 : memref<8x128xf32, #tpu.memory_space<hbm>>) target(%dma_start3A_44 : memref<8x128xf32, #tpu.memory_space<vmem>>) target_semaphore(%arg12 : memref<!tpu.dma_semaphore, #tpu.memory_space<semaphore_mem>>)
    %slice3A_46 = vector.extract_strided_slice %mul3A_11 {offsets = [2], sizes = [1], strides = [1]} : vector<16xi32> to vector<1xi32>
    %squeeze3A_47 = vector.extract %slice3A_46[0] : i32 from vector<1xi32>
    %multiple_of3A_48 = tpu.assume_multiple %squeeze3A_47, 8 : i32
    %slice3A_49 = vector.extract_strided_slice %mul3A_20 {offsets = [2], sizes = [1], strides = [1]} : vector<16xi32> to vector<1xi32>
    %squeeze3A_50 = vector.extract %slice3A_49[0] : i32 from vector<1xi32>
    %multiple_of3A_51 = tpu.assume_multiple %squeeze3A_50, 128 : i32
    %dma_start3A_52 = arith.constant 16 : i32
    %dma_start3A_53 = arith.constant 0 : i32
    %dma_start3A_54 = tpu.memref_slice %arg7[%dma_start3A_52, %dma_start3A_53] : memref<128x128xf32, #tpu.memory_space<vmem>> -> memref<8x128xf32, #tpu.memory_space<vmem>>
    %dma_start3A_55 = tpu.memref_slice %arg3[%multiple_of3A_48, %multiple_of3A_51] : memref<10000x10000xf32, #tpu.memory_space<hbm>> -> memref<8x128xf32, #tpu.memory_space<hbm>>
    %dma_start3A_56 = arith.constant 16 : i32
    %dma_start3A_57 = arith.constant 0 : i32
    %dma_start3A_58 = tpu.memref_slice %arg7[%dma_start3A_56, %dma_start3A_57] : memref<128x128xf32, #tpu.memory_space<vmem>> -> memref<8x128xf32, #tpu.memory_space<vmem>>
    %dma_start3A_59 = tpu.memref_slice %arg3[%multiple_of3A_48, %multiple_of3A_51] : memref<10000x10000xf32, #tpu.memory_space<hbm>> -> memref<8x128xf32, #tpu.memory_space<hbm>>
    tpu.enqueue_dma source(%dma_start3A_59 : memref<8x128xf32, #tpu.memory_space<hbm>>) target(%dma_start3A_58 : memref<8x128xf32, #tpu.memory_space<vmem>>) target_semaphore(%arg12 : memref<!tpu.dma_semaphore, #tpu.memory_space<semaphore_mem>>)
    %slice3A_60 = vector.extract_strided_slice %mul3A_11 {offsets = [3], sizes = [1], strides = [1]} : vector<16xi32> to vector<1xi32>
    %squeeze3A_61 = vector.extract %slice3A_60[0] : i32 from vector<1xi32>
    %multiple_of3A_62 = tpu.assume_multiple %squeeze3A_61, 8 : i32
    %slice3A_63 = vector.extract_strided_slice %mul3A_20 {offsets = [3], sizes = [1], strides = [1]} : vector<16xi32> to vector<1xi32>
    %squeeze3A_64 = vector.extract %slice3A_63[0] : i32 from vector<1xi32>
    %multiple_of3A_65 = tpu.assume_multiple %squeeze3A_64, 128 : i32
    %dma_start3A_66 = arith.constant 24 : i32
    %dma_start3A_67 = arith.constant 0 : i32
    %dma_start3A_68 = tpu.memref_slice %arg7[%dma_start3A_66, %dma_start3A_67] : memref<128x128xf32, #tpu.memory_space<vmem>> -> memref<8x128xf32, #tpu.memory_space<vmem>>
    %dma_start3A_69 = tpu.memref_slice %arg3[%multiple_of3A_62, %multiple_of3A_65] : memref<10000x10000xf32, #tpu.memory_space<hbm>> -> memref<8x128xf32, #tpu.memory_space<hbm>>
    %dma_start3A_70 = arith.constant 24 : i32
    %dma_start3A_71 = arith.constant 0 : i32
    %dma_start3A_72 = tpu.memref_slice %arg7[%dma_start3A_70, %dma_start3A_71] : memref<128x128xf32, #tpu.memory_space<vmem>> -> memref<8x128xf32, #tpu.memory_space<vmem>>
    %dma_start3A_73 = tpu.memref_slice %arg3[%multiple_of3A_62, %multiple_of3A_65] : memref<10000x10000xf32, #tpu.memory_space<hbm>> -> memref<8x128xf32, #tpu.memory_space<hbm>>
    tpu.enqueue_dma source(%dma_start3A_73 : memref<8x128xf32, #tpu.memory_space<hbm>>) target(%dma_start3A_72 : memref<8x128xf32, #tpu.memory_space<vmem>>) target_semaphore(%arg12 : memref<!tpu.dma_semaphore, #tpu.memory_space<semaphore_mem>>)
    %slice3A_74 = vector.extract_strided_slice %mul3A_11 {offsets = [4], sizes = [1], strides = [1]} : vector<16xi32> to vector<1xi32>
    %squeeze3A_75 = vector.extract %slice3A_74[0] : i32 from vector<1xi32>
    %multiple_of3A_76 = tpu.assume_multiple %squeeze3A_75, 8 : i32
    %slice3A_77 = vector.extract_strided_slice %mul3A_20 {offsets = [4], sizes = [1], strides = [1]} : vector<16xi32> to vector<1xi32>
    %squeeze3A_78 = vector.extract %slice3A_77[0] : i32 from vector<1xi32>
    %multiple_of3A_79 = tpu.assume_multiple %squeeze3A_78, 128 : i32
    %dma_start3A_80 = arith.constant 32 : i32
    %dma_start3A_81 = arith.constant 0 : i32
    %dma_start3A_82 = tpu.memref_slice %arg7[%dma_start3A_80, %dma_start3A_81] : memref<128x128xf32, #tpu.memory_space<vmem>> -> memref<8x128xf32, #tpu.memory_space<vmem>>
    %dma_start3A_83 = tpu.memref_slice %arg3[%multiple_of3A_76, %multiple_of3A_79] : memref<10000x10000xf32, #tpu.memory_space<hbm>> -> memref<8x128xf32, #tpu.memory_space<hbm>>
    %dma_start3A_84 = arith.constant 32 : i32
    %dma_start3A_85 = arith.constant 0 : i32
    %dma_start3A_86 = tpu.memref_slice %arg7[%dma_start3A_84, %dma_start3A_85] : memref<128x128xf32, #tpu.memory_space<vmem>> -> memref<8x128xf32, #tpu.memory_space<vmem>>
    %dma_start3A_87 = tpu.memref_slice %arg3[%multiple_of3A_76, %multiple_of3A_79] : memref<10000x10000xf32, #tpu.memory_space<hbm>> -> memref<8x128xf32, #tpu.memory_space<hbm>>
    tpu.enqueue_dma source(%dma_start3A_87 : memref<8x128xf32, #tpu.memory_space<hbm>>) target(%dma_start3A_86 : memref<8x128xf32, #tpu.memory_space<vmem>>) target_semaphore(%arg12 : memref<!tpu.dma_semaphore, #tpu.memory_space<semaphore_mem>>)
    %slice3A_88 = vector.extract_strided_slice %mul3A_11 {offsets = [5], sizes = [1], strides = [1]} : vector<16xi32> to vector<1xi32>
    %squeeze3A_89 = vector.extract %slice3A_88[0] : i32 from vector<1xi32>
    %multiple_of3A_90 = tpu.assume_multiple %squeeze3A_89, 8 : i32
    %slice3A_91 = vector.extract_strided_slice %mul3A_20 {offsets = [5], sizes = [1], strides = [1]} : vector<16xi32> to vector<1xi32>
    %squeeze3A_92 = vector.extract %slice3A_91[0] : i32 from vector<1xi32>
    %multiple_of3A_93 = tpu.assume_multiple %squeeze3A_92, 128 : i32
    %dma_start3A_94 = arith.constant 40 : i32
    %dma_start3A_95 = arith.constant 0 : i32
    %dma_start3A_96 = tpu.memref_slice %arg7[%dma_start3A_94, %dma_start3A_95] : memref<128x128xf32, #tpu.memory_space<vmem>> -> memref<8x128xf32, #tpu.memory_space<vmem>>
    %dma_start3A_97 = tpu.memref_slice %arg3[%multiple_of3A_90, %multiple_of3A_93] : memref<10000x10000xf32, #tpu.memory_space<hbm>> -> memref<8x128xf32, #tpu.memory_space<hbm>>
    %dma_start3A_98 = arith.constant 40 : i32
    %dma_start3A_99 = arith.constant 0 : i32
    %dma_start3A_100 = tpu.memref_slice %arg7[%dma_start3A_98, %dma_start3A_99] : memref<128x128xf32, #tpu.memory_space<vmem>> -> memref<8x128xf32, #tpu.memory_space<vmem>>
    %dma_start3A_101 = tpu.memref_slice %arg3[%multiple_of3A_90, %multiple_of3A_93] : memref<10000x10000xf32, #tpu.memory_space<hbm>> -> memref<8x128xf32, #tpu.memory_space<hbm>>
    tpu.enqueue_dma source(%dma_start3A_101 : memref<8x128xf32, #tpu.memory_space<hbm>>) target(%dma_start3A_100 : memref<8x128xf32, #tpu.memory_space<vmem>>) target_semaphore(%arg12 : memref<!tpu.dma_semaphore, #tpu.memory_space<semaphore_mem>>)
    %slice3A_102 = vector.extract_strided_slice %mul3A_11 {offsets = [6], sizes = [1], strides = [1]} : vector<16xi32> to vector<1xi32>
    %squeeze3A_103 = vector.extract %slice3A_102[0] : i32 from vector<1xi32>
    %multiple_of3A_104 = tpu.assume_multiple %squeeze3A_103, 8 : i32
    %slice3A_105 = vector.extract_strided_slice %mul3A_20 {offsets = [6], sizes = [1], strides = [1]} : vector<16xi32> to vector<1xi32>
    %squeeze3A_106 = vector.extract %slice3A_105[0] : i32 from vector<1xi32>
    %multiple_of3A_107 = tpu.assume_multiple %squeeze3A_106, 128 : i32
    %dma_start3A_108 = arith.constant 48 : i32
    %dma_start3A_109 = arith.constant 0 : i32
    %dma_start3A_110 = tpu.memref_slice %arg7[%dma_start3A_108, %dma_start3A_109] : memref<128x128xf32, #tpu.memory_space<vmem>> -> memref<8x128xf32, #tpu.memory_space<vmem>>
    %dma_start3A_111 = tpu.memref_slice %arg3[%multiple_of3A_104, %multiple_of3A_107] : memref<10000x10000xf32, #tpu.memory_space<hbm>> -> memref<8x128xf32, #tpu.memory_space<hbm>>
    %dma_start3A_112 = arith.constant 48 : i32
    %dma_start3A_113 = arith.constant 0 : i32
    %dma_start3A_114 = tpu.memref_slice %arg7[%dma_start3A_112, %dma_start3A_113] : memref<128x128xf32, #tpu.memory_space<vmem>> -> memref<8x128xf32, #tpu.memory_space<vmem>>
    %dma_start3A_115 = tpu.memref_slice %arg3[%multiple_of3A_104, %multiple_of3A_107] : memref<10000x10000xf32, #tpu.memory_space<hbm>> -> memref<8x128xf32, #tpu.memory_space<hbm>>
    tpu.enqueue_dma source(%dma_start3A_115 : memref<8x128xf32, #tpu.memory_space<hbm>>) target(%dma_start3A_114 : memref<8x128xf32, #tpu.memory_space<vmem>>) target_semaphore(%arg12 : memref<!tpu.dma_semaphore, #tpu.memory_space<semaphore_mem>>)
    %slice3A_116 = vector.extract_strided_slice %mul3A_11 {offsets = [7], sizes = [1], strides = [1]} : vector<16xi32> to vector<1xi32>
    %squeeze3A_117 = vector.extract %slice3A_116[0] : i32 from vector<1xi32>
    %multiple_of3A_118 = tpu.assume_multiple %squeeze3A_117, 8 : i32
    %slice3A_119 = vector.extract_strided_slice %mul3A_20 {offsets = [7], sizes = [1], strides = [1]} : vector<16xi32> to vector<1xi32>
    %squeeze3A_120 = vector.extract %slice3A_119[0] : i32 from vector<1xi32>
    %multiple_of3A_121 = tpu.assume_multiple %squeeze3A_120, 128 : i32
    %dma_start3A_122 = arith.constant 56 : i32
    %dma_start3A_123 = arith.constant 0 : i32
    %dma_start3A_124 = tpu.memref_slice %arg7[%dma_start3A_122, %dma_start3A_123] : memref<128x128xf32, #tpu.memory_space<vmem>> -> memref<8x128xf32, #tpu.memory_space<vmem>>
    %dma_start3A_125 = tpu.memref_slice %arg3[%multiple_of3A_118, %multiple_of3A_121] : memref<10000x10000xf32, #tpu.memory_space<hbm>> -> memref<8x128xf32, #tpu.memory_space<hbm>>
    %dma_start3A_126 = arith.constant 56 : i32
    %dma_start3A_127 = arith.constant 0 : i32
    %dma_start3A_128 = tpu.memref_slice %arg7[%dma_start3A_126, %dma_start3A_127] : memref<128x128xf32, #tpu.memory_space<vmem>> -> memref<8x128xf32, #tpu.memory_space<vmem>>
    %dma_start3A_129 = tpu.memref_slice %arg3[%multiple_of3A_118, %multiple_of3A_121] : memref<10000x10000xf32, #tpu.memory_space<hbm>> -> memref<8x128xf32, #tpu.memory_space<hbm>>
    tpu.enqueue_dma source(%dma_start3A_129 : memref<8x128xf32, #tpu.memory_space<hbm>>) target(%dma_start3A_128 : memref<8x128xf32, #tpu.memory_space<vmem>>) target_semaphore(%arg12 : memref<!tpu.dma_semaphore, #tpu.memory_space<semaphore_mem>>)
    %slice3A_130 = vector.extract_strided_slice %mul3A_11 {offsets = [8], sizes = [1], strides = [1]} : vector<16xi32> to vector<1xi32>
    %squeeze3A_131 = vector.extract %slice3A_130[0] : i32 from vector<1xi32>
    %multiple_of3A_132 = tpu.assume_multiple %squeeze3A_131, 8 : i32
    %slice3A_133 = vector.extract_strided_slice %mul3A_20 {offsets = [8], sizes = [1], strides = [1]} : vector<16xi32> to vector<1xi32>
    %squeeze3A_134 = vector.extract %slice3A_133[0] : i32 from vector<1xi32>
    %multiple_of3A_135 = tpu.assume_multiple %squeeze3A_134, 128 : i32
    %dma_start3A_136 = arith.constant 64 : i32
    %dma_start3A_137 = arith.constant 0 : i32
    %dma_start3A_138 = tpu.memref_slice %arg7[%dma_start3A_136, %dma_start3A_137] : memref<128x128xf32, #tpu.memory_space<vmem>> -> memref<8x128xf32, #tpu.memory_space<vmem>>
    %dma_start3A_139 = tpu.memref_slice %arg3[%multiple_of3A_132, %multiple_of3A_135] : memref<10000x10000xf32, #tpu.memory_space<hbm>> -> memref<8x128xf32, #tpu.memory_space<hbm>>
    %dma_start3A_140 = arith.constant 64 : i32
    %dma_start3A_141 = arith.constant 0 : i32
    %dma_start3A_142 = tpu.memref_slice %arg7[%dma_start3A_140, %dma_start3A_141] : memref<128x128xf32, #tpu.memory_space<vmem>> -> memref<8x128xf32, #tpu.memory_space<vmem>>
    %dma_start3A_143 = tpu.memref_slice %arg3[%multiple_of3A_132, %multiple_of3A_135] : memref<10000x10000xf32, #tpu.memory_space<hbm>> -> memref<8x128xf32, #tpu.memory_space<hbm>>
    tpu.enqueue_dma source(%dma_start3A_143 : memref<8x128xf32, #tpu.memory_space<hbm>>) target(%dma_start3A_142 : memref<8x128xf32, #tpu.memory_space<vmem>>) target_semaphore(%arg12 : memref<!tpu.dma_semaphore, #tpu.memory_space<semaphore_mem>>)
    %slice3A_144 = vector.extract_strided_slice %mul3A_11 {offsets = [9], sizes = [1], strides = [1]} : vector<16xi32> to vector<1xi32>
    %squeeze3A_145 = vector.extract %slice3A_144[0] : i32 from vector<1xi32>
    %multiple_of3A_146 = tpu.assume_multiple %squeeze3A_145, 8 : i32
    %slice3A_147 = vector.extract_strided_slice %mul3A_20 {offsets = [9], sizes = [1], strides = [1]} : vector<16xi32> to vector<1xi32>
    %squeeze3A_148 = vector.extract %slice3A_147[0] : i32 from vector<1xi32>
    %multiple_of3A_149 = tpu.assume_multiple %squeeze3A_148, 128 : i32
    %dma_start3A_150 = arith.constant 72 : i32
    %dma_start3A_151 = arith.constant 0 : i32
    %dma_start3A_152 = tpu.memref_slice %arg7[%dma_start3A_150, %dma_start3A_151] : memref<128x128xf32, #tpu.memory_space<vmem>> -> memref<8x128xf32, #tpu.memory_space<vmem>>
    %dma_start3A_153 = tpu.memref_slice %arg3[%multiple_of3A_146, %multiple_of3A_149] : memref<10000x10000xf32, #tpu.memory_space<hbm>> -> memref<8x128xf32, #tpu.memory_space<hbm>>
    %dma_start3A_154 = arith.constant 72 : i32
    %dma_start3A_155 = arith.constant 0 : i32
    %dma_start3A_156 = tpu.memref_slice %arg7[%dma_start3A_154, %dma_start3A_155] : memref<128x128xf32, #tpu.memory_space<vmem>> -> memref<8x128xf32, #tpu.memory_space<vmem>>
    %dma_start3A_157 = tpu.memref_slice %arg3[%multiple_of3A_146, %multiple_of3A_149] : memref<10000x10000xf32, #tpu.memory_space<hbm>> -> memref<8x128xf32, #tpu.memory_space<hbm>>
    tpu.enqueue_dma source(%dma_start3A_157 : memref<8x128xf32, #tpu.memory_space<hbm>>) target(%dma_start3A_156 : memref<8x128xf32, #tpu.memory_space<vmem>>) target_semaphore(%arg12 : memref<!tpu.dma_semaphore, #tpu.memory_space<semaphore_mem>>)
    %slice3A_158 = vector.extract_strided_slice %mul3A_11 {offsets = [10], sizes = [1], strides = [1]} : vector<16xi32> to vector<1xi32>
    %squeeze3A_159 = vector.extract %slice3A_158[0] : i32 from vector<1xi32>
    %multiple_of3A_160 = tpu.assume_multiple %squeeze3A_159, 8 : i32
    %slice3A_161 = vector.extract_strided_slice %mul3A_20 {offsets = [10], sizes = [1], strides = [1]} : vector<16xi32> to vector<1xi32>
    %squeeze3A_162 = vector.extract %slice3A_161[0] : i32 from vector<1xi32>
    %multiple_of3A_163 = tpu.assume_multiple %squeeze3A_162, 128 : i32
    %dma_start3A_164 = arith.constant 80 : i32
    %dma_start3A_165 = arith.constant 0 : i32
    %dma_start3A_166 = tpu.memref_slice %arg7[%dma_start3A_164, %dma_start3A_165] : memref<128x128xf32, #tpu.memory_space<vmem>> -> memref<8x128xf32, #tpu.memory_space<vmem>>
    %dma_start3A_167 = tpu.memref_slice %arg3[%multiple_of3A_160, %multiple_of3A_163] : memref<10000x10000xf32, #tpu.memory_space<hbm>> -> memref<8x128xf32, #tpu.memory_space<hbm>>
    %dma_start3A_168 = arith.constant 80 : i32
    %dma_start3A_169 = arith.constant 0 : i32
    %dma_start3A_170 = tpu.memref_slice %arg7[%dma_start3A_168, %dma_start3A_169] : memref<128x128xf32, #tpu.memory_space<vmem>> -> memref<8x128xf32, #tpu.memory_space<vmem>>
    %dma_start3A_171 = tpu.memref_slice %arg3[%multiple_of3A_160, %multiple_of3A_163] : memref<10000x10000xf32, #tpu.memory_space<hbm>> -> memref<8x128xf32, #tpu.memory_space<hbm>>
    tpu.enqueue_dma source(%dma_start3A_171 : memref<8x128xf32, #tpu.memory_space<hbm>>) target(%dma_start3A_170 : memref<8x128xf32, #tpu.memory_space<vmem>>) target_semaphore(%arg12 : memref<!tpu.dma_semaphore, #tpu.memory_space<semaphore_mem>>)
    %slice3A_172 = vector.extract_strided_slice %mul3A_11 {offsets = [11], sizes = [1], strides = [1]} : vector<16xi32> to vector<1xi32>
    %squeeze3A_173 = vector.extract %slice3A_172[0] : i32 from vector<1xi32>
    %multiple_of3A_174 = tpu.assume_multiple %squeeze3A_173, 8 : i32
    %slice3A_175 = vector.extract_strided_slice %mul3A_20 {offsets = [11], sizes = [1], strides = [1]} : vector<16xi32> to vector<1xi32>
    %squeeze3A_176 = vector.extract %slice3A_175[0] : i32 from vector<1xi32>
    %multiple_of3A_177 = tpu.assume_multiple %squeeze3A_176, 128 : i32
    %dma_start3A_178 = arith.constant 88 : i32
    %dma_start3A_179 = arith.constant 0 : i32
    %dma_start3A_180 = tpu.memref_slice %arg7[%dma_start3A_178, %dma_start3A_179] : memref<128x128xf32, #tpu.memory_space<vmem>> -> memref<8x128xf32, #tpu.memory_space<vmem>>
    %dma_start3A_181 = tpu.memref_slice %arg3[%multiple_of3A_174, %multiple_of3A_177] : memref<10000x10000xf32, #tpu.memory_space<hbm>> -> memref<8x128xf32, #tpu.memory_space<hbm>>
    %dma_start3A_182 = arith.constant 88 : i32
    %dma_start3A_183 = arith.constant 0 : i32
    %dma_start3A_184 = tpu.memref_slice %arg7[%dma_start3A_182, %dma_start3A_183] : memref<128x128xf32, #tpu.memory_space<vmem>> -> memref<8x128xf32, #tpu.memory_space<vmem>>
    %dma_start3A_185 = tpu.memref_slice %arg3[%multiple_of3A_174, %multiple_of3A_177] : memref<10000x10000xf32, #tpu.memory_space<hbm>> -> memref<8x128xf32, #tpu.memory_space<hbm>>
    tpu.enqueue_dma source(%dma_start3A_185 : memref<8x128xf32, #tpu.memory_space<hbm>>) target(%dma_start3A_184 : memref<8x128xf32, #tpu.memory_space<vmem>>) target_semaphore(%arg12 : memref<!tpu.dma_semaphore, #tpu.memory_space<semaphore_mem>>)
    %slice3A_186 = vector.extract_strided_slice %mul3A_11 {offsets = [12], sizes = [1], strides = [1]} : vector<16xi32> to vector<1xi32>
    %squeeze3A_187 = vector.extract %slice3A_186[0] : i32 from vector<1xi32>
    %multiple_of3A_188 = tpu.assume_multiple %squeeze3A_187, 8 : i32
    %slice3A_189 = vector.extract_strided_slice %mul3A_20 {offsets = [12], sizes = [1], strides = [1]} : vector<16xi32> to vector<1xi32>
    %squeeze3A_190 = vector.extract %slice3A_189[0] : i32 from vector<1xi32>
    %multiple_of3A_191 = tpu.assume_multiple %squeeze3A_190, 128 : i32
    %dma_start3A_192 = arith.constant 96 : i32
    %dma_start3A_193 = arith.constant 0 : i32
    %dma_start3A_194 = tpu.memref_slice %arg7[%dma_start3A_192, %dma_start3A_193] : memref<128x128xf32, #tpu.memory_space<vmem>> -> memref<8x128xf32, #tpu.memory_space<vmem>>
    %dma_start3A_195 = tpu.memref_slice %arg3[%multiple_of3A_188, %multiple_of3A_191] : memref<10000x10000xf32, #tpu.memory_space<hbm>> -> memref<8x128xf32, #tpu.memory_space<hbm>>
    %dma_start3A_196 = arith.constant 96 : i32
    %dma_start3A_197 = arith.constant 0 : i32
    %dma_start3A_198 = tpu.memref_slice %arg7[%dma_start3A_196, %dma_start3A_197] : memref<128x128xf32, #tpu.memory_space<vmem>> -> memref<8x128xf32, #tpu.memory_space<vmem>>
    %dma_start3A_199 = tpu.memref_slice %arg3[%multiple_of3A_188, %multiple_of3A_191] : memref<10000x10000xf32, #tpu.memory_space<hbm>> -> memref<8x128xf32, #tpu.memory_space<hbm>>
    tpu.enqueue_dma source(%dma_start3A_199 : memref<8x128xf32, #tpu.memory_space<hbm>>) target(%dma_start3A_198 : memref<8x128xf32, #tpu.memory_space<vmem>>) target_semaphore(%arg12 : memref<!tpu.dma_semaphore, #tpu.memory_space<semaphore_mem>>)
    %slice3A_200 = vector.extract_strided_slice %mul3A_11 {offsets = [13], sizes = [1], strides = [1]} : vector<16xi32> to vector<1xi32>
    %squeeze3A_201 = vector.extract %slice3A_200[0] : i32 from vector<1xi32>
    %multiple_of3A_202 = tpu.assume_multiple %squeeze3A_201, 8 : i32
    %slice3A_203 = vector.extract_strided_slice %mul3A_20 {offsets = [13], sizes = [1], strides = [1]} : vector<16xi32> to vector<1xi32>
    %squeeze3A_204 = vector.extract %slice3A_203[0] : i32 from vector<1xi32>
    %multiple_of3A_205 = tpu.assume_multiple %squeeze3A_204, 128 : i32
    %dma_start3A_206 = arith.constant 104 : i32
    %dma_start3A_207 = arith.constant 0 : i32
    %dma_start3A_208 = tpu.memref_slice %arg7[%dma_start3A_206, %dma_start3A_207] : memref<128x128xf32, #tpu.memory_space<vmem>> -> memref<8x128xf32, #tpu.memory_space<vmem>>
    %dma_start3A_209 = tpu.memref_slice %arg3[%multiple_of3A_202, %multiple_of3A_205] : memref<10000x10000xf32, #tpu.memory_space<hbm>> -> memref<8x128xf32, #tpu.memory_space<hbm>>
    %dma_start3A_210 = arith.constant 104 : i32
    %dma_start3A_211 = arith.constant 0 : i32
    %dma_start3A_212 = tpu.memref_slice %arg7[%dma_start3A_210, %dma_start3A_211] : memref<128x128xf32, #tpu.memory_space<vmem>> -> memref<8x128xf32, #tpu.memory_space<vmem>>
    %dma_start3A_213 = tpu.memref_slice %arg3[%multiple_of3A_202, %multiple_of3A_205] : memref<10000x10000xf32, #tpu.memory_space<hbm>> -> memref<8x128xf32, #tpu.memory_space<hbm>>
    tpu.enqueue_dma source(%dma_start3A_213 : memref<8x128xf32, #tpu.memory_space<hbm>>) target(%dma_start3A_212 : memref<8x128xf32, #tpu.memory_space<vmem>>) target_semaphore(%arg12 : memref<!tpu.dma_semaphore, #tpu.memory_space<semaphore_mem>>)
    %slice3A_214 = vector.extract_strided_slice %mul3A_11 {offsets = [14], sizes = [1], strides = [1]} : vector<16xi32> to vector<1xi32>
    %squeeze3A_215 = vector.extract %slice3A_214[0] : i32 from vector<1xi32>
    %multiple_of3A_216 = tpu.assume_multiple %squeeze3A_215, 8 : i32
    %slice3A_217 = vector.extract_strided_slice %mul3A_20 {offsets = [14], sizes = [1], strides = [1]} : vector<16xi32> to vector<1xi32>
    %squeeze3A_218 = vector.extract %slice3A_217[0] : i32 from vector<1xi32>
    %multiple_of3A_219 = tpu.assume_multiple %squeeze3A_218, 128 : i32
    %dma_start3A_220 = arith.constant 112 : i32
    %dma_start3A_221 = arith.constant 0 : i32
    %dma_start3A_222 = tpu.memref_slice %arg7[%dma_start3A_220, %dma_start3A_221] : memref<128x128xf32, #tpu.memory_space<vmem>> -> memref<8x128xf32, #tpu.memory_space<vmem>>
    %dma_start3A_223 = tpu.memref_slice %arg3[%multiple_of3A_216, %multiple_of3A_219] : memref<10000x10000xf32, #tpu.memory_space<hbm>> -> memref<8x128xf32, #tpu.memory_space<hbm>>
    %dma_start3A_224 = arith.constant 112 : i32
    %dma_start3A_225 = arith.constant 0 : i32
    %dma_start3A_226 = tpu.memref_slice %arg7[%dma_start3A_224, %dma_start3A_225] : memref<128x128xf32, #tpu.memory_space<vmem>> -> memref<8x128xf32, #tpu.memory_space<vmem>>
    %dma_start3A_227 = tpu.memref_slice %arg3[%multiple_of3A_216, %multiple_of3A_219] : memref<10000x10000xf32, #tpu.memory_space<hbm>> -> memref<8x128xf32, #tpu.memory_space<hbm>>
    tpu.enqueue_dma source(%dma_start3A_227 : memref<8x128xf32, #tpu.memory_space<hbm>>) target(%dma_start3A_226 : memref<8x128xf32, #tpu.memory_space<vmem>>) target_semaphore(%arg12 : memref<!tpu.dma_semaphore, #tpu.memory_space<semaphore_mem>>)
    %slice3A_228 = vector.extract_strided_slice %mul3A_11 {offsets = [15], sizes = [1], strides = [1]} : vector<16xi32> to vector<1xi32>
    %squeeze3A_229 = vector.extract %slice3A_228[0] : i32 from vector<1xi32>
    %multiple_of3A_230 = tpu.assume_multiple %squeeze3A_229, 8 : i32
    %slice3A_231 = vector.extract_strided_slice %mul3A_20 {offsets = [15], sizes = [1], strides = [1]} : vector<16xi32> to vector<1xi32>
    %squeeze3A_232 = vector.extract %slice3A_231[0] : i32 from vector<1xi32>
    %multiple_of3A_233 = tpu.assume_multiple %squeeze3A_232, 128 : i32
    %dma_start3A_234 = arith.constant 120 : i32
    %dma_start3A_235 = arith.constant 0 : i32
    %dma_start3A_236 = tpu.memref_slice %arg7[%dma_start3A_234, %dma_start3A_235] : memref<128x128xf32, #tpu.memory_space<vmem>> -> memref<8x128xf32, #tpu.memory_space<vmem>>
    %dma_start3A_237 = tpu.memref_slice %arg3[%multiple_of3A_230, %multiple_of3A_233] : memref<10000x10000xf32, #tpu.memory_space<hbm>> -> memref<8x128xf32, #tpu.memory_space<hbm>>
    %dma_start3A_238 = arith.constant 120 : i32
    %dma_start3A_239 = arith.constant 0 : i32
    %dma_start3A_240 = tpu.memref_slice %arg7[%dma_start3A_238, %dma_start3A_239] : memref<128x128xf32, #tpu.memory_space<vmem>> -> memref<8x128xf32, #tpu.memory_space<vmem>>
    %dma_start3A_241 = tpu.memref_slice %arg3[%multiple_of3A_230, %multiple_of3A_233] : memref<10000x10000xf32, #tpu.memory_space<hbm>> -> memref<8x128xf32, #tpu.memory_space<hbm>>
    tpu.enqueue_dma source(%dma_start3A_241 : memref<8x128xf32, #tpu.memory_space<hbm>>) target(%dma_start3A_240 : memref<8x128xf32, #tpu.memory_space<vmem>>) target_semaphore(%arg12 : memref<!tpu.dma_semaphore, #tpu.memory_space<semaphore_mem>>)
    %multiple_of3A_242 = arith.constant 16 : i32
    %multiple_of3A_243 = tpu.assume_multiple %multiple_of3A_242, 16 : i32
    %get3A_244 = arith.index_cast %multiple_of3A_243 : i32 to index
    %get3A_245 = tpu.vector_load %arg5[%get3A_244] {strides = array<i32>} : memref<512xi32, #tpu.memory_space<vmem>>, vector<16xi32>,
    %get3A_246 = vector.shape_cast %get3A_245 : vector<16xi32> to vector<16xi32>
    %shift_right_arithmetic3A_247 = arith.constant 3 : i32
    %shift_right_arithmetic3A_248 = vector.broadcast %shift_right_arithmetic3A_247 : i32 to vector<16xi32>
    %shift_right_arithmetic3A_249 = arith.shrsi %get3A_246, %shift_right_arithmetic3A_248 : vector<16xi32>
    %mul3A_250 = arith.constant 8 : i32
    %mul3A_251 = vector.broadcast %mul3A_250 : i32 to vector<16xi32>
    %mul3A_252 = arith.muli %shift_right_arithmetic3A_249, %mul3A_251 : vector<16xi32>
    %get3A_253 = arith.index_cast %multiple_of3A_243 : i32 to index
    %get3A_254 = tpu.vector_load %arg6[%get3A_253] {strides = array<i32>} : memref<512xi32, #tpu.memory_space<vmem>>, vector<16xi32>,
    %get3A_255 = vector.shape_cast %get3A_254 : vector<16xi32> to vector<16xi32>
    %shift_right_arithmetic3A_256 = arith.constant 7 : i32
    %shift_right_arithmetic3A_257 = vector.broadcast %shift_right_arithmetic3A_256 : i32 to vector<16xi32>
    %shift_right_arithmetic3A_258 = arith.shrsi %get3A_255, %shift_right_arithmetic3A_257 : vector<16xi32>
    %mul3A_259 = arith.constant 128 : i32
    %mul3A_260 = vector.broadcast %mul3A_259 : i32 to vector<16xi32>
    %mul3A_261 = arith.muli %shift_right_arithmetic3A_258, %mul3A_260 : vector<16xi32>
    %slice3A_262 = vector.extract_strided_slice %mul3A_252 {offsets = [0], sizes = [1], strides = [1]} : vector<16xi32> to vector<1xi32>
    %squeeze3A_263 = vector.extract %slice3A_262[0] : i32 from vector<1xi32>
    %multiple_of3A_264 = tpu.assume_multiple %squeeze3A_263, 8 : i32
    %slice3A_265 = vector.extract_strided_slice %mul3A_261 {offsets = [0], sizes = [1], strides = [1]} : vector<16xi32> to vector<1xi32>
    %squeeze3A_266 = vector.extract %slice3A_265[0] : i32 from vector<1xi32>
    %multiple_of3A_267 = tpu.assume_multiple %squeeze3A_266, 128 : i32
    %dma_start3A_268 = arith.constant 0 : i32
    %dma_start3A_269 = arith.constant 0 : i32
    %dma_start3A_270 = tpu.memref_slice %arg8[%dma_start3A_268, %dma_start3A_269] : memref<128x128xf32, #tpu.memory_space<vmem>> -> memref<8x128xf32, #tpu.memory_space<vmem>>
    %dma_start3A_271 = tpu.memref_slice %arg3[%multiple_of3A_264, %multiple_of3A_267] : memref<10000x10000xf32, #tpu.memory_space<hbm>> -> memref<8x128xf32, #tpu.memory_space<hbm>>
    %dma_start3A_272 = arith.constant 0 : i32
    %dma_start3A_273 = arith.constant 0 : i32
    %dma_start3A_274 = tpu.memref_slice %arg8[%dma_start3A_272, %dma_start3A_273] : memref<128x128xf32, #tpu.memory_space<vmem>> -> memref<8x128xf32, #tpu.memory_space<vmem>>
    %dma_start3A_275 = tpu.memref_slice %arg3[%multiple_of3A_264, %multiple_of3A_267] : memref<10000x10000xf32, #tpu.memory_space<hbm>> -> memref<8x128xf32, #tpu.memory_space<hbm>>
    tpu.enqueue_dma source(%dma_start3A_275 : memref<8x128xf32, #tpu.memory_space<hbm>>) target(%dma_start3A_274 : memref<8x128xf32, #tpu.memory_space<vmem>>) target_semaphore(%arg13 : memref<!tpu.dma_semaphore, #tpu.memory_space<semaphore_mem>>)
    %slice3A_276 = vector.extract_strided_slice %mul3A_252 {offsets = [1], sizes = [1], strides = [1]} : vector<16xi32> to vector<1xi32>
    %squeeze3A_277 = vector.extract %slice3A_276[0] : i32 from vector<1xi32>
    %multiple_of3A_278 = tpu.assume_multiple %squeeze3A_277, 8 : i32
    %slice3A_279 = vector.extract_strided_slice %mul3A_261 {offsets = [1], sizes = [1], strides = [1]} : vector<16xi32> to vector<1xi32>
    %squeeze3A_280 = vector.extract %slice3A_279[0] : i32 from vector<1xi32>
    %multiple_of3A_281 = tpu.assume_multiple %squeeze3A_280, 128 : i32
    %dma_start3A_282 = arith.constant 8 : i32
    %dma_start3A_283 = arith.constant 0 : i32
    %dma_start3A_284 = tpu.memref_slice %arg8[%dma_start3A_282, %dma_start3A_283] : memref<128x128xf32, #tpu.memory_space<vmem>> -> memref<8x128xf32, #tpu.memory_space<vmem>>
    %dma_start3A_285 = tpu.memref_slice %arg3[%multiple_of3A_278, %multiple_of3A_281] : memref<10000x10000xf32, #tpu.memory_space<hbm>> -> memref<8x128xf32, #tpu.memory_space<hbm>>
    %dma_start3A_286 = arith.constant 8 : i32
    %dma_start3A_287 = arith.constant 0 : i32
    %dma_start3A_288 = tpu.memref_slice %arg8[%dma_start3A_286, %dma_start3A_287] : memref<128x128xf32, #tpu.memory_space<vmem>> -> memref<8x128xf32, #tpu.memory_space<vmem>>
    %dma_start3A_289 = tpu.memref_slice %arg3[%multiple_of3A_278, %multiple_of3A_281] : memref<10000x10000xf32, #tpu.memory_space<hbm>> -> memref<8x128xf32, #tpu.memory_space<hbm>>
    tpu.enqueue_dma source(%dma_start3A_289 : memref<8x128xf32, #tpu.memory_space<hbm>>) target(%dma_start3A_288 : memref<8x128xf32, #tpu.memory_space<vmem>>) target_semaphore(%arg13 : memref<!tpu.dma_semaphore, #tpu.memory_space<semaphore_mem>>)
    %slice3A_290 = vector.extract_strided_slice %mul3A_252 {offsets = [2], sizes = [1], strides = [1]} : vector<16xi32> to vector<1xi32>
    %squeeze3A_291 = vector.extract %slice3A_290[0] : i32 from vector<1xi32>
    %multiple_of3A_292 = tpu.assume_multiple %squeeze3A_291, 8 : i32
    %slice3A_293 = vector.extract_strided_slice %mul3A_261 {offsets = [2], sizes = [1], strides = [1]} : vector<16xi32> to vector<1xi32>
    %squeeze3A_294 = vector.extract %slice3A_293[0] : i32 from vector<1xi32>
    %multiple_of3A_295 = tpu.assume_multiple %squeeze3A_294, 128 : i32
    %dma_start3A_296 = arith.constant 16 : i32
    %dma_start3A_297 = arith.constant 0 : i32
    %dma_start3A_298 = tpu.memref_slice %arg8[%dma_start3A_296, %dma_start3A_297] : memref<128x128xf32, #tpu.memory_space<vmem>> -> memref<8x128xf32, #tpu.memory_space<vmem>>
    %dma_start3A_299 = tpu.memref_slice %arg3[%multiple_of3A_292, %multiple_of3A_295] : memref<10000x10000xf32, #tpu.memory_space<hbm>> -> memref<8x128xf32, #tpu.memory_space<hbm>>
    %dma_start3A_300 = arith.constant 16 : i32
    %dma_start3A_301 = arith.constant 0 : i32
    %dma_start3A_302 = tpu.memref_slice %arg8[%dma_start3A_300, %dma_start3A_301] : memref<128x128xf32, #tpu.memory_space<vmem>> -> memref<8x128xf32, #tpu.memory_space<vmem>>
    %dma_start3A_303 = tpu.memref_slice %arg3[%multiple_of3A_292, %multiple_of3A_295] : memref<10000x10000xf32, #tpu.memory_space<hbm>> -> memref<8x128xf32, #tpu.memory_space<hbm>>
    tpu.enqueue_dma source(%dma_start3A_303 : memref<8x128xf32, #tpu.memory_space<hbm>>) target(%dma_start3A_302 : memref<8x128xf32, #tpu.memory_space<vmem>>) target_semaphore(%arg13 : memref<!tpu.dma_semaphore, #tpu.memory_space<semaphore_mem>>)
    %slice3A_304 = vector.extract_strided_slice %mul3A_252 {offsets = [3], sizes = [1], strides = [1]} : vector<16xi32> to vector<1xi32>
    %squeeze3A_305 = vector.extract %slice3A_304[0] : i32 from vector<1xi32>
    %multiple_of3A_306 = tpu.assume_multiple %squeeze3A_305, 8 : i32
    %slice3A_307 = vector.extract_strided_slice %mul3A_261 {offsets = [3], sizes = [1], strides = [1]} : vector<16xi32> to vector<1xi32>
    %squeeze3A_308 = vector.extract %slice3A_307[0] : i32 from vector<1xi32>
    %multiple_of3A_309 = tpu.assume_multiple %squeeze3A_308, 128 : i32
    %dma_start3A_310 = arith.constant 24 : i32
    %dma_start3A_311 = arith.constant 0 : i32
    %dma_start3A_312 = tpu.memref_slice %arg8[%dma_start3A_310, %dma_start3A_311] : memref<128x128xf32, #tpu.memory_space<vmem>> -> memref<8x128xf32, #tpu.memory_space<vmem>>
    %dma_start3A_313 = tpu.memref_slice %arg3[%multiple_of3A_306, %multiple_of3A_309] : memref<10000x10000xf32, #tpu.memory_space<hbm>> -> memref<8x128xf32, #tpu.memory_space<hbm>>
    %dma_start3A_314 = arith.constant 24 : i32
    %dma_start3A_315 = arith.constant 0 : i32
    %dma_start3A_316 = tpu.memref_slice %arg8[%dma_start3A_314, %dma_start3A_315] : memref<128x128xf32, #tpu.memory_space<vmem>> -> memref<8x128xf32, #tpu.memory_space<vmem>>
    %dma_start3A_317 = tpu.memref_slice %arg3[%multiple_of3A_306, %multiple_of3A_309] : memref<10000x10000xf32, #tpu.memory_space<hbm>> -> memref<8x128xf32, #tpu.memory_space<hbm>>
    tpu.enqueue_dma source(%dma_start3A_317 : memref<8x128xf32, #tpu.memory_space<hbm>>) target(%dma_start3A_316 : memref<8x128xf32, #tpu.memory_space<vmem>>) target_semaphore(%arg13 : memref<!tpu.dma_semaphore, #tpu.memory_space<semaphore_mem>>)
    %slice3A_318 = vector.extract_strided_slice %mul3A_252 {offsets = [4], sizes = [1], strides = [1]} : vector<16xi32> to vector<1xi32>
    %squeeze3A_319 = vector.extract %slice3A_318[0] : i32 from vector<1xi32>
    %multiple_of3A_320 = tpu.assume_multiple %squeeze3A_319, 8 : i32
    %slice3A_321 = vector.extract_strided_slice %mul3A_261 {offsets = [4], sizes = [1], strides = [1]} : vector<16xi32> to vector<1xi32>
    %squeeze3A_322 = vector.extract %slice3A_321[0] : i32 from vector<1xi32>
    %multiple_of3A_323 = tpu.assume_multiple %squeeze3A_322, 128 : i32
    %dma_start3A_324 = arith.constant 32 : i32
    %dma_start3A_325 = arith.constant 0 : i32
    %dma_start3A_326 = tpu.memref_slice %arg8[%dma_start3A_324, %dma_start3A_325] : memref<128x128xf32, #tpu.memory_space<vmem>> -> memref<8x128xf32, #tpu.memory_space<vmem>>
    %dma_start3A_327 = tpu.memref_slice %arg3[%multiple_of3A_320, %multiple_of3A_323] : memref<10000x10000xf32, #tpu.memory_space<hbm>> -> memref<8x128xf32, #tpu.memory_space<hbm>>
    %dma_start3A_328 = arith.constant 32 : i32
    %dma_start3A_329 = arith.constant 0 : i32
    %dma_start3A_330 = tpu.memref_slice %arg8[%dma_start3A_328, %dma_start3A_329] : memref<128x128xf32, #tpu.memory_space<vmem>> -> memref<8x128xf32, #tpu.memory_space<vmem>>
    %dma_start3A_331 = tpu.memref_slice %arg3[%multiple_of3A_320, %multiple_of3A_323] : memref<10000x10000xf32, #tpu.memory_space<hbm>> -> memref<8x128xf32, #tpu.memory_space<hbm>>
    tpu.enqueue_dma source(%dma_start3A_331 : memref<8x128xf32, #tpu.memory_space<hbm>>) target(%dma_start3A_330 : memref<8x128xf32, #tpu.memory_space<vmem>>) target_semaphore(%arg13 : memref<!tpu.dma_semaphore, #tpu.memory_space<semaphore_mem>>)
    %slice3A_332 = vector.extract_strided_slice %mul3A_252 {offsets = [5], sizes = [1], strides = [1]} : vector<16xi32> to vector<1xi32>
    %squeeze3A_333 = vector.extract %slice3A_332[0] : i32 from vector<1xi32>
    %multiple_of3A_334 = tpu.assume_multiple %squeeze3A_333, 8 : i32
    %slice3A_335 = vector.extract_strided_slice %mul3A_261 {offsets = [5], sizes = [1], strides = [1]} : vector<16xi32> to vector<1xi32>
    %squeeze3A_336 = vector.extract %slice3A_335[0] : i32 from vector<1xi32>
    %multiple_of3A_337 = tpu.assume_multiple %squeeze3A_336, 128 : i32
    %dma_start3A_338 = arith.constant 40 : i32
    %dma_start3A_339 = arith.constant 0 : i32
    %dma_start3A_340 = tpu.memref_slice %arg8[%dma_start3A_338, %dma_start3A_339] : memref<128x128xf32, #tpu.memory_space<vmem>> -> memref<8x128xf32, #tpu.memory_space<vmem>>
    %dma_start3A_341 = tpu.memref_slice %arg3[%multiple_of3A_334, %multiple_of3A_337] : memref<10000x10000xf32, #tpu.memory_space<hbm>> -> memref<8x128xf32, #tpu.memory_space<hbm>>
    %dma_start3A_342 = arith.constant 40 : i32
    %dma_start3A_343 = arith.constant 0 : i32
    %dma_start3A_344 = tpu.memref_slice %arg8[%dma_start3A_342, %dma_start3A_343] : memref<128x128xf32, #tpu.memory_space<vmem>> -> memref<8x128xf32, #tpu.memory_space<vmem>>
    %dma_start3A_345 = tpu.memref_slice %arg3[%multiple_of3A_334, %multiple_of3A_337] : memref<10000x10000xf32, #tpu.memory_space<hbm>> -> memref<8x128xf32, #tpu.memory_space<hbm>>
    tpu.enqueue_dma source(%dma_start3A_345 : memref<8x128xf32, #tpu.memory_space<hbm>>) target(%dma_start3A_344 : memref<8x128xf32, #tpu.memory_space<vmem>>) target_semaphore(%arg13 : memref<!tpu.dma_semaphore, #tpu.memory_space<semaphore_mem>>)
    %slice3A_346 = vector.extract_strided_slice %mul3A_252 {offsets = [6], sizes = [1], strides = [1]} : vector<16xi32> to vector<1xi32>
    %squeeze3A_347 = vector.extract %slice3A_346[0] : i32 from vector<1xi32>
    %multiple_of3A_348 = tpu.assume_multiple %squeeze3A_347, 8 : i32
    %slice3A_349 = vector.extract_strided_slice %mul3A_261 {offsets = [6], sizes = [1], strides = [1]} : vector<16xi32> to vector<1xi32>
    %squeeze3A_350 = vector.extract %slice3A_349[0] : i32 from vector<1xi32>
    %multiple_of3A_351 = tpu.assume_multiple %squeeze3A_350, 128 : i32
    %dma_start3A_352 = arith.constant 48 : i32
    %dma_start3A_353 = arith.constant 0 : i32
    %dma_start3A_354 = tpu.memref_slice %arg8[%dma_start3A_352, %dma_start3A_353] : memref<128x128xf32, #tpu.memory_space<vmem>> -> memref<8x128xf32, #tpu.memory_space<vmem>>
    %dma_start3A_355 = tpu.memref_slice %arg3[%multiple_of3A_348, %multiple_of3A_351] : memref<10000x10000xf32, #tpu.memory_space<hbm>> -> memref<8x128xf32, #tpu.memory_space<hbm>>
    %dma_start3A_356 = arith.constant 48 : i32
    %dma_start3A_357 = arith.constant 0 : i32
    %dma_start3A_358 = tpu.memref_slice %arg8[%dma_start3A_356, %dma_start3A_357] : memref<128x128xf32, #tpu.memory_space<vmem>> -> memref<8x128xf32, #tpu.memory_space<vmem>>
    %dma_start3A_359 = tpu.memref_slice %arg3[%multiple_of3A_348, %multiple_of3A_351] : memref<10000x10000xf32, #tpu.memory_space<hbm>> -> memref<8x128xf32, #tpu.memory_space<hbm>>
    tpu.enqueue_dma source(%dma_start3A_359 : memref<8x128xf32, #tpu.memory_space<hbm>>) target(%dma_start3A_358 : memref<8x128xf32, #tpu.memory_space<vmem>>) target_semaphore(%arg13 : memref<!tpu.dma_semaphore, #tpu.memory_space<semaphore_mem>>)
    %slice3A_360 = vector.extract_strided_slice %mul3A_252 {offsets = [7], sizes = [1], strides = [1]} : vector<16xi32> to vector<1xi32>
    %squeeze3A_361 = vector.extract %slice3A_360[0] : i32 from vector<1xi32>
    %multiple_of3A_362 = tpu.assume_multiple %squeeze3A_361, 8 : i32
    %slice3A_363 = vector.extract_strided_slice %mul3A_261 {offsets = [7], sizes = [1], strides = [1]} : vector<16xi32> to vector<1xi32>
    %squeeze3A_364 = vector.extract %slice3A_363[0] : i32 from vector<1xi32>
    %multiple_of3A_365 = tpu.assume_multiple %squeeze3A_364, 128 : i32
    %dma_start3A_366 = arith.constant 56 : i32
    %dma_start3A_367 = arith.constant 0 : i32
    %dma_start3A_368 = tpu.memref_slice %arg8[%dma_start3A_366, %dma_start3A_367] : memref<128x128xf32, #tpu.memory_space<vmem>> -> memref<8x128xf32, #tpu.memory_space<vmem>>
    %dma_start3A_369 = tpu.memref_slice %arg3[%multiple_of3A_362, %multiple_of3A_365] : memref<10000x10000xf32, #tpu.memory_space<hbm>> -> memref<8x128xf32, #tpu.memory_space<hbm>>
    %dma_start3A_370 = arith.constant 56 : i32
    %dma_start3A_371 = arith.constant 0 : i32
    %dma_start3A_372 = tpu.memref_slice %arg8[%dma_start3A_370, %dma_start3A_371] : memref<128x128xf32, #tpu.memory_space<vmem>> -> memref<8x128xf32, #tpu.memory_space<vmem>>
    %dma_start3A_373 = tpu.memref_slice %arg3[%multiple_of3A_362, %multiple_of3A_365] : memref<10000x10000xf32, #tpu.memory_space<hbm>> -> memref<8x128xf32, #tpu.memory_space<hbm>>
    tpu.enqueue_dma source(%dma_start3A_373 : memref<8x128xf32, #tpu.memory_space<hbm>>) target(%dma_start3A_372 : memref<8x128xf32, #tpu.memory_space<vmem>>) target_semaphore(%arg13 : memref<!tpu.dma_semaphore, #tpu.memory_space<semaphore_mem>>)
    %slice3A_374 = vector.extract_strided_slice %mul3A_252 {offsets = [8], sizes = [1], strides = [1]} : vector<16xi32> to vector<1xi32>
    %squeeze3A_375 = vector.extract %slice3A_374[0] : i32 from vector<1xi32>
    %multiple_of3A_376 = tpu.assume_multiple %squeeze3A_375, 8 : i32
    %slice3A_377 = vector.extract_strided_slice %mul3A_261 {offsets = [8], sizes = [1], strides = [1]} : vector<16xi32> to vector<1xi32>
    %squeeze3A_378 = vector.extract %slice3A_377[0] : i32 from vector<1xi32>
    %multiple_of3A_379 = tpu.assume_multiple %squeeze3A_378, 128 : i32
    %dma_start3A_380 = arith.constant 64 : i32
    %dma_start3A_381 = arith.constant 0 : i32
    %dma_start3A_382 = tpu.memref_slice %arg8[%dma_start3A_380, %dma_start3A_381] : memref<128x128xf32, #tpu.memory_space<vmem>> -> memref<8x128xf32, #tpu.memory_space<vmem>>
    %dma_start3A_383 = tpu.memref_slice %arg3[%multiple_of3A_376, %multiple_of3A_379] : memref<10000x10000xf32, #tpu.memory_space<hbm>> -> memref<8x128xf32, #tpu.memory_space<hbm>>
    %dma_start3A_384 = arith.constant 64 : i32
    %dma_start3A_385 = arith.constant 0 : i32
    %dma_start3A_386 = tpu.memref_slice %arg8[%dma_start3A_384, %dma_start3A_385] : memref<128x128xf32, #tpu.memory_space<vmem>> -> memref<8x128xf32, #tpu.memory_space<vmem>>
    %dma_start3A_387 = tpu.memref_slice %arg3[%multiple_of3A_376, %multiple_of3A_379] : memref<10000x10000xf32, #tpu.memory_space<hbm>> -> memref<8x128xf32, #tpu.memory_space<hbm>>
    tpu.enqueue_dma source(%dma_start3A_387 : memref<8x128xf32, #tpu.memory_space<hbm>>) target(%dma_start3A_386 : memref<8x128xf32, #tpu.memory_space<vmem>>) target_semaphore(%arg13 : memref<!tpu.dma_semaphore, #tpu.memory_space<semaphore_mem>>)
    %slice3A_388 = vector.extract_strided_slice %mul3A_252 {offsets = [9], sizes = [1], strides = [1]} : vector<16xi32> to vector<1xi32>
    %squeeze3A_389 = vector.extract %slice3A_388[0] : i32 from vector<1xi32>
    %multiple_of3A_390 = tpu.assume_multiple %squeeze3A_389, 8 : i32
    %slice3A_391 = vector.extract_strided_slice %mul3A_261 {offsets = [9], sizes = [1], strides = [1]} : vector<16xi32> to vector<1xi32>
    %squeeze3A_392 = vector.extract %slice3A_391[0] : i32 from vector<1xi32>
    %multiple_of3A_393 = tpu.assume_multiple %squeeze3A_392, 128 : i32
    %dma_start3A_394 = arith.constant 72 : i32
    %dma_start3A_395 = arith.constant 0 : i32
    %dma_start3A_396 = tpu.memref_slice %arg8[%dma_start3A_394, %dma_start3A_395] : memref<128x128xf32, #tpu.memory_space<vmem>> -> memref<8x128xf32, #tpu.memory_space<vmem>>
    %dma_start3A_397 = tpu.memref_slice %arg3[%multiple_of3A_390, %multiple_of3A_393] : memref<10000x10000xf32, #tpu.memory_space<hbm>> -> memref<8x128xf32, #tpu.memory_space<hbm>>
    %dma_start3A_398 = arith.constant 72 : i32
    %dma_start3A_399 = arith.constant 0 : i32
    %dma_start3A_400 = tpu.memref_slice %arg8[%dma_start3A_398, %dma_start3A_399] : memref<128x128xf32, #tpu.memory_space<vmem>> -> memref<8x128xf32, #tpu.memory_space<vmem>>
    %dma_start3A_401 = tpu.memref_slice %arg3[%multiple_of3A_390, %multiple_of3A_393] : memref<10000x10000xf32, #tpu.memory_space<hbm>> -> memref<8x128xf32, #tpu.memory_space<hbm>>
    tpu.enqueue_dma source(%dma_start3A_401 : memref<8x128xf32, #tpu.memory_space<hbm>>) target(%dma_start3A_400 : memref<8x128xf32, #tpu.memory_space<vmem>>) target_semaphore(%arg13 : memref<!tpu.dma_semaphore, #tpu.memory_space<semaphore_mem>>)
    %slice3A_402 = vector.extract_strided_slice %mul3A_252 {offsets = [10], sizes = [1], strides = [1]} : vector<16xi32> to vector<1xi32>
    %squeeze3A_403 = vector.extract %slice3A_402[0] : i32 from vector<1xi32>
    %multiple_of3A_404 = tpu.assume_multiple %squeeze3A_403, 8 : i32
    %slice3A_405 = vector.extract_strided_slice %mul3A_261 {offsets = [10], sizes = [1], strides = [1]} : vector<16xi32> to vector<1xi32>
    %squeeze3A_406 = vector.extract %slice3A_405[0] : i32 from vector<1xi32>
    %multiple_of3A_407 = tpu.assume_multiple %squeeze3A_406, 128 : i32
    %dma_start3A_408 = arith.constant 80 : i32
    %dma_start3A_409 = arith.constant 0 : i32
    %dma_start3A_410 = tpu.memref_slice %arg8[%dma_start3A_408, %dma_start3A_409] : memref<128x128xf32, #tpu.memory_space<vmem>> -> memref<8x128xf32, #tpu.memory_space<vmem>>
    %dma_start3A_411 = tpu.memref_slice %arg3[%multiple_of3A_404, %multiple_of3A_407] : memref<10000x10000xf32, #tpu.memory_space<hbm>> -> memref<8x128xf32, #tpu.memory_space<hbm>>
    %dma_start3A_412 = arith.constant 80 : i32
    %dma_start3A_413 = arith.constant 0 : i32
    %dma_start3A_414 = tpu.memref_slice %arg8[%dma_start3A_412, %dma_start3A_413] : memref<128x128xf32, #tpu.memory_space<vmem>> -> memref<8x128xf32, #tpu.memory_space<vmem>>
    %dma_start3A_415 = tpu.memref_slice %arg3[%multiple_of3A_404, %multiple_of3A_407] : memref<10000x10000xf32, #tpu.memory_space<hbm>> -> memref<8x128xf32, #tpu.memory_space<hbm>>
    tpu.enqueue_dma source(%dma_start3A_415 : memref<8x128xf32, #tpu.memory_space<hbm>>) target(%dma_start3A_414 : memref<8x128xf32, #tpu.memory_space<vmem>>) target_semaphore(%arg13 : memref<!tpu.dma_semaphore, #tpu.memory_space<semaphore_mem>>)
    %slice3A_416 = vector.extract_strided_slice %mul3A_252 {offsets = [11], sizes = [1], strides = [1]} : vector<16xi32> to vector<1xi32>
    %squeeze3A_417 = vector.extract %slice3A_416[0] : i32 from vector<1xi32>
    %multiple_of3A_418 = tpu.assume_multiple %squeeze3A_417, 8 : i32
    %slice3A_419 = vector.extract_strided_slice %mul3A_261 {offsets = [11], sizes = [1], strides = [1]} : vector<16xi32> to vector<1xi32>
    %squeeze3A_420 = vector.extract %slice3A_419[0] : i32 from vector<1xi32>
    %multiple_of3A_421 = tpu.assume_multiple %squeeze3A_420, 128 : i32
    %dma_start3A_422 = arith.constant 88 : i32
    %dma_start3A_423 = arith.constant 0 : i32
    %dma_start3A_424 = tpu.memref_slice %arg8[%dma_start3A_422, %dma_start3A_423] : memref<128x128xf32, #tpu.memory_space<vmem>> -> memref<8x128xf32, #tpu.memory_space<vmem>>
    %dma_start3A_425 = tpu.memref_slice %arg3[%multiple_of3A_418, %multiple_of3A_421] : memref<10000x10000xf32, #tpu.memory_space<hbm>> -> memref<8x128xf32, #tpu.memory_space<hbm>>
    %dma_start3A_426 = arith.constant 88 : i32
    %dma_start3A_427 = arith.constant 0 : i32
    %dma_start3A_428 = tpu.memref_slice %arg8[%dma_start3A_426, %dma_start3A_427] : memref<128x128xf32, #tpu.memory_space<vmem>> -> memref<8x128xf32, #tpu.memory_space<vmem>>
    %dma_start3A_429 = tpu.memref_slice %arg3[%multiple_of3A_418, %multiple_of3A_421] : memref<10000x10000xf32, #tpu.memory_space<hbm>> -> memref<8x128xf32, #tpu.memory_space<hbm>>
    tpu.enqueue_dma source(%dma_start3A_429 : memref<8x128xf32, #tpu.memory_space<hbm>>) target(%dma_start3A_428 : memref<8x128xf32, #tpu.memory_space<vmem>>) target_semaphore(%arg13 : memref<!tpu.dma_semaphore, #tpu.memory_space<semaphore_mem>>)
    %slice3A_430 = vector.extract_strided_slice %mul3A_252 {offsets = [12], sizes = [1], strides = [1]} : vector<16xi32> to vector<1xi32>
    %squeeze3A_431 = vector.extract %slice3A_430[0] : i32 from vector<1xi32>
    %multiple_of3A_432 = tpu.assume_multiple %squeeze3A_431, 8 : i32
    %slice3A_433 = vector.extract_strided_slice %mul3A_261 {offsets = [12], sizes = [1], strides = [1]} : vector<16xi32> to vector<1xi32>
    %squeeze3A_434 = vector.extract %slice3A_433[0] : i32 from vector<1xi32>
    %multiple_of3A_435 = tpu.assume_multiple %squeeze3A_434, 128 : i32
    %dma_start3A_436 = arith.constant 96 : i32
    %dma_start3A_437 = arith.constant 0 : i32
    %dma_start3A_438 = tpu.memref_slice %arg8[%dma_start3A_436, %dma_start3A_437] : memref<128x128xf32, #tpu.memory_space<vmem>> -> memref<8x128xf32, #tpu.memory_space<vmem>>
    %dma_start3A_439 = tpu.memref_slice %arg3[%multiple_of3A_432, %multiple_of3A_435] : memref<10000x10000xf32, #tpu.memory_space<hbm>> -> memref<8x128xf32, #tpu.memory_space<hbm>>
    %dma_start3A_440 = arith.constant 96 : i32
    %dma_start3A_441 = arith.constant 0 : i32
    %dma_start3A_442 = tpu.memref_slice %arg8[%dma_start3A_440, %dma_start3A_441] : memref<128x128xf32, #tpu.memory_space<vmem>> -> memref<8x128xf32, #tpu.memory_space<vmem>>
    %dma_start3A_443 = tpu.memref_slice %arg3[%multiple_of3A_432, %multiple_of3A_435] : memref<10000x10000xf32, #tpu.memory_space<hbm>> -> memref<8x128xf32, #tpu.memory_space<hbm>>
    tpu.enqueue_dma source(%dma_start3A_443 : memref<8x128xf32, #tpu.memory_space<hbm>>) target(%dma_start3A_442 : memref<8x128xf32, #tpu.memory_space<vmem>>) target_semaphore(%arg13 : memref<!tpu.dma_semaphore, #tpu.memory_space<semaphore_mem>>)
    %slice3A_444 = vector.extract_strided_slice %mul3A_252 {offsets = [13], sizes = [1], strides = [1]} : vector<16xi32> to vector<1xi32>
    %squeeze3A_445 = vector.extract %slice3A_444[0] : i32 from vector<1xi32>
    %multiple_of3A_446 = tpu.assume_multiple %squeeze3A_445, 8 : i32
    %slice3A_447 = vector.extract_strided_slice %mul3A_261 {offsets = [13], sizes = [1], strides = [1]} : vector<16xi32> to vector<1xi32>
    %squeeze3A_448 = vector.extract %slice3A_447[0] : i32 from vector<1xi32>
    %multiple_of3A_449 = tpu.assume_multiple %squeeze3A_448, 128 : i32
    %dma_start3A_450 = arith.constant 104 : i32
    %dma_start3A_451 = arith.constant 0 : i32
    %dma_start3A_452 = tpu.memref_slice %arg8[%dma_start3A_450, %dma_start3A_451] : memref<128x128xf32, #tpu.memory_space<vmem>> -> memref<8x128xf32, #tpu.memory_space<vmem>>
    %dma_start3A_453 = tpu.memref_slice %arg3[%multiple_of3A_446, %multiple_of3A_449] : memref<10000x10000xf32, #tpu.memory_space<hbm>> -> memref<8x128xf32, #tpu.memory_space<hbm>>
    %dma_start3A_454 = arith.constant 104 : i32
    %dma_start3A_455 = arith.constant 0 : i32
    %dma_start3A_456 = tpu.memref_slice %arg8[%dma_start3A_454, %dma_start3A_455] : memref<128x128xf32, #tpu.memory_space<vmem>> -> memref<8x128xf32, #tpu.memory_space<vmem>>
    %dma_start3A_457 = tpu.memref_slice %arg3[%multiple_of3A_446, %multiple_of3A_449] : memref<10000x10000xf32, #tpu.memory_space<hbm>> -> memref<8x128xf32, #tpu.memory_space<hbm>>
    tpu.enqueue_dma source(%dma_start3A_457 : memref<8x128xf32, #tpu.memory_space<hbm>>) target(%dma_start3A_456 : memref<8x128xf32, #tpu.memory_space<vmem>>) target_semaphore(%arg13 : memref<!tpu.dma_semaphore, #tpu.memory_space<semaphore_mem>>)
    %slice3A_458 = vector.extract_strided_slice %mul3A_252 {offsets = [14], sizes = [1], strides = [1]} : vector<16xi32> to vector<1xi32>
    %squeeze3A_459 = vector.extract %slice3A_458[0] : i32 from vector<1xi32>
    %multiple_of3A_460 = tpu.assume_multiple %squeeze3A_459, 8 : i32
    %slice3A_461 = vector.extract_strided_slice %mul3A_261 {offsets = [14], sizes = [1], strides = [1]} : vector<16xi32> to vector<1xi32>
    %squeeze3A_462 = vector.extract %slice3A_461[0] : i32 from vector<1xi32>
    %multiple_of3A_463 = tpu.assume_multiple %squeeze3A_462, 128 : i32
    %dma_start3A_464 = arith.constant 112 : i32
    %dma_start3A_465 = arith.constant 0 : i32
    %dma_start3A_466 = tpu.memref_slice %arg8[%dma_start3A_464, %dma_start3A_465] : memref<128x128xf32, #tpu.memory_space<vmem>> -> memref<8x128xf32, #tpu.memory_space<vmem>>
    %dma_start3A_467 = tpu.memref_slice %arg3[%multiple_of3A_460, %multiple_of3A_463] : memref<10000x10000xf32, #tpu.memory_space<hbm>> -> memref<8x128xf32, #tpu.memory_space<hbm>>
    %dma_start3A_468 = arith.constant 112 : i32
    %dma_start3A_469 = arith.constant 0 : i32
    %dma_start3A_470 = tpu.memref_slice %arg8[%dma_start3A_468, %dma_start3A_469] : memref<128x128xf32, #tpu.memory_space<vmem>> -> memref<8x128xf32, #tpu.memory_space<vmem>>
    %dma_start3A_471 = tpu.memref_slice %arg3[%multiple_of3A_460, %multiple_of3A_463] : memref<10000x10000xf32, #tpu.memory_space<hbm>> -> memref<8x128xf32, #tpu.memory_space<hbm>>
    tpu.enqueue_dma source(%dma_start3A_471 : memref<8x128xf32, #tpu.memory_space<hbm>>) target(%dma_start3A_470 : memref<8x128xf32, #tpu.memory_space<vmem>>) target_semaphore(%arg13 : memref<!tpu.dma_semaphore, #tpu.memory_space<semaphore_mem>>)
    %slice3A_472 = vector.extract_strided_slice %mul3A_252 {offsets = [15], sizes = [1], strides = [1]} : vector<16xi32> to vector<1xi32>
    %squeeze3A_473 = vector.extract %slice3A_472[0] : i32 from vector<1xi32>
    %multiple_of3A_474 = tpu.assume_multiple %squeeze3A_473, 8 : i32
    %slice3A_475 = vector.extract_strided_slice %mul3A_261 {offsets = [15], sizes = [1], strides = [1]} : vector<16xi32> to vector<1xi32>
    %squeeze3A_476 = vector.extract %slice3A_475[0] : i32 from vector<1xi32>
    %multiple_of3A_477 = tpu.assume_multiple %squeeze3A_476, 128 : i32
    %dma_start3A_478 = arith.constant 120 : i32
    %dma_start3A_479 = arith.constant 0 : i32
    %dma_start3A_480 = tpu.memref_slice %arg8[%dma_start3A_478, %dma_start3A_479] : memref<128x128xf32, #tpu.memory_space<vmem>> -> memref<8x128xf32, #tpu.memory_space<vmem>>
    %dma_start3A_481 = tpu.memref_slice %arg3[%multiple_of3A_474, %multiple_of3A_477] : memref<10000x10000xf32, #tpu.memory_space<hbm>> -> memref<8x128xf32, #tpu.memory_space<hbm>>
    %dma_start3A_482 = arith.constant 120 : i32
    %dma_start3A_483 = arith.constant 0 : i32
    %dma_start3A_484 = tpu.memref_slice %arg8[%dma_start3A_482, %dma_start3A_483] : memref<128x128xf32, #tpu.memory_space<vmem>> -> memref<8x128xf32, #tpu.memory_space<vmem>>
    %dma_start3A_485 = tpu.memref_slice %arg3[%multiple_of3A_474, %multiple_of3A_477] : memref<10000x10000xf32, #tpu.memory_space<hbm>> -> memref<8x128xf32, #tpu.memory_space<hbm>>
    tpu.enqueue_dma source(%dma_start3A_485 : memref<8x128xf32, #tpu.memory_space<hbm>>) target(%dma_start3A_484 : memref<8x128xf32, #tpu.memory_space<vmem>>) target_semaphore(%arg13 : memref<!tpu.dma_semaphore, #tpu.memory_space<semaphore_mem>>)
    %multiple_of3A_486 = arith.constant 32 : i32
    %multiple_of3A_487 = tpu.assume_multiple %multiple_of3A_486, 16 : i32
    %get3A_488 = arith.index_cast %multiple_of3A_487 : i32 to index
    %get3A_489 = tpu.vector_load %arg5[%get3A_488] {strides = array<i32>} : memref<512xi32, #tpu.memory_space<vmem>>, vector<16xi32>,
    %get3A_490 = vector.shape_cast %get3A_489 : vector<16xi32> to vector<16xi32>
    %shift_right_arithmetic3A_491 = arith.constant 3 : i32
    %shift_right_arithmetic3A_492 = vector.broadcast %shift_right_arithmetic3A_491 : i32 to vector<16xi32>
    %shift_right_arithmetic3A_493 = arith.shrsi %get3A_490, %shift_right_arithmetic3A_492 : vector<16xi32>
    %mul3A_494 = arith.constant 8 : i32
    %mul3A_495 = vector.broadcast %mul3A_494 : i32 to vector<16xi32>
    %mul3A_496 = arith.muli %shift_right_arithmetic3A_493, %mul3A_495 : vector<16xi32>
    %get3A_497 = arith.index_cast %multiple_of3A_487 : i32 to index
    %get3A_498 = tpu.vector_load %arg6[%get3A_497] {strides = array<i32>} : memref<512xi32, #tpu.memory_space<vmem>>, vector<16xi32>,
    %get3A_499 = vector.shape_cast %get3A_498 : vector<16xi32> to vector<16xi32>
    %shift_right_arithmetic3A_500 = arith.constant 7 : i32
    %shift_right_arithmetic3A_501 = vector.broadcast %shift_right_arithmetic3A_500 : i32 to vector<16xi32>
    %shift_right_arithmetic3A_502 = arith.shrsi %get3A_499, %shift_right_arithmetic3A_501 : vector<16xi32>
    %mul3A_503 = arith.constant 128 : i32
    %mul3A_504 = vector.broadcast %mul3A_503 : i32 to vector<16xi32>
    %mul3A_505 = arith.muli %shift_right_arithmetic3A_502, %mul3A_504 : vector<16xi32>
    %slice3A_506 = vector.extract_strided_slice %mul3A_496 {offsets = [0], sizes = [1], strides = [1]} : vector<16xi32> to vector<1xi32>
    %squeeze3A_507 = vector.extract %slice3A_506[0] : i32 from vector<1xi32>
    %multiple_of3A_508 = tpu.assume_multiple %squeeze3A_507, 8 : i32
    %slice3A_509 = vector.extract_strided_slice %mul3A_505 {offsets = [0], sizes = [1], strides = [1]} : vector<16xi32> to vector<1xi32>
    %squeeze3A_510 = vector.extract %slice3A_509[0] : i32 from vector<1xi32>
    %multiple_of3A_511 = tpu.assume_multiple %squeeze3A_510, 128 : i32
    %dma_start3A_512 = arith.constant 0 : i32
    %dma_start3A_513 = arith.constant 0 : i32
    %dma_start3A_514 = tpu.memref_slice %arg9[%dma_start3A_512, %dma_start3A_513] : memref<128x128xf32, #tpu.memory_space<vmem>> -> memref<8x128xf32, #tpu.memory_space<vmem>>
    %dma_start3A_515 = tpu.memref_slice %arg3[%multiple_of3A_508, %multiple_of3A_511] : memref<10000x10000xf32, #tpu.memory_space<hbm>> -> memref<8x128xf32, #tpu.memory_space<hbm>>
    %dma_start3A_516 = arith.constant 0 : i32
    %dma_start3A_517 = arith.constant 0 : i32
    %dma_start3A_518 = tpu.memref_slice %arg9[%dma_start3A_516, %dma_start3A_517] : memref<128x128xf32, #tpu.memory_space<vmem>> -> memref<8x128xf32, #tpu.memory_space<vmem>>
    %dma_start3A_519 = tpu.memref_slice %arg3[%multiple_of3A_508, %multiple_of3A_511] : memref<10000x10000xf32, #tpu.memory_space<hbm>> -> memref<8x128xf32, #tpu.memory_space<hbm>>
    tpu.enqueue_dma source(%dma_start3A_519 : memref<8x128xf32, #tpu.memory_space<hbm>>) target(%dma_start3A_518 : memref<8x128xf32, #tpu.memory_space<vmem>>) target_semaphore(%arg14 : memref<!tpu.dma_semaphore, #tpu.memory_space<semaphore_mem>>)
    %slice3A_520 = vector.extract_strided_slice %mul3A_496 {offsets = [1], sizes = [1], strides = [1]} : vector<16xi32> to vector<1xi32>
    %squeeze3A_521 = vector.extract %slice3A_520[0] : i32 from vector<1xi32>
    %multiple_of3A_522 = tpu.assume_multiple %squeeze3A_521, 8 : i32
    %slice3A_523 = vector.extract_strided_slice %mul3A_505 {offsets = [1], sizes = [1], strides = [1]} : vector<16xi32> to vector<1xi32>
    %squeeze3A_524 = vector.extract %slice3A_523[0] : i32 from vector<1xi32>
    %multiple_of3A_525 = tpu.assume_multiple %squeeze3A_524, 128 : i32
    %dma_start3A_526 = arith.constant 8 : i32
    %dma_start3A_527 = arith.constant 0 : i32
    %dma_start3A_528 = tpu.memref_slice %arg9[%dma_start3A_526, %dma_start3A_527] : memref<128x128xf32, #tpu.memory_space<vmem>> -> memref<8x128xf32, #tpu.memory_space<vmem>>
    %dma_start3A_529 = tpu.memref_slice %arg3[%multiple_of3A_522, %multiple_of3A_525] : memref<10000x10000xf32, #tpu.memory_space<hbm>> -> memref<8x128xf32, #tpu.memory_space<hbm>>
    %dma_start3A_530 = arith.constant 8 : i32
    %dma_start3A_531 = arith.constant 0 : i32
    %dma_start3A_532 = tpu.memref_slice %arg9[%dma_start3A_530, %dma_start3A_531] : memref<128x128xf32, #tpu.memory_space<vmem>> -> memref<8x128xf32, #tpu.memory_space<vmem>>
    %dma_start3A_533 = tpu.memref_slice %arg3[%multiple_of3A_522, %multiple_of3A_525] : memref<10000x10000xf32, #tpu.memory_space<hbm>> -> memref<8x128xf32, #tpu.memory_space<hbm>>
    tpu.enqueue_dma source(%dma_start3A_533 : memref<8x128xf32, #tpu.memory_space<hbm>>) target(%dma_start3A_532 : memref<8x128xf32, #tpu.memory_space<vmem>>) target_semaphore(%arg14 : memref<!tpu.dma_semaphore, #tpu.memory_space<semaphore_mem>>)
    %slice3A_534 = vector.extract_strided_slice %mul3A_496 {offsets = [2], sizes = [1], strides = [1]} : vector<16xi32> to vector<1xi32>
    %squeeze3A_535 = vector.extract %slice3A_534[0] : i32 from vector<1xi32>
    %multiple_of3A_536 = tpu.assume_multiple %squeeze3A_535, 8 : i32
    %slice3A_537 = vector.extract_strided_slice %mul3A_505 {offsets = [2], sizes = [1], strides = [1]} : vector<16xi32> to vector<1xi32>
    %squeeze3A_538 = vector.extract %slice3A_537[0] : i32 from vector<1xi32>
    %multiple_of3A_539 = tpu.assume_multiple %squeeze3A_538, 128 : i32
    %dma_start3A_540 = arith.constant 16 : i32
    %dma_start3A_541 = arith.constant 0 : i32
    %dma_start3A_542 = tpu.memref_slice %arg9[%dma_start3A_540, %dma_start3A_541] : memref<128x128xf32, #tpu.memory_space<vmem>> -> memref<8x128xf32, #tpu.memory_space<vmem>>
    %dma_start3A_543 = tpu.memref_slice %arg3[%multiple_of3A_536, %multiple_of3A_539] : memref<10000x10000xf32, #tpu.memory_space<hbm>> -> memref<8x128xf32, #tpu.memory_space<hbm>>
    %dma_start3A_544 = arith.constant 16 : i32
    %dma_start3A_545 = arith.constant 0 : i32
    %dma_start3A_546 = tpu.memref_slice %arg9[%dma_start3A_544, %dma_start3A_545] : memref<128x128xf32, #tpu.memory_space<vmem>> -> memref<8x128xf32, #tpu.memory_space<vmem>>
    %dma_start3A_547 = tpu.memref_slice %arg3[%multiple_of3A_536, %multiple_of3A_539] : memref<10000x10000xf32, #tpu.memory_space<hbm>> -> memref<8x128xf32, #tpu.memory_space<hbm>>
    tpu.enqueue_dma source(%dma_start3A_547 : memref<8x128xf32, #tpu.memory_space<hbm>>) target(%dma_start3A_546 : memref<8x128xf32, #tpu.memory_space<vmem>>) target_semaphore(%arg14 : memref<!tpu.dma_semaphore, #tpu.memory_space<semaphore_mem>>)
    %slice3A_548 = vector.extract_strided_slice %mul3A_496 {offsets = [3], sizes = [1], strides = [1]} : vector<16xi32> to vector<1xi32>
    %squeeze3A_549 = vector.extract %slice3A_548[0] : i32 from vector<1xi32>
    %multiple_of3A_550 = tpu.assume_multiple %squeeze3A_549, 8 : i32
    %slice3A_551 = vector.extract_strided_slice %mul3A_505 {offsets = [3], sizes = [1], strides = [1]} : vector<16xi32> to vector<1xi32>
    %squeeze3A_552 = vector.extract %slice3A_551[0] : i32 from vector<1xi32>
    %multiple_of3A_553 = tpu.assume_multiple %squeeze3A_552, 128 : i32
    %dma_start3A_554 = arith.constant 24 : i32
    %dma_start3A_555 = arith.constant 0 : i32
    %dma_start3A_556 = tpu.memref_slice %arg9[%dma_start3A_554, %dma_start3A_555] : memref<128x128xf32, #tpu.memory_space<vmem>> -> memref<8x128xf32, #tpu.memory_space<vmem>>
    %dma_start3A_557 = tpu.memref_slice %arg3[%multiple_of3A_550, %multiple_of3A_553] : memref<10000x10000xf32, #tpu.memory_space<hbm>> -> memref<8x128xf32, #tpu.memory_space<hbm>>
    %dma_start3A_558 = arith.constant 24 : i32
    %dma_start3A_559 = arith.constant 0 : i32
    %dma_start3A_560 = tpu.memref_slice %arg9[%dma_start3A_558, %dma_start3A_559] : memref<128x128xf32, #tpu.memory_space<vmem>> -> memref<8x128xf32, #tpu.memory_space<vmem>>
    %dma_start3A_561 = tpu.memref_slice %arg3[%multiple_of3A_550, %multiple_of3A_553] : memref<10000x10000xf32, #tpu.memory_space<hbm>> -> memref<8x128xf32, #tpu.memory_space<hbm>>
    tpu.enqueue_dma source(%dma_start3A_561 : memref<8x128xf32, #tpu.memory_space<hbm>>) target(%dma_start3A_560 : memref<8x128xf32, #tpu.memory_space<vmem>>) target_semaphore(%arg14 : memref<!tpu.dma_semaphore, #tpu.memory_space<semaphore_mem>>)
    %slice3A_562 = vector.extract_strided_slice %mul3A_496 {offsets = [4], sizes = [1], strides = [1]} : vector<16xi32> to vector<1xi32>
    %squeeze3A_563 = vector.extract %slice3A_562[0] : i32 from vector<1xi32>
    %multiple_of3A_564 = tpu.assume_multiple %squeeze3A_563, 8 : i32
    %slice3A_565 = vector.extract_strided_slice %mul3A_505 {offsets = [4], sizes = [1], strides = [1]} : vector<16xi32> to vector<1xi32>
    %squeeze3A_566 = vector.extract %slice3A_565[0] : i32 from vector<1xi32>
    %multiple_of3A_567 = tpu.assume_multiple %squeeze3A_566, 128 : i32
    %dma_start3A_568 = arith.constant 32 : i32
    %dma_start3A_569 = arith.constant 0 : i32
    %dma_start3A_570 = tpu.memref_slice %arg9[%dma_start3A_568, %dma_start3A_569] : memref<128x128xf32, #tpu.memory_space<vmem>> -> memref<8x128xf32, #tpu.memory_space<vmem>>
    %dma_start3A_571 = tpu.memref_slice %arg3[%multiple_of3A_564, %multiple_of3A_567] : memref<10000x10000xf32, #tpu.memory_space<hbm>> -> memref<8x128xf32, #tpu.memory_space<hbm>>
    %dma_start3A_572 = arith.constant 32 : i32
    %dma_start3A_573 = arith.constant 0 : i32
    %dma_start3A_574 = tpu.memref_slice %arg9[%dma_start3A_572, %dma_start3A_573] : memref<128x128xf32, #tpu.memory_space<vmem>> -> memref<8x128xf32, #tpu.memory_space<vmem>>
    %dma_start3A_575 = tpu.memref_slice %arg3[%multiple_of3A_564, %multiple_of3A_567] : memref<10000x10000xf32, #tpu.memory_space<hbm>> -> memref<8x128xf32, #tpu.memory_space<hbm>>
    tpu.enqueue_dma source(%dma_start3A_575 : memref<8x128xf32, #tpu.memory_space<hbm>>) target(%dma_start3A_574 : memref<8x128xf32, #tpu.memory_space<vmem>>) target_semaphore(%arg14 : memref<!tpu.dma_semaphore, #tpu.memory_space<semaphore_mem>>)
    %slice3A_576 = vector.extract_strided_slice %mul3A_496 {offsets = [5], sizes = [1], strides = [1]} : vector<16xi32> to vector<1xi32>
    %squeeze3A_577 = vector.extract %slice3A_576[0] : i32 from vector<1xi32>
    %multiple_of3A_578 = tpu.assume_multiple %squeeze3A_577, 8 : i32
    %slice3A_579 = vector.extract_strided_slice %mul3A_505 {offsets = [5], sizes = [1], strides = [1]} : vector<16xi32> to vector<1xi32>
    %squeeze3A_580 = vector.extract %slice3A_579[0] : i32 from vector<1xi32>
    %multiple_of3A_581 = tpu.assume_multiple %squeeze3A_580, 128 : i32
    %dma_start3A_582 = arith.constant 40 : i32
    %dma_start3A_583 = arith.constant 0 : i32
    %dma_start3A_584 = tpu.memref_slice %arg9[%dma_start3A_582, %dma_start3A_583] : memref<128x128xf32, #tpu.memory_space<vmem>> -> memref<8x128xf32, #tpu.memory_space<vmem>>
    %dma_start3A_585 = tpu.memref_slice %arg3[%multiple_of3A_578, %multiple_of3A_581] : memref<10000x10000xf32, #tpu.memory_space<hbm>> -> memref<8x128xf32, #tpu.memory_space<hbm>>
    %dma_start3A_586 = arith.constant 40 : i32
    %dma_start3A_587 = arith.constant 0 : i32
    %dma_start3A_588 = tpu.memref_slice %arg9[%dma_start3A_586, %dma_start3A_587] : memref<128x128xf32, #tpu.memory_space<vmem>> -> memref<8x128xf32, #tpu.memory_space<vmem>>
    %dma_start3A_589 = tpu.memref_slice %arg3[%multiple_of3A_578, %multiple_of3A_581] : memref<10000x10000xf32, #tpu.memory_space<hbm>> -> memref<8x128xf32, #tpu.memory_space<hbm>>
    tpu.enqueue_dma source(%dma_start3A_589 : memref<8x128xf32, #tpu.memory_space<hbm>>) target(%dma_start3A_588 : memref<8x128xf32, #tpu.memory_space<vmem>>) target_semaphore(%arg14 : memref<!tpu.dma_semaphore, #tpu.memory_space<semaphore_mem>>)
    %slice3A_590 = vector.extract_strided_slice %mul3A_496 {offsets = [6], sizes = [1], strides = [1]} : vector<16xi32> to vector<1xi32>
    %squeeze3A_591 = vector.extract %slice3A_590[0] : i32 from vector<1xi32>
    %multiple_of3A_592 = tpu.assume_multiple %squeeze3A_591, 8 : i32
    %slice3A_593 = vector.extract_strided_slice %mul3A_505 {offsets = [6], sizes = [1], strides = [1]} : vector<16xi32> to vector<1xi32>
    %squeeze3A_594 = vector.extract %slice3A_593[0] : i32 from vector<1xi32>
    %multiple_of3A_595 = tpu.assume_multiple %squeeze3A_594, 128 : i32
    %dma_start3A_596 = arith.constant 48 : i32
    %dma_start3A_597 = arith.constant 0 : i32
    %dma_start3A_598 = tpu.memref_slice %arg9[%dma_start3A_596, %dma_start3A_597] : memref<128x128xf32, #tpu.memory_space<vmem>> -> memref<8x128xf32, #tpu.memory_space<vmem>>
    %dma_start3A_599 = tpu.memref_slice %arg3[%multiple_of3A_592, %multiple_of3A_595] : memref<10000x10000xf32, #tpu.memory_space<hbm>> -> memref<8x128xf32, #tpu.memory_space<hbm>>
    %dma_start3A_600 = arith.constant 48 : i32
    %dma_start3A_601 = arith.constant 0 : i32
    %dma_start3A_602 = tpu.memref_slice %arg9[%dma_start3A_600, %dma_start3A_601] : memref<128x128xf32, #tpu.memory_space<vmem>> -> memref<8x128xf32, #tpu.memory_space<vmem>>
    %dma_start3A_603 = tpu.memref_slice %arg3[%multiple_of3A_592, %multiple_of3A_595] : memref<10000x10000xf32, #tpu.memory_space<hbm>> -> memref<8x128xf32, #tpu.memory_space<hbm>>
    tpu.enqueue_dma source(%dma_start3A_603 : memref<8x128xf32, #tpu.memory_space<hbm>>) target(%dma_start3A_602 : memref<8x128xf32, #tpu.memory_space<vmem>>) target_semaphore(%arg14 : memref<!tpu.dma_semaphore, #tpu.memory_space<semaphore_mem>>)
    %slice3A_604 = vector.extract_strided_slice %mul3A_496 {offsets = [7], sizes = [1], strides = [1]} : vector<16xi32> to vector<1xi32>
    %squeeze3A_605 = vector.extract %slice3A_604[0] : i32 from vector<1xi32>
    %multiple_of3A_606 = tpu.assume_multiple %squeeze3A_605, 8 : i32
    %slice3A_607 = vector.extract_strided_slice %mul3A_505 {offsets = [7], sizes = [1], strides = [1]} : vector<16xi32> to vector<1xi32>
    %squeeze3A_608 = vector.extract %slice3A_607[0] : i32 from vector<1xi32>
    %multiple_of3A_609 = tpu.assume_multiple %squeeze3A_608, 128 : i32
    %dma_start3A_610 = arith.constant 56 : i32
    %dma_start3A_611 = arith.constant 0 : i32
    %dma_start3A_612 = tpu.memref_slice %arg9[%dma_start3A_610, %dma_start3A_611] : memref<128x128xf32, #tpu.memory_space<vmem>> -> memref<8x128xf32, #tpu.memory_space<vmem>>
    %dma_start3A_613 = tpu.memref_slice %arg3[%multiple_of3A_606, %multiple_of3A_609] : memref<10000x10000xf32, #tpu.memory_space<hbm>> -> memref<8x128xf32, #tpu.memory_space<hbm>>
    %dma_start3A_614 = arith.constant 56 : i32
    %dma_start3A_615 = arith.constant 0 : i32
    %dma_start3A_616 = tpu.memref_slice %arg9[%dma_start3A_614, %dma_start3A_615] : memref<128x128xf32, #tpu.memory_space<vmem>> -> memref<8x128xf32, #tpu.memory_space<vmem>>
    %dma_start3A_617 = tpu.memref_slice %arg3[%multiple_of3A_606, %multiple_of3A_609] : memref<10000x10000xf32, #tpu.memory_space<hbm>> -> memref<8x128xf32, #tpu.memory_space<hbm>>
    tpu.enqueue_dma source(%dma_start3A_617 : memref<8x128xf32, #tpu.memory_space<hbm>>) target(%dma_start3A_616 : memref<8x128xf32, #tpu.memory_space<vmem>>) target_semaphore(%arg14 : memref<!tpu.dma_semaphore, #tpu.memory_space<semaphore_mem>>)
    %slice3A_618 = vector.extract_strided_slice %mul3A_496 {offsets = [8], sizes = [1], strides = [1]} : vector<16xi32> to vector<1xi32>
    %squeeze3A_619 = vector.extract %slice3A_618[0] : i32 from vector<1xi32>
    %multiple_of3A_620 = tpu.assume_multiple %squeeze3A_619, 8 : i32
    %slice3A_621 = vector.extract_strided_slice %mul3A_505 {offsets = [8], sizes = [1], strides = [1]} : vector<16xi32> to vector<1xi32>
    %squeeze3A_622 = vector.extract %slice3A_621[0] : i32 from vector<1xi32>
    %multiple_of3A_623 = tpu.assume_multiple %squeeze3A_622, 128 : i32
    %dma_start3A_624 = arith.constant 64 : i32
    %dma_start3A_625 = arith.constant 0 : i32
    %dma_start3A_626 = tpu.memref_slice %arg9[%dma_start3A_624, %dma_start3A_625] : memref<128x128xf32, #tpu.memory_space<vmem>> -> memref<8x128xf32, #tpu.memory_space<vmem>>
    %dma_start3A_627 = tpu.memref_slice %arg3[%multiple_of3A_620, %multiple_of3A_623] : memref<10000x10000xf32, #tpu.memory_space<hbm>> -> memref<8x128xf32, #tpu.memory_space<hbm>>
    %dma_start3A_628 = arith.constant 64 : i32
    %dma_start3A_629 = arith.constant 0 : i32
    %dma_start3A_630 = tpu.memref_slice %arg9[%dma_start3A_628, %dma_start3A_629] : memref<128x128xf32, #tpu.memory_space<vmem>> -> memref<8x128xf32, #tpu.memory_space<vmem>>
    %dma_start3A_631 = tpu.memref_slice %arg3[%multiple_of3A_620, %multiple_of3A_623] : memref<10000x10000xf32, #tpu.memory_space<hbm>> -> memref<8x128xf32, #tpu.memory_space<hbm>>
    tpu.enqueue_dma source(%dma_start3A_631 : memref<8x128xf32, #tpu.memory_space<hbm>>) target(%dma_start3A_630 : memref<8x128xf32, #tpu.memory_space<vmem>>) target_semaphore(%arg14 : memref<!tpu.dma_semaphore, #tpu.memory_space<semaphore_mem>>)
    %slice3A_632 = vector.extract_strided_slice %mul3A_496 {offsets = [9], sizes = [1], strides = [1]} : vector<16xi32> to vector<1xi32>
    %squeeze3A_633 = vector.extract %slice3A_632[0] : i32 from vector<1xi32>
    %multiple_of3A_634 = tpu.assume_multiple %squeeze3A_633, 8 : i32
    %slice3A_635 = vector.extract_strided_slice %mul3A_505 {offsets = [9], sizes = [1], strides = [1]} : vector<16xi32> to vector<1xi32>
    %squeeze3A_636 = vector.extract %slice3A_635[0] : i32 from vector<1xi32>
    %multiple_of3A_637 = tpu.assume_multiple %squeeze3A_636, 128 : i32
    %dma_start3A_638 = arith.constant 72 : i32
    %dma_start3A_639 = arith.constant 0 : i32
    %dma_start3A_640 = tpu.memref_slice %arg9[%dma_start3A_638, %dma_start3A_639] : memref<128x128xf32, #tpu.memory_space<vmem>> -> memref<8x128xf32, #tpu.memory_space<vmem>>
    %dma_start3A_641 = tpu.memref_slice %arg3[%multiple_of3A_634, %multiple_of3A_637] : memref<10000x10000xf32, #tpu.memory_space<hbm>> -> memref<8x128xf32, #tpu.memory_space<hbm>>
    %dma_start3A_642 = arith.constant 72 : i32
    %dma_start3A_643 = arith.constant 0 : i32
    %dma_start3A_644 = tpu.memref_slice %arg9[%dma_start3A_642, %dma_start3A_643] : memref<128x128xf32, #tpu.memory_space<vmem>> -> memref<8x128xf32, #tpu.memory_space<vmem>>
    %dma_start3A_645 = tpu.memref_slice %arg3[%multiple_of3A_634, %multiple_of3A_637] : memref<10000x10000xf32, #tpu.memory_space<hbm>> -> memref<8x128xf32, #tpu.memory_space<hbm>>
    tpu.enqueue_dma source(%dma_start3A_645 : memref<8x128xf32, #tpu.memory_space<hbm>>) target(%dma_start3A_644 : memref<8x128xf32, #tpu.memory_space<vmem>>) target_semaphore(%arg14 : memref<!tpu.dma_semaphore, #tpu.memory_space<semaphore_mem>>)
    %slice3A_646 = vector.extract_strided_slice %mul3A_496 {offsets = [10], sizes = [1], strides = [1]} : vector<16xi32> to vector<1xi32>
    %squeeze3A_647 = vector.extract %slice3A_646[0] : i32 from vector<1xi32>
    %multiple_of3A_648 = tpu.assume_multiple %squeeze3A_647, 8 : i32
    %slice3A_649 = vector.extract_strided_slice %mul3A_505 {offsets = [10], sizes = [1], strides = [1]} : vector<16xi32> to vector<1xi32>
    %squeeze3A_650 = vector.extract %slice3A_649[0] : i32 from vector<1xi32>
    %multiple_of3A_651 = tpu.assume_multiple %squeeze3A_650, 128 : i32
    %dma_start3A_652 = arith.constant 80 : i32
    %dma_start3A_653 = arith.constant 0 : i32
    %dma_start3A_654 = tpu.memref_slice %arg9[%dma_start3A_652, %dma_start3A_653] : memref<128x128xf32, #tpu.memory_space<vmem>> -> memref<8x128xf32, #tpu.memory_space<vmem>>
    %dma_start3A_655 = tpu.memref_slice %arg3[%multiple_of3A_648, %multiple_of3A_651] : memref<10000x10000xf32, #tpu.memory_space<hbm>> -> memref<8x128xf32, #tpu.memory_space<hbm>>
    %dma_start3A_656 = arith.constant 80 : i32
    %dma_start3A_657 = arith.constant 0 : i32
    %dma_start3A_658 = tpu.memref_slice %arg9[%dma_start3A_656, %dma_start3A_657] : memref<128x128xf32, #tpu.memory_space<vmem>> -> memref<8x128xf32, #tpu.memory_space<vmem>>
    %dma_start3A_659 = tpu.memref_slice %arg3[%multiple_of3A_648, %multiple_of3A_651] : memref<10000x10000xf32, #tpu.memory_space<hbm>> -> memref<8x128xf32, #tpu.memory_space<hbm>>
    tpu.enqueue_dma source(%dma_start3A_659 : memref<8x128xf32, #tpu.memory_space<hbm>>) target(%dma_start3A_658 : memref<8x128xf32, #tpu.memory_space<vmem>>) target_semaphore(%arg14 : memref<!tpu.dma_semaphore, #tpu.memory_space<semaphore_mem>>)
    %slice3A_660 = vector.extract_strided_slice %mul3A_496 {offsets = [11], sizes = [1], strides = [1]} : vector<16xi32> to vector<1xi32>
    %squeeze3A_661 = vector.extract %slice3A_660[0] : i32 from vector<1xi32>
    %multiple_of3A_662 = tpu.assume_multiple %squeeze3A_661, 8 : i32
    %slice3A_663 = vector.extract_strided_slice %mul3A_505 {offsets = [11], sizes = [1], strides = [1]} : vector<16xi32> to vector<1xi32>
    %squeeze3A_664 = vector.extract %slice3A_663[0] : i32 from vector<1xi32>
    %multiple_of3A_665 = tpu.assume_multiple %squeeze3A_664, 128 : i32
    %dma_start3A_666 = arith.constant 88 : i32
    %dma_start3A_667 = arith.constant 0 : i32
    %dma_start3A_668 = tpu.memref_slice %arg9[%dma_start3A_666, %dma_start3A_667] : memref<128x128xf32, #tpu.memory_space<vmem>> -> memref<8x128xf32, #tpu.memory_space<vmem>>
    %dma_start3A_669 = tpu.memref_slice %arg3[%multiple_of3A_662, %multiple_of3A_665] : memref<10000x10000xf32, #tpu.memory_space<hbm>> -> memref<8x128xf32, #tpu.memory_space<hbm>>
    %dma_start3A_670 = arith.constant 88 : i32
    %dma_start3A_671 = arith.constant 0 : i32
    %dma_start3A_672 = tpu.memref_slice %arg9[%dma_start3A_670, %dma_start3A_671] : memref<128x128xf32, #tpu.memory_space<vmem>> -> memref<8x128xf32, #tpu.memory_space<vmem>>
    %dma_start3A_673 = tpu.memref_slice %arg3[%multiple_of3A_662, %multiple_of3A_665] : memref<10000x10000xf32, #tpu.memory_space<hbm>> -> memref<8x128xf32, #tpu.memory_space<hbm>>
    tpu.enqueue_dma source(%dma_start3A_673 : memref<8x128xf32, #tpu.memory_space<hbm>>) target(%dma_start3A_672 : memref<8x128xf32, #tpu.memory_space<vmem>>) target_semaphore(%arg14 : memref<!tpu.dma_semaphore, #tpu.memory_space<semaphore_mem>>)
    %slice3A_674 = vector.extract_strided_slice %mul3A_496 {offsets = [12], sizes = [1], strides = [1]} : vector<16xi32> to vector<1xi32>
    %squeeze3A_675 = vector.extract %slice3A_674[0] : i32 from vector<1xi32>
    %multiple_of3A_676 = tpu.assume_multiple %squeeze3A_675, 8 : i32
    %slice3A_677 = vector.extract_strided_slice %mul3A_505 {offsets = [12], sizes = [1], strides = [1]} : vector<16xi32> to vector<1xi32>
    %squeeze3A_678 = vector.extract %slice3A_677[0] : i32 from vector<1xi32>
    %multiple_of3A_679 = tpu.assume_multiple %squeeze3A_678, 128 : i32
    %dma_start3A_680 = arith.constant 96 : i32
    %dma_start3A_681 = arith.constant 0 : i32
    %dma_start3A_682 = tpu.memref_slice %arg9[%dma_start3A_680, %dma_start3A_681] : memref<128x128xf32, #tpu.memory_space<vmem>> -> memref<8x128xf32, #tpu.memory_space<vmem>>
    %dma_start3A_683 = tpu.memref_slice %arg3[%multiple_of3A_676, %multiple_of3A_679] : memref<10000x10000xf32, #tpu.memory_space<hbm>> -> memref<8x128xf32, #tpu.memory_space<hbm>>
    %dma_start3A_684 = arith.constant 96 : i32
    %dma_start3A_685 = arith.constant 0 : i32
    %dma_start3A_686 = tpu.memref_slice %arg9[%dma_start3A_684, %dma_start3A_685] : memref<128x128xf32, #tpu.memory_space<vmem>> -> memref<8x128xf32, #tpu.memory_space<vmem>>
    %dma_start3A_687 = tpu.memref_slice %arg3[%multiple_of3A_676, %multiple_of3A_679] : memref<10000x10000xf32, #tpu.memory_space<hbm>> -> memref<8x128xf32, #tpu.memory_space<hbm>>
    tpu.enqueue_dma source(%dma_start3A_687 : memref<8x128xf32, #tpu.memory_space<hbm>>) target(%dma_start3A_686 : memref<8x128xf32, #tpu.memory_space<vmem>>) target_semaphore(%arg14 : memref<!tpu.dma_semaphore, #tpu.memory_space<semaphore_mem>>)
    %slice3A_688 = vector.extract_strided_slice %mul3A_496 {offsets = [13], sizes = [1], strides = [1]} : vector<16xi32> to vector<1xi32>
    %squeeze3A_689 = vector.extract %slice3A_688[0] : i32 from vector<1xi32>
    %multiple_of3A_690 = tpu.assume_multiple %squeeze3A_689, 8 : i32
    %slice3A_691 = vector.extract_strided_slice %mul3A_505 {offsets = [13], sizes = [1], strides = [1]} : vector<16xi32> to vector<1xi32>
    %squeeze3A_692 = vector.extract %slice3A_691[0] : i32 from vector<1xi32>
    %multiple_of3A_693 = tpu.assume_multiple %squeeze3A_692, 128 : i32
    %dma_start3A_694 = arith.constant 104 : i32
    %dma_start3A_695 = arith.constant 0 : i32
    %dma_start3A_696 = tpu.memref_slice %arg9[%dma_start3A_694, %dma_start3A_695] : memref<128x128xf32, #tpu.memory_space<vmem>> -> memref<8x128xf32, #tpu.memory_space<vmem>>
    %dma_start3A_697 = tpu.memref_slice %arg3[%multiple_of3A_690, %multiple_of3A_693] : memref<10000x10000xf32, #tpu.memory_space<hbm>> -> memref<8x128xf32, #tpu.memory_space<hbm>>
    %dma_start3A_698 = arith.constant 104 : i32
    %dma_start3A_699 = arith.constant 0 : i32
    %dma_start3A_700 = tpu.memref_slice %arg9[%dma_start3A_698, %dma_start3A_699] : memref<128x128xf32, #tpu.memory_space<vmem>> -> memref<8x128xf32, #tpu.memory_space<vmem>>
    %dma_start3A_701 = tpu.memref_slice %arg3[%multiple_of3A_690, %multiple_of3A_693] : memref<10000x10000xf32, #tpu.memory_space<hbm>> -> memref<8x128xf32, #tpu.memory_space<hbm>>
    tpu.enqueue_dma source(%dma_start3A_701 : memref<8x128xf32, #tpu.memory_space<hbm>>) target(%dma_start3A_700 : memref<8x128xf32, #tpu.memory_space<vmem>>) target_semaphore(%arg14 : memref<!tpu.dma_semaphore, #tpu.memory_space<semaphore_mem>>)
    %slice3A_702 = vector.extract_strided_slice %mul3A_496 {offsets = [14], sizes = [1], strides = [1]} : vector<16xi32> to vector<1xi32>
    %squeeze3A_703 = vector.extract %slice3A_702[0] : i32 from vector<1xi32>
    %multiple_of3A_704 = tpu.assume_multiple %squeeze3A_703, 8 : i32
    %slice3A_705 = vector.extract_strided_slice %mul3A_505 {offsets = [14], sizes = [1], strides = [1]} : vector<16xi32> to vector<1xi32>
    %squeeze3A_706 = vector.extract %slice3A_705[0] : i32 from vector<1xi32>
    %multiple_of3A_707 = tpu.assume_multiple %squeeze3A_706, 128 : i32
    %dma_start3A_708 = arith.constant 112 : i32
    %dma_start3A_709 = arith.constant 0 : i32
    %dma_start3A_710 = tpu.memref_slice %arg9[%dma_start3A_708, %dma_start3A_709] : memref<128x128xf32, #tpu.memory_space<vmem>> -> memref<8x128xf32, #tpu.memory_space<vmem>>
    %dma_start3A_711 = tpu.memref_slice %arg3[%multiple_of3A_704, %multiple_of3A_707] : memref<10000x10000xf32, #tpu.memory_space<hbm>> -> memref<8x128xf32, #tpu.memory_space<hbm>>
    %dma_start3A_712 = arith.constant 112 : i32
    %dma_start3A_713 = arith.constant 0 : i32
    %dma_start3A_714 = tpu.memref_slice %arg9[%dma_start3A_712, %dma_start3A_713] : memref<128x128xf32, #tpu.memory_space<vmem>> -> memref<8x128xf32, #tpu.memory_space<vmem>>
    %dma_start3A_715 = tpu.memref_slice %arg3[%multiple_of3A_704, %multiple_of3A_707] : memref<10000x10000xf32, #tpu.memory_space<hbm>> -> memref<8x128xf32, #tpu.memory_space<hbm>>
    tpu.enqueue_dma source(%dma_start3A_715 : memref<8x128xf32, #tpu.memory_space<hbm>>) target(%dma_start3A_714 : memref<8x128xf32, #tpu.memory_space<vmem>>) target_semaphore(%arg14 : memref<!tpu.dma_semaphore, #tpu.memory_space<semaphore_mem>>)
    %slice3A_716 = vector.extract_strided_slice %mul3A_496 {offsets = [15], sizes = [1], strides = [1]} : vector<16xi32> to vector<1xi32>
    %squeeze3A_717 = vector.extract %slice3A_716[0] : i32 from vector<1xi32>
    %multiple_of3A_718 = tpu.assume_multiple %squeeze3A_717, 8 : i32
    %slice3A_719 = vector.extract_strided_slice %mul3A_505 {offsets = [15], sizes = [1], strides = [1]} : vector<16xi32> to vector<1xi32>
    %squeeze3A_720 = vector.extract %slice3A_719[0] : i32 from vector<1xi32>
    %multiple_of3A_721 = tpu.assume_multiple %squeeze3A_720, 128 : i32
    %dma_start3A_722 = arith.constant 120 : i32
    %dma_start3A_723 = arith.constant 0 : i32
    %dma_start3A_724 = tpu.memref_slice %arg9[%dma_start3A_722, %dma_start3A_723] : memref<128x128xf32, #tpu.memory_space<vmem>> -> memref<8x128xf32, #tpu.memory_space<vmem>>
    %dma_start3A_725 = tpu.memref_slice %arg3[%multiple_of3A_718, %multiple_of3A_721] : memref<10000x10000xf32, #tpu.memory_space<hbm>> -> memref<8x128xf32, #tpu.memory_space<hbm>>
    %dma_start3A_726 = arith.constant 120 : i32
    %dma_start3A_727 = arith.constant 0 : i32
    %dma_start3A_728 = tpu.memref_slice %arg9[%dma_start3A_726, %dma_start3A_727] : memref<128x128xf32, #tpu.memory_space<vmem>> -> memref<8x128xf32, #tpu.memory_space<vmem>>
    %dma_start3A_729 = tpu.memref_slice %arg3[%multiple_of3A_718, %multiple_of3A_721] : memref<10000x10000xf32, #tpu.memory_space<hbm>> -> memref<8x128xf32, #tpu.memory_space<hbm>>
    tpu.enqueue_dma source(%dma_start3A_729 : memref<8x128xf32, #tpu.memory_space<hbm>>) target(%dma_start3A_728 : memref<8x128xf32, #tpu.memory_space<vmem>>) target_semaphore(%arg14 : memref<!tpu.dma_semaphore, #tpu.memory_space<semaphore_mem>>)
    %scan3A = arith.constant 0 : i32
    %scan3A_730 = arith.constant 0 : i32
    %scan3A_731 = arith.constant 8 : i32
    %scan3A_732 = arith.addi %scan3A_730, %scan3A_731 : i32
    %scan3A_733 = arith.constant 1 : i32
    scf.for %scan3A_735 = %scan3A_730 to %scan3A_732 step %scan3A_733  : i32 {
      %mul3A_736 = arith.constant 4 : i32
      %mul3A_737 = arith.muli %scan3A_735, %mul3A_736 : i32
      %add3A_738 = arith.constant 0 : i32
      %add3A_739 = arith.addi %mul3A_737, %add3A_738 : i32
      %add3A_740 = arith.constant 3 : i32
      %add3A_741 = arith.addi %add3A_739, %add3A_740 : i32
      %mul3A_742 = arith.constant 16 : i32
      %mul3A_743 = arith.muli %add3A_741, %mul3A_742 : i32
      %multiple_of3A_744 = tpu.assume_multiple %mul3A_743, 16 : i32
      %get3A_745 = arith.index_cast %multiple_of3A_744 : i32 to index
      %get3A_746 = tpu.vector_load %arg5[%get3A_745] {strides = array<i32>} : memref<512xi32, #tpu.memory_space<vmem>>, vector<16xi32>,
      %get3A_747 = vector.shape_cast %get3A_746 : vector<16xi32> to vector<16xi32>
      %shift_right_arithmetic3A_748 = arith.constant 3 : i32
      %shift_right_arithmetic3A_749 = vector.broadcast %shift_right_arithmetic3A_748 : i32 to vector<16xi32>
      %shift_right_arithmetic3A_750 = arith.shrsi %get3A_747, %shift_right_arithmetic3A_749 : vector<16xi32>
      %mul3A_751 = arith.constant 8 : i32
      %mul3A_752 = vector.broadcast %mul3A_751 : i32 to vector<16xi32>
      %mul3A_753 = arith.muli %shift_right_arithmetic3A_750, %mul3A_752 : vector<16xi32>
      %get3A_754 = arith.index_cast %multiple_of3A_744 : i32 to index
      %get3A_755 = tpu.vector_load %arg6[%get3A_754] {strides = array<i32>} : memref<512xi32, #tpu.memory_space<vmem>>, vector<16xi32>,
      %get3A_756 = vector.shape_cast %get3A_755 : vector<16xi32> to vector<16xi32>
      %shift_right_arithmetic3A_757 = arith.constant 7 : i32
      %shift_right_arithmetic3A_758 = vector.broadcast %shift_right_arithmetic3A_757 : i32 to vector<16xi32>
      %shift_right_arithmetic3A_759 = arith.shrsi %get3A_756, %shift_right_arithmetic3A_758 : vector<16xi32>
      %mul3A_760 = arith.constant 128 : i32
      %mul3A_761 = vector.broadcast %mul3A_760 : i32 to vector<16xi32>
      %mul3A_762 = arith.muli %shift_right_arithmetic3A_759, %mul3A_761 : vector<16xi32>
      %slice3A_763 = vector.extract_strided_slice %mul3A_753 {offsets = [0], sizes = [1], strides = [1]} : vector<16xi32> to vector<1xi32>
      %squeeze3A_764 = vector.extract %slice3A_763[0] : i32 from vector<1xi32>
      %multiple_of3A_765 = tpu.assume_multiple %squeeze3A_764, 8 : i32
      %slice3A_766 = vector.extract_strided_slice %mul3A_762 {offsets = [0], sizes = [1], strides = [1]} : vector<16xi32> to vector<1xi32>
      %squeeze3A_767 = vector.extract %slice3A_766[0] : i32 from vector<1xi32>
      %multiple_of3A_768 = tpu.assume_multiple %squeeze3A_767, 128 : i32
      %dma_start3A_769 = arith.constant 0 : i32
      %dma_start3A_770 = arith.constant 0 : i32
      %dma_start3A_771 = tpu.memref_slice %arg10[%dma_start3A_769, %dma_start3A_770] : memref<128x128xf32, #tpu.memory_space<vmem>> -> memref<8x128xf32, #tpu.memory_space<vmem>>
      %dma_start3A_772 = tpu.memref_slice %arg3[%multiple_of3A_765, %multiple_of3A_768] : memref<10000x10000xf32, #tpu.memory_space<hbm>> -> memref<8x128xf32, #tpu.memory_space<hbm>>
      %dma_start3A_773 = arith.constant 0 : i32
      %dma_start3A_774 = arith.constant 0 : i32
      %dma_start3A_775 = tpu.memref_slice %arg10[%dma_start3A_773, %dma_start3A_774] : memref<128x128xf32, #tpu.memory_space<vmem>> -> memref<8x128xf32, #tpu.memory_space<vmem>>
      %dma_start3A_776 = tpu.memref_slice %arg3[%multiple_of3A_765, %multiple_of3A_768] : memref<10000x10000xf32, #tpu.memory_space<hbm>> -> memref<8x128xf32, #tpu.memory_space<hbm>>
      tpu.enqueue_dma source(%dma_start3A_776 : memref<8x128xf32, #tpu.memory_space<hbm>>) target(%dma_start3A_775 : memref<8x128xf32, #tpu.memory_space<vmem>>) target_semaphore(%arg15 : memref<!tpu.dma_semaphore, #tpu.memory_space<semaphore_mem>>)
      %slice3A_777 = vector.extract_strided_slice %mul3A_753 {offsets = [1], sizes = [1], strides = [1]} : vector<16xi32> to vector<1xi32>
      %squeeze3A_778 = vector.extract %slice3A_777[0] : i32 from vector<1xi32>
      %multiple_of3A_779 = tpu.assume_multiple %squeeze3A_778, 8 : i32
      %slice3A_780 = vector.extract_strided_slice %mul3A_762 {offsets = [1], sizes = [1], strides = [1]} : vector<16xi32> to vector<1xi32>
      %squeeze3A_781 = vector.extract %slice3A_780[0] : i32 from vector<1xi32>
      %multiple_of3A_782 = tpu.assume_multiple %squeeze3A_781, 128 : i32
      %dma_start3A_783 = arith.constant 8 : i32
      %dma_start3A_784 = arith.constant 0 : i32
      %dma_start3A_785 = tpu.memref_slice %arg10[%dma_start3A_783, %dma_start3A_784] : memref<128x128xf32, #tpu.memory_space<vmem>> -> memref<8x128xf32, #tpu.memory_space<vmem>>
      %dma_start3A_786 = tpu.memref_slice %arg3[%multiple_of3A_779, %multiple_of3A_782] : memref<10000x10000xf32, #tpu.memory_space<hbm>> -> memref<8x128xf32, #tpu.memory_space<hbm>>
      %dma_start3A_787 = arith.constant 8 : i32
      %dma_start3A_788 = arith.constant 0 : i32
      %dma_start3A_789 = tpu.memref_slice %arg10[%dma_start3A_787, %dma_start3A_788] : memref<128x128xf32, #tpu.memory_space<vmem>> -> memref<8x128xf32, #tpu.memory_space<vmem>>
      %dma_start3A_790 = tpu.memref_slice %arg3[%multiple_of3A_779, %multiple_of3A_782] : memref<10000x10000xf32, #tpu.memory_space<hbm>> -> memref<8x128xf32, #tpu.memory_space<hbm>>
      tpu.enqueue_dma source(%dma_start3A_790 : memref<8x128xf32, #tpu.memory_space<hbm>>) target(%dma_start3A_789 : memref<8x128xf32, #tpu.memory_space<vmem>>) target_semaphore(%arg15 : memref<!tpu.dma_semaphore, #tpu.memory_space<semaphore_mem>>)
      %slice3A_791 = vector.extract_strided_slice %mul3A_753 {offsets = [2], sizes = [1], strides = [1]} : vector<16xi32> to vector<1xi32>
      %squeeze3A_792 = vector.extract %slice3A_791[0] : i32 from vector<1xi32>
      %multiple_of3A_793 = tpu.assume_multiple %squeeze3A_792, 8 : i32
      %slice3A_794 = vector.extract_strided_slice %mul3A_762 {offsets = [2], sizes = [1], strides = [1]} : vector<16xi32> to vector<1xi32>
      %squeeze3A_795 = vector.extract %slice3A_794[0] : i32 from vector<1xi32>
      %multiple_of3A_796 = tpu.assume_multiple %squeeze3A_795, 128 : i32
      %dma_start3A_797 = arith.constant 16 : i32
      %dma_start3A_798 = arith.constant 0 : i32
      %dma_start3A_799 = tpu.memref_slice %arg10[%dma_start3A_797, %dma_start3A_798] : memref<128x128xf32, #tpu.memory_space<vmem>> -> memref<8x128xf32, #tpu.memory_space<vmem>>
      %dma_start3A_800 = tpu.memref_slice %arg3[%multiple_of3A_793, %multiple_of3A_796] : memref<10000x10000xf32, #tpu.memory_space<hbm>> -> memref<8x128xf32, #tpu.memory_space<hbm>>
      %dma_start3A_801 = arith.constant 16 : i32
      %dma_start3A_802 = arith.constant 0 : i32
      %dma_start3A_803 = tpu.memref_slice %arg10[%dma_start3A_801, %dma_start3A_802] : memref<128x128xf32, #tpu.memory_space<vmem>> -> memref<8x128xf32, #tpu.memory_space<vmem>>
      %dma_start3A_804 = tpu.memref_slice %arg3[%multiple_of3A_793, %multiple_of3A_796] : memref<10000x10000xf32, #tpu.memory_space<hbm>> -> memref<8x128xf32, #tpu.memory_space<hbm>>
      tpu.enqueue_dma source(%dma_start3A_804 : memref<8x128xf32, #tpu.memory_space<hbm>>) target(%dma_start3A_803 : memref<8x128xf32, #tpu.memory_space<vmem>>) target_semaphore(%arg15 : memref<!tpu.dma_semaphore, #tpu.memory_space<semaphore_mem>>)
      %slice3A_805 = vector.extract_strided_slice %mul3A_753 {offsets = [3], sizes = [1], strides = [1]} : vector<16xi32> to vector<1xi32>
      %squeeze3A_806 = vector.extract %slice3A_805[0] : i32 from vector<1xi32>
      %multiple_of3A_807 = tpu.assume_multiple %squeeze3A_806, 8 : i32
      %slice3A_808 = vector.extract_strided_slice %mul3A_762 {offsets = [3], sizes = [1], strides = [1]} : vector<16xi32> to vector<1xi32>
      %squeeze3A_809 = vector.extract %slice3A_808[0] : i32 from vector<1xi32>
      %multiple_of3A_810 = tpu.assume_multiple %squeeze3A_809, 128 : i32
      %dma_start3A_811 = arith.constant 24 : i32
      %dma_start3A_812 = arith.constant 0 : i32
      %dma_start3A_813 = tpu.memref_slice %arg10[%dma_start3A_811, %dma_start3A_812] : memref<128x128xf32, #tpu.memory_space<vmem>> -> memref<8x128xf32, #tpu.memory_space<vmem>>
      %dma_start3A_814 = tpu.memref_slice %arg3[%multiple_of3A_807, %multiple_of3A_810] : memref<10000x10000xf32, #tpu.memory_space<hbm>> -> memref<8x128xf32, #tpu.memory_space<hbm>>
      %dma_start3A_815 = arith.constant 24 : i32
      %dma_start3A_816 = arith.constant 0 : i32
      %dma_start3A_817 = tpu.memref_slice %arg10[%dma_start3A_815, %dma_start3A_816] : memref<128x128xf32, #tpu.memory_space<vmem>> -> memref<8x128xf32, #tpu.memory_space<vmem>>
      %dma_start3A_818 = tpu.memref_slice %arg3[%multiple_of3A_807, %multiple_of3A_810] : memref<10000x10000xf32, #tpu.memory_space<hbm>> -> memref<8x128xf32, #tpu.memory_space<hbm>>
      tpu.enqueue_dma source(%dma_start3A_818 : memref<8x128xf32, #tpu.memory_space<hbm>>) target(%dma_start3A_817 : memref<8x128xf32, #tpu.memory_space<vmem>>) target_semaphore(%arg15 : memref<!tpu.dma_semaphore, #tpu.memory_space<semaphore_mem>>)
      %slice3A_819 = vector.extract_strided_slice %mul3A_753 {offsets = [4], sizes = [1], strides = [1]} : vector<16xi32> to vector<1xi32>
      %squeeze3A_820 = vector.extract %slice3A_819[0] : i32 from vector<1xi32>
      %multiple_of3A_821 = tpu.assume_multiple %squeeze3A_820, 8 : i32
      %slice3A_822 = vector.extract_strided_slice %mul3A_762 {offsets = [4], sizes = [1], strides = [1]} : vector<16xi32> to vector<1xi32>
      %squeeze3A_823 = vector.extract %slice3A_822[0] : i32 from vector<1xi32>
      %multiple_of3A_824 = tpu.assume_multiple %squeeze3A_823, 128 : i32
      %dma_start3A_825 = arith.constant 32 : i32
      %dma_start3A_826 = arith.constant 0 : i32
      %dma_start3A_827 = tpu.memref_slice %arg10[%dma_start3A_825, %dma_start3A_826] : memref<128x128xf32, #tpu.memory_space<vmem>> -> memref<8x128xf32, #tpu.memory_space<vmem>>
      %dma_start3A_828 = tpu.memref_slice %arg3[%multiple_of3A_821, %multiple_of3A_824] : memref<10000x10000xf32, #tpu.memory_space<hbm>> -> memref<8x128xf32, #tpu.memory_space<hbm>>
      %dma_start3A_829 = arith.constant 32 : i32
      %dma_start3A_830 = arith.constant 0 : i32
      %dma_start3A_831 = tpu.memref_slice %arg10[%dma_start3A_829, %dma_start3A_830] : memref<128x128xf32, #tpu.memory_space<vmem>> -> memref<8x128xf32, #tpu.memory_space<vmem>>
      %dma_start3A_832 = tpu.memref_slice %arg3[%multiple_of3A_821, %multiple_of3A_824] : memref<10000x10000xf32, #tpu.memory_space<hbm>> -> memref<8x128xf32, #tpu.memory_space<hbm>>
      tpu.enqueue_dma source(%dma_start3A_832 : memref<8x128xf32, #tpu.memory_space<hbm>>) target(%dma_start3A_831 : memref<8x128xf32, #tpu.memory_space<vmem>>) target_semaphore(%arg15 : memref<!tpu.dma_semaphore, #tpu.memory_space<semaphore_mem>>)
      %slice3A_833 = vector.extract_strided_slice %mul3A_753 {offsets = [5], sizes = [1], strides = [1]} : vector<16xi32> to vector<1xi32>
      %squeeze3A_834 = vector.extract %slice3A_833[0] : i32 from vector<1xi32>
      %multiple_of3A_835 = tpu.assume_multiple %squeeze3A_834, 8 : i32
      %slice3A_836 = vector.extract_strided_slice %mul3A_762 {offsets = [5], sizes = [1], strides = [1]} : vector<16xi32> to vector<1xi32>
      %squeeze3A_837 = vector.extract %slice3A_836[0] : i32 from vector<1xi32>
      %multiple_of3A_838 = tpu.assume_multiple %squeeze3A_837, 128 : i32
      %dma_start3A_839 = arith.constant 40 : i32
      %dma_start3A_840 = arith.constant 0 : i32
      %dma_start3A_841 = tpu.memref_slice %arg10[%dma_start3A_839, %dma_start3A_840] : memref<128x128xf32, #tpu.memory_space<vmem>> -> memref<8x128xf32, #tpu.memory_space<vmem>>
      %dma_start3A_842 = tpu.memref_slice %arg3[%multiple_of3A_835, %multiple_of3A_838] : memref<10000x10000xf32, #tpu.memory_space<hbm>> -> memref<8x128xf32, #tpu.memory_space<hbm>>
      %dma_start3A_843 = arith.constant 40 : i32
      %dma_start3A_844 = arith.constant 0 : i32
      %dma_start3A_845 = tpu.memref_slice %arg10[%dma_start3A_843, %dma_start3A_844] : memref<128x128xf32, #tpu.memory_space<vmem>> -> memref<8x128xf32, #tpu.memory_space<vmem>>
      %dma_start3A_846 = tpu.memref_slice %arg3[%multiple_of3A_835, %multiple_of3A_838] : memref<10000x10000xf32, #tpu.memory_space<hbm>> -> memref<8x128xf32, #tpu.memory_space<hbm>>
      tpu.enqueue_dma source(%dma_start3A_846 : memref<8x128xf32, #tpu.memory_space<hbm>>) target(%dma_start3A_845 : memref<8x128xf32, #tpu.memory_space<vmem>>) target_semaphore(%arg15 : memref<!tpu.dma_semaphore, #tpu.memory_space<semaphore_mem>>)
      %slice3A_847 = vector.extract_strided_slice %mul3A_753 {offsets = [6], sizes = [1], strides = [1]} : vector<16xi32> to vector<1xi32>
      %squeeze3A_848 = vector.extract %slice3A_847[0] : i32 from vector<1xi32>
      %multiple_of3A_849 = tpu.assume_multiple %squeeze3A_848, 8 : i32
      %slice3A_850 = vector.extract_strided_slice %mul3A_762 {offsets = [6], sizes = [1], strides = [1]} : vector<16xi32> to vector<1xi32>
      %squeeze3A_851 = vector.extract %slice3A_850[0] : i32 from vector<1xi32>
      %multiple_of3A_852 = tpu.assume_multiple %squeeze3A_851, 128 : i32
      %dma_start3A_853 = arith.constant 48 : i32
      %dma_start3A_854 = arith.constant 0 : i32
      %dma_start3A_855 = tpu.memref_slice %arg10[%dma_start3A_853, %dma_start3A_854] : memref<128x128xf32, #tpu.memory_space<vmem>> -> memref<8x128xf32, #tpu.memory_space<vmem>>
      %dma_start3A_856 = tpu.memref_slice %arg3[%multiple_of3A_849, %multiple_of3A_852] : memref<10000x10000xf32, #tpu.memory_space<hbm>> -> memref<8x128xf32, #tpu.memory_space<hbm>>
      %dma_start3A_857 = arith.constant 48 : i32
      %dma_start3A_858 = arith.constant 0 : i32
      %dma_start3A_859 = tpu.memref_slice %arg10[%dma_start3A_857, %dma_start3A_858] : memref<128x128xf32, #tpu.memory_space<vmem>> -> memref<8x128xf32, #tpu.memory_space<vmem>>
      %dma_start3A_860 = tpu.memref_slice %arg3[%multiple_of3A_849, %multiple_of3A_852] : memref<10000x10000xf32, #tpu.memory_space<hbm>> -> memref<8x128xf32, #tpu.memory_space<hbm>>
      tpu.enqueue_dma source(%dma_start3A_860 : memref<8x128xf32, #tpu.memory_space<hbm>>) target(%dma_start3A_859 : memref<8x128xf32, #tpu.memory_space<vmem>>) target_semaphore(%arg15 : memref<!tpu.dma_semaphore, #tpu.memory_space<semaphore_mem>>)
      %slice3A_861 = vector.extract_strided_slice %mul3A_753 {offsets = [7], sizes = [1], strides = [1]} : vector<16xi32> to vector<1xi32>
      %squeeze3A_862 = vector.extract %slice3A_861[0] : i32 from vector<1xi32>
      %multiple_of3A_863 = tpu.assume_multiple %squeeze3A_862, 8 : i32
      %slice3A_864 = vector.extract_strided_slice %mul3A_762 {offsets = [7], sizes = [1], strides = [1]} : vector<16xi32> to vector<1xi32>
      %squeeze3A_865 = vector.extract %slice3A_864[0] : i32 from vector<1xi32>
      %multiple_of3A_866 = tpu.assume_multiple %squeeze3A_865, 128 : i32
      %dma_start3A_867 = arith.constant 56 : i32
      %dma_start3A_868 = arith.constant 0 : i32
      %dma_start3A_869 = tpu.memref_slice %arg10[%dma_start3A_867, %dma_start3A_868] : memref<128x128xf32, #tpu.memory_space<vmem>> -> memref<8x128xf32, #tpu.memory_space<vmem>>
      %dma_start3A_870 = tpu.memref_slice %arg3[%multiple_of3A_863, %multiple_of3A_866] : memref<10000x10000xf32, #tpu.memory_space<hbm>> -> memref<8x128xf32, #tpu.memory_space<hbm>>
      %dma_start3A_871 = arith.constant 56 : i32
      %dma_start3A_872 = arith.constant 0 : i32
      %dma_start3A_873 = tpu.memref_slice %arg10[%dma_start3A_871, %dma_start3A_872] : memref<128x128xf32, #tpu.memory_space<vmem>> -> memref<8x128xf32, #tpu.memory_space<vmem>>
      %dma_start3A_874 = tpu.memref_slice %arg3[%multiple_of3A_863, %multiple_of3A_866] : memref<10000x10000xf32, #tpu.memory_space<hbm>> -> memref<8x128xf32, #tpu.memory_space<hbm>>
      tpu.enqueue_dma source(%dma_start3A_874 : memref<8x128xf32, #tpu.memory_space<hbm>>) target(%dma_start3A_873 : memref<8x128xf32, #tpu.memory_space<vmem>>) target_semaphore(%arg15 : memref<!tpu.dma_semaphore, #tpu.memory_space<semaphore_mem>>)
      %slice3A_875 = vector.extract_strided_slice %mul3A_753 {offsets = [8], sizes = [1], strides = [1]} : vector<16xi32> to vector<1xi32>
      %squeeze3A_876 = vector.extract %slice3A_875[0] : i32 from vector<1xi32>
      %multiple_of3A_877 = tpu.assume_multiple %squeeze3A_876, 8 : i32
      %slice3A_878 = vector.extract_strided_slice %mul3A_762 {offsets = [8], sizes = [1], strides = [1]} : vector<16xi32> to vector<1xi32>
      %squeeze3A_879 = vector.extract %slice3A_878[0] : i32 from vector<1xi32>
      %multiple_of3A_880 = tpu.assume_multiple %squeeze3A_879, 128 : i32
      %dma_start3A_881 = arith.constant 64 : i32
      %dma_start3A_882 = arith.constant 0 : i32
      %dma_start3A_883 = tpu.memref_slice %arg10[%dma_start3A_881, %dma_start3A_882] : memref<128x128xf32, #tpu.memory_space<vmem>> -> memref<8x128xf32, #tpu.memory_space<vmem>>
      %dma_start3A_884 = tpu.memref_slice %arg3[%multiple_of3A_877, %multiple_of3A_880] : memref<10000x10000xf32, #tpu.memory_space<hbm>> -> memref<8x128xf32, #tpu.memory_space<hbm>>
      %dma_start3A_885 = arith.constant 64 : i32
      %dma_start3A_886 = arith.constant 0 : i32
      %dma_start3A_887 = tpu.memref_slice %arg10[%dma_start3A_885, %dma_start3A_886] : memref<128x128xf32, #tpu.memory_space<vmem>> -> memref<8x128xf32, #tpu.memory_space<vmem>>
      %dma_start3A_888 = tpu.memref_slice %arg3[%multiple_of3A_877, %multiple_of3A_880] : memref<10000x10000xf32, #tpu.memory_space<hbm>> -> memref<8x128xf32, #tpu.memory_space<hbm>>
      tpu.enqueue_dma source(%dma_start3A_888 : memref<8x128xf32, #tpu.memory_space<hbm>>) target(%dma_start3A_887 : memref<8x128xf32, #tpu.memory_space<vmem>>) target_semaphore(%arg15 : memref<!tpu.dma_semaphore, #tpu.memory_space<semaphore_mem>>)
      %slice3A_889 = vector.extract_strided_slice %mul3A_753 {offsets = [9], sizes = [1], strides = [1]} : vector<16xi32> to vector<1xi32>
      %squeeze3A_890 = vector.extract %slice3A_889[0] : i32 from vector<1xi32>
      %multiple_of3A_891 = tpu.assume_multiple %squeeze3A_890, 8 : i32
      %slice3A_892 = vector.extract_strided_slice %mul3A_762 {offsets = [9], sizes = [1], strides = [1]} : vector<16xi32> to vector<1xi32>
      %squeeze3A_893 = vector.extract %slice3A_892[0] : i32 from vector<1xi32>
      %multiple_of3A_894 = tpu.assume_multiple %squeeze3A_893, 128 : i32
      %dma_start3A_895 = arith.constant 72 : i32
      %dma_start3A_896 = arith.constant 0 : i32
      %dma_start3A_897 = tpu.memref_slice %arg10[%dma_start3A_895, %dma_start3A_896] : memref<128x128xf32, #tpu.memory_space<vmem>> -> memref<8x128xf32, #tpu.memory_space<vmem>>
      %dma_start3A_898 = tpu.memref_slice %arg3[%multiple_of3A_891, %multiple_of3A_894] : memref<10000x10000xf32, #tpu.memory_space<hbm>> -> memref<8x128xf32, #tpu.memory_space<hbm>>
      %dma_start3A_899 = arith.constant 72 : i32
      %dma_start3A_900 = arith.constant 0 : i32
      %dma_start3A_901 = tpu.memref_slice %arg10[%dma_start3A_899, %dma_start3A_900] : memref<128x128xf32, #tpu.memory_space<vmem>> -> memref<8x128xf32, #tpu.memory_space<vmem>>
      %dma_start3A_902 = tpu.memref_slice %arg3[%multiple_of3A_891, %multiple_of3A_894] : memref<10000x10000xf32, #tpu.memory_space<hbm>> -> memref<8x128xf32, #tpu.memory_space<hbm>>
      tpu.enqueue_dma source(%dma_start3A_902 : memref<8x128xf32, #tpu.memory_space<hbm>>) target(%dma_start3A_901 : memref<8x128xf32, #tpu.memory_space<vmem>>) target_semaphore(%arg15 : memref<!tpu.dma_semaphore, #tpu.memory_space<semaphore_mem>>)
      %slice3A_903 = vector.extract_strided_slice %mul3A_753 {offsets = [10], sizes = [1], strides = [1]} : vector<16xi32> to vector<1xi32>
      %squeeze3A_904 = vector.extract %slice3A_903[0] : i32 from vector<1xi32>
      %multiple_of3A_905 = tpu.assume_multiple %squeeze3A_904, 8 : i32
      %slice3A_906 = vector.extract_strided_slice %mul3A_762 {offsets = [10], sizes = [1], strides = [1]} : vector<16xi32> to vector<1xi32>
      %squeeze3A_907 = vector.extract %slice3A_906[0] : i32 from vector<1xi32>
      %multiple_of3A_908 = tpu.assume_multiple %squeeze3A_907, 128 : i32
      %dma_start3A_909 = arith.constant 80 : i32
      %dma_start3A_910 = arith.constant 0 : i32
      %dma_start3A_911 = tpu.memref_slice %arg10[%dma_start3A_909, %dma_start3A_910] : memref<128x128xf32, #tpu.memory_space<vmem>> -> memref<8x128xf32, #tpu.memory_space<vmem>>
      %dma_start3A_912 = tpu.memref_slice %arg3[%multiple_of3A_905, %multiple_of3A_908] : memref<10000x10000xf32, #tpu.memory_space<hbm>> -> memref<8x128xf32, #tpu.memory_space<hbm>>
      %dma_start3A_913 = arith.constant 80 : i32
      %dma_start3A_914 = arith.constant 0 : i32
      %dma_start3A_915 = tpu.memref_slice %arg10[%dma_start3A_913, %dma_start3A_914] : memref<128x128xf32, #tpu.memory_space<vmem>> -> memref<8x128xf32, #tpu.memory_space<vmem>>
      %dma_start3A_916 = tpu.memref_slice %arg3[%multiple_of3A_905, %multiple_of3A_908] : memref<10000x10000xf32, #tpu.memory_space<hbm>> -> memref<8x128xf32, #tpu.memory_space<hbm>>
      tpu.enqueue_dma source(%dma_start3A_916 : memref<8x128xf32, #tpu.memory_space<hbm>>) target(%dma_start3A_915 : memref<8x128xf32, #tpu.memory_space<vmem>>) target_semaphore(%arg15 : memref<!tpu.dma_semaphore, #tpu.memory_space<semaphore_mem>>)
      %slice3A_917 = vector.extract_strided_slice %mul3A_753 {offsets = [11], sizes = [1], strides = [1]} : vector<16xi32> to vector<1xi32>
      %squeeze3A_918 = vector.extract %slice3A_917[0] : i32 from vector<1xi32>
      %multiple_of3A_919 = tpu.assume_multiple %squeeze3A_918, 8 : i32
      %slice3A_920 = vector.extract_strided_slice %mul3A_762 {offsets = [11], sizes = [1], strides = [1]} : vector<16xi32> to vector<1xi32>
      %squeeze3A_921 = vector.extract %slice3A_920[0] : i32 from vector<1xi32>
      %multiple_of3A_922 = tpu.assume_multiple %squeeze3A_921, 128 : i32
      %dma_start3A_923 = arith.constant 88 : i32
      %dma_start3A_924 = arith.constant 0 : i32
      %dma_start3A_925 = tpu.memref_slice %arg10[%dma_start3A_923, %dma_start3A_924] : memref<128x128xf32, #tpu.memory_space<vmem>> -> memref<8x128xf32, #tpu.memory_space<vmem>>
      %dma_start3A_926 = tpu.memref_slice %arg3[%multiple_of3A_919, %multiple_of3A_922] : memref<10000x10000xf32, #tpu.memory_space<hbm>> -> memref<8x128xf32, #tpu.memory_space<hbm>>
      %dma_start3A_927 = arith.constant 88 : i32
      %dma_start3A_928 = arith.constant 0 : i32
      %dma_start3A_929 = tpu.memref_slice %arg10[%dma_start3A_927, %dma_start3A_928] : memref<128x128xf32, #tpu.memory_space<vmem>> -> memref<8x128xf32, #tpu.memory_space<vmem>>
      %dma_start3A_930 = tpu.memref_slice %arg3[%multiple_of3A_919, %multiple_of3A_922] : memref<10000x10000xf32, #tpu.memory_space<hbm>> -> memref<8x128xf32, #tpu.memory_space<hbm>>
      tpu.enqueue_dma source(%dma_start3A_930 : memref<8x128xf32, #tpu.memory_space<hbm>>) target(%dma_start3A_929 : memref<8x128xf32, #tpu.memory_space<vmem>>) target_semaphore(%arg15 : memref<!tpu.dma_semaphore, #tpu.memory_space<semaphore_mem>>)
      %slice3A_931 = vector.extract_strided_slice %mul3A_753 {offsets = [12], sizes = [1], strides = [1]} : vector<16xi32> to vector<1xi32>
      %squeeze3A_932 = vector.extract %slice3A_931[0] : i32 from vector<1xi32>
      %multiple_of3A_933 = tpu.assume_multiple %squeeze3A_932, 8 : i32
      %slice3A_934 = vector.extract_strided_slice %mul3A_762 {offsets = [12], sizes = [1], strides = [1]} : vector<16xi32> to vector<1xi32>
      %squeeze3A_935 = vector.extract %slice3A_934[0] : i32 from vector<1xi32>
      %multiple_of3A_936 = tpu.assume_multiple %squeeze3A_935, 128 : i32
      %dma_start3A_937 = arith.constant 96 : i32
      %dma_start3A_938 = arith.constant 0 : i32
      %dma_start3A_939 = tpu.memref_slice %arg10[%dma_start3A_937, %dma_start3A_938] : memref<128x128xf32, #tpu.memory_space<vmem>> -> memref<8x128xf32, #tpu.memory_space<vmem>>
      %dma_start3A_940 = tpu.memref_slice %arg3[%multiple_of3A_933, %multiple_of3A_936] : memref<10000x10000xf32, #tpu.memory_space<hbm>> -> memref<8x128xf32, #tpu.memory_space<hbm>>
      %dma_start3A_941 = arith.constant 96 : i32
      %dma_start3A_942 = arith.constant 0 : i32
      %dma_start3A_943 = tpu.memref_slice %arg10[%dma_start3A_941, %dma_start3A_942] : memref<128x128xf32, #tpu.memory_space<vmem>> -> memref<8x128xf32, #tpu.memory_space<vmem>>
      %dma_start3A_944 = tpu.memref_slice %arg3[%multiple_of3A_933, %multiple_of3A_936] : memref<10000x10000xf32, #tpu.memory_space<hbm>> -> memref<8x128xf32, #tpu.memory_space<hbm>>
      tpu.enqueue_dma source(%dma_start3A_944 : memref<8x128xf32, #tpu.memory_space<hbm>>) target(%dma_start3A_943 : memref<8x128xf32, #tpu.memory_space<vmem>>) target_semaphore(%arg15 : memref<!tpu.dma_semaphore, #tpu.memory_space<semaphore_mem>>)
      %slice3A_945 = vector.extract_strided_slice %mul3A_753 {offsets = [13], sizes = [1], strides = [1]} : vector<16xi32> to vector<1xi32>
      %squeeze3A_946 = vector.extract %slice3A_945[0] : i32 from vector<1xi32>
      %multiple_of3A_947 = tpu.assume_multiple %squeeze3A_946, 8 : i32
      %slice3A_948 = vector.extract_strided_slice %mul3A_762 {offsets = [13], sizes = [1], strides = [1]} : vector<16xi32> to vector<1xi32>
      %squeeze3A_949 = vector.extract %slice3A_948[0] : i32 from vector<1xi32>
      %multiple_of3A_950 = tpu.assume_multiple %squeeze3A_949, 128 : i32
      %dma_start3A_951 = arith.constant 104 : i32
      %dma_start3A_952 = arith.constant 0 : i32
      %dma_start3A_953 = tpu.memref_slice %arg10[%dma_start3A_951, %dma_start3A_952] : memref<128x128xf32, #tpu.memory_space<vmem>> -> memref<8x128xf32, #tpu.memory_space<vmem>>
      %dma_start3A_954 = tpu.memref_slice %arg3[%multiple_of3A_947, %multiple_of3A_950] : memref<10000x10000xf32, #tpu.memory_space<hbm>> -> memref<8x128xf32, #tpu.memory_space<hbm>>
      %dma_start3A_955 = arith.constant 104 : i32
      %dma_start3A_956 = arith.constant 0 : i32
      %dma_start3A_957 = tpu.memref_slice %arg10[%dma_start3A_955, %dma_start3A_956] : memref<128x128xf32, #tpu.memory_space<vmem>> -> memref<8x128xf32, #tpu.memory_space<vmem>>
      %dma_start3A_958 = tpu.memref_slice %arg3[%multiple_of3A_947, %multiple_of3A_950] : memref<10000x10000xf32, #tpu.memory_space<hbm>> -> memref<8x128xf32, #tpu.memory_space<hbm>>
      tpu.enqueue_dma source(%dma_start3A_958 : memref<8x128xf32, #tpu.memory_space<hbm>>) target(%dma_start3A_957 : memref<8x128xf32, #tpu.memory_space<vmem>>) target_semaphore(%arg15 : memref<!tpu.dma_semaphore, #tpu.memory_space<semaphore_mem>>)
      %slice3A_959 = vector.extract_strided_slice %mul3A_753 {offsets = [14], sizes = [1], strides = [1]} : vector<16xi32> to vector<1xi32>
      %squeeze3A_960 = vector.extract %slice3A_959[0] : i32 from vector<1xi32>
      %multiple_of3A_961 = tpu.assume_multiple %squeeze3A_960, 8 : i32
      %slice3A_962 = vector.extract_strided_slice %mul3A_762 {offsets = [14], sizes = [1], strides = [1]} : vector<16xi32> to vector<1xi32>
      %squeeze3A_963 = vector.extract %slice3A_962[0] : i32 from vector<1xi32>
      %multiple_of3A_964 = tpu.assume_multiple %squeeze3A_963, 128 : i32
      %dma_start3A_965 = arith.constant 112 : i32
      %dma_start3A_966 = arith.constant 0 : i32
      %dma_start3A_967 = tpu.memref_slice %arg10[%dma_start3A_965, %dma_start3A_966] : memref<128x128xf32, #tpu.memory_space<vmem>> -> memref<8x128xf32, #tpu.memory_space<vmem>>
      %dma_start3A_968 = tpu.memref_slice %arg3[%multiple_of3A_961, %multiple_of3A_964] : memref<10000x10000xf32, #tpu.memory_space<hbm>> -> memref<8x128xf32, #tpu.memory_space<hbm>>
      %dma_start3A_969 = arith.constant 112 : i32
      %dma_start3A_970 = arith.constant 0 : i32
      %dma_start3A_971 = tpu.memref_slice %arg10[%dma_start3A_969, %dma_start3A_970] : memref<128x128xf32, #tpu.memory_space<vmem>> -> memref<8x128xf32, #tpu.memory_space<vmem>>
      %dma_start3A_972 = tpu.memref_slice %arg3[%multiple_of3A_961, %multiple_of3A_964] : memref<10000x10000xf32, #tpu.memory_space<hbm>> -> memref<8x128xf32, #tpu.memory_space<hbm>>
      tpu.enqueue_dma source(%dma_start3A_972 : memref<8x128xf32, #tpu.memory_space<hbm>>) target(%dma_start3A_971 : memref<8x128xf32, #tpu.memory_space<vmem>>) target_semaphore(%arg15 : memref<!tpu.dma_semaphore, #tpu.memory_space<semaphore_mem>>)
      %slice3A_973 = vector.extract_strided_slice %mul3A_753 {offsets = [15], sizes = [1], strides = [1]} : vector<16xi32> to vector<1xi32>
      %squeeze3A_974 = vector.extract %slice3A_973[0] : i32 from vector<1xi32>
      %multiple_of3A_975 = tpu.assume_multiple %squeeze3A_974, 8 : i32
      %slice3A_976 = vector.extract_strided_slice %mul3A_762 {offsets = [15], sizes = [1], strides = [1]} : vector<16xi32> to vector<1xi32>
      %squeeze3A_977 = vector.extract %slice3A_976[0] : i32 from vector<1xi32>
      %multiple_of3A_978 = tpu.assume_multiple %squeeze3A_977, 128 : i32
      %dma_start3A_979 = arith.constant 120 : i32
      %dma_start3A_980 = arith.constant 0 : i32
      %dma_start3A_981 = tpu.memref_slice %arg10[%dma_start3A_979, %dma_start3A_980] : memref<128x128xf32, #tpu.memory_space<vmem>> -> memref<8x128xf32, #tpu.memory_space<vmem>>
      %dma_start3A_982 = tpu.memref_slice %arg3[%multiple_of3A_975, %multiple_of3A_978] : memref<10000x10000xf32, #tpu.memory_space<hbm>> -> memref<8x128xf32, #tpu.memory_space<hbm>>
      %dma_start3A_983 = arith.constant 120 : i32
      %dma_start3A_984 = arith.constant 0 : i32
      %dma_start3A_985 = tpu.memref_slice %arg10[%dma_start3A_983, %dma_start3A_984] : memref<128x128xf32, #tpu.memory_space<vmem>> -> memref<8x128xf32, #tpu.memory_space<vmem>>
      %dma_start3A_986 = tpu.memref_slice %arg3[%multiple_of3A_975, %multiple_of3A_978] : memref<10000x10000xf32, #tpu.memory_space<hbm>> -> memref<8x128xf32, #tpu.memory_space<hbm>>
      tpu.enqueue_dma source(%dma_start3A_986 : memref<8x128xf32, #tpu.memory_space<hbm>>) target(%dma_start3A_985 : memref<8x128xf32, #tpu.memory_space<vmem>>) target_semaphore(%arg15 : memref<!tpu.dma_semaphore, #tpu.memory_space<semaphore_mem>>)
      %dma_wait3A = arith.constant 0 : i32
      %dma_wait3A_987 = arith.constant 0 : i32
      %dma_wait3A_988 = tpu.memref_slice %arg3[%dma_wait3A, %dma_wait3A_987] : memref<10000x10000xf32, #tpu.memory_space<hbm>> -> memref<128x128xf32, #tpu.memory_space<hbm>>
      %dma_wait3A_989 = arith.constant 0 : i32
      %dma_wait3A_990 = arith.constant 0 : i32
      %dma_wait3A_991 = tpu.memref_slice %arg3[%dma_wait3A_989, %dma_wait3A_990] : memref<10000x10000xf32, #tpu.memory_space<hbm>> -> memref<128x128xf32, #tpu.memory_space<hbm>>
      tpu.wait_dma2 semaphore(%arg12 : memref<!tpu.dma_semaphore, #tpu.memory_space<semaphore_mem>>) src(%dma_wait3A_991 : memref<128x128xf32, #tpu.memory_space<hbm>>) dst(%arg7 : memref<128x128xf32, #tpu.memory_space<vmem>>)
      %add3A_992 = arith.constant 0 : i32
      %add3A_993 = arith.addi %mul3A_737, %add3A_992 : i32
      %mul3A_994 = arith.constant 16 : i32
      %mul3A_995 = arith.muli %add3A_993, %mul3A_994 : i32
      %multiple_of3A_996 = tpu.assume_multiple %mul3A_995, 16 : i32
      %get3A_997 = arith.index_cast %multiple_of3A_996 : i32 to index
      %get3A_998 = tpu.vector_load %arg5[%get3A_997] {strides = array<i32>} : memref<512xi32, #tpu.memory_space<vmem>>, vector<16xi32>,
      %get3A_999 = vector.shape_cast %get3A_998 : vector<16xi32> to vector<16xi32>
      %get3A_1000 = arith.index_cast %multiple_of3A_996 : i32 to index
      %get3A_1001 = tpu.vector_load %arg6[%get3A_1000] {strides = array<i32>} : memref<512xi32, #tpu.memory_space<vmem>>, vector<16xi32>,
      %get3A_1002 = vector.shape_cast %get3A_1001 : vector<16xi32> to vector<16xi32>
      %broadcast_in_dim3A = arith.constant 0.000000e+00 : f32
      %broadcast_in_dim3A_1003 = vector.broadcast %broadcast_in_dim3A : f32 to vector<16xf32>
      %iota3A = tpu.iota {dimensions = array<i32: 0>} : vector<16xi32>
      %and3A = arith.constant 15 : i32
      %and3A_1004 = vector.broadcast %and3A : i32 to vector<16xi32>
      %and3A_1005 = arith.andi %get3A_1002, %and3A_1004 : vector<16xi32>
      %mul3A_1006 = arith.constant 8 : i32
      %mul3A_1007 = vector.broadcast %mul3A_1006 : i32 to vector<16xi32>
      %mul3A_1008 = arith.muli %iota3A, %mul3A_1007 : vector<16xi32>
      %and3A_1009 = arith.constant 7 : i32
      %and3A_1010 = vector.broadcast %and3A_1009 : i32 to vector<16xi32>
      %and3A_1011 = arith.andi %get3A_999, %and3A_1010 : vector<16xi32>
      %add3A_1012 = arith.addi %mul3A_1008, %and3A_1011 : vector<16xi32>
      %and3A_1013 = arith.constant 112 : i32
      %and3A_1014 = vector.broadcast %and3A_1013 : i32 to vector<16xi32>
      %and3A_1015 = arith.andi %get3A_1002, %and3A_1014 : vector<16xi32>
      %slice3A_1016 = vector.extract_strided_slice %add3A_1012 {offsets = [0], sizes = [1], strides = [1]} : vector<16xi32> to vector<1xi32>
      %squeeze3A_1017 = vector.extract %slice3A_1016[0] : i32 from vector<1xi32>
      %slice3A_1018 = vector.extract_strided_slice %and3A_1015 {offsets = [0], sizes = [1], strides = [1]} : vector<16xi32> to vector<1xi32>
      %squeeze3A_1019 = vector.extract %slice3A_1018[0] : i32 from vector<1xi32>
      %multiple_of3A_1020 = tpu.assume_multiple %squeeze3A_1019, 16 : i32
      %get3A_1021 = arith.index_cast %squeeze3A_1017 : i32 to index
      %get3A_1022 = arith.index_cast %multiple_of3A_1020 : i32 to index
      %get3A_1023 = tpu.vector_load %arg7[%get3A_1021, %get3A_1022] {strides = array<i32>} : memref<128x128xf32, #tpu.memory_space<vmem>>, vector<1x16xf32>,
      %get3A_1024 = vector.shape_cast %get3A_1023 : vector<1x16xf32> to vector<16xf32>
      %lt3A = arith.constant 0 : i32
      %lt3A_1025 = vector.broadcast %lt3A : i32 to vector<16xi32>
      %lt3A_1026 = arith.cmpi slt, %and3A_1005, %lt3A_1025 : vector<16xi32>
      %add3A_1027 = arith.constant 16 : i32
      %add3A_1028 = vector.broadcast %add3A_1027 : i32 to vector<16xi32>
      %add3A_1029 = arith.addi %and3A_1005, %add3A_1028 : vector<16xi32>
      %select_n3A = arith.select %lt3A_1026, %add3A_1029, %and3A_1005 : vector<16xi1>, vector<16xi32>
      %broadcast_in_dim3A_1030 = vector.shape_cast %select_n3A : vector<16xi32> to vector<16x1xi32>
      %gather3A = vector.shape_cast %broadcast_in_dim3A_1030 : vector<16x1xi32> to vector<16xi32>
      %gather3A_1031 = tpu.dynamic_gather %get3A_1024[%gather3A] in [0] : vector<16xf32>, vector<16xi32> -> vector<16xf32>
      %eq3A = arith.constant 0 : i32
      %eq3A_1032 = vector.broadcast %eq3A : i32 to vector<16xi32>
      %eq3A_1033 = arith.cmpi eq, %iota3A, %eq3A_1032 : vector<16xi32>
      %select_n3A_1034 = arith.select %eq3A_1033, %gather3A_1031, %broadcast_in_dim3A_1003 : vector<16xi1>, vector<16xf32>
      %slice3A_1035 = vector.extract_strided_slice %add3A_1012 {offsets = [1], sizes = [1], strides = [1]} : vector<16xi32> to vector<1xi32>
      %squeeze3A_1036 = vector.extract %slice3A_1035[0] : i32 from vector<1xi32>
      %slice3A_1037 = vector.extract_strided_slice %and3A_1015 {offsets = [1], sizes = [1], strides = [1]} : vector<16xi32> to vector<1xi32>
      %squeeze3A_1038 = vector.extract %slice3A_1037[0] : i32 from vector<1xi32>
      %multiple_of3A_1039 = tpu.assume_multiple %squeeze3A_1038, 16 : i32
      %get3A_1040 = arith.index_cast %squeeze3A_1036 : i32 to index
      %get3A_1041 = arith.index_cast %multiple_of3A_1039 : i32 to index
      %get3A_1042 = tpu.vector_load %arg7[%get3A_1040, %get3A_1041] {strides = array<i32>} : memref<128x128xf32, #tpu.memory_space<vmem>>, vector<1x16xf32>,
      %get3A_1043 = vector.shape_cast %get3A_1042 : vector<1x16xf32> to vector<16xf32>
      %lt3A_1044 = arith.constant 0 : i32
      %lt3A_1045 = vector.broadcast %lt3A_1044 : i32 to vector<16xi32>
      %lt3A_1046 = arith.cmpi slt, %and3A_1005, %lt3A_1045 : vector<16xi32>
      %add3A_1047 = arith.constant 16 : i32
      %add3A_1048 = vector.broadcast %add3A_1047 : i32 to vector<16xi32>
      %add3A_1049 = arith.addi %and3A_1005, %add3A_1048 : vector<16xi32>
      %select_n3A_1050 = arith.select %lt3A_1046, %add3A_1049, %and3A_1005 : vector<16xi1>, vector<16xi32>
      %broadcast_in_dim3A_1051 = vector.shape_cast %select_n3A_1050 : vector<16xi32> to vector<16x1xi32>
      %gather3A_1052 = vector.shape_cast %broadcast_in_dim3A_1051 : vector<16x1xi32> to vector<16xi32>
      %gather3A_1053 = tpu.dynamic_gather %get3A_1043[%gather3A_1052] in [0] : vector<16xf32>, vector<16xi32> -> vector<16xf32>
      %eq3A_1054 = arith.constant 1 : i32
      %eq3A_1055 = vector.broadcast %eq3A_1054 : i32 to vector<16xi32>
      %eq3A_1056 = arith.cmpi eq, %iota3A, %eq3A_1055 : vector<16xi32>
      %select_n3A_1057 = arith.select %eq3A_1056, %gather3A_1053, %select_n3A_1034 : vector<16xi1>, vector<16xf32>
      %slice3A_1058 = vector.extract_strided_slice %add3A_1012 {offsets = [2], sizes = [1], strides = [1]} : vector<16xi32> to vector<1xi32>
      %squeeze3A_1059 = vector.extract %slice3A_1058[0] : i32 from vector<1xi32>
      %slice3A_1060 = vector.extract_strided_slice %and3A_1015 {offsets = [2], sizes = [1], strides = [1]} : vector<16xi32> to vector<1xi32>
      %squeeze3A_1061 = vector.extract %slice3A_1060[0] : i32 from vector<1xi32>
      %multiple_of3A_1062 = tpu.assume_multiple %squeeze3A_1061, 16 : i32
      %get3A_1063 = arith.index_cast %squeeze3A_1059 : i32 to index
      %get3A_1064 = arith.index_cast %multiple_of3A_1062 : i32 to index
      %get3A_1065 = tpu.vector_load %arg7[%get3A_1063, %get3A_1064] {strides = array<i32>} : memref<128x128xf32, #tpu.memory_space<vmem>>, vector<1x16xf32>,
      %get3A_1066 = vector.shape_cast %get3A_1065 : vector<1x16xf32> to vector<16xf32>
      %lt3A_1067 = arith.constant 0 : i32
      %lt3A_1068 = vector.broadcast %lt3A_1067 : i32 to vector<16xi32>
      %lt3A_1069 = arith.cmpi slt, %and3A_1005, %lt3A_1068 : vector<16xi32>
      %add3A_1070 = arith.constant 16 : i32
      %add3A_1071 = vector.broadcast %add3A_1070 : i32 to vector<16xi32>
      %add3A_1072 = arith.addi %and3A_1005, %add3A_1071 : vector<16xi32>
      %select_n3A_1073 = arith.select %lt3A_1069, %add3A_1072, %and3A_1005 : vector<16xi1>, vector<16xi32>
      %broadcast_in_dim3A_1074 = vector.shape_cast %select_n3A_1073 : vector<16xi32> to vector<16x1xi32>
      %gather3A_1075 = vector.shape_cast %broadcast_in_dim3A_1074 : vector<16x1xi32> to vector<16xi32>
      %gather3A_1076 = tpu.dynamic_gather %get3A_1066[%gather3A_1075] in [0] : vector<16xf32>, vector<16xi32> -> vector<16xf32>
      %eq3A_1077 = arith.constant 2 : i32
      %eq3A_1078 = vector.broadcast %eq3A_1077 : i32 to vector<16xi32>
      %eq3A_1079 = arith.cmpi eq, %iota3A, %eq3A_1078 : vector<16xi32>
      %select_n3A_1080 = arith.select %eq3A_1079, %gather3A_1076, %select_n3A_1057 : vector<16xi1>, vector<16xf32>
      %slice3A_1081 = vector.extract_strided_slice %add3A_1012 {offsets = [3], sizes = [1], strides = [1]} : vector<16xi32> to vector<1xi32>
      %squeeze3A_1082 = vector.extract %slice3A_1081[0] : i32 from vector<1xi32>
      %slice3A_1083 = vector.extract_strided_slice %and3A_1015 {offsets = [3], sizes = [1], strides = [1]} : vector<16xi32> to vector<1xi32>
      %squeeze3A_1084 = vector.extract %slice3A_1083[0] : i32 from vector<1xi32>
      %multiple_of3A_1085 = tpu.assume_multiple %squeeze3A_1084, 16 : i32
      %get3A_1086 = arith.index_cast %squeeze3A_1082 : i32 to index
      %get3A_1087 = arith.index_cast %multiple_of3A_1085 : i32 to index
      %get3A_1088 = tpu.vector_load %arg7[%get3A_1086, %get3A_1087] {strides = array<i32>} : memref<128x128xf32, #tpu.memory_space<vmem>>, vector<1x16xf32>,
      %get3A_1089 = vector.shape_cast %get3A_1088 : vector<1x16xf32> to vector<16xf32>
      %lt3A_1090 = arith.constant 0 : i32
      %lt3A_1091 = vector.broadcast %lt3A_1090 : i32 to vector<16xi32>
      %lt3A_1092 = arith.cmpi slt, %and3A_1005, %lt3A_1091 : vector<16xi32>
      %add3A_1093 = arith.constant 16 : i32
      %add3A_1094 = vector.broadcast %add3A_1093 : i32 to vector<16xi32>
      %add3A_1095 = arith.addi %and3A_1005, %add3A_1094 : vector<16xi32>
      %select_n3A_1096 = arith.select %lt3A_1092, %add3A_1095, %and3A_1005 : vector<16xi1>, vector<16xi32>
      %broadcast_in_dim3A_1097 = vector.shape_cast %select_n3A_1096 : vector<16xi32> to vector<16x1xi32>
      %gather3A_1098 = vector.shape_cast %broadcast_in_dim3A_1097 : vector<16x1xi32> to vector<16xi32>
      %gather3A_1099 = tpu.dynamic_gather %get3A_1089[%gather3A_1098] in [0] : vector<16xf32>, vector<16xi32> -> vector<16xf32>
      %eq3A_1100 = arith.constant 3 : i32
      %eq3A_1101 = vector.broadcast %eq3A_1100 : i32 to vector<16xi32>
      %eq3A_1102 = arith.cmpi eq, %iota3A, %eq3A_1101 : vector<16xi32>
      %select_n3A_1103 = arith.select %eq3A_1102, %gather3A_1099, %select_n3A_1080 : vector<16xi1>, vector<16xf32>
      %slice3A_1104 = vector.extract_strided_slice %add3A_1012 {offsets = [4], sizes = [1], strides = [1]} : vector<16xi32> to vector<1xi32>
      %squeeze3A_1105 = vector.extract %slice3A_1104[0] : i32 from vector<1xi32>
      %slice3A_1106 = vector.extract_strided_slice %and3A_1015 {offsets = [4], sizes = [1], strides = [1]} : vector<16xi32> to vector<1xi32>
      %squeeze3A_1107 = vector.extract %slice3A_1106[0] : i32 from vector<1xi32>
      %multiple_of3A_1108 = tpu.assume_multiple %squeeze3A_1107, 16 : i32
      %get3A_1109 = arith.index_cast %squeeze3A_1105 : i32 to index
      %get3A_1110 = arith.index_cast %multiple_of3A_1108 : i32 to index
      %get3A_1111 = tpu.vector_load %arg7[%get3A_1109, %get3A_1110] {strides = array<i32>} : memref<128x128xf32, #tpu.memory_space<vmem>>, vector<1x16xf32>,
      %get3A_1112 = vector.shape_cast %get3A_1111 : vector<1x16xf32> to vector<16xf32>
      %lt3A_1113 = arith.constant 0 : i32
      %lt3A_1114 = vector.broadcast %lt3A_1113 : i32 to vector<16xi32>
      %lt3A_1115 = arith.cmpi slt, %and3A_1005, %lt3A_1114 : vector<16xi32>
      %add3A_1116 = arith.constant 16 : i32
      %add3A_1117 = vector.broadcast %add3A_1116 : i32 to vector<16xi32>
      %add3A_1118 = arith.addi %and3A_1005, %add3A_1117 : vector<16xi32>
      %select_n3A_1119 = arith.select %lt3A_1115, %add3A_1118, %and3A_1005 : vector<16xi1>, vector<16xi32>
      %broadcast_in_dim3A_1120 = vector.shape_cast %select_n3A_1119 : vector<16xi32> to vector<16x1xi32>
      %gather3A_1121 = vector.shape_cast %broadcast_in_dim3A_1120 : vector<16x1xi32> to vector<16xi32>
      %gather3A_1122 = tpu.dynamic_gather %get3A_1112[%gather3A_1121] in [0] : vector<16xf32>, vector<16xi32> -> vector<16xf32>
      %eq3A_1123 = arith.constant 4 : i32
      %eq3A_1124 = vector.broadcast %eq3A_1123 : i32 to vector<16xi32>
      %eq3A_1125 = arith.cmpi eq, %iota3A, %eq3A_1124 : vector<16xi32>
      %select_n3A_1126 = arith.select %eq3A_1125, %gather3A_1122, %select_n3A_1103 : vector<16xi1>, vector<16xf32>
      %slice3A_1127 = vector.extract_strided_slice %add3A_1012 {offsets = [5], sizes = [1], strides = [1]} : vector<16xi32> to vector<1xi32>
      %squeeze3A_1128 = vector.extract %slice3A_1127[0] : i32 from vector<1xi32>
      %slice3A_1129 = vector.extract_strided_slice %and3A_1015 {offsets = [5], sizes = [1], strides = [1]} : vector<16xi32> to vector<1xi32>
      %squeeze3A_1130 = vector.extract %slice3A_1129[0] : i32 from vector<1xi32>
      %multiple_of3A_1131 = tpu.assume_multiple %squeeze3A_1130, 16 : i32
      %get3A_1132 = arith.index_cast %squeeze3A_1128 : i32 to index
      %get3A_1133 = arith.index_cast %multiple_of3A_1131 : i32 to index
      %get3A_1134 = tpu.vector_load %arg7[%get3A_1132, %get3A_1133] {strides = array<i32>} : memref<128x128xf32, #tpu.memory_space<vmem>>, vector<1x16xf32>,
      %get3A_1135 = vector.shape_cast %get3A_1134 : vector<1x16xf32> to vector<16xf32>
      %lt3A_1136 = arith.constant 0 : i32
      %lt3A_1137 = vector.broadcast %lt3A_1136 : i32 to vector<16xi32>
      %lt3A_1138 = arith.cmpi slt, %and3A_1005, %lt3A_1137 : vector<16xi32>
      %add3A_1139 = arith.constant 16 : i32
      %add3A_1140 = vector.broadcast %add3A_1139 : i32 to vector<16xi32>
      %add3A_1141 = arith.addi %and3A_1005, %add3A_1140 : vector<16xi32>
      %select_n3A_1142 = arith.select %lt3A_1138, %add3A_1141, %and3A_1005 : vector<16xi1>, vector<16xi32>
      %broadcast_in_dim3A_1143 = vector.shape_cast %select_n3A_1142 : vector<16xi32> to vector<16x1xi32>
      %gather3A_1144 = vector.shape_cast %broadcast_in_dim3A_1143 : vector<16x1xi32> to vector<16xi32>
      %gather3A_1145 = tpu.dynamic_gather %get3A_1135[%gather3A_1144] in [0] : vector<16xf32>, vector<16xi32> -> vector<16xf32>
      %eq3A_1146 = arith.constant 5 : i32
      %eq3A_1147 = vector.broadcast %eq3A_1146 : i32 to vector<16xi32>
      %eq3A_1148 = arith.cmpi eq, %iota3A, %eq3A_1147 : vector<16xi32>
      %select_n3A_1149 = arith.select %eq3A_1148, %gather3A_1145, %select_n3A_1126 : vector<16xi1>, vector<16xf32>
      %slice3A_1150 = vector.extract_strided_slice %add3A_1012 {offsets = [6], sizes = [1], strides = [1]} : vector<16xi32> to vector<1xi32>
      %squeeze3A_1151 = vector.extract %slice3A_1150[0] : i32 from vector<1xi32>
      %slice3A_1152 = vector.extract_strided_slice %and3A_1015 {offsets = [6], sizes = [1], strides = [1]} : vector<16xi32> to vector<1xi32>
      %squeeze3A_1153 = vector.extract %slice3A_1152[0] : i32 from vector<1xi32>
      %multiple_of3A_1154 = tpu.assume_multiple %squeeze3A_1153, 16 : i32
      %get3A_1155 = arith.index_cast %squeeze3A_1151 : i32 to index
      %get3A_1156 = arith.index_cast %multiple_of3A_1154 : i32 to index
      %get3A_1157 = tpu.vector_load %arg7[%get3A_1155, %get3A_1156] {strides = array<i32>} : memref<128x128xf32, #tpu.memory_space<vmem>>, vector<1x16xf32>,
      %get3A_1158 = vector.shape_cast %get3A_1157 : vector<1x16xf32> to vector<16xf32>
      %lt3A_1159 = arith.constant 0 : i32
      %lt3A_1160 = vector.broadcast %lt3A_1159 : i32 to vector<16xi32>
      %lt3A_1161 = arith.cmpi slt, %and3A_1005, %lt3A_1160 : vector<16xi32>
      %add3A_1162 = arith.constant 16 : i32
      %add3A_1163 = vector.broadcast %add3A_1162 : i32 to vector<16xi32>
      %add3A_1164 = arith.addi %and3A_1005, %add3A_1163 : vector<16xi32>
      %select_n3A_1165 = arith.select %lt3A_1161, %add3A_1164, %and3A_1005 : vector<16xi1>, vector<16xi32>
      %broadcast_in_dim3A_1166 = vector.shape_cast %select_n3A_1165 : vector<16xi32> to vector<16x1xi32>
      %gather3A_1167 = vector.shape_cast %broadcast_in_dim3A_1166 : vector<16x1xi32> to vector<16xi32>
      %gather3A_1168 = tpu.dynamic_gather %get3A_1158[%gather3A_1167] in [0] : vector<16xf32>, vector<16xi32> -> vector<16xf32>
      %eq3A_1169 = arith.constant 6 : i32
      %eq3A_1170 = vector.broadcast %eq3A_1169 : i32 to vector<16xi32>
      %eq3A_1171 = arith.cmpi eq, %iota3A, %eq3A_1170 : vector<16xi32>
      %select_n3A_1172 = arith.select %eq3A_1171, %gather3A_1168, %select_n3A_1149 : vector<16xi1>, vector<16xf32>
      %slice3A_1173 = vector.extract_strided_slice %add3A_1012 {offsets = [7], sizes = [1], strides = [1]} : vector<16xi32> to vector<1xi32>
      %squeeze3A_1174 = vector.extract %slice3A_1173[0] : i32 from vector<1xi32>
      %slice3A_1175 = vector.extract_strided_slice %and3A_1015 {offsets = [7], sizes = [1], strides = [1]} : vector<16xi32> to vector<1xi32>
      %squeeze3A_1176 = vector.extract %slice3A_1175[0] : i32 from vector<1xi32>
      %multiple_of3A_1177 = tpu.assume_multiple %squeeze3A_1176, 16 : i32
      %get3A_1178 = arith.index_cast %squeeze3A_1174 : i32 to index
      %get3A_1179 = arith.index_cast %multiple_of3A_1177 : i32 to index
      %get3A_1180 = tpu.vector_load %arg7[%get3A_1178, %get3A_1179] {strides = array<i32>} : memref<128x128xf32, #tpu.memory_space<vmem>>, vector<1x16xf32>,
      %get3A_1181 = vector.shape_cast %get3A_1180 : vector<1x16xf32> to vector<16xf32>
      %lt3A_1182 = arith.constant 0 : i32
      %lt3A_1183 = vector.broadcast %lt3A_1182 : i32 to vector<16xi32>
      %lt3A_1184 = arith.cmpi slt, %and3A_1005, %lt3A_1183 : vector<16xi32>
      %add3A_1185 = arith.constant 16 : i32
      %add3A_1186 = vector.broadcast %add3A_1185 : i32 to vector<16xi32>
      %add3A_1187 = arith.addi %and3A_1005, %add3A_1186 : vector<16xi32>
      %select_n3A_1188 = arith.select %lt3A_1184, %add3A_1187, %and3A_1005 : vector<16xi1>, vector<16xi32>
      %broadcast_in_dim3A_1189 = vector.shape_cast %select_n3A_1188 : vector<16xi32> to vector<16x1xi32>
      %gather3A_1190 = vector.shape_cast %broadcast_in_dim3A_1189 : vector<16x1xi32> to vector<16xi32>
      %gather3A_1191 = tpu.dynamic_gather %get3A_1181[%gather3A_1190] in [0] : vector<16xf32>, vector<16xi32> -> vector<16xf32>
      %eq3A_1192 = arith.constant 7 : i32
      %eq3A_1193 = vector.broadcast %eq3A_1192 : i32 to vector<16xi32>
      %eq3A_1194 = arith.cmpi eq, %iota3A, %eq3A_1193 : vector<16xi32>
      %select_n3A_1195 = arith.select %eq3A_1194, %gather3A_1191, %select_n3A_1172 : vector<16xi1>, vector<16xf32>
      %slice3A_1196 = vector.extract_strided_slice %add3A_1012 {offsets = [8], sizes = [1], strides = [1]} : vector<16xi32> to vector<1xi32>
      %squeeze3A_1197 = vector.extract %slice3A_1196[0] : i32 from vector<1xi32>
      %slice3A_1198 = vector.extract_strided_slice %and3A_1015 {offsets = [8], sizes = [1], strides = [1]} : vector<16xi32> to vector<1xi32>
      %squeeze3A_1199 = vector.extract %slice3A_1198[0] : i32 from vector<1xi32>
      %multiple_of3A_1200 = tpu.assume_multiple %squeeze3A_1199, 16 : i32
      %get3A_1201 = arith.index_cast %squeeze3A_1197 : i32 to index
      %get3A_1202 = arith.index_cast %multiple_of3A_1200 : i32 to index
      %get3A_1203 = tpu.vector_load %arg7[%get3A_1201, %get3A_1202] {strides = array<i32>} : memref<128x128xf32, #tpu.memory_space<vmem>>, vector<1x16xf32>,
      %get3A_1204 = vector.shape_cast %get3A_1203 : vector<1x16xf32> to vector<16xf32>
      %lt3A_1205 = arith.constant 0 : i32
      %lt3A_1206 = vector.broadcast %lt3A_1205 : i32 to vector<16xi32>
      %lt3A_1207 = arith.cmpi slt, %and3A_1005, %lt3A_1206 : vector<16xi32>
      %add3A_1208 = arith.constant 16 : i32
      %add3A_1209 = vector.broadcast %add3A_1208 : i32 to vector<16xi32>
      %add3A_1210 = arith.addi %and3A_1005, %add3A_1209 : vector<16xi32>
      %select_n3A_1211 = arith.select %lt3A_1207, %add3A_1210, %and3A_1005 : vector<16xi1>, vector<16xi32>
      %broadcast_in_dim3A_1212 = vector.shape_cast %select_n3A_1211 : vector<16xi32> to vector<16x1xi32>
      %gather3A_1213 = vector.shape_cast %broadcast_in_dim3A_1212 : vector<16x1xi32> to vector<16xi32>
      %gather3A_1214 = tpu.dynamic_gather %get3A_1204[%gather3A_1213] in [0] : vector<16xf32>, vector<16xi32> -> vector<16xf32>
      %eq3A_1215 = arith.constant 8 : i32
      %eq3A_1216 = vector.broadcast %eq3A_1215 : i32 to vector<16xi32>
      %eq3A_1217 = arith.cmpi eq, %iota3A, %eq3A_1216 : vector<16xi32>
      %select_n3A_1218 = arith.select %eq3A_1217, %gather3A_1214, %select_n3A_1195 : vector<16xi1>, vector<16xf32>
      %slice3A_1219 = vector.extract_strided_slice %add3A_1012 {offsets = [9], sizes = [1], strides = [1]} : vector<16xi32> to vector<1xi32>
      %squeeze3A_1220 = vector.extract %slice3A_1219[0] : i32 from vector<1xi32>
      %slice3A_1221 = vector.extract_strided_slice %and3A_1015 {offsets = [9], sizes = [1], strides = [1]} : vector<16xi32> to vector<1xi32>
      %squeeze3A_1222 = vector.extract %slice3A_1221[0] : i32 from vector<1xi32>
      %multiple_of3A_1223 = tpu.assume_multiple %squeeze3A_1222, 16 : i32
      %get3A_1224 = arith.index_cast %squeeze3A_1220 : i32 to index
      %get3A_1225 = arith.index_cast %multiple_of3A_1223 : i32 to index
      %get3A_1226 = tpu.vector_load %arg7[%get3A_1224, %get3A_1225] {strides = array<i32>} : memref<128x128xf32, #tpu.memory_space<vmem>>, vector<1x16xf32>,
      %get3A_1227 = vector.shape_cast %get3A_1226 : vector<1x16xf32> to vector<16xf32>
      %lt3A_1228 = arith.constant 0 : i32
      %lt3A_1229 = vector.broadcast %lt3A_1228 : i32 to vector<16xi32>
      %lt3A_1230 = arith.cmpi slt, %and3A_1005, %lt3A_1229 : vector<16xi32>
      %add3A_1231 = arith.constant 16 : i32
      %add3A_1232 = vector.broadcast %add3A_1231 : i32 to vector<16xi32>
      %add3A_1233 = arith.addi %and3A_1005, %add3A_1232 : vector<16xi32>
      %select_n3A_1234 = arith.select %lt3A_1230, %add3A_1233, %and3A_1005 : vector<16xi1>, vector<16xi32>
      %broadcast_in_dim3A_1235 = vector.shape_cast %select_n3A_1234 : vector<16xi32> to vector<16x1xi32>
      %gather3A_1236 = vector.shape_cast %broadcast_in_dim3A_1235 : vector<16x1xi32> to vector<16xi32>
      %gather3A_1237 = tpu.dynamic_gather %get3A_1227[%gather3A_1236] in [0] : vector<16xf32>, vector<16xi32> -> vector<16xf32>
      %eq3A_1238 = arith.constant 9 : i32
      %eq3A_1239 = vector.broadcast %eq3A_1238 : i32 to vector<16xi32>
      %eq3A_1240 = arith.cmpi eq, %iota3A, %eq3A_1239 : vector<16xi32>
      %select_n3A_1241 = arith.select %eq3A_1240, %gather3A_1237, %select_n3A_1218 : vector<16xi1>, vector<16xf32>
      %slice3A_1242 = vector.extract_strided_slice %add3A_1012 {offsets = [10], sizes = [1], strides = [1]} : vector<16xi32> to vector<1xi32>
      %squeeze3A_1243 = vector.extract %slice3A_1242[0] : i32 from vector<1xi32>
      %slice3A_1244 = vector.extract_strided_slice %and3A_1015 {offsets = [10], sizes = [1], strides = [1]} : vector<16xi32> to vector<1xi32>
      %squeeze3A_1245 = vector.extract %slice3A_1244[0] : i32 from vector<1xi32>
      %multiple_of3A_1246 = tpu.assume_multiple %squeeze3A_1245, 16 : i32
      %get3A_1247 = arith.index_cast %squeeze3A_1243 : i32 to index
      %get3A_1248 = arith.index_cast %multiple_of3A_1246 : i32 to index
      %get3A_1249 = tpu.vector_load %arg7[%get3A_1247, %get3A_1248] {strides = array<i32>} : memref<128x128xf32, #tpu.memory_space<vmem>>, vector<1x16xf32>,
      %get3A_1250 = vector.shape_cast %get3A_1249 : vector<1x16xf32> to vector<16xf32>
      %lt3A_1251 = arith.constant 0 : i32
      %lt3A_1252 = vector.broadcast %lt3A_1251 : i32 to vector<16xi32>
      %lt3A_1253 = arith.cmpi slt, %and3A_1005, %lt3A_1252 : vector<16xi32>
      %add3A_1254 = arith.constant 16 : i32
      %add3A_1255 = vector.broadcast %add3A_1254 : i32 to vector<16xi32>
      %add3A_1256 = arith.addi %and3A_1005, %add3A_1255 : vector<16xi32>
      %select_n3A_1257 = arith.select %lt3A_1253, %add3A_1256, %and3A_1005 : vector<16xi1>, vector<16xi32>
      %broadcast_in_dim3A_1258 = vector.shape_cast %select_n3A_1257 : vector<16xi32> to vector<16x1xi32>
      %gather3A_1259 = vector.shape_cast %broadcast_in_dim3A_1258 : vector<16x1xi32> to vector<16xi32>
      %gather3A_1260 = tpu.dynamic_gather %get3A_1250[%gather3A_1259] in [0] : vector<16xf32>, vector<16xi32> -> vector<16xf32>
      %eq3A_1261 = arith.constant 10 : i32
      %eq3A_1262 = vector.broadcast %eq3A_1261 : i32 to vector<16xi32>
      %eq3A_1263 = arith.cmpi eq, %iota3A, %eq3A_1262 : vector<16xi32>
      %select_n3A_1264 = arith.select %eq3A_1263, %gather3A_1260, %select_n3A_1241 : vector<16xi1>, vector<16xf32>
      %slice3A_1265 = vector.extract_strided_slice %add3A_1012 {offsets = [11], sizes = [1], strides = [1]} : vector<16xi32> to vector<1xi32>
      %squeeze3A_1266 = vector.extract %slice3A_1265[0] : i32 from vector<1xi32>
      %slice3A_1267 = vector.extract_strided_slice %and3A_1015 {offsets = [11], sizes = [1], strides = [1]} : vector<16xi32> to vector<1xi32>
      %squeeze3A_1268 = vector.extract %slice3A_1267[0] : i32 from vector<1xi32>
      %multiple_of3A_1269 = tpu.assume_multiple %squeeze3A_1268, 16 : i32
      %get3A_1270 = arith.index_cast %squeeze3A_1266 : i32 to index
      %get3A_1271 = arith.index_cast %multiple_of3A_1269 : i32 to index
      %get3A_1272 = tpu.vector_load %arg7[%get3A_1270, %get3A_1271] {strides = array<i32>} : memref<128x128xf32, #tpu.memory_space<vmem>>, vector<1x16xf32>,
      %get3A_1273 = vector.shape_cast %get3A_1272 : vector<1x16xf32> to vector<16xf32>
      %lt3A_1274 = arith.constant 0 : i32
      %lt3A_1275 = vector.broadcast %lt3A_1274 : i32 to vector<16xi32>
      %lt3A_1276 = arith.cmpi slt, %and3A_1005, %lt3A_1275 : vector<16xi32>
      %add3A_1277 = arith.constant 16 : i32
      %add3A_1278 = vector.broadcast %add3A_1277 : i32 to vector<16xi32>
      %add3A_1279 = arith.addi %and3A_1005, %add3A_1278 : vector<16xi32>
      %select_n3A_1280 = arith.select %lt3A_1276, %add3A_1279, %and3A_1005 : vector<16xi1>, vector<16xi32>
      %broadcast_in_dim3A_1281 = vector.shape_cast %select_n3A_1280 : vector<16xi32> to vector<16x1xi32>
      %gather3A_1282 = vector.shape_cast %broadcast_in_dim3A_1281 : vector<16x1xi32> to vector<16xi32>
      %gather3A_1283 = tpu.dynamic_gather %get3A_1273[%gather3A_1282] in [0] : vector<16xf32>, vector<16xi32> -> vector<16xf32>
      %eq3A_1284 = arith.constant 11 : i32
      %eq3A_1285 = vector.broadcast %eq3A_1284 : i32 to vector<16xi32>
      %eq3A_1286 = arith.cmpi eq, %iota3A, %eq3A_1285 : vector<16xi32>
      %select_n3A_1287 = arith.select %eq3A_1286, %gather3A_1283, %select_n3A_1264 : vector<16xi1>, vector<16xf32>
      %slice3A_1288 = vector.extract_strided_slice %add3A_1012 {offsets = [12], sizes = [1], strides = [1]} : vector<16xi32> to vector<1xi32>
      %squeeze3A_1289 = vector.extract %slice3A_1288[0] : i32 from vector<1xi32>
      %slice3A_1290 = vector.extract_strided_slice %and3A_1015 {offsets = [12], sizes = [1], strides = [1]} : vector<16xi32> to vector<1xi32>
      %squeeze3A_1291 = vector.extract %slice3A_1290[0] : i32 from vector<1xi32>
      %multiple_of3A_1292 = tpu.assume_multiple %squeeze3A_1291, 16 : i32
      %get3A_1293 = arith.index_cast %squeeze3A_1289 : i32 to index
      %get3A_1294 = arith.index_cast %multiple_of3A_1292 : i32 to index
      %get3A_1295 = tpu.vector_load %arg7[%get3A_1293, %get3A_1294] {strides = array<i32>} : memref<128x128xf32, #tpu.memory_space<vmem>>, vector<1x16xf32>,
      %get3A_1296 = vector.shape_cast %get3A_1295 : vector<1x16xf32> to vector<16xf32>
      %lt3A_1297 = arith.constant 0 : i32
      %lt3A_1298 = vector.broadcast %lt3A_1297 : i32 to vector<16xi32>
      %lt3A_1299 = arith.cmpi slt, %and3A_1005, %lt3A_1298 : vector<16xi32>
      %add3A_1300 = arith.constant 16 : i32
      %add3A_1301 = vector.broadcast %add3A_1300 : i32 to vector<16xi32>
      %add3A_1302 = arith.addi %and3A_1005, %add3A_1301 : vector<16xi32>
      %select_n3A_1303 = arith.select %lt3A_1299, %add3A_1302, %and3A_1005 : vector<16xi1>, vector<16xi32>
      %broadcast_in_dim3A_1304 = vector.shape_cast %select_n3A_1303 : vector<16xi32> to vector<16x1xi32>
      %gather3A_1305 = vector.shape_cast %broadcast_in_dim3A_1304 : vector<16x1xi32> to vector<16xi32>
      %gather3A_1306 = tpu.dynamic_gather %get3A_1296[%gather3A_1305] in [0] : vector<16xf32>, vector<16xi32> -> vector<16xf32>
      %eq3A_1307 = arith.constant 12 : i32
      %eq3A_1308 = vector.broadcast %eq3A_1307 : i32 to vector<16xi32>
      %eq3A_1309 = arith.cmpi eq, %iota3A, %eq3A_1308 : vector<16xi32>
      %select_n3A_1310 = arith.select %eq3A_1309, %gather3A_1306, %select_n3A_1287 : vector<16xi1>, vector<16xf32>
      %slice3A_1311 = vector.extract_strided_slice %add3A_1012 {offsets = [13], sizes = [1], strides = [1]} : vector<16xi32> to vector<1xi32>
      %squeeze3A_1312 = vector.extract %slice3A_1311[0] : i32 from vector<1xi32>
      %slice3A_1313 = vector.extract_strided_slice %and3A_1015 {offsets = [13], sizes = [1], strides = [1]} : vector<16xi32> to vector<1xi32>
      %squeeze3A_1314 = vector.extract %slice3A_1313[0] : i32 from vector<1xi32>
      %multiple_of3A_1315 = tpu.assume_multiple %squeeze3A_1314, 16 : i32
      %get3A_1316 = arith.index_cast %squeeze3A_1312 : i32 to index
      %get3A_1317 = arith.index_cast %multiple_of3A_1315 : i32 to index
      %get3A_1318 = tpu.vector_load %arg7[%get3A_1316, %get3A_1317] {strides = array<i32>} : memref<128x128xf32, #tpu.memory_space<vmem>>, vector<1x16xf32>,
      %get3A_1319 = vector.shape_cast %get3A_1318 : vector<1x16xf32> to vector<16xf32>
      %lt3A_1320 = arith.constant 0 : i32
      %lt3A_1321 = vector.broadcast %lt3A_1320 : i32 to vector<16xi32>
      %lt3A_1322 = arith.cmpi slt, %and3A_1005, %lt3A_1321 : vector<16xi32>
      %add3A_1323 = arith.constant 16 : i32
      %add3A_1324 = vector.broadcast %add3A_1323 : i32 to vector<16xi32>
      %add3A_1325 = arith.addi %and3A_1005, %add3A_1324 : vector<16xi32>
      %select_n3A_1326 = arith.select %lt3A_1322, %add3A_1325, %and3A_1005 : vector<16xi1>, vector<16xi32>
      %broadcast_in_dim3A_1327 = vector.shape_cast %select_n3A_1326 : vector<16xi32> to vector<16x1xi32>
      %gather3A_1328 = vector.shape_cast %broadcast_in_dim3A_1327 : vector<16x1xi32> to vector<16xi32>
      %gather3A_1329 = tpu.dynamic_gather %get3A_1319[%gather3A_1328] in [0] : vector<16xf32>, vector<16xi32> -> vector<16xf32>
      %eq3A_1330 = arith.constant 13 : i32
      %eq3A_1331 = vector.broadcast %eq3A_1330 : i32 to vector<16xi32>
      %eq3A_1332 = arith.cmpi eq, %iota3A, %eq3A_1331 : vector<16xi32>
      %select_n3A_1333 = arith.select %eq3A_1332, %gather3A_1329, %select_n3A_1310 : vector<16xi1>, vector<16xf32>
      %slice3A_1334 = vector.extract_strided_slice %add3A_1012 {offsets = [14], sizes = [1], strides = [1]} : vector<16xi32> to vector<1xi32>
      %squeeze3A_1335 = vector.extract %slice3A_1334[0] : i32 from vector<1xi32>
      %slice3A_1336 = vector.extract_strided_slice %and3A_1015 {offsets = [14], sizes = [1], strides = [1]} : vector<16xi32> to vector<1xi32>
      %squeeze3A_1337 = vector.extract %slice3A_1336[0] : i32 from vector<1xi32>
      %multiple_of3A_1338 = tpu.assume_multiple %squeeze3A_1337, 16 : i32
      %get3A_1339 = arith.index_cast %squeeze3A_1335 : i32 to index
      %get3A_1340 = arith.index_cast %multiple_of3A_1338 : i32 to index
      %get3A_1341 = tpu.vector_load %arg7[%get3A_1339, %get3A_1340] {strides = array<i32>} : memref<128x128xf32, #tpu.memory_space<vmem>>, vector<1x16xf32>,
      %get3A_1342 = vector.shape_cast %get3A_1341 : vector<1x16xf32> to vector<16xf32>
      %lt3A_1343 = arith.constant 0 : i32
      %lt3A_1344 = vector.broadcast %lt3A_1343 : i32 to vector<16xi32>
      %lt3A_1345 = arith.cmpi slt, %and3A_1005, %lt3A_1344 : vector<16xi32>
      %add3A_1346 = arith.constant 16 : i32
      %add3A_1347 = vector.broadcast %add3A_1346 : i32 to vector<16xi32>
      %add3A_1348 = arith.addi %and3A_1005, %add3A_1347 : vector<16xi32>
      %select_n3A_1349 = arith.select %lt3A_1345, %add3A_1348, %and3A_1005 : vector<16xi1>, vector<16xi32>
      %broadcast_in_dim3A_1350 = vector.shape_cast %select_n3A_1349 : vector<16xi32> to vector<16x1xi32>
      %gather3A_1351 = vector.shape_cast %broadcast_in_dim3A_1350 : vector<16x1xi32> to vector<16xi32>
      %gather3A_1352 = tpu.dynamic_gather %get3A_1342[%gather3A_1351] in [0] : vector<16xf32>, vector<16xi32> -> vector<16xf32>
      %eq3A_1353 = arith.constant 14 : i32
      %eq3A_1354 = vector.broadcast %eq3A_1353 : i32 to vector<16xi32>
      %eq3A_1355 = arith.cmpi eq, %iota3A, %eq3A_1354 : vector<16xi32>
      %select_n3A_1356 = arith.select %eq3A_1355, %gather3A_1352, %select_n3A_1333 : vector<16xi1>, vector<16xf32>
      %slice3A_1357 = vector.extract_strided_slice %add3A_1012 {offsets = [15], sizes = [1], strides = [1]} : vector<16xi32> to vector<1xi32>
      %squeeze3A_1358 = vector.extract %slice3A_1357[0] : i32 from vector<1xi32>
      %slice3A_1359 = vector.extract_strided_slice %and3A_1015 {offsets = [15], sizes = [1], strides = [1]} : vector<16xi32> to vector<1xi32>
      %squeeze3A_1360 = vector.extract %slice3A_1359[0] : i32 from vector<1xi32>
      %multiple_of3A_1361 = tpu.assume_multiple %squeeze3A_1360, 16 : i32
      %get3A_1362 = arith.index_cast %squeeze3A_1358 : i32 to index
      %get3A_1363 = arith.index_cast %multiple_of3A_1361 : i32 to index
      %get3A_1364 = tpu.vector_load %arg7[%get3A_1362, %get3A_1363] {strides = array<i32>} : memref<128x128xf32, #tpu.memory_space<vmem>>, vector<1x16xf32>,
      %get3A_1365 = vector.shape_cast %get3A_1364 : vector<1x16xf32> to vector<16xf32>
      %lt3A_1366 = arith.constant 0 : i32
      %lt3A_1367 = vector.broadcast %lt3A_1366 : i32 to vector<16xi32>
      %lt3A_1368 = arith.cmpi slt, %and3A_1005, %lt3A_1367 : vector<16xi32>
      %add3A_1369 = arith.constant 16 : i32
      %add3A_1370 = vector.broadcast %add3A_1369 : i32 to vector<16xi32>
      %add3A_1371 = arith.addi %and3A_1005, %add3A_1370 : vector<16xi32>
      %select_n3A_1372 = arith.select %lt3A_1368, %add3A_1371, %and3A_1005 : vector<16xi1>, vector<16xi32>
      %broadcast_in_dim3A_1373 = vector.shape_cast %select_n3A_1372 : vector<16xi32> to vector<16x1xi32>
      %gather3A_1374 = vector.shape_cast %broadcast_in_dim3A_1373 : vector<16x1xi32> to vector<16xi32>
      %gather3A_1375 = tpu.dynamic_gather %get3A_1365[%gather3A_1374] in [0] : vector<16xf32>, vector<16xi32> -> vector<16xf32>
      %eq3A_1376 = arith.constant 15 : i32
      %eq3A_1377 = vector.broadcast %eq3A_1376 : i32 to vector<16xi32>
      %eq3A_1378 = arith.cmpi eq, %iota3A, %eq3A_1377 : vector<16xi32>
      %select_n3A_1379 = arith.select %eq3A_1378, %gather3A_1375, %select_n3A_1356 : vector<16xi1>, vector<16xf32>
      %swap3A = arith.index_cast %multiple_of3A_996 : i32 to index
      %swap3A_1380 = tpu.vector_load %arg11[%swap3A] {strides = array<i32>} : memref<512xf32, #tpu.memory_space<vmem>>, vector<16xf32>,
      %swap3A_1381 = vector.shape_cast %swap3A_1380 : vector<16xf32> to vector<16xf32>
      %swap3A_1382 = vector.shape_cast %select_n3A_1379 : vector<16xf32> to vector<16xf32>
      tpu.vector_store %arg11[%swap3A], %swap3A_1382 {strides = array<i32>} : memref<512xf32, #tpu.memory_space<vmem>>, vector<16xf32>,
      %add3A_1383 = arith.constant 1 : i32
      %add3A_1384 = arith.addi %mul3A_737, %add3A_1383 : i32
      %add3A_1385 = arith.constant 3 : i32
      %add3A_1386 = arith.addi %add3A_1384, %add3A_1385 : i32
      %lt3A_1387 = arith.constant 32 : i32
      %lt3A_1388 = arith.cmpi slt, %add3A_1386, %lt3A_1387 : i32
      %convert_element_type3A = arith.extui %lt3A_1388 : i1 to i32
      %cond3A = arith.constant 0 : i32
      %cond3A_1389 = arith.cmpi ne, %convert_element_type3A, %cond3A : i32
      scf.if %cond3A_1389 {
        %mul3A_2623 = arith.constant 16 : i32
        %mul3A_2624 = arith.muli %add3A_1386, %mul3A_2623 : i32
        %multiple_of3A_2625 = tpu.assume_multiple %mul3A_2624, 16 : i32
        %get3A_2626 = arith.index_cast %multiple_of3A_2625 : i32 to index
        %get3A_2627 = tpu.vector_load %arg5[%get3A_2626] {strides = array<i32>} : memref<512xi32, #tpu.memory_space<vmem>>, vector<16xi32>,
        %get3A_2628 = vector.shape_cast %get3A_2627 : vector<16xi32> to vector<16xi32>
        %shift_right_arithmetic3A_2629 = arith.constant 3 : i32
        %shift_right_arithmetic3A_2630 = vector.broadcast %shift_right_arithmetic3A_2629 : i32 to vector<16xi32>
        %shift_right_arithmetic3A_2631 = arith.shrsi %get3A_2628, %shift_right_arithmetic3A_2630 : vector<16xi32>
        %mul3A_2632 = arith.constant 8 : i32
        %mul3A_2633 = vector.broadcast %mul3A_2632 : i32 to vector<16xi32>
        %mul3A_2634 = arith.muli %shift_right_arithmetic3A_2631, %mul3A_2633 : vector<16xi32>
        %get3A_2635 = arith.index_cast %multiple_of3A_2625 : i32 to index
        %get3A_2636 = tpu.vector_load %arg6[%get3A_2635] {strides = array<i32>} : memref<512xi32, #tpu.memory_space<vmem>>, vector<16xi32>,
        %get3A_2637 = vector.shape_cast %get3A_2636 : vector<16xi32> to vector<16xi32>
        %shift_right_arithmetic3A_2638 = arith.constant 7 : i32
        %shift_right_arithmetic3A_2639 = vector.broadcast %shift_right_arithmetic3A_2638 : i32 to vector<16xi32>
        %shift_right_arithmetic3A_2640 = arith.shrsi %get3A_2637, %shift_right_arithmetic3A_2639 : vector<16xi32>
        %mul3A_2641 = arith.constant 128 : i32
        %mul3A_2642 = vector.broadcast %mul3A_2641 : i32 to vector<16xi32>
        %mul3A_2643 = arith.muli %shift_right_arithmetic3A_2640, %mul3A_2642 : vector<16xi32>
        %slice3A_2644 = vector.extract_strided_slice %mul3A_2634 {offsets = [0], sizes = [1], strides = [1]} : vector<16xi32> to vector<1xi32>
        %squeeze3A_2645 = vector.extract %slice3A_2644[0] : i32 from vector<1xi32>
        %multiple_of3A_2646 = tpu.assume_multiple %squeeze3A_2645, 8 : i32
        %slice3A_2647 = vector.extract_strided_slice %mul3A_2643 {offsets = [0], sizes = [1], strides = [1]} : vector<16xi32> to vector<1xi32>
        %squeeze3A_2648 = vector.extract %slice3A_2647[0] : i32 from vector<1xi32>
        %multiple_of3A_2649 = tpu.assume_multiple %squeeze3A_2648, 128 : i32
        %dma_start3A_2650 = arith.constant 0 : i32
        %dma_start3A_2651 = arith.constant 0 : i32
        %dma_start3A_2652 = tpu.memref_slice %arg7[%dma_start3A_2650, %dma_start3A_2651] : memref<128x128xf32, #tpu.memory_space<vmem>> -> memref<8x128xf32, #tpu.memory_space<vmem>>
        %dma_start3A_2653 = tpu.memref_slice %arg3[%multiple_of3A_2646, %multiple_of3A_2649] : memref<10000x10000xf32, #tpu.memory_space<hbm>> -> memref<8x128xf32, #tpu.memory_space<hbm>>
        %dma_start3A_2654 = arith.constant 0 : i32
        %dma_start3A_2655 = arith.constant 0 : i32
        %dma_start3A_2656 = tpu.memref_slice %arg7[%dma_start3A_2654, %dma_start3A_2655] : memref<128x128xf32, #tpu.memory_space<vmem>> -> memref<8x128xf32, #tpu.memory_space<vmem>>
        %dma_start3A_2657 = tpu.memref_slice %arg3[%multiple_of3A_2646, %multiple_of3A_2649] : memref<10000x10000xf32, #tpu.memory_space<hbm>> -> memref<8x128xf32, #tpu.memory_space<hbm>>
        tpu.enqueue_dma source(%dma_start3A_2657 : memref<8x128xf32, #tpu.memory_space<hbm>>) target(%dma_start3A_2656 : memref<8x128xf32, #tpu.memory_space<vmem>>) target_semaphore(%arg12 : memref<!tpu.dma_semaphore, #tpu.memory_space<semaphore_mem>>)
        %slice3A_2658 = vector.extract_strided_slice %mul3A_2634 {offsets = [1], sizes = [1], strides = [1]} : vector<16xi32> to vector<1xi32>
        %squeeze3A_2659 = vector.extract %slice3A_2658[0] : i32 from vector<1xi32>
        %multiple_of3A_2660 = tpu.assume_multiple %squeeze3A_2659, 8 : i32
        %slice3A_2661 = vector.extract_strided_slice %mul3A_2643 {offsets = [1], sizes = [1], strides = [1]} : vector<16xi32> to vector<1xi32>
        %squeeze3A_2662 = vector.extract %slice3A_2661[0] : i32 from vector<1xi32>
        %multiple_of3A_2663 = tpu.assume_multiple %squeeze3A_2662, 128 : i32
        %dma_start3A_2664 = arith.constant 8 : i32
        %dma_start3A_2665 = arith.constant 0 : i32
        %dma_start3A_2666 = tpu.memref_slice %arg7[%dma_start3A_2664, %dma_start3A_2665] : memref<128x128xf32, #tpu.memory_space<vmem>> -> memref<8x128xf32, #tpu.memory_space<vmem>>
        %dma_start3A_2667 = tpu.memref_slice %arg3[%multiple_of3A_2660, %multiple_of3A_2663] : memref<10000x10000xf32, #tpu.memory_space<hbm>> -> memref<8x128xf32, #tpu.memory_space<hbm>>
        %dma_start3A_2668 = arith.constant 8 : i32
        %dma_start3A_2669 = arith.constant 0 : i32
        %dma_start3A_2670 = tpu.memref_slice %arg7[%dma_start3A_2668, %dma_start3A_2669] : memref<128x128xf32, #tpu.memory_space<vmem>> -> memref<8x128xf32, #tpu.memory_space<vmem>>
        %dma_start3A_2671 = tpu.memref_slice %arg3[%multiple_of3A_2660, %multiple_of3A_2663] : memref<10000x10000xf32, #tpu.memory_space<hbm>> -> memref<8x128xf32, #tpu.memory_space<hbm>>
        tpu.enqueue_dma source(%dma_start3A_2671 : memref<8x128xf32, #tpu.memory_space<hbm>>) target(%dma_start3A_2670 : memref<8x128xf32, #tpu.memory_space<vmem>>) target_semaphore(%arg12 : memref<!tpu.dma_semaphore, #tpu.memory_space<semaphore_mem>>)
        %slice3A_2672 = vector.extract_strided_slice %mul3A_2634 {offsets = [2], sizes = [1], strides = [1]} : vector<16xi32> to vector<1xi32>
        %squeeze3A_2673 = vector.extract %slice3A_2672[0] : i32 from vector<1xi32>
        %multiple_of3A_2674 = tpu.assume_multiple %squeeze3A_2673, 8 : i32
        %slice3A_2675 = vector.extract_strided_slice %mul3A_2643 {offsets = [2], sizes = [1], strides = [1]} : vector<16xi32> to vector<1xi32>
        %squeeze3A_2676 = vector.extract %slice3A_2675[0] : i32 from vector<1xi32>
        %multiple_of3A_2677 = tpu.assume_multiple %squeeze3A_2676, 128 : i32
        %dma_start3A_2678 = arith.constant 16 : i32
        %dma_start3A_2679 = arith.constant 0 : i32
        %dma_start3A_2680 = tpu.memref_slice %arg7[%dma_start3A_2678, %dma_start3A_2679] : memref<128x128xf32, #tpu.memory_space<vmem>> -> memref<8x128xf32, #tpu.memory_space<vmem>>
        %dma_start3A_2681 = tpu.memref_slice %arg3[%multiple_of3A_2674, %multiple_of3A_2677] : memref<10000x10000xf32, #tpu.memory_space<hbm>> -> memref<8x128xf32, #tpu.memory_space<hbm>>
        %dma_start3A_2682 = arith.constant 16 : i32
        %dma_start3A_2683 = arith.constant 0 : i32
        %dma_start3A_2684 = tpu.memref_slice %arg7[%dma_start3A_2682, %dma_start3A_2683] : memref<128x128xf32, #tpu.memory_space<vmem>> -> memref<8x128xf32, #tpu.memory_space<vmem>>
        %dma_start3A_2685 = tpu.memref_slice %arg3[%multiple_of3A_2674, %multiple_of3A_2677] : memref<10000x10000xf32, #tpu.memory_space<hbm>> -> memref<8x128xf32, #tpu.memory_space<hbm>>
        tpu.enqueue_dma source(%dma_start3A_2685 : memref<8x128xf32, #tpu.memory_space<hbm>>) target(%dma_start3A_2684 : memref<8x128xf32, #tpu.memory_space<vmem>>) target_semaphore(%arg12 : memref<!tpu.dma_semaphore, #tpu.memory_space<semaphore_mem>>)
        %slice3A_2686 = vector.extract_strided_slice %mul3A_2634 {offsets = [3], sizes = [1], strides = [1]} : vector<16xi32> to vector<1xi32>
        %squeeze3A_2687 = vector.extract %slice3A_2686[0] : i32 from vector<1xi32>
        %multiple_of3A_2688 = tpu.assume_multiple %squeeze3A_2687, 8 : i32
        %slice3A_2689 = vector.extract_strided_slice %mul3A_2643 {offsets = [3], sizes = [1], strides = [1]} : vector<16xi32> to vector<1xi32>
        %squeeze3A_2690 = vector.extract %slice3A_2689[0] : i32 from vector<1xi32>
        %multiple_of3A_2691 = tpu.assume_multiple %squeeze3A_2690, 128 : i32
        %dma_start3A_2692 = arith.constant 24 : i32
        %dma_start3A_2693 = arith.constant 0 : i32
        %dma_start3A_2694 = tpu.memref_slice %arg7[%dma_start3A_2692, %dma_start3A_2693] : memref<128x128xf32, #tpu.memory_space<vmem>> -> memref<8x128xf32, #tpu.memory_space<vmem>>
        %dma_start3A_2695 = tpu.memref_slice %arg3[%multiple_of3A_2688, %multiple_of3A_2691] : memref<10000x10000xf32, #tpu.memory_space<hbm>> -> memref<8x128xf32, #tpu.memory_space<hbm>>
        %dma_start3A_2696 = arith.constant 24 : i32
        %dma_start3A_2697 = arith.constant 0 : i32
        %dma_start3A_2698 = tpu.memref_slice %arg7[%dma_start3A_2696, %dma_start3A_2697] : memref<128x128xf32, #tpu.memory_space<vmem>> -> memref<8x128xf32, #tpu.memory_space<vmem>>
        %dma_start3A_2699 = tpu.memref_slice %arg3[%multiple_of3A_2688, %multiple_of3A_2691] : memref<10000x10000xf32, #tpu.memory_space<hbm>> -> memref<8x128xf32, #tpu.memory_space<hbm>>
        tpu.enqueue_dma source(%dma_start3A_2699 : memref<8x128xf32, #tpu.memory_space<hbm>>) target(%dma_start3A_2698 : memref<8x128xf32, #tpu.memory_space<vmem>>) target_semaphore(%arg12 : memref<!tpu.dma_semaphore, #tpu.memory_space<semaphore_mem>>)
        %slice3A_2700 = vector.extract_strided_slice %mul3A_2634 {offsets = [4], sizes = [1], strides = [1]} : vector<16xi32> to vector<1xi32>
        %squeeze3A_2701 = vector.extract %slice3A_2700[0] : i32 from vector<1xi32>
        %multiple_of3A_2702 = tpu.assume_multiple %squeeze3A_2701, 8 : i32
        %slice3A_2703 = vector.extract_strided_slice %mul3A_2643 {offsets = [4], sizes = [1], strides = [1]} : vector<16xi32> to vector<1xi32>
        %squeeze3A_2704 = vector.extract %slice3A_2703[0] : i32 from vector<1xi32>
        %multiple_of3A_2705 = tpu.assume_multiple %squeeze3A_2704, 128 : i32
        %dma_start3A_2706 = arith.constant 32 : i32
        %dma_start3A_2707 = arith.constant 0 : i32
        %dma_start3A_2708 = tpu.memref_slice %arg7[%dma_start3A_2706, %dma_start3A_2707] : memref<128x128xf32, #tpu.memory_space<vmem>> -> memref<8x128xf32, #tpu.memory_space<vmem>>
        %dma_start3A_2709 = tpu.memref_slice %arg3[%multiple_of3A_2702, %multiple_of3A_2705] : memref<10000x10000xf32, #tpu.memory_space<hbm>> -> memref<8x128xf32, #tpu.memory_space<hbm>>
        %dma_start3A_2710 = arith.constant 32 : i32
        %dma_start3A_2711 = arith.constant 0 : i32
        %dma_start3A_2712 = tpu.memref_slice %arg7[%dma_start3A_2710, %dma_start3A_2711] : memref<128x128xf32, #tpu.memory_space<vmem>> -> memref<8x128xf32, #tpu.memory_space<vmem>>
        %dma_start3A_2713 = tpu.memref_slice %arg3[%multiple_of3A_2702, %multiple_of3A_2705] : memref<10000x10000xf32, #tpu.memory_space<hbm>> -> memref<8x128xf32, #tpu.memory_space<hbm>>
        tpu.enqueue_dma source(%dma_start3A_2713 : memref<8x128xf32, #tpu.memory_space<hbm>>) target(%dma_start3A_2712 : memref<8x128xf32, #tpu.memory_space<vmem>>) target_semaphore(%arg12 : memref<!tpu.dma_semaphore, #tpu.memory_space<semaphore_mem>>)
        %slice3A_2714 = vector.extract_strided_slice %mul3A_2634 {offsets = [5], sizes = [1], strides = [1]} : vector<16xi32> to vector<1xi32>
        %squeeze3A_2715 = vector.extract %slice3A_2714[0] : i32 from vector<1xi32>
        %multiple_of3A_2716 = tpu.assume_multiple %squeeze3A_2715, 8 : i32
        %slice3A_2717 = vector.extract_strided_slice %mul3A_2643 {offsets = [5], sizes = [1], strides = [1]} : vector<16xi32> to vector<1xi32>
        %squeeze3A_2718 = vector.extract %slice3A_2717[0] : i32 from vector<1xi32>
        %multiple_of3A_2719 = tpu.assume_multiple %squeeze3A_2718, 128 : i32
        %dma_start3A_2720 = arith.constant 40 : i32
        %dma_start3A_2721 = arith.constant 0 : i32
        %dma_start3A_2722 = tpu.memref_slice %arg7[%dma_start3A_2720, %dma_start3A_2721] : memref<128x128xf32, #tpu.memory_space<vmem>> -> memref<8x128xf32, #tpu.memory_space<vmem>>
        %dma_start3A_2723 = tpu.memref_slice %arg3[%multiple_of3A_2716, %multiple_of3A_2719] : memref<10000x10000xf32, #tpu.memory_space<hbm>> -> memref<8x128xf32, #tpu.memory_space<hbm>>
        %dma_start3A_2724 = arith.constant 40 : i32
        %dma_start3A_2725 = arith.constant 0 : i32
        %dma_start3A_2726 = tpu.memref_slice %arg7[%dma_start3A_2724, %dma_start3A_2725] : memref<128x128xf32, #tpu.memory_space<vmem>> -> memref<8x128xf32, #tpu.memory_space<vmem>>
        %dma_start3A_2727 = tpu.memref_slice %arg3[%multiple_of3A_2716, %multiple_of3A_2719] : memref<10000x10000xf32, #tpu.memory_space<hbm>> -> memref<8x128xf32, #tpu.memory_space<hbm>>
        tpu.enqueue_dma source(%dma_start3A_2727 : memref<8x128xf32, #tpu.memory_space<hbm>>) target(%dma_start3A_2726 : memref<8x128xf32, #tpu.memory_space<vmem>>) target_semaphore(%arg12 : memref<!tpu.dma_semaphore, #tpu.memory_space<semaphore_mem>>)
        %slice3A_2728 = vector.extract_strided_slice %mul3A_2634 {offsets = [6], sizes = [1], strides = [1]} : vector<16xi32> to vector<1xi32>
        %squeeze3A_2729 = vector.extract %slice3A_2728[0] : i32 from vector<1xi32>
        %multiple_of3A_2730 = tpu.assume_multiple %squeeze3A_2729, 8 : i32
        %slice3A_2731 = vector.extract_strided_slice %mul3A_2643 {offsets = [6], sizes = [1], strides = [1]} : vector<16xi32> to vector<1xi32>
        %squeeze3A_2732 = vector.extract %slice3A_2731[0] : i32 from vector<1xi32>
        %multiple_of3A_2733 = tpu.assume_multiple %squeeze3A_2732, 128 : i32
        %dma_start3A_2734 = arith.constant 48 : i32
        %dma_start3A_2735 = arith.constant 0 : i32
        %dma_start3A_2736 = tpu.memref_slice %arg7[%dma_start3A_2734, %dma_start3A_2735] : memref<128x128xf32, #tpu.memory_space<vmem>> -> memref<8x128xf32, #tpu.memory_space<vmem>>
        %dma_start3A_2737 = tpu.memref_slice %arg3[%multiple_of3A_2730, %multiple_of3A_2733] : memref<10000x10000xf32, #tpu.memory_space<hbm>> -> memref<8x128xf32, #tpu.memory_space<hbm>>
        %dma_start3A_2738 = arith.constant 48 : i32
        %dma_start3A_2739 = arith.constant 0 : i32
        %dma_start3A_2740 = tpu.memref_slice %arg7[%dma_start3A_2738, %dma_start3A_2739] : memref<128x128xf32, #tpu.memory_space<vmem>> -> memref<8x128xf32, #tpu.memory_space<vmem>>
        %dma_start3A_2741 = tpu.memref_slice %arg3[%multiple_of3A_2730, %multiple_of3A_2733] : memref<10000x10000xf32, #tpu.memory_space<hbm>> -> memref<8x128xf32, #tpu.memory_space<hbm>>
        tpu.enqueue_dma source(%dma_start3A_2741 : memref<8x128xf32, #tpu.memory_space<hbm>>) target(%dma_start3A_2740 : memref<8x128xf32, #tpu.memory_space<vmem>>) target_semaphore(%arg12 : memref<!tpu.dma_semaphore, #tpu.memory_space<semaphore_mem>>)
        %slice3A_2742 = vector.extract_strided_slice %mul3A_2634 {offsets = [7], sizes = [1], strides = [1]} : vector<16xi32> to vector<1xi32>
        %squeeze3A_2743 = vector.extract %slice3A_2742[0] : i32 from vector<1xi32>
        %multiple_of3A_2744 = tpu.assume_multiple %squeeze3A_2743, 8 : i32
        %slice3A_2745 = vector.extract_strided_slice %mul3A_2643 {offsets = [7], sizes = [1], strides = [1]} : vector<16xi32> to vector<1xi32>
        %squeeze3A_2746 = vector.extract %slice3A_2745[0] : i32 from vector<1xi32>
        %multiple_of3A_2747 = tpu.assume_multiple %squeeze3A_2746, 128 : i32
        %dma_start3A_2748 = arith.constant 56 : i32
        %dma_start3A_2749 = arith.constant 0 : i32
        %dma_start3A_2750 = tpu.memref_slice %arg7[%dma_start3A_2748, %dma_start3A_2749] : memref<128x128xf32, #tpu.memory_space<vmem>> -> memref<8x128xf32, #tpu.memory_space<vmem>>
        %dma_start3A_2751 = tpu.memref_slice %arg3[%multiple_of3A_2744, %multiple_of3A_2747] : memref<10000x10000xf32, #tpu.memory_space<hbm>> -> memref<8x128xf32, #tpu.memory_space<hbm>>
        %dma_start3A_2752 = arith.constant 56 : i32
        %dma_start3A_2753 = arith.constant 0 : i32
        %dma_start3A_2754 = tpu.memref_slice %arg7[%dma_start3A_2752, %dma_start3A_2753] : memref<128x128xf32, #tpu.memory_space<vmem>> -> memref<8x128xf32, #tpu.memory_space<vmem>>
        %dma_start3A_2755 = tpu.memref_slice %arg3[%multiple_of3A_2744, %multiple_of3A_2747] : memref<10000x10000xf32, #tpu.memory_space<hbm>> -> memref<8x128xf32, #tpu.memory_space<hbm>>
        tpu.enqueue_dma source(%dma_start3A_2755 : memref<8x128xf32, #tpu.memory_space<hbm>>) target(%dma_start3A_2754 : memref<8x128xf32, #tpu.memory_space<vmem>>) target_semaphore(%arg12 : memref<!tpu.dma_semaphore, #tpu.memory_space<semaphore_mem>>)
        %slice3A_2756 = vector.extract_strided_slice %mul3A_2634 {offsets = [8], sizes = [1], strides = [1]} : vector<16xi32> to vector<1xi32>
        %squeeze3A_2757 = vector.extract %slice3A_2756[0] : i32 from vector<1xi32>
        %multiple_of3A_2758 = tpu.assume_multiple %squeeze3A_2757, 8 : i32
        %slice3A_2759 = vector.extract_strided_slice %mul3A_2643 {offsets = [8], sizes = [1], strides = [1]} : vector<16xi32> to vector<1xi32>
        %squeeze3A_2760 = vector.extract %slice3A_2759[0] : i32 from vector<1xi32>
        %multiple_of3A_2761 = tpu.assume_multiple %squeeze3A_2760, 128 : i32
        %dma_start3A_2762 = arith.constant 64 : i32
        %dma_start3A_2763 = arith.constant 0 : i32
        %dma_start3A_2764 = tpu.memref_slice %arg7[%dma_start3A_2762, %dma_start3A_2763] : memref<128x128xf32, #tpu.memory_space<vmem>> -> memref<8x128xf32, #tpu.memory_space<vmem>>
        %dma_start3A_2765 = tpu.memref_slice %arg3[%multiple_of3A_2758, %multiple_of3A_2761] : memref<10000x10000xf32, #tpu.memory_space<hbm>> -> memref<8x128xf32, #tpu.memory_space<hbm>>
        %dma_start3A_2766 = arith.constant 64 : i32
        %dma_start3A_2767 = arith.constant 0 : i32
        %dma_start3A_2768 = tpu.memref_slice %arg7[%dma_start3A_2766, %dma_start3A_2767] : memref<128x128xf32, #tpu.memory_space<vmem>> -> memref<8x128xf32, #tpu.memory_space<vmem>>
        %dma_start3A_2769 = tpu.memref_slice %arg3[%multiple_of3A_2758, %multiple_of3A_2761] : memref<10000x10000xf32, #tpu.memory_space<hbm>> -> memref<8x128xf32, #tpu.memory_space<hbm>>
        tpu.enqueue_dma source(%dma_start3A_2769 : memref<8x128xf32, #tpu.memory_space<hbm>>) target(%dma_start3A_2768 : memref<8x128xf32, #tpu.memory_space<vmem>>) target_semaphore(%arg12 : memref<!tpu.dma_semaphore, #tpu.memory_space<semaphore_mem>>)
        %slice3A_2770 = vector.extract_strided_slice %mul3A_2634 {offsets = [9], sizes = [1], strides = [1]} : vector<16xi32> to vector<1xi32>
        %squeeze3A_2771 = vector.extract %slice3A_2770[0] : i32 from vector<1xi32>
        %multiple_of3A_2772 = tpu.assume_multiple %squeeze3A_2771, 8 : i32
        %slice3A_2773 = vector.extract_strided_slice %mul3A_2643 {offsets = [9], sizes = [1], strides = [1]} : vector<16xi32> to vector<1xi32>
        %squeeze3A_2774 = vector.extract %slice3A_2773[0] : i32 from vector<1xi32>
        %multiple_of3A_2775 = tpu.assume_multiple %squeeze3A_2774, 128 : i32
        %dma_start3A_2776 = arith.constant 72 : i32
        %dma_start3A_2777 = arith.constant 0 : i32
        %dma_start3A_2778 = tpu.memref_slice %arg7[%dma_start3A_2776, %dma_start3A_2777] : memref<128x128xf32, #tpu.memory_space<vmem>> -> memref<8x128xf32, #tpu.memory_space<vmem>>
        %dma_start3A_2779 = tpu.memref_slice %arg3[%multiple_of3A_2772, %multiple_of3A_2775] : memref<10000x10000xf32, #tpu.memory_space<hbm>> -> memref<8x128xf32, #tpu.memory_space<hbm>>
        %dma_start3A_2780 = arith.constant 72 : i32
        %dma_start3A_2781 = arith.constant 0 : i32
        %dma_start3A_2782 = tpu.memref_slice %arg7[%dma_start3A_2780, %dma_start3A_2781] : memref<128x128xf32, #tpu.memory_space<vmem>> -> memref<8x128xf32, #tpu.memory_space<vmem>>
        %dma_start3A_2783 = tpu.memref_slice %arg3[%multiple_of3A_2772, %multiple_of3A_2775] : memref<10000x10000xf32, #tpu.memory_space<hbm>> -> memref<8x128xf32, #tpu.memory_space<hbm>>
        tpu.enqueue_dma source(%dma_start3A_2783 : memref<8x128xf32, #tpu.memory_space<hbm>>) target(%dma_start3A_2782 : memref<8x128xf32, #tpu.memory_space<vmem>>) target_semaphore(%arg12 : memref<!tpu.dma_semaphore, #tpu.memory_space<semaphore_mem>>)
        %slice3A_2784 = vector.extract_strided_slice %mul3A_2634 {offsets = [10], sizes = [1], strides = [1]} : vector<16xi32> to vector<1xi32>
        %squeeze3A_2785 = vector.extract %slice3A_2784[0] : i32 from vector<1xi32>
        %multiple_of3A_2786 = tpu.assume_multiple %squeeze3A_2785, 8 : i32
        %slice3A_2787 = vector.extract_strided_slice %mul3A_2643 {offsets = [10], sizes = [1], strides = [1]} : vector<16xi32> to vector<1xi32>
        %squeeze3A_2788 = vector.extract %slice3A_2787[0] : i32 from vector<1xi32>
        %multiple_of3A_2789 = tpu.assume_multiple %squeeze3A_2788, 128 : i32
        %dma_start3A_2790 = arith.constant 80 : i32
        %dma_start3A_2791 = arith.constant 0 : i32
        %dma_start3A_2792 = tpu.memref_slice %arg7[%dma_start3A_2790, %dma_start3A_2791] : memref<128x128xf32, #tpu.memory_space<vmem>> -> memref<8x128xf32, #tpu.memory_space<vmem>>
        %dma_start3A_2793 = tpu.memref_slice %arg3[%multiple_of3A_2786, %multiple_of3A_2789] : memref<10000x10000xf32, #tpu.memory_space<hbm>> -> memref<8x128xf32, #tpu.memory_space<hbm>>
        %dma_start3A_2794 = arith.constant 80 : i32
        %dma_start3A_2795 = arith.constant 0 : i32
        %dma_start3A_2796 = tpu.memref_slice %arg7[%dma_start3A_2794, %dma_start3A_2795] : memref<128x128xf32, #tpu.memory_space<vmem>> -> memref<8x128xf32, #tpu.memory_space<vmem>>
        %dma_start3A_2797 = tpu.memref_slice %arg3[%multiple_of3A_2786, %multiple_of3A_2789] : memref<10000x10000xf32, #tpu.memory_space<hbm>> -> memref<8x128xf32, #tpu.memory_space<hbm>>
        tpu.enqueue_dma source(%dma_start3A_2797 : memref<8x128xf32, #tpu.memory_space<hbm>>) target(%dma_start3A_2796 : memref<8x128xf32, #tpu.memory_space<vmem>>) target_semaphore(%arg12 : memref<!tpu.dma_semaphore, #tpu.memory_space<semaphore_mem>>)
        %slice3A_2798 = vector.extract_strided_slice %mul3A_2634 {offsets = [11], sizes = [1], strides = [1]} : vector<16xi32> to vector<1xi32>
        %squeeze3A_2799 = vector.extract %slice3A_2798[0] : i32 from vector<1xi32>
        %multiple_of3A_2800 = tpu.assume_multiple %squeeze3A_2799, 8 : i32
        %slice3A_2801 = vector.extract_strided_slice %mul3A_2643 {offsets = [11], sizes = [1], strides = [1]} : vector<16xi32> to vector<1xi32>
        %squeeze3A_2802 = vector.extract %slice3A_2801[0] : i32 from vector<1xi32>
        %multiple_of3A_2803 = tpu.assume_multiple %squeeze3A_2802, 128 : i32
        %dma_start3A_2804 = arith.constant 88 : i32
        %dma_start3A_2805 = arith.constant 0 : i32
        %dma_start3A_2806 = tpu.memref_slice %arg7[%dma_start3A_2804, %dma_start3A_2805] : memref<128x128xf32, #tpu.memory_space<vmem>> -> memref<8x128xf32, #tpu.memory_space<vmem>>
        %dma_start3A_2807 = tpu.memref_slice %arg3[%multiple_of3A_2800, %multiple_of3A_2803] : memref<10000x10000xf32, #tpu.memory_space<hbm>> -> memref<8x128xf32, #tpu.memory_space<hbm>>
        %dma_start3A_2808 = arith.constant 88 : i32
        %dma_start3A_2809 = arith.constant 0 : i32
        %dma_start3A_2810 = tpu.memref_slice %arg7[%dma_start3A_2808, %dma_start3A_2809] : memref<128x128xf32, #tpu.memory_space<vmem>> -> memref<8x128xf32, #tpu.memory_space<vmem>>
        %dma_start3A_2811 = tpu.memref_slice %arg3[%multiple_of3A_2800, %multiple_of3A_2803] : memref<10000x10000xf32, #tpu.memory_space<hbm>> -> memref<8x128xf32, #tpu.memory_space<hbm>>
        tpu.enqueue_dma source(%dma_start3A_2811 : memref<8x128xf32, #tpu.memory_space<hbm>>) target(%dma_start3A_2810 : memref<8x128xf32, #tpu.memory_space<vmem>>) target_semaphore(%arg12 : memref<!tpu.dma_semaphore, #tpu.memory_space<semaphore_mem>>)
        %slice3A_2812 = vector.extract_strided_slice %mul3A_2634 {offsets = [12], sizes = [1], strides = [1]} : vector<16xi32> to vector<1xi32>
        %squeeze3A_2813 = vector.extract %slice3A_2812[0] : i32 from vector<1xi32>
        %multiple_of3A_2814 = tpu.assume_multiple %squeeze3A_2813, 8 : i32
        %slice3A_2815 = vector.extract_strided_slice %mul3A_2643 {offsets = [12], sizes = [1], strides = [1]} : vector<16xi32> to vector<1xi32>
        %squeeze3A_2816 = vector.extract %slice3A_2815[0] : i32 from vector<1xi32>
        %multiple_of3A_2817 = tpu.assume_multiple %squeeze3A_2816, 128 : i32
        %dma_start3A_2818 = arith.constant 96 : i32
        %dma_start3A_2819 = arith.constant 0 : i32
        %dma_start3A_2820 = tpu.memref_slice %arg7[%dma_start3A_2818, %dma_start3A_2819] : memref<128x128xf32, #tpu.memory_space<vmem>> -> memref<8x128xf32, #tpu.memory_space<vmem>>
        %dma_start3A_2821 = tpu.memref_slice %arg3[%multiple_of3A_2814, %multiple_of3A_2817] : memref<10000x10000xf32, #tpu.memory_space<hbm>> -> memref<8x128xf32, #tpu.memory_space<hbm>>
        %dma_start3A_2822 = arith.constant 96 : i32
        %dma_start3A_2823 = arith.constant 0 : i32
        %dma_start3A_2824 = tpu.memref_slice %arg7[%dma_start3A_2822, %dma_start3A_2823] : memref<128x128xf32, #tpu.memory_space<vmem>> -> memref<8x128xf32, #tpu.memory_space<vmem>>
        %dma_start3A_2825 = tpu.memref_slice %arg3[%multiple_of3A_2814, %multiple_of3A_2817] : memref<10000x10000xf32, #tpu.memory_space<hbm>> -> memref<8x128xf32, #tpu.memory_space<hbm>>
        tpu.enqueue_dma source(%dma_start3A_2825 : memref<8x128xf32, #tpu.memory_space<hbm>>) target(%dma_start3A_2824 : memref<8x128xf32, #tpu.memory_space<vmem>>) target_semaphore(%arg12 : memref<!tpu.dma_semaphore, #tpu.memory_space<semaphore_mem>>)
        %slice3A_2826 = vector.extract_strided_slice %mul3A_2634 {offsets = [13], sizes = [1], strides = [1]} : vector<16xi32> to vector<1xi32>
        %squeeze3A_2827 = vector.extract %slice3A_2826[0] : i32 from vector<1xi32>
        %multiple_of3A_2828 = tpu.assume_multiple %squeeze3A_2827, 8 : i32
        %slice3A_2829 = vector.extract_strided_slice %mul3A_2643 {offsets = [13], sizes = [1], strides = [1]} : vector<16xi32> to vector<1xi32>
        %squeeze3A_2830 = vector.extract %slice3A_2829[0] : i32 from vector<1xi32>
        %multiple_of3A_2831 = tpu.assume_multiple %squeeze3A_2830, 128 : i32
        %dma_start3A_2832 = arith.constant 104 : i32
        %dma_start3A_2833 = arith.constant 0 : i32
        %dma_start3A_2834 = tpu.memref_slice %arg7[%dma_start3A_2832, %dma_start3A_2833] : memref<128x128xf32, #tpu.memory_space<vmem>> -> memref<8x128xf32, #tpu.memory_space<vmem>>
        %dma_start3A_2835 = tpu.memref_slice %arg3[%multiple_of3A_2828, %multiple_of3A_2831] : memref<10000x10000xf32, #tpu.memory_space<hbm>> -> memref<8x128xf32, #tpu.memory_space<hbm>>
        %dma_start3A_2836 = arith.constant 104 : i32
        %dma_start3A_2837 = arith.constant 0 : i32
        %dma_start3A_2838 = tpu.memref_slice %arg7[%dma_start3A_2836, %dma_start3A_2837] : memref<128x128xf32, #tpu.memory_space<vmem>> -> memref<8x128xf32, #tpu.memory_space<vmem>>
        %dma_start3A_2839 = tpu.memref_slice %arg3[%multiple_of3A_2828, %multiple_of3A_2831] : memref<10000x10000xf32, #tpu.memory_space<hbm>> -> memref<8x128xf32, #tpu.memory_space<hbm>>
        tpu.enqueue_dma source(%dma_start3A_2839 : memref<8x128xf32, #tpu.memory_space<hbm>>) target(%dma_start3A_2838 : memref<8x128xf32, #tpu.memory_space<vmem>>) target_semaphore(%arg12 : memref<!tpu.dma_semaphore, #tpu.memory_space<semaphore_mem>>)
        %slice3A_2840 = vector.extract_strided_slice %mul3A_2634 {offsets = [14], sizes = [1], strides = [1]} : vector<16xi32> to vector<1xi32>
        %squeeze3A_2841 = vector.extract %slice3A_2840[0] : i32 from vector<1xi32>
        %multiple_of3A_2842 = tpu.assume_multiple %squeeze3A_2841, 8 : i32
        %slice3A_2843 = vector.extract_strided_slice %mul3A_2643 {offsets = [14], sizes = [1], strides = [1]} : vector<16xi32> to vector<1xi32>
        %squeeze3A_2844 = vector.extract %slice3A_2843[0] : i32 from vector<1xi32>
        %multiple_of3A_2845 = tpu.assume_multiple %squeeze3A_2844, 128 : i32
        %dma_start3A_2846 = arith.constant 112 : i32
        %dma_start3A_2847 = arith.constant 0 : i32
        %dma_start3A_2848 = tpu.memref_slice %arg7[%dma_start3A_2846, %dma_start3A_2847] : memref<128x128xf32, #tpu.memory_space<vmem>> -> memref<8x128xf32, #tpu.memory_space<vmem>>
        %dma_start3A_2849 = tpu.memref_slice %arg3[%multiple_of3A_2842, %multiple_of3A_2845] : memref<10000x10000xf32, #tpu.memory_space<hbm>> -> memref<8x128xf32, #tpu.memory_space<hbm>>
        %dma_start3A_2850 = arith.constant 112 : i32
        %dma_start3A_2851 = arith.constant 0 : i32
        %dma_start3A_2852 = tpu.memref_slice %arg7[%dma_start3A_2850, %dma_start3A_2851] : memref<128x128xf32, #tpu.memory_space<vmem>> -> memref<8x128xf32, #tpu.memory_space<vmem>>
        %dma_start3A_2853 = tpu.memref_slice %arg3[%multiple_of3A_2842, %multiple_of3A_2845] : memref<10000x10000xf32, #tpu.memory_space<hbm>> -> memref<8x128xf32, #tpu.memory_space<hbm>>
        tpu.enqueue_dma source(%dma_start3A_2853 : memref<8x128xf32, #tpu.memory_space<hbm>>) target(%dma_start3A_2852 : memref<8x128xf32, #tpu.memory_space<vmem>>) target_semaphore(%arg12 : memref<!tpu.dma_semaphore, #tpu.memory_space<semaphore_mem>>)
        %slice3A_2854 = vector.extract_strided_slice %mul3A_2634 {offsets = [15], sizes = [1], strides = [1]} : vector<16xi32> to vector<1xi32>
        %squeeze3A_2855 = vector.extract %slice3A_2854[0] : i32 from vector<1xi32>
        %multiple_of3A_2856 = tpu.assume_multiple %squeeze3A_2855, 8 : i32
        %slice3A_2857 = vector.extract_strided_slice %mul3A_2643 {offsets = [15], sizes = [1], strides = [1]} : vector<16xi32> to vector<1xi32>
        %squeeze3A_2858 = vector.extract %slice3A_2857[0] : i32 from vector<1xi32>
        %multiple_of3A_2859 = tpu.assume_multiple %squeeze3A_2858, 128 : i32
        %dma_start3A_2860 = arith.constant 120 : i32
        %dma_start3A_2861 = arith.constant 0 : i32
        %dma_start3A_2862 = tpu.memref_slice %arg7[%dma_start3A_2860, %dma_start3A_2861] : memref<128x128xf32, #tpu.memory_space<vmem>> -> memref<8x128xf32, #tpu.memory_space<vmem>>
        %dma_start3A_2863 = tpu.memref_slice %arg3[%multiple_of3A_2856, %multiple_of3A_2859] : memref<10000x10000xf32, #tpu.memory_space<hbm>> -> memref<8x128xf32, #tpu.memory_space<hbm>>
        %dma_start3A_2864 = arith.constant 120 : i32
        %dma_start3A_2865 = arith.constant 0 : i32
        %dma_start3A_2866 = tpu.memref_slice %arg7[%dma_start3A_2864, %dma_start3A_2865] : memref<128x128xf32, #tpu.memory_space<vmem>> -> memref<8x128xf32, #tpu.memory_space<vmem>>
        %dma_start3A_2867 = tpu.memref_slice %arg3[%multiple_of3A_2856, %multiple_of3A_2859] : memref<10000x10000xf32, #tpu.memory_space<hbm>> -> memref<8x128xf32, #tpu.memory_space<hbm>>
        tpu.enqueue_dma source(%dma_start3A_2867 : memref<8x128xf32, #tpu.memory_space<hbm>>) target(%dma_start3A_2866 : memref<8x128xf32, #tpu.memory_space<vmem>>) target_semaphore(%arg12 : memref<!tpu.dma_semaphore, #tpu.memory_space<semaphore_mem>>)
      } else {
      }
      %dma_wait3A_1390 = arith.constant 0 : i32
      %dma_wait3A_1391 = arith.constant 0 : i32
      %dma_wait3A_1392 = tpu.memref_slice %arg3[%dma_wait3A_1390, %dma_wait3A_1391] : memref<10000x10000xf32, #tpu.memory_space<hbm>> -> memref<128x128xf32, #tpu.memory_space<hbm>>
      %dma_wait3A_1393 = arith.constant 0 : i32
      %dma_wait3A_1394 = arith.constant 0 : i32
      %dma_wait3A_1395 = tpu.memref_slice %arg3[%dma_wait3A_1393, %dma_wait3A_1394] : memref<10000x10000xf32, #tpu.memory_space<hbm>> -> memref<128x128xf32, #tpu.memory_space<hbm>>
      tpu.wait_dma2 semaphore(%arg13 : memref<!tpu.dma_semaphore, #tpu.memory_space<semaphore_mem>>) src(%dma_wait3A_1395 : memref<128x128xf32, #tpu.memory_space<hbm>>) dst(%arg8 : memref<128x128xf32, #tpu.memory_space<vmem>>)
      %add3A_1396 = arith.constant 1 : i32
      %add3A_1397 = arith.addi %mul3A_737, %add3A_1396 : i32
      %mul3A_1398 = arith.constant 16 : i32
      %mul3A_1399 = arith.muli %add3A_1397, %mul3A_1398 : i32
      %multiple_of3A_1400 = tpu.assume_multiple %mul3A_1399, 16 : i32
      %get3A_1401 = arith.index_cast %multiple_of3A_1400 : i32 to index
      %get3A_1402 = tpu.vector_load %arg5[%get3A_1401] {strides = array<i32>} : memref<512xi32, #tpu.memory_space<vmem>>, vector<16xi32>,
      %get3A_1403 = vector.shape_cast %get3A_1402 : vector<16xi32> to vector<16xi32>
      %get3A_1404 = arith.index_cast %multiple_of3A_1400 : i32 to index
      %get3A_1405 = tpu.vector_load %arg6[%get3A_1404] {strides = array<i32>} : memref<512xi32, #tpu.memory_space<vmem>>, vector<16xi32>,
      %get3A_1406 = vector.shape_cast %get3A_1405 : vector<16xi32> to vector<16xi32>
      %broadcast_in_dim3A_1407 = arith.constant 0.000000e+00 : f32
      %broadcast_in_dim3A_1408 = vector.broadcast %broadcast_in_dim3A_1407 : f32 to vector<16xf32>
      %iota3A_1409 = tpu.iota {dimensions = array<i32: 0>} : vector<16xi32>
      %and3A_1410 = arith.constant 15 : i32
      %and3A_1411 = vector.broadcast %and3A_1410 : i32 to vector<16xi32>
      %and3A_1412 = arith.andi %get3A_1406, %and3A_1411 : vector<16xi32>
      %mul3A_1413 = arith.constant 8 : i32
      %mul3A_1414 = vector.broadcast %mul3A_1413 : i32 to vector<16xi32>
      %mul3A_1415 = arith.muli %iota3A_1409, %mul3A_1414 : vector<16xi32>
      %and3A_1416 = arith.constant 7 : i32
      %and3A_1417 = vector.broadcast %and3A_1416 : i32 to vector<16xi32>
      %and3A_1418 = arith.andi %get3A_1403, %and3A_1417 : vector<16xi32>
      %add3A_1419 = arith.addi %mul3A_1415, %and3A_1418 : vector<16xi32>
      %and3A_1420 = arith.constant 112 : i32
      %and3A_1421 = vector.broadcast %and3A_1420 : i32 to vector<16xi32>
      %and3A_1422 = arith.andi %get3A_1406, %and3A_1421 : vector<16xi32>
      %slice3A_1423 = vector.extract_strided_slice %add3A_1419 {offsets = [0], sizes = [1], strides = [1]} : vector<16xi32> to vector<1xi32>
      %squeeze3A_1424 = vector.extract %slice3A_1423[0] : i32 from vector<1xi32>
      %slice3A_1425 = vector.extract_strided_slice %and3A_1422 {offsets = [0], sizes = [1], strides = [1]} : vector<16xi32> to vector<1xi32>
      %squeeze3A_1426 = vector.extract %slice3A_1425[0] : i32 from vector<1xi32>
      %multiple_of3A_1427 = tpu.assume_multiple %squeeze3A_1426, 16 : i32
      %get3A_1428 = arith.index_cast %squeeze3A_1424 : i32 to index
      %get3A_1429 = arith.index_cast %multiple_of3A_1427 : i32 to index
      %get3A_1430 = tpu.vector_load %arg8[%get3A_1428, %get3A_1429] {strides = array<i32>} : memref<128x128xf32, #tpu.memory_space<vmem>>, vector<1x16xf32>,
      %get3A_1431 = vector.shape_cast %get3A_1430 : vector<1x16xf32> to vector<16xf32>
      %lt3A_1432 = arith.constant 0 : i32
      %lt3A_1433 = vector.broadcast %lt3A_1432 : i32 to vector<16xi32>
      %lt3A_1434 = arith.cmpi slt, %and3A_1412, %lt3A_1433 : vector<16xi32>
      %add3A_1435 = arith.constant 16 : i32
      %add3A_1436 = vector.broadcast %add3A_1435 : i32 to vector<16xi32>
      %add3A_1437 = arith.addi %and3A_1412, %add3A_1436 : vector<16xi32>
      %select_n3A_1438 = arith.select %lt3A_1434, %add3A_1437, %and3A_1412 : vector<16xi1>, vector<16xi32>
      %broadcast_in_dim3A_1439 = vector.shape_cast %select_n3A_1438 : vector<16xi32> to vector<16x1xi32>
      %gather3A_1440 = vector.shape_cast %broadcast_in_dim3A_1439 : vector<16x1xi32> to vector<16xi32>
      %gather3A_1441 = tpu.dynamic_gather %get3A_1431[%gather3A_1440] in [0] : vector<16xf32>, vector<16xi32> -> vector<16xf32>
      %eq3A_1442 = arith.constant 0 : i32
      %eq3A_1443 = vector.broadcast %eq3A_1442 : i32 to vector<16xi32>
      %eq3A_1444 = arith.cmpi eq, %iota3A_1409, %eq3A_1443 : vector<16xi32>
      %select_n3A_1445 = arith.select %eq3A_1444, %gather3A_1441, %broadcast_in_dim3A_1408 : vector<16xi1>, vector<16xf32>
      %slice3A_1446 = vector.extract_strided_slice %add3A_1419 {offsets = [1], sizes = [1], strides = [1]} : vector<16xi32> to vector<1xi32>
      %squeeze3A_1447 = vector.extract %slice3A_1446[0] : i32 from vector<1xi32>
      %slice3A_1448 = vector.extract_strided_slice %and3A_1422 {offsets = [1], sizes = [1], strides = [1]} : vector<16xi32> to vector<1xi32>
      %squeeze3A_1449 = vector.extract %slice3A_1448[0] : i32 from vector<1xi32>
      %multiple_of3A_1450 = tpu.assume_multiple %squeeze3A_1449, 16 : i32
      %get3A_1451 = arith.index_cast %squeeze3A_1447 : i32 to index
      %get3A_1452 = arith.index_cast %multiple_of3A_1450 : i32 to index
      %get3A_1453 = tpu.vector_load %arg8[%get3A_1451, %get3A_1452] {strides = array<i32>} : memref<128x128xf32, #tpu.memory_space<vmem>>, vector<1x16xf32>,
      %get3A_1454 = vector.shape_cast %get3A_1453 : vector<1x16xf32> to vector<16xf32>
      %lt3A_1455 = arith.constant 0 : i32
      %lt3A_1456 = vector.broadcast %lt3A_1455 : i32 to vector<16xi32>
      %lt3A_1457 = arith.cmpi slt, %and3A_1412, %lt3A_1456 : vector<16xi32>
      %add3A_1458 = arith.constant 16 : i32
      %add3A_1459 = vector.broadcast %add3A_1458 : i32 to vector<16xi32>
      %add3A_1460 = arith.addi %and3A_1412, %add3A_1459 : vector<16xi32>
      %select_n3A_1461 = arith.select %lt3A_1457, %add3A_1460, %and3A_1412 : vector<16xi1>, vector<16xi32>
      %broadcast_in_dim3A_1462 = vector.shape_cast %select_n3A_1461 : vector<16xi32> to vector<16x1xi32>
      %gather3A_1463 = vector.shape_cast %broadcast_in_dim3A_1462 : vector<16x1xi32> to vector<16xi32>
      %gather3A_1464 = tpu.dynamic_gather %get3A_1454[%gather3A_1463] in [0] : vector<16xf32>, vector<16xi32> -> vector<16xf32>
      %eq3A_1465 = arith.constant 1 : i32
      %eq3A_1466 = vector.broadcast %eq3A_1465 : i32 to vector<16xi32>
      %eq3A_1467 = arith.cmpi eq, %iota3A_1409, %eq3A_1466 : vector<16xi32>
      %select_n3A_1468 = arith.select %eq3A_1467, %gather3A_1464, %select_n3A_1445 : vector<16xi1>, vector<16xf32>
      %slice3A_1469 = vector.extract_strided_slice %add3A_1419 {offsets = [2], sizes = [1], strides = [1]} : vector<16xi32> to vector<1xi32>
      %squeeze3A_1470 = vector.extract %slice3A_1469[0] : i32 from vector<1xi32>
      %slice3A_1471 = vector.extract_strided_slice %and3A_1422 {offsets = [2], sizes = [1], strides = [1]} : vector<16xi32> to vector<1xi32>
      %squeeze3A_1472 = vector.extract %slice3A_1471[0] : i32 from vector<1xi32>
      %multiple_of3A_1473 = tpu.assume_multiple %squeeze3A_1472, 16 : i32
      %get3A_1474 = arith.index_cast %squeeze3A_1470 : i32 to index
      %get3A_1475 = arith.index_cast %multiple_of3A_1473 : i32 to index
      %get3A_1476 = tpu.vector_load %arg8[%get3A_1474, %get3A_1475] {strides = array<i32>} : memref<128x128xf32, #tpu.memory_space<vmem>>, vector<1x16xf32>,
      %get3A_1477 = vector.shape_cast %get3A_1476 : vector<1x16xf32> to vector<16xf32>
      %lt3A_1478 = arith.constant 0 : i32
      %lt3A_1479 = vector.broadcast %lt3A_1478 : i32 to vector<16xi32>
      %lt3A_1480 = arith.cmpi slt, %and3A_1412, %lt3A_1479 : vector<16xi32>
      %add3A_1481 = arith.constant 16 : i32
      %add3A_1482 = vector.broadcast %add3A_1481 : i32 to vector<16xi32>
      %add3A_1483 = arith.addi %and3A_1412, %add3A_1482 : vector<16xi32>
      %select_n3A_1484 = arith.select %lt3A_1480, %add3A_1483, %and3A_1412 : vector<16xi1>, vector<16xi32>
      %broadcast_in_dim3A_1485 = vector.shape_cast %select_n3A_1484 : vector<16xi32> to vector<16x1xi32>
      %gather3A_1486 = vector.shape_cast %broadcast_in_dim3A_1485 : vector<16x1xi32> to vector<16xi32>
      %gather3A_1487 = tpu.dynamic_gather %get3A_1477[%gather3A_1486] in [0] : vector<16xf32>, vector<16xi32> -> vector<16xf32>
      %eq3A_1488 = arith.constant 2 : i32
      %eq3A_1489 = vector.broadcast %eq3A_1488 : i32 to vector<16xi32>
      %eq3A_1490 = arith.cmpi eq, %iota3A_1409, %eq3A_1489 : vector<16xi32>
      %select_n3A_1491 = arith.select %eq3A_1490, %gather3A_1487, %select_n3A_1468 : vector<16xi1>, vector<16xf32>
      %slice3A_1492 = vector.extract_strided_slice %add3A_1419 {offsets = [3], sizes = [1], strides = [1]} : vector<16xi32> to vector<1xi32>
      %squeeze3A_1493 = vector.extract %slice3A_1492[0] : i32 from vector<1xi32>
      %slice3A_1494 = vector.extract_strided_slice %and3A_1422 {offsets = [3], sizes = [1], strides = [1]} : vector<16xi32> to vector<1xi32>
      %squeeze3A_1495 = vector.extract %slice3A_1494[0] : i32 from vector<1xi32>
      %multiple_of3A_1496 = tpu.assume_multiple %squeeze3A_1495, 16 : i32
      %get3A_1497 = arith.index_cast %squeeze3A_1493 : i32 to index
      %get3A_1498 = arith.index_cast %multiple_of3A_1496 : i32 to index
      %get3A_1499 = tpu.vector_load %arg8[%get3A_1497, %get3A_1498] {strides = array<i32>} : memref<128x128xf32, #tpu.memory_space<vmem>>, vector<1x16xf32>,
      %get3A_1500 = vector.shape_cast %get3A_1499 : vector<1x16xf32> to vector<16xf32>
      %lt3A_1501 = arith.constant 0 : i32
      %lt3A_1502 = vector.broadcast %lt3A_1501 : i32 to vector<16xi32>
      %lt3A_1503 = arith.cmpi slt, %and3A_1412, %lt3A_1502 : vector<16xi32>
      %add3A_1504 = arith.constant 16 : i32
      %add3A_1505 = vector.broadcast %add3A_1504 : i32 to vector<16xi32>
      %add3A_1506 = arith.addi %and3A_1412, %add3A_1505 : vector<16xi32>
      %select_n3A_1507 = arith.select %lt3A_1503, %add3A_1506, %and3A_1412 : vector<16xi1>, vector<16xi32>
      %broadcast_in_dim3A_1508 = vector.shape_cast %select_n3A_1507 : vector<16xi32> to vector<16x1xi32>
      %gather3A_1509 = vector.shape_cast %broadcast_in_dim3A_1508 : vector<16x1xi32> to vector<16xi32>
      %gather3A_1510 = tpu.dynamic_gather %get3A_1500[%gather3A_1509] in [0] : vector<16xf32>, vector<16xi32> -> vector<16xf32>
      %eq3A_1511 = arith.constant 3 : i32
      %eq3A_1512 = vector.broadcast %eq3A_1511 : i32 to vector<16xi32>
      %eq3A_1513 = arith.cmpi eq, %iota3A_1409, %eq3A_1512 : vector<16xi32>
      %select_n3A_1514 = arith.select %eq3A_1513, %gather3A_1510, %select_n3A_1491 : vector<16xi1>, vector<16xf32>
      %slice3A_1515 = vector.extract_strided_slice %add3A_1419 {offsets = [4], sizes = [1], strides = [1]} : vector<16xi32> to vector<1xi32>
      %squeeze3A_1516 = vector.extract %slice3A_1515[0] : i32 from vector<1xi32>
      %slice3A_1517 = vector.extract_strided_slice %and3A_1422 {offsets = [4], sizes = [1], strides = [1]} : vector<16xi32> to vector<1xi32>
      %squeeze3A_1518 = vector.extract %slice3A_1517[0] : i32 from vector<1xi32>
      %multiple_of3A_1519 = tpu.assume_multiple %squeeze3A_1518, 16 : i32
      %get3A_1520 = arith.index_cast %squeeze3A_1516 : i32 to index
      %get3A_1521 = arith.index_cast %multiple_of3A_1519 : i32 to index
      %get3A_1522 = tpu.vector_load %arg8[%get3A_1520, %get3A_1521] {strides = array<i32>} : memref<128x128xf32, #tpu.memory_space<vmem>>, vector<1x16xf32>,
      %get3A_1523 = vector.shape_cast %get3A_1522 : vector<1x16xf32> to vector<16xf32>
      %lt3A_1524 = arith.constant 0 : i32
      %lt3A_1525 = vector.broadcast %lt3A_1524 : i32 to vector<16xi32>
      %lt3A_1526 = arith.cmpi slt, %and3A_1412, %lt3A_1525 : vector<16xi32>
      %add3A_1527 = arith.constant 16 : i32
      %add3A_1528 = vector.broadcast %add3A_1527 : i32 to vector<16xi32>
      %add3A_1529 = arith.addi %and3A_1412, %add3A_1528 : vector<16xi32>
      %select_n3A_1530 = arith.select %lt3A_1526, %add3A_1529, %and3A_1412 : vector<16xi1>, vector<16xi32>
      %broadcast_in_dim3A_1531 = vector.shape_cast %select_n3A_1530 : vector<16xi32> to vector<16x1xi32>
      %gather3A_1532 = vector.shape_cast %broadcast_in_dim3A_1531 : vector<16x1xi32> to vector<16xi32>
      %gather3A_1533 = tpu.dynamic_gather %get3A_1523[%gather3A_1532] in [0] : vector<16xf32>, vector<16xi32> -> vector<16xf32>
      %eq3A_1534 = arith.constant 4 : i32
      %eq3A_1535 = vector.broadcast %eq3A_1534 : i32 to vector<16xi32>
      %eq3A_1536 = arith.cmpi eq, %iota3A_1409, %eq3A_1535 : vector<16xi32>
      %select_n3A_1537 = arith.select %eq3A_1536, %gather3A_1533, %select_n3A_1514 : vector<16xi1>, vector<16xf32>
      %slice3A_1538 = vector.extract_strided_slice %add3A_1419 {offsets = [5], sizes = [1], strides = [1]} : vector<16xi32> to vector<1xi32>
      %squeeze3A_1539 = vector.extract %slice3A_1538[0] : i32 from vector<1xi32>
      %slice3A_1540 = vector.extract_strided_slice %and3A_1422 {offsets = [5], sizes = [1], strides = [1]} : vector<16xi32> to vector<1xi32>
      %squeeze3A_1541 = vector.extract %slice3A_1540[0] : i32 from vector<1xi32>
      %multiple_of3A_1542 = tpu.assume_multiple %squeeze3A_1541, 16 : i32
      %get3A_1543 = arith.index_cast %squeeze3A_1539 : i32 to index
      %get3A_1544 = arith.index_cast %multiple_of3A_1542 : i32 to index
      %get3A_1545 = tpu.vector_load %arg8[%get3A_1543, %get3A_1544] {strides = array<i32>} : memref<128x128xf32, #tpu.memory_space<vmem>>, vector<1x16xf32>,
      %get3A_1546 = vector.shape_cast %get3A_1545 : vector<1x16xf32> to vector<16xf32>
      %lt3A_1547 = arith.constant 0 : i32
      %lt3A_1548 = vector.broadcast %lt3A_1547 : i32 to vector<16xi32>
      %lt3A_1549 = arith.cmpi slt, %and3A_1412, %lt3A_1548 : vector<16xi32>
      %add3A_1550 = arith.constant 16 : i32
      %add3A_1551 = vector.broadcast %add3A_1550 : i32 to vector<16xi32>
      %add3A_1552 = arith.addi %and3A_1412, %add3A_1551 : vector<16xi32>
      %select_n3A_1553 = arith.select %lt3A_1549, %add3A_1552, %and3A_1412 : vector<16xi1>, vector<16xi32>
      %broadcast_in_dim3A_1554 = vector.shape_cast %select_n3A_1553 : vector<16xi32> to vector<16x1xi32>
      %gather3A_1555 = vector.shape_cast %broadcast_in_dim3A_1554 : vector<16x1xi32> to vector<16xi32>
      %gather3A_1556 = tpu.dynamic_gather %get3A_1546[%gather3A_1555] in [0] : vector<16xf32>, vector<16xi32> -> vector<16xf32>
      %eq3A_1557 = arith.constant 5 : i32
      %eq3A_1558 = vector.broadcast %eq3A_1557 : i32 to vector<16xi32>
      %eq3A_1559 = arith.cmpi eq, %iota3A_1409, %eq3A_1558 : vector<16xi32>
      %select_n3A_1560 = arith.select %eq3A_1559, %gather3A_1556, %select_n3A_1537 : vector<16xi1>, vector<16xf32>
      %slice3A_1561 = vector.extract_strided_slice %add3A_1419 {offsets = [6], sizes = [1], strides = [1]} : vector<16xi32> to vector<1xi32>
      %squeeze3A_1562 = vector.extract %slice3A_1561[0] : i32 from vector<1xi32>
      %slice3A_1563 = vector.extract_strided_slice %and3A_1422 {offsets = [6], sizes = [1], strides = [1]} : vector<16xi32> to vector<1xi32>
      %squeeze3A_1564 = vector.extract %slice3A_1563[0] : i32 from vector<1xi32>
      %multiple_of3A_1565 = tpu.assume_multiple %squeeze3A_1564, 16 : i32
      %get3A_1566 = arith.index_cast %squeeze3A_1562 : i32 to index
      %get3A_1567 = arith.index_cast %multiple_of3A_1565 : i32 to index
      %get3A_1568 = tpu.vector_load %arg8[%get3A_1566, %get3A_1567] {strides = array<i32>} : memref<128x128xf32, #tpu.memory_space<vmem>>, vector<1x16xf32>,
      %get3A_1569 = vector.shape_cast %get3A_1568 : vector<1x16xf32> to vector<16xf32>
      %lt3A_1570 = arith.constant 0 : i32
      %lt3A_1571 = vector.broadcast %lt3A_1570 : i32 to vector<16xi32>
      %lt3A_1572 = arith.cmpi slt, %and3A_1412, %lt3A_1571 : vector<16xi32>
      %add3A_1573 = arith.constant 16 : i32
      %add3A_1574 = vector.broadcast %add3A_1573 : i32 to vector<16xi32>
      %add3A_1575 = arith.addi %and3A_1412, %add3A_1574 : vector<16xi32>
      %select_n3A_1576 = arith.select %lt3A_1572, %add3A_1575, %and3A_1412 : vector<16xi1>, vector<16xi32>
      %broadcast_in_dim3A_1577 = vector.shape_cast %select_n3A_1576 : vector<16xi32> to vector<16x1xi32>
      %gather3A_1578 = vector.shape_cast %broadcast_in_dim3A_1577 : vector<16x1xi32> to vector<16xi32>
      %gather3A_1579 = tpu.dynamic_gather %get3A_1569[%gather3A_1578] in [0] : vector<16xf32>, vector<16xi32> -> vector<16xf32>
      %eq3A_1580 = arith.constant 6 : i32
      %eq3A_1581 = vector.broadcast %eq3A_1580 : i32 to vector<16xi32>
      %eq3A_1582 = arith.cmpi eq, %iota3A_1409, %eq3A_1581 : vector<16xi32>
      %select_n3A_1583 = arith.select %eq3A_1582, %gather3A_1579, %select_n3A_1560 : vector<16xi1>, vector<16xf32>
      %slice3A_1584 = vector.extract_strided_slice %add3A_1419 {offsets = [7], sizes = [1], strides = [1]} : vector<16xi32> to vector<1xi32>
      %squeeze3A_1585 = vector.extract %slice3A_1584[0] : i32 from vector<1xi32>
      %slice3A_1586 = vector.extract_strided_slice %and3A_1422 {offsets = [7], sizes = [1], strides = [1]} : vector<16xi32> to vector<1xi32>
      %squeeze3A_1587 = vector.extract %slice3A_1586[0] : i32 from vector<1xi32>
      %multiple_of3A_1588 = tpu.assume_multiple %squeeze3A_1587, 16 : i32
      %get3A_1589 = arith.index_cast %squeeze3A_1585 : i32 to index
      %get3A_1590 = arith.index_cast %multiple_of3A_1588 : i32 to index
      %get3A_1591 = tpu.vector_load %arg8[%get3A_1589, %get3A_1590] {strides = array<i32>} : memref<128x128xf32, #tpu.memory_space<vmem>>, vector<1x16xf32>,
      %get3A_1592 = vector.shape_cast %get3A_1591 : vector<1x16xf32> to vector<16xf32>
      %lt3A_1593 = arith.constant 0 : i32
      %lt3A_1594 = vector.broadcast %lt3A_1593 : i32 to vector<16xi32>
      %lt3A_1595 = arith.cmpi slt, %and3A_1412, %lt3A_1594 : vector<16xi32>
      %add3A_1596 = arith.constant 16 : i32
      %add3A_1597 = vector.broadcast %add3A_1596 : i32 to vector<16xi32>
      %add3A_1598 = arith.addi %and3A_1412, %add3A_1597 : vector<16xi32>
      %select_n3A_1599 = arith.select %lt3A_1595, %add3A_1598, %and3A_1412 : vector<16xi1>, vector<16xi32>
      %broadcast_in_dim3A_1600 = vector.shape_cast %select_n3A_1599 : vector<16xi32> to vector<16x1xi32>
      %gather3A_1601 = vector.shape_cast %broadcast_in_dim3A_1600 : vector<16x1xi32> to vector<16xi32>
      %gather3A_1602 = tpu.dynamic_gather %get3A_1592[%gather3A_1601] in [0] : vector<16xf32>, vector<16xi32> -> vector<16xf32>
      %eq3A_1603 = arith.constant 7 : i32
      %eq3A_1604 = vector.broadcast %eq3A_1603 : i32 to vector<16xi32>
      %eq3A_1605 = arith.cmpi eq, %iota3A_1409, %eq3A_1604 : vector<16xi32>
      %select_n3A_1606 = arith.select %eq3A_1605, %gather3A_1602, %select_n3A_1583 : vector<16xi1>, vector<16xf32>
      %slice3A_1607 = vector.extract_strided_slice %add3A_1419 {offsets = [8], sizes = [1], strides = [1]} : vector<16xi32> to vector<1xi32>
      %squeeze3A_1608 = vector.extract %slice3A_1607[0] : i32 from vector<1xi32>
      %slice3A_1609 = vector.extract_strided_slice %and3A_1422 {offsets = [8], sizes = [1], strides = [1]} : vector<16xi32> to vector<1xi32>
      %squeeze3A_1610 = vector.extract %slice3A_1609[0] : i32 from vector<1xi32>
      %multiple_of3A_1611 = tpu.assume_multiple %squeeze3A_1610, 16 : i32
      %get3A_1612 = arith.index_cast %squeeze3A_1608 : i32 to index
      %get3A_1613 = arith.index_cast %multiple_of3A_1611 : i32 to index
      %get3A_1614 = tpu.vector_load %arg8[%get3A_1612, %get3A_1613] {strides = array<i32>} : memref<128x128xf32, #tpu.memory_space<vmem>>, vector<1x16xf32>,
      %get3A_1615 = vector.shape_cast %get3A_1614 : vector<1x16xf32> to vector<16xf32>
      %lt3A_1616 = arith.constant 0 : i32
      %lt3A_1617 = vector.broadcast %lt3A_1616 : i32 to vector<16xi32>
      %lt3A_1618 = arith.cmpi slt, %and3A_1412, %lt3A_1617 : vector<16xi32>
      %add3A_1619 = arith.constant 16 : i32
      %add3A_1620 = vector.broadcast %add3A_1619 : i32 to vector<16xi32>
      %add3A_1621 = arith.addi %and3A_1412, %add3A_1620 : vector<16xi32>
      %select_n3A_1622 = arith.select %lt3A_1618, %add3A_1621, %and3A_1412 : vector<16xi1>, vector<16xi32>
      %broadcast_in_dim3A_1623 = vector.shape_cast %select_n3A_1622 : vector<16xi32> to vector<16x1xi32>
      %gather3A_1624 = vector.shape_cast %broadcast_in_dim3A_1623 : vector<16x1xi32> to vector<16xi32>
      %gather3A_1625 = tpu.dynamic_gather %get3A_1615[%gather3A_1624] in [0] : vector<16xf32>, vector<16xi32> -> vector<16xf32>
      %eq3A_1626 = arith.constant 8 : i32
      %eq3A_1627 = vector.broadcast %eq3A_1626 : i32 to vector<16xi32>
      %eq3A_1628 = arith.cmpi eq, %iota3A_1409, %eq3A_1627 : vector<16xi32>
      %select_n3A_1629 = arith.select %eq3A_1628, %gather3A_1625, %select_n3A_1606 : vector<16xi1>, vector<16xf32>
      %slice3A_1630 = vector.extract_strided_slice %add3A_1419 {offsets = [9], sizes = [1], strides = [1]} : vector<16xi32> to vector<1xi32>
      %squeeze3A_1631 = vector.extract %slice3A_1630[0] : i32 from vector<1xi32>
      %slice3A_1632 = vector.extract_strided_slice %and3A_1422 {offsets = [9], sizes = [1], strides = [1]} : vector<16xi32> to vector<1xi32>
      %squeeze3A_1633 = vector.extract %slice3A_1632[0] : i32 from vector<1xi32>
      %multiple_of3A_1634 = tpu.assume_multiple %squeeze3A_1633, 16 : i32
      %get3A_1635 = arith.index_cast %squeeze3A_1631 : i32 to index
      %get3A_1636 = arith.index_cast %multiple_of3A_1634 : i32 to index
      %get3A_1637 = tpu.vector_load %arg8[%get3A_1635, %get3A_1636] {strides = array<i32>} : memref<128x128xf32, #tpu.memory_space<vmem>>, vector<1x16xf32>,
      %get3A_1638 = vector.shape_cast %get3A_1637 : vector<1x16xf32> to vector<16xf32>
      %lt3A_1639 = arith.constant 0 : i32
      %lt3A_1640 = vector.broadcast %lt3A_1639 : i32 to vector<16xi32>
      %lt3A_1641 = arith.cmpi slt, %and3A_1412, %lt3A_1640 : vector<16xi32>
      %add3A_1642 = arith.constant 16 : i32
      %add3A_1643 = vector.broadcast %add3A_1642 : i32 to vector<16xi32>
      %add3A_1644 = arith.addi %and3A_1412, %add3A_1643 : vector<16xi32>
      %select_n3A_1645 = arith.select %lt3A_1641, %add3A_1644, %and3A_1412 : vector<16xi1>, vector<16xi32>
      %broadcast_in_dim3A_1646 = vector.shape_cast %select_n3A_1645 : vector<16xi32> to vector<16x1xi32>
      %gather3A_1647 = vector.shape_cast %broadcast_in_dim3A_1646 : vector<16x1xi32> to vector<16xi32>
      %gather3A_1648 = tpu.dynamic_gather %get3A_1638[%gather3A_1647] in [0] : vector<16xf32>, vector<16xi32> -> vector<16xf32>
      %eq3A_1649 = arith.constant 9 : i32
      %eq3A_1650 = vector.broadcast %eq3A_1649 : i32 to vector<16xi32>
      %eq3A_1651 = arith.cmpi eq, %iota3A_1409, %eq3A_1650 : vector<16xi32>
      %select_n3A_1652 = arith.select %eq3A_1651, %gather3A_1648, %select_n3A_1629 : vector<16xi1>, vector<16xf32>
      %slice3A_1653 = vector.extract_strided_slice %add3A_1419 {offsets = [10], sizes = [1], strides = [1]} : vector<16xi32> to vector<1xi32>
      %squeeze3A_1654 = vector.extract %slice3A_1653[0] : i32 from vector<1xi32>
      %slice3A_1655 = vector.extract_strided_slice %and3A_1422 {offsets = [10], sizes = [1], strides = [1]} : vector<16xi32> to vector<1xi32>
      %squeeze3A_1656 = vector.extract %slice3A_1655[0] : i32 from vector<1xi32>
      %multiple_of3A_1657 = tpu.assume_multiple %squeeze3A_1656, 16 : i32
      %get3A_1658 = arith.index_cast %squeeze3A_1654 : i32 to index
      %get3A_1659 = arith.index_cast %multiple_of3A_1657 : i32 to index
      %get3A_1660 = tpu.vector_load %arg8[%get3A_1658, %get3A_1659] {strides = array<i32>} : memref<128x128xf32, #tpu.memory_space<vmem>>, vector<1x16xf32>,
      %get3A_1661 = vector.shape_cast %get3A_1660 : vector<1x16xf32> to vector<16xf32>
      %lt3A_1662 = arith.constant 0 : i32
      %lt3A_1663 = vector.broadcast %lt3A_1662 : i32 to vector<16xi32>
      %lt3A_1664 = arith.cmpi slt, %and3A_1412, %lt3A_1663 : vector<16xi32>
      %add3A_1665 = arith.constant 16 : i32
      %add3A_1666 = vector.broadcast %add3A_1665 : i32 to vector<16xi32>
      %add3A_1667 = arith.addi %and3A_1412, %add3A_1666 : vector<16xi32>
      %select_n3A_1668 = arith.select %lt3A_1664, %add3A_1667, %and3A_1412 : vector<16xi1>, vector<16xi32>
      %broadcast_in_dim3A_1669 = vector.shape_cast %select_n3A_1668 : vector<16xi32> to vector<16x1xi32>
      %gather3A_1670 = vector.shape_cast %broadcast_in_dim3A_1669 : vector<16x1xi32> to vector<16xi32>
      %gather3A_1671 = tpu.dynamic_gather %get3A_1661[%gather3A_1670] in [0] : vector<16xf32>, vector<16xi32> -> vector<16xf32>
      %eq3A_1672 = arith.constant 10 : i32
      %eq3A_1673 = vector.broadcast %eq3A_1672 : i32 to vector<16xi32>
      %eq3A_1674 = arith.cmpi eq, %iota3A_1409, %eq3A_1673 : vector<16xi32>
      %select_n3A_1675 = arith.select %eq3A_1674, %gather3A_1671, %select_n3A_1652 : vector<16xi1>, vector<16xf32>
      %slice3A_1676 = vector.extract_strided_slice %add3A_1419 {offsets = [11], sizes = [1], strides = [1]} : vector<16xi32> to vector<1xi32>
      %squeeze3A_1677 = vector.extract %slice3A_1676[0] : i32 from vector<1xi32>
      %slice3A_1678 = vector.extract_strided_slice %and3A_1422 {offsets = [11], sizes = [1], strides = [1]} : vector<16xi32> to vector<1xi32>
      %squeeze3A_1679 = vector.extract %slice3A_1678[0] : i32 from vector<1xi32>
      %multiple_of3A_1680 = tpu.assume_multiple %squeeze3A_1679, 16 : i32
      %get3A_1681 = arith.index_cast %squeeze3A_1677 : i32 to index
      %get3A_1682 = arith.index_cast %multiple_of3A_1680 : i32 to index
      %get3A_1683 = tpu.vector_load %arg8[%get3A_1681, %get3A_1682] {strides = array<i32>} : memref<128x128xf32, #tpu.memory_space<vmem>>, vector<1x16xf32>,
      %get3A_1684 = vector.shape_cast %get3A_1683 : vector<1x16xf32> to vector<16xf32>
      %lt3A_1685 = arith.constant 0 : i32
      %lt3A_1686 = vector.broadcast %lt3A_1685 : i32 to vector<16xi32>
      %lt3A_1687 = arith.cmpi slt, %and3A_1412, %lt3A_1686 : vector<16xi32>
      %add3A_1688 = arith.constant 16 : i32
      %add3A_1689 = vector.broadcast %add3A_1688 : i32 to vector<16xi32>
      %add3A_1690 = arith.addi %and3A_1412, %add3A_1689 : vector<16xi32>
      %select_n3A_1691 = arith.select %lt3A_1687, %add3A_1690, %and3A_1412 : vector<16xi1>, vector<16xi32>
      %broadcast_in_dim3A_1692 = vector.shape_cast %select_n3A_1691 : vector<16xi32> to vector<16x1xi32>
      %gather3A_1693 = vector.shape_cast %broadcast_in_dim3A_1692 : vector<16x1xi32> to vector<16xi32>
      %gather3A_1694 = tpu.dynamic_gather %get3A_1684[%gather3A_1693] in [0] : vector<16xf32>, vector<16xi32> -> vector<16xf32>
      %eq3A_1695 = arith.constant 11 : i32
      %eq3A_1696 = vector.broadcast %eq3A_1695 : i32 to vector<16xi32>
      %eq3A_1697 = arith.cmpi eq, %iota3A_1409, %eq3A_1696 : vector<16xi32>
      %select_n3A_1698 = arith.select %eq3A_1697, %gather3A_1694, %select_n3A_1675 : vector<16xi1>, vector<16xf32>
      %slice3A_1699 = vector.extract_strided_slice %add3A_1419 {offsets = [12], sizes = [1], strides = [1]} : vector<16xi32> to vector<1xi32>
      %squeeze3A_1700 = vector.extract %slice3A_1699[0] : i32 from vector<1xi32>
      %slice3A_1701 = vector.extract_strided_slice %and3A_1422 {offsets = [12], sizes = [1], strides = [1]} : vector<16xi32> to vector<1xi32>
      %squeeze3A_1702 = vector.extract %slice3A_1701[0] : i32 from vector<1xi32>
      %multiple_of3A_1703 = tpu.assume_multiple %squeeze3A_1702, 16 : i32
      %get3A_1704 = arith.index_cast %squeeze3A_1700 : i32 to index
      %get3A_1705 = arith.index_cast %multiple_of3A_1703 : i32 to index
      %get3A_1706 = tpu.vector_load %arg8[%get3A_1704, %get3A_1705] {strides = array<i32>} : memref<128x128xf32, #tpu.memory_space<vmem>>, vector<1x16xf32>,
      %get3A_1707 = vector.shape_cast %get3A_1706 : vector<1x16xf32> to vector<16xf32>
      %lt3A_1708 = arith.constant 0 : i32
      %lt3A_1709 = vector.broadcast %lt3A_1708 : i32 to vector<16xi32>
      %lt3A_1710 = arith.cmpi slt, %and3A_1412, %lt3A_1709 : vector<16xi32>
      %add3A_1711 = arith.constant 16 : i32
      %add3A_1712 = vector.broadcast %add3A_1711 : i32 to vector<16xi32>
      %add3A_1713 = arith.addi %and3A_1412, %add3A_1712 : vector<16xi32>
      %select_n3A_1714 = arith.select %lt3A_1710, %add3A_1713, %and3A_1412 : vector<16xi1>, vector<16xi32>
      %broadcast_in_dim3A_1715 = vector.shape_cast %select_n3A_1714 : vector<16xi32> to vector<16x1xi32>
      %gather3A_1716 = vector.shape_cast %broadcast_in_dim3A_1715 : vector<16x1xi32> to vector<16xi32>
      %gather3A_1717 = tpu.dynamic_gather %get3A_1707[%gather3A_1716] in [0] : vector<16xf32>, vector<16xi32> -> vector<16xf32>
      %eq3A_1718 = arith.constant 12 : i32
      %eq3A_1719 = vector.broadcast %eq3A_1718 : i32 to vector<16xi32>
      %eq3A_1720 = arith.cmpi eq, %iota3A_1409, %eq3A_1719 : vector<16xi32>
      %select_n3A_1721 = arith.select %eq3A_1720, %gather3A_1717, %select_n3A_1698 : vector<16xi1>, vector<16xf32>
      %slice3A_1722 = vector.extract_strided_slice %add3A_1419 {offsets = [13], sizes = [1], strides = [1]} : vector<16xi32> to vector<1xi32>
      %squeeze3A_1723 = vector.extract %slice3A_1722[0] : i32 from vector<1xi32>
      %slice3A_1724 = vector.extract_strided_slice %and3A_1422 {offsets = [13], sizes = [1], strides = [1]} : vector<16xi32> to vector<1xi32>
      %squeeze3A_1725 = vector.extract %slice3A_1724[0] : i32 from vector<1xi32>
      %multiple_of3A_1726 = tpu.assume_multiple %squeeze3A_1725, 16 : i32
      %get3A_1727 = arith.index_cast %squeeze3A_1723 : i32 to index
      %get3A_1728 = arith.index_cast %multiple_of3A_1726 : i32 to index
      %get3A_1729 = tpu.vector_load %arg8[%get3A_1727, %get3A_1728] {strides = array<i32>} : memref<128x128xf32, #tpu.memory_space<vmem>>, vector<1x16xf32>,
      %get3A_1730 = vector.shape_cast %get3A_1729 : vector<1x16xf32> to vector<16xf32>
      %lt3A_1731 = arith.constant 0 : i32
      %lt3A_1732 = vector.broadcast %lt3A_1731 : i32 to vector<16xi32>
      %lt3A_1733 = arith.cmpi slt, %and3A_1412, %lt3A_1732 : vector<16xi32>
      %add3A_1734 = arith.constant 16 : i32
      %add3A_1735 = vector.broadcast %add3A_1734 : i32 to vector<16xi32>
      %add3A_1736 = arith.addi %and3A_1412, %add3A_1735 : vector<16xi32>
      %select_n3A_1737 = arith.select %lt3A_1733, %add3A_1736, %and3A_1412 : vector<16xi1>, vector<16xi32>
      %broadcast_in_dim3A_1738 = vector.shape_cast %select_n3A_1737 : vector<16xi32> to vector<16x1xi32>
      %gather3A_1739 = vector.shape_cast %broadcast_in_dim3A_1738 : vector<16x1xi32> to vector<16xi32>
      %gather3A_1740 = tpu.dynamic_gather %get3A_1730[%gather3A_1739] in [0] : vector<16xf32>, vector<16xi32> -> vector<16xf32>
      %eq3A_1741 = arith.constant 13 : i32
      %eq3A_1742 = vector.broadcast %eq3A_1741 : i32 to vector<16xi32>
      %eq3A_1743 = arith.cmpi eq, %iota3A_1409, %eq3A_1742 : vector<16xi32>
      %select_n3A_1744 = arith.select %eq3A_1743, %gather3A_1740, %select_n3A_1721 : vector<16xi1>, vector<16xf32>
      %slice3A_1745 = vector.extract_strided_slice %add3A_1419 {offsets = [14], sizes = [1], strides = [1]} : vector<16xi32> to vector<1xi32>
      %squeeze3A_1746 = vector.extract %slice3A_1745[0] : i32 from vector<1xi32>
      %slice3A_1747 = vector.extract_strided_slice %and3A_1422 {offsets = [14], sizes = [1], strides = [1]} : vector<16xi32> to vector<1xi32>
      %squeeze3A_1748 = vector.extract %slice3A_1747[0] : i32 from vector<1xi32>
      %multiple_of3A_1749 = tpu.assume_multiple %squeeze3A_1748, 16 : i32
      %get3A_1750 = arith.index_cast %squeeze3A_1746 : i32 to index
      %get3A_1751 = arith.index_cast %multiple_of3A_1749 : i32 to index
      %get3A_1752 = tpu.vector_load %arg8[%get3A_1750, %get3A_1751] {strides = array<i32>} : memref<128x128xf32, #tpu.memory_space<vmem>>, vector<1x16xf32>,
      %get3A_1753 = vector.shape_cast %get3A_1752 : vector<1x16xf32> to vector<16xf32>
      %lt3A_1754 = arith.constant 0 : i32
      %lt3A_1755 = vector.broadcast %lt3A_1754 : i32 to vector<16xi32>
      %lt3A_1756 = arith.cmpi slt, %and3A_1412, %lt3A_1755 : vector<16xi32>
      %add3A_1757 = arith.constant 16 : i32
      %add3A_1758 = vector.broadcast %add3A_1757 : i32 to vector<16xi32>
      %add3A_1759 = arith.addi %and3A_1412, %add3A_1758 : vector<16xi32>
      %select_n3A_1760 = arith.select %lt3A_1756, %add3A_1759, %and3A_1412 : vector<16xi1>, vector<16xi32>
      %broadcast_in_dim3A_1761 = vector.shape_cast %select_n3A_1760 : vector<16xi32> to vector<16x1xi32>
      %gather3A_1762 = vector.shape_cast %broadcast_in_dim3A_1761 : vector<16x1xi32> to vector<16xi32>
      %gather3A_1763 = tpu.dynamic_gather %get3A_1753[%gather3A_1762] in [0] : vector<16xf32>, vector<16xi32> -> vector<16xf32>
      %eq3A_1764 = arith.constant 14 : i32
      %eq3A_1765 = vector.broadcast %eq3A_1764 : i32 to vector<16xi32>
      %eq3A_1766 = arith.cmpi eq, %iota3A_1409, %eq3A_1765 : vector<16xi32>
      %select_n3A_1767 = arith.select %eq3A_1766, %gather3A_1763, %select_n3A_1744 : vector<16xi1>, vector<16xf32>
      %slice3A_1768 = vector.extract_strided_slice %add3A_1419 {offsets = [15], sizes = [1], strides = [1]} : vector<16xi32> to vector<1xi32>
      %squeeze3A_1769 = vector.extract %slice3A_1768[0] : i32 from vector<1xi32>
      %slice3A_1770 = vector.extract_strided_slice %and3A_1422 {offsets = [15], sizes = [1], strides = [1]} : vector<16xi32> to vector<1xi32>
      %squeeze3A_1771 = vector.extract %slice3A_1770[0] : i32 from vector<1xi32>
      %multiple_of3A_1772 = tpu.assume_multiple %squeeze3A_1771, 16 : i32
      %get3A_1773 = arith.index_cast %squeeze3A_1769 : i32 to index
      %get3A_1774 = arith.index_cast %multiple_of3A_1772 : i32 to index
      %get3A_1775 = tpu.vector_load %arg8[%get3A_1773, %get3A_1774] {strides = array<i32>} : memref<128x128xf32, #tpu.memory_space<vmem>>, vector<1x16xf32>,
      %get3A_1776 = vector.shape_cast %get3A_1775 : vector<1x16xf32> to vector<16xf32>
      %lt3A_1777 = arith.constant 0 : i32
      %lt3A_1778 = vector.broadcast %lt3A_1777 : i32 to vector<16xi32>
      %lt3A_1779 = arith.cmpi slt, %and3A_1412, %lt3A_1778 : vector<16xi32>
      %add3A_1780 = arith.constant 16 : i32
      %add3A_1781 = vector.broadcast %add3A_1780 : i32 to vector<16xi32>
      %add3A_1782 = arith.addi %and3A_1412, %add3A_1781 : vector<16xi32>
      %select_n3A_1783 = arith.select %lt3A_1779, %add3A_1782, %and3A_1412 : vector<16xi1>, vector<16xi32>
      %broadcast_in_dim3A_1784 = vector.shape_cast %select_n3A_1783 : vector<16xi32> to vector<16x1xi32>
      %gather3A_1785 = vector.shape_cast %broadcast_in_dim3A_1784 : vector<16x1xi32> to vector<16xi32>
      %gather3A_1786 = tpu.dynamic_gather %get3A_1776[%gather3A_1785] in [0] : vector<16xf32>, vector<16xi32> -> vector<16xf32>
      %eq3A_1787 = arith.constant 15 : i32
      %eq3A_1788 = vector.broadcast %eq3A_1787 : i32 to vector<16xi32>
      %eq3A_1789 = arith.cmpi eq, %iota3A_1409, %eq3A_1788 : vector<16xi32>
      %select_n3A_1790 = arith.select %eq3A_1789, %gather3A_1786, %select_n3A_1767 : vector<16xi1>, vector<16xf32>
      %swap3A_1791 = arith.index_cast %multiple_of3A_1400 : i32 to index
      %swap3A_1792 = tpu.vector_load %arg11[%swap3A_1791] {strides = array<i32>} : memref<512xf32, #tpu.memory_space<vmem>>, vector<16xf32>,
      %swap3A_1793 = vector.shape_cast %swap3A_1792 : vector<16xf32> to vector<16xf32>
      %swap3A_1794 = vector.shape_cast %select_n3A_1790 : vector<16xf32> to vector<16xf32>
      tpu.vector_store %arg11[%swap3A_1791], %swap3A_1794 {strides = array<i32>} : memref<512xf32, #tpu.memory_space<vmem>>, vector<16xf32>,
      %add3A_1795 = arith.constant 2 : i32
      %add3A_1796 = arith.addi %mul3A_737, %add3A_1795 : i32
      %add3A_1797 = arith.constant 3 : i32
      %add3A_1798 = arith.addi %add3A_1796, %add3A_1797 : i32
      %lt3A_1799 = arith.constant 32 : i32
      %lt3A_1800 = arith.cmpi slt, %add3A_1798, %lt3A_1799 : i32
      %convert_element_type3A_1801 = arith.extui %lt3A_1800 : i1 to i32
      %cond3A_1802 = arith.constant 0 : i32
      %cond3A_1803 = arith.cmpi ne, %convert_element_type3A_1801, %cond3A_1802 : i32
      scf.if %cond3A_1803 {
        %mul3A_2623 = arith.constant 16 : i32
        %mul3A_2624 = arith.muli %add3A_1798, %mul3A_2623 : i32
        %multiple_of3A_2625 = tpu.assume_multiple %mul3A_2624, 16 : i32
        %get3A_2626 = arith.index_cast %multiple_of3A_2625 : i32 to index
        %get3A_2627 = tpu.vector_load %arg5[%get3A_2626] {strides = array<i32>} : memref<512xi32, #tpu.memory_space<vmem>>, vector<16xi32>,
        %get3A_2628 = vector.shape_cast %get3A_2627 : vector<16xi32> to vector<16xi32>
        %shift_right_arithmetic3A_2629 = arith.constant 3 : i32
        %shift_right_arithmetic3A_2630 = vector.broadcast %shift_right_arithmetic3A_2629 : i32 to vector<16xi32>
        %shift_right_arithmetic3A_2631 = arith.shrsi %get3A_2628, %shift_right_arithmetic3A_2630 : vector<16xi32>
        %mul3A_2632 = arith.constant 8 : i32
        %mul3A_2633 = vector.broadcast %mul3A_2632 : i32 to vector<16xi32>
        %mul3A_2634 = arith.muli %shift_right_arithmetic3A_2631, %mul3A_2633 : vector<16xi32>
        %get3A_2635 = arith.index_cast %multiple_of3A_2625 : i32 to index
        %get3A_2636 = tpu.vector_load %arg6[%get3A_2635] {strides = array<i32>} : memref<512xi32, #tpu.memory_space<vmem>>, vector<16xi32>,
        %get3A_2637 = vector.shape_cast %get3A_2636 : vector<16xi32> to vector<16xi32>
        %shift_right_arithmetic3A_2638 = arith.constant 7 : i32
        %shift_right_arithmetic3A_2639 = vector.broadcast %shift_right_arithmetic3A_2638 : i32 to vector<16xi32>
        %shift_right_arithmetic3A_2640 = arith.shrsi %get3A_2637, %shift_right_arithmetic3A_2639 : vector<16xi32>
        %mul3A_2641 = arith.constant 128 : i32
        %mul3A_2642 = vector.broadcast %mul3A_2641 : i32 to vector<16xi32>
        %mul3A_2643 = arith.muli %shift_right_arithmetic3A_2640, %mul3A_2642 : vector<16xi32>
        %slice3A_2644 = vector.extract_strided_slice %mul3A_2634 {offsets = [0], sizes = [1], strides = [1]} : vector<16xi32> to vector<1xi32>
        %squeeze3A_2645 = vector.extract %slice3A_2644[0] : i32 from vector<1xi32>
        %multiple_of3A_2646 = tpu.assume_multiple %squeeze3A_2645, 8 : i32
        %slice3A_2647 = vector.extract_strided_slice %mul3A_2643 {offsets = [0], sizes = [1], strides = [1]} : vector<16xi32> to vector<1xi32>
        %squeeze3A_2648 = vector.extract %slice3A_2647[0] : i32 from vector<1xi32>
        %multiple_of3A_2649 = tpu.assume_multiple %squeeze3A_2648, 128 : i32
        %dma_start3A_2650 = arith.constant 0 : i32
        %dma_start3A_2651 = arith.constant 0 : i32
        %dma_start3A_2652 = tpu.memref_slice %arg8[%dma_start3A_2650, %dma_start3A_2651] : memref<128x128xf32, #tpu.memory_space<vmem>> -> memref<8x128xf32, #tpu.memory_space<vmem>>
        %dma_start3A_2653 = tpu.memref_slice %arg3[%multiple_of3A_2646, %multiple_of3A_2649] : memref<10000x10000xf32, #tpu.memory_space<hbm>> -> memref<8x128xf32, #tpu.memory_space<hbm>>
        %dma_start3A_2654 = arith.constant 0 : i32
        %dma_start3A_2655 = arith.constant 0 : i32
        %dma_start3A_2656 = tpu.memref_slice %arg8[%dma_start3A_2654, %dma_start3A_2655] : memref<128x128xf32, #tpu.memory_space<vmem>> -> memref<8x128xf32, #tpu.memory_space<vmem>>
        %dma_start3A_2657 = tpu.memref_slice %arg3[%multiple_of3A_2646, %multiple_of3A_2649] : memref<10000x10000xf32, #tpu.memory_space<hbm>> -> memref<8x128xf32, #tpu.memory_space<hbm>>
        tpu.enqueue_dma source(%dma_start3A_2657 : memref<8x128xf32, #tpu.memory_space<hbm>>) target(%dma_start3A_2656 : memref<8x128xf32, #tpu.memory_space<vmem>>) target_semaphore(%arg13 : memref<!tpu.dma_semaphore, #tpu.memory_space<semaphore_mem>>)
        %slice3A_2658 = vector.extract_strided_slice %mul3A_2634 {offsets = [1], sizes = [1], strides = [1]} : vector<16xi32> to vector<1xi32>
        %squeeze3A_2659 = vector.extract %slice3A_2658[0] : i32 from vector<1xi32>
        %multiple_of3A_2660 = tpu.assume_multiple %squeeze3A_2659, 8 : i32
        %slice3A_2661 = vector.extract_strided_slice %mul3A_2643 {offsets = [1], sizes = [1], strides = [1]} : vector<16xi32> to vector<1xi32>
        %squeeze3A_2662 = vector.extract %slice3A_2661[0] : i32 from vector<1xi32>
        %multiple_of3A_2663 = tpu.assume_multiple %squeeze3A_2662, 128 : i32
        %dma_start3A_2664 = arith.constant 8 : i32
        %dma_start3A_2665 = arith.constant 0 : i32
        %dma_start3A_2666 = tpu.memref_slice %arg8[%dma_start3A_2664, %dma_start3A_2665] : memref<128x128xf32, #tpu.memory_space<vmem>> -> memref<8x128xf32, #tpu.memory_space<vmem>>
        %dma_start3A_2667 = tpu.memref_slice %arg3[%multiple_of3A_2660, %multiple_of3A_2663] : memref<10000x10000xf32, #tpu.memory_space<hbm>> -> memref<8x128xf32, #tpu.memory_space<hbm>>
        %dma_start3A_2668 = arith.constant 8 : i32
        %dma_start3A_2669 = arith.constant 0 : i32
        %dma_start3A_2670 = tpu.memref_slice %arg8[%dma_start3A_2668, %dma_start3A_2669] : memref<128x128xf32, #tpu.memory_space<vmem>> -> memref<8x128xf32, #tpu.memory_space<vmem>>
        %dma_start3A_2671 = tpu.memref_slice %arg3[%multiple_of3A_2660, %multiple_of3A_2663] : memref<10000x10000xf32, #tpu.memory_space<hbm>> -> memref<8x128xf32, #tpu.memory_space<hbm>>
        tpu.enqueue_dma source(%dma_start3A_2671 : memref<8x128xf32, #tpu.memory_space<hbm>>) target(%dma_start3A_2670 : memref<8x128xf32, #tpu.memory_space<vmem>>) target_semaphore(%arg13 : memref<!tpu.dma_semaphore, #tpu.memory_space<semaphore_mem>>)
        %slice3A_2672 = vector.extract_strided_slice %mul3A_2634 {offsets = [2], sizes = [1], strides = [1]} : vector<16xi32> to vector<1xi32>
        %squeeze3A_2673 = vector.extract %slice3A_2672[0] : i32 from vector<1xi32>
        %multiple_of3A_2674 = tpu.assume_multiple %squeeze3A_2673, 8 : i32
        %slice3A_2675 = vector.extract_strided_slice %mul3A_2643 {offsets = [2], sizes = [1], strides = [1]} : vector<16xi32> to vector<1xi32>
        %squeeze3A_2676 = vector.extract %slice3A_2675[0] : i32 from vector<1xi32>
        %multiple_of3A_2677 = tpu.assume_multiple %squeeze3A_2676, 128 : i32
        %dma_start3A_2678 = arith.constant 16 : i32
        %dma_start3A_2679 = arith.constant 0 : i32
        %dma_start3A_2680 = tpu.memref_slice %arg8[%dma_start3A_2678, %dma_start3A_2679] : memref<128x128xf32, #tpu.memory_space<vmem>> -> memref<8x128xf32, #tpu.memory_space<vmem>>
        %dma_start3A_2681 = tpu.memref_slice %arg3[%multiple_of3A_2674, %multiple_of3A_2677] : memref<10000x10000xf32, #tpu.memory_space<hbm>> -> memref<8x128xf32, #tpu.memory_space<hbm>>
        %dma_start3A_2682 = arith.constant 16 : i32
        %dma_start3A_2683 = arith.constant 0 : i32
        %dma_start3A_2684 = tpu.memref_slice %arg8[%dma_start3A_2682, %dma_start3A_2683] : memref<128x128xf32, #tpu.memory_space<vmem>> -> memref<8x128xf32, #tpu.memory_space<vmem>>
        %dma_start3A_2685 = tpu.memref_slice %arg3[%multiple_of3A_2674, %multiple_of3A_2677] : memref<10000x10000xf32, #tpu.memory_space<hbm>> -> memref<8x128xf32, #tpu.memory_space<hbm>>
        tpu.enqueue_dma source(%dma_start3A_2685 : memref<8x128xf32, #tpu.memory_space<hbm>>) target(%dma_start3A_2684 : memref<8x128xf32, #tpu.memory_space<vmem>>) target_semaphore(%arg13 : memref<!tpu.dma_semaphore, #tpu.memory_space<semaphore_mem>>)
        %slice3A_2686 = vector.extract_strided_slice %mul3A_2634 {offsets = [3], sizes = [1], strides = [1]} : vector<16xi32> to vector<1xi32>
        %squeeze3A_2687 = vector.extract %slice3A_2686[0] : i32 from vector<1xi32>
        %multiple_of3A_2688 = tpu.assume_multiple %squeeze3A_2687, 8 : i32
        %slice3A_2689 = vector.extract_strided_slice %mul3A_2643 {offsets = [3], sizes = [1], strides = [1]} : vector<16xi32> to vector<1xi32>
        %squeeze3A_2690 = vector.extract %slice3A_2689[0] : i32 from vector<1xi32>
        %multiple_of3A_2691 = tpu.assume_multiple %squeeze3A_2690, 128 : i32
        %dma_start3A_2692 = arith.constant 24 : i32
        %dma_start3A_2693 = arith.constant 0 : i32
        %dma_start3A_2694 = tpu.memref_slice %arg8[%dma_start3A_2692, %dma_start3A_2693] : memref<128x128xf32, #tpu.memory_space<vmem>> -> memref<8x128xf32, #tpu.memory_space<vmem>>
        %dma_start3A_2695 = tpu.memref_slice %arg3[%multiple_of3A_2688, %multiple_of3A_2691] : memref<10000x10000xf32, #tpu.memory_space<hbm>> -> memref<8x128xf32, #tpu.memory_space<hbm>>
        %dma_start3A_2696 = arith.constant 24 : i32
        %dma_start3A_2697 = arith.constant 0 : i32
        %dma_start3A_2698 = tpu.memref_slice %arg8[%dma_start3A_2696, %dma_start3A_2697] : memref<128x128xf32, #tpu.memory_space<vmem>> -> memref<8x128xf32, #tpu.memory_space<vmem>>
        %dma_start3A_2699 = tpu.memref_slice %arg3[%multiple_of3A_2688, %multiple_of3A_2691] : memref<10000x10000xf32, #tpu.memory_space<hbm>> -> memref<8x128xf32, #tpu.memory_space<hbm>>
        tpu.enqueue_dma source(%dma_start3A_2699 : memref<8x128xf32, #tpu.memory_space<hbm>>) target(%dma_start3A_2698 : memref<8x128xf32, #tpu.memory_space<vmem>>) target_semaphore(%arg13 : memref<!tpu.dma_semaphore, #tpu.memory_space<semaphore_mem>>)
        %slice3A_2700 = vector.extract_strided_slice %mul3A_2634 {offsets = [4], sizes = [1], strides = [1]} : vector<16xi32> to vector<1xi32>
        %squeeze3A_2701 = vector.extract %slice3A_2700[0] : i32 from vector<1xi32>
        %multiple_of3A_2702 = tpu.assume_multiple %squeeze3A_2701, 8 : i32
        %slice3A_2703 = vector.extract_strided_slice %mul3A_2643 {offsets = [4], sizes = [1], strides = [1]} : vector<16xi32> to vector<1xi32>
        %squeeze3A_2704 = vector.extract %slice3A_2703[0] : i32 from vector<1xi32>
        %multiple_of3A_2705 = tpu.assume_multiple %squeeze3A_2704, 128 : i32
        %dma_start3A_2706 = arith.constant 32 : i32
        %dma_start3A_2707 = arith.constant 0 : i32
        %dma_start3A_2708 = tpu.memref_slice %arg8[%dma_start3A_2706, %dma_start3A_2707] : memref<128x128xf32, #tpu.memory_space<vmem>> -> memref<8x128xf32, #tpu.memory_space<vmem>>
        %dma_start3A_2709 = tpu.memref_slice %arg3[%multiple_of3A_2702, %multiple_of3A_2705] : memref<10000x10000xf32, #tpu.memory_space<hbm>> -> memref<8x128xf32, #tpu.memory_space<hbm>>
        %dma_start3A_2710 = arith.constant 32 : i32
        %dma_start3A_2711 = arith.constant 0 : i32
        %dma_start3A_2712 = tpu.memref_slice %arg8[%dma_start3A_2710, %dma_start3A_2711] : memref<128x128xf32, #tpu.memory_space<vmem>> -> memref<8x128xf32, #tpu.memory_space<vmem>>
        %dma_start3A_2713 = tpu.memref_slice %arg3[%multiple_of3A_2702, %multiple_of3A_2705] : memref<10000x10000xf32, #tpu.memory_space<hbm>> -> memref<8x128xf32, #tpu.memory_space<hbm>>
        tpu.enqueue_dma source(%dma_start3A_2713 : memref<8x128xf32, #tpu.memory_space<hbm>>) target(%dma_start3A_2712 : memref<8x128xf32, #tpu.memory_space<vmem>>) target_semaphore(%arg13 : memref<!tpu.dma_semaphore, #tpu.memory_space<semaphore_mem>>)
        %slice3A_2714 = vector.extract_strided_slice %mul3A_2634 {offsets = [5], sizes = [1], strides = [1]} : vector<16xi32> to vector<1xi32>
        %squeeze3A_2715 = vector.extract %slice3A_2714[0] : i32 from vector<1xi32>
        %multiple_of3A_2716 = tpu.assume_multiple %squeeze3A_2715, 8 : i32
        %slice3A_2717 = vector.extract_strided_slice %mul3A_2643 {offsets = [5], sizes = [1], strides = [1]} : vector<16xi32> to vector<1xi32>
        %squeeze3A_2718 = vector.extract %slice3A_2717[0] : i32 from vector<1xi32>
        %multiple_of3A_2719 = tpu.assume_multiple %squeeze3A_2718, 128 : i32
        %dma_start3A_2720 = arith.constant 40 : i32
        %dma_start3A_2721 = arith.constant 0 : i32
        %dma_start3A_2722 = tpu.memref_slice %arg8[%dma_start3A_2720, %dma_start3A_2721] : memref<128x128xf32, #tpu.memory_space<vmem>> -> memref<8x128xf32, #tpu.memory_space<vmem>>
        %dma_start3A_2723 = tpu.memref_slice %arg3[%multiple_of3A_2716, %multiple_of3A_2719] : memref<10000x10000xf32, #tpu.memory_space<hbm>> -> memref<8x128xf32, #tpu.memory_space<hbm>>
        %dma_start3A_2724 = arith.constant 40 : i32
        %dma_start3A_2725 = arith.constant 0 : i32
        %dma_start3A_2726 = tpu.memref_slice %arg8[%dma_start3A_2724, %dma_start3A_2725] : memref<128x128xf32, #tpu.memory_space<vmem>> -> memref<8x128xf32, #tpu.memory_space<vmem>>
        %dma_start3A_2727 = tpu.memref_slice %arg3[%multiple_of3A_2716, %multiple_of3A_2719] : memref<10000x10000xf32, #tpu.memory_space<hbm>> -> memref<8x128xf32, #tpu.memory_space<hbm>>
        tpu.enqueue_dma source(%dma_start3A_2727 : memref<8x128xf32, #tpu.memory_space<hbm>>) target(%dma_start3A_2726 : memref<8x128xf32, #tpu.memory_space<vmem>>) target_semaphore(%arg13 : memref<!tpu.dma_semaphore, #tpu.memory_space<semaphore_mem>>)
        %slice3A_2728 = vector.extract_strided_slice %mul3A_2634 {offsets = [6], sizes = [1], strides = [1]} : vector<16xi32> to vector<1xi32>
        %squeeze3A_2729 = vector.extract %slice3A_2728[0] : i32 from vector<1xi32>
        %multiple_of3A_2730 = tpu.assume_multiple %squeeze3A_2729, 8 : i32
        %slice3A_2731 = vector.extract_strided_slice %mul3A_2643 {offsets = [6], sizes = [1], strides = [1]} : vector<16xi32> to vector<1xi32>
        %squeeze3A_2732 = vector.extract %slice3A_2731[0] : i32 from vector<1xi32>
        %multiple_of3A_2733 = tpu.assume_multiple %squeeze3A_2732, 128 : i32
        %dma_start3A_2734 = arith.constant 48 : i32
        %dma_start3A_2735 = arith.constant 0 : i32
        %dma_start3A_2736 = tpu.memref_slice %arg8[%dma_start3A_2734, %dma_start3A_2735] : memref<128x128xf32, #tpu.memory_space<vmem>> -> memref<8x128xf32, #tpu.memory_space<vmem>>
        %dma_start3A_2737 = tpu.memref_slice %arg3[%multiple_of3A_2730, %multiple_of3A_2733] : memref<10000x10000xf32, #tpu.memory_space<hbm>> -> memref<8x128xf32, #tpu.memory_space<hbm>>
        %dma_start3A_2738 = arith.constant 48 : i32
        %dma_start3A_2739 = arith.constant 0 : i32
        %dma_start3A_2740 = tpu.memref_slice %arg8[%dma_start3A_2738, %dma_start3A_2739] : memref<128x128xf32, #tpu.memory_space<vmem>> -> memref<8x128xf32, #tpu.memory_space<vmem>>
        %dma_start3A_2741 = tpu.memref_slice %arg3[%multiple_of3A_2730, %multiple_of3A_2733] : memref<10000x10000xf32, #tpu.memory_space<hbm>> -> memref<8x128xf32, #tpu.memory_space<hbm>>
        tpu.enqueue_dma source(%dma_start3A_2741 : memref<8x128xf32, #tpu.memory_space<hbm>>) target(%dma_start3A_2740 : memref<8x128xf32, #tpu.memory_space<vmem>>) target_semaphore(%arg13 : memref<!tpu.dma_semaphore, #tpu.memory_space<semaphore_mem>>)
        %slice3A_2742 = vector.extract_strided_slice %mul3A_2634 {offsets = [7], sizes = [1], strides = [1]} : vector<16xi32> to vector<1xi32>
        %squeeze3A_2743 = vector.extract %slice3A_2742[0] : i32 from vector<1xi32>
        %multiple_of3A_2744 = tpu.assume_multiple %squeeze3A_2743, 8 : i32
        %slice3A_2745 = vector.extract_strided_slice %mul3A_2643 {offsets = [7], sizes = [1], strides = [1]} : vector<16xi32> to vector<1xi32>
        %squeeze3A_2746 = vector.extract %slice3A_2745[0] : i32 from vector<1xi32>
        %multiple_of3A_2747 = tpu.assume_multiple %squeeze3A_2746, 128 : i32
        %dma_start3A_2748 = arith.constant 56 : i32
        %dma_start3A_2749 = arith.constant 0 : i32
        %dma_start3A_2750 = tpu.memref_slice %arg8[%dma_start3A_2748, %dma_start3A_2749] : memref<128x128xf32, #tpu.memory_space<vmem>> -> memref<8x128xf32, #tpu.memory_space<vmem>>
        %dma_start3A_2751 = tpu.memref_slice %arg3[%multiple_of3A_2744, %multiple_of3A_2747] : memref<10000x10000xf32, #tpu.memory_space<hbm>> -> memref<8x128xf32, #tpu.memory_space<hbm>>
        %dma_start3A_2752 = arith.constant 56 : i32
        %dma_start3A_2753 = arith.constant 0 : i32
        %dma_start3A_2754 = tpu.memref_slice %arg8[%dma_start3A_2752, %dma_start3A_2753] : memref<128x128xf32, #tpu.memory_space<vmem>> -> memref<8x128xf32, #tpu.memory_space<vmem>>
        %dma_start3A_2755 = tpu.memref_slice %arg3[%multiple_of3A_2744, %multiple_of3A_2747] : memref<10000x10000xf32, #tpu.memory_space<hbm>> -> memref<8x128xf32, #tpu.memory_space<hbm>>
        tpu.enqueue_dma source(%dma_start3A_2755 : memref<8x128xf32, #tpu.memory_space<hbm>>) target(%dma_start3A_2754 : memref<8x128xf32, #tpu.memory_space<vmem>>) target_semaphore(%arg13 : memref<!tpu.dma_semaphore, #tpu.memory_space<semaphore_mem>>)
        %slice3A_2756 = vector.extract_strided_slice %mul3A_2634 {offsets = [8], sizes = [1], strides = [1]} : vector<16xi32> to vector<1xi32>
        %squeeze3A_2757 = vector.extract %slice3A_2756[0] : i32 from vector<1xi32>
        %multiple_of3A_2758 = tpu.assume_multiple %squeeze3A_2757, 8 : i32
        %slice3A_2759 = vector.extract_strided_slice %mul3A_2643 {offsets = [8], sizes = [1], strides = [1]} : vector<16xi32> to vector<1xi32>
        %squeeze3A_2760 = vector.extract %slice3A_2759[0] : i32 from vector<1xi32>
        %multiple_of3A_2761 = tpu.assume_multiple %squeeze3A_2760, 128 : i32
        %dma_start3A_2762 = arith.constant 64 : i32
        %dma_start3A_2763 = arith.constant 0 : i32
        %dma_start3A_2764 = tpu.memref_slice %arg8[%dma_start3A_2762, %dma_start3A_2763] : memref<128x128xf32, #tpu.memory_space<vmem>> -> memref<8x128xf32, #tpu.memory_space<vmem>>
        %dma_start3A_2765 = tpu.memref_slice %arg3[%multiple_of3A_2758, %multiple_of3A_2761] : memref<10000x10000xf32, #tpu.memory_space<hbm>> -> memref<8x128xf32, #tpu.memory_space<hbm>>
        %dma_start3A_2766 = arith.constant 64 : i32
        %dma_start3A_2767 = arith.constant 0 : i32
        %dma_start3A_2768 = tpu.memref_slice %arg8[%dma_start3A_2766, %dma_start3A_2767] : memref<128x128xf32, #tpu.memory_space<vmem>> -> memref<8x128xf32, #tpu.memory_space<vmem>>
        %dma_start3A_2769 = tpu.memref_slice %arg3[%multiple_of3A_2758, %multiple_of3A_2761] : memref<10000x10000xf32, #tpu.memory_space<hbm>> -> memref<8x128xf32, #tpu.memory_space<hbm>>
        tpu.enqueue_dma source(%dma_start3A_2769 : memref<8x128xf32, #tpu.memory_space<hbm>>) target(%dma_start3A_2768 : memref<8x128xf32, #tpu.memory_space<vmem>>) target_semaphore(%arg13 : memref<!tpu.dma_semaphore, #tpu.memory_space<semaphore_mem>>)
        %slice3A_2770 = vector.extract_strided_slice %mul3A_2634 {offsets = [9], sizes = [1], strides = [1]} : vector<16xi32> to vector<1xi32>
        %squeeze3A_2771 = vector.extract %slice3A_2770[0] : i32 from vector<1xi32>
        %multiple_of3A_2772 = tpu.assume_multiple %squeeze3A_2771, 8 : i32
        %slice3A_2773 = vector.extract_strided_slice %mul3A_2643 {offsets = [9], sizes = [1], strides = [1]} : vector<16xi32> to vector<1xi32>
        %squeeze3A_2774 = vector.extract %slice3A_2773[0] : i32 from vector<1xi32>
        %multiple_of3A_2775 = tpu.assume_multiple %squeeze3A_2774, 128 : i32
        %dma_start3A_2776 = arith.constant 72 : i32
        %dma_start3A_2777 = arith.constant 0 : i32
        %dma_start3A_2778 = tpu.memref_slice %arg8[%dma_start3A_2776, %dma_start3A_2777] : memref<128x128xf32, #tpu.memory_space<vmem>> -> memref<8x128xf32, #tpu.memory_space<vmem>>
        %dma_start3A_2779 = tpu.memref_slice %arg3[%multiple_of3A_2772, %multiple_of3A_2775] : memref<10000x10000xf32, #tpu.memory_space<hbm>> -> memref<8x128xf32, #tpu.memory_space<hbm>>
        %dma_start3A_2780 = arith.constant 72 : i32
        %dma_start3A_2781 = arith.constant 0 : i32
        %dma_start3A_2782 = tpu.memref_slice %arg8[%dma_start3A_2780, %dma_start3A_2781] : memref<128x128xf32, #tpu.memory_space<vmem>> -> memref<8x128xf32, #tpu.memory_space<vmem>>
        %dma_start3A_2783 = tpu.memref_slice %arg3[%multiple_of3A_2772, %multiple_of3A_2775] : memref<10000x10000xf32, #tpu.memory_space<hbm>> -> memref<8x128xf32, #tpu.memory_space<hbm>>
        tpu.enqueue_dma source(%dma_start3A_2783 : memref<8x128xf32, #tpu.memory_space<hbm>>) target(%dma_start3A_2782 : memref<8x128xf32, #tpu.memory_space<vmem>>) target_semaphore(%arg13 : memref<!tpu.dma_semaphore, #tpu.memory_space<semaphore_mem>>)
        %slice3A_2784 = vector.extract_strided_slice %mul3A_2634 {offsets = [10], sizes = [1], strides = [1]} : vector<16xi32> to vector<1xi32>
        %squeeze3A_2785 = vector.extract %slice3A_2784[0] : i32 from vector<1xi32>
        %multiple_of3A_2786 = tpu.assume_multiple %squeeze3A_2785, 8 : i32
        %slice3A_2787 = vector.extract_strided_slice %mul3A_2643 {offsets = [10], sizes = [1], strides = [1]} : vector<16xi32> to vector<1xi32>
        %squeeze3A_2788 = vector.extract %slice3A_2787[0] : i32 from vector<1xi32>
        %multiple_of3A_2789 = tpu.assume_multiple %squeeze3A_2788, 128 : i32
        %dma_start3A_2790 = arith.constant 80 : i32
        %dma_start3A_2791 = arith.constant 0 : i32
        %dma_start3A_2792 = tpu.memref_slice %arg8[%dma_start3A_2790, %dma_start3A_2791] : memref<128x128xf32, #tpu.memory_space<vmem>> -> memref<8x128xf32, #tpu.memory_space<vmem>>
        %dma_start3A_2793 = tpu.memref_slice %arg3[%multiple_of3A_2786, %multiple_of3A_2789] : memref<10000x10000xf32, #tpu.memory_space<hbm>> -> memref<8x128xf32, #tpu.memory_space<hbm>>
        %dma_start3A_2794 = arith.constant 80 : i32
        %dma_start3A_2795 = arith.constant 0 : i32
        %dma_start3A_2796 = tpu.memref_slice %arg8[%dma_start3A_2794, %dma_start3A_2795] : memref<128x128xf32, #tpu.memory_space<vmem>> -> memref<8x128xf32, #tpu.memory_space<vmem>>
        %dma_start3A_2797 = tpu.memref_slice %arg3[%multiple_of3A_2786, %multiple_of3A_2789] : memref<10000x10000xf32, #tpu.memory_space<hbm>> -> memref<8x128xf32, #tpu.memory_space<hbm>>
        tpu.enqueue_dma source(%dma_start3A_2797 : memref<8x128xf32, #tpu.memory_space<hbm>>) target(%dma_start3A_2796 : memref<8x128xf32, #tpu.memory_space<vmem>>) target_semaphore(%arg13 : memref<!tpu.dma_semaphore, #tpu.memory_space<semaphore_mem>>)
        %slice3A_2798 = vector.extract_strided_slice %mul3A_2634 {offsets = [11], sizes = [1], strides = [1]} : vector<16xi32> to vector<1xi32>
        %squeeze3A_2799 = vector.extract %slice3A_2798[0] : i32 from vector<1xi32>
        %multiple_of3A_2800 = tpu.assume_multiple %squeeze3A_2799, 8 : i32
        %slice3A_2801 = vector.extract_strided_slice %mul3A_2643 {offsets = [11], sizes = [1], strides = [1]} : vector<16xi32> to vector<1xi32>
        %squeeze3A_2802 = vector.extract %slice3A_2801[0] : i32 from vector<1xi32>
        %multiple_of3A_2803 = tpu.assume_multiple %squeeze3A_2802, 128 : i32
        %dma_start3A_2804 = arith.constant 88 : i32
        %dma_start3A_2805 = arith.constant 0 : i32
        %dma_start3A_2806 = tpu.memref_slice %arg8[%dma_start3A_2804, %dma_start3A_2805] : memref<128x128xf32, #tpu.memory_space<vmem>> -> memref<8x128xf32, #tpu.memory_space<vmem>>
        %dma_start3A_2807 = tpu.memref_slice %arg3[%multiple_of3A_2800, %multiple_of3A_2803] : memref<10000x10000xf32, #tpu.memory_space<hbm>> -> memref<8x128xf32, #tpu.memory_space<hbm>>
        %dma_start3A_2808 = arith.constant 88 : i32
        %dma_start3A_2809 = arith.constant 0 : i32
        %dma_start3A_2810 = tpu.memref_slice %arg8[%dma_start3A_2808, %dma_start3A_2809] : memref<128x128xf32, #tpu.memory_space<vmem>> -> memref<8x128xf32, #tpu.memory_space<vmem>>
        %dma_start3A_2811 = tpu.memref_slice %arg3[%multiple_of3A_2800, %multiple_of3A_2803] : memref<10000x10000xf32, #tpu.memory_space<hbm>> -> memref<8x128xf32, #tpu.memory_space<hbm>>
        tpu.enqueue_dma source(%dma_start3A_2811 : memref<8x128xf32, #tpu.memory_space<hbm>>) target(%dma_start3A_2810 : memref<8x128xf32, #tpu.memory_space<vmem>>) target_semaphore(%arg13 : memref<!tpu.dma_semaphore, #tpu.memory_space<semaphore_mem>>)
        %slice3A_2812 = vector.extract_strided_slice %mul3A_2634 {offsets = [12], sizes = [1], strides = [1]} : vector<16xi32> to vector<1xi32>
        %squeeze3A_2813 = vector.extract %slice3A_2812[0] : i32 from vector<1xi32>
        %multiple_of3A_2814 = tpu.assume_multiple %squeeze3A_2813, 8 : i32
        %slice3A_2815 = vector.extract_strided_slice %mul3A_2643 {offsets = [12], sizes = [1], strides = [1]} : vector<16xi32> to vector<1xi32>
        %squeeze3A_2816 = vector.extract %slice3A_2815[0] : i32 from vector<1xi32>
        %multiple_of3A_2817 = tpu.assume_multiple %squeeze3A_2816, 128 : i32
        %dma_start3A_2818 = arith.constant 96 : i32
        %dma_start3A_2819 = arith.constant 0 : i32
        %dma_start3A_2820 = tpu.memref_slice %arg8[%dma_start3A_2818, %dma_start3A_2819] : memref<128x128xf32, #tpu.memory_space<vmem>> -> memref<8x128xf32, #tpu.memory_space<vmem>>
        %dma_start3A_2821 = tpu.memref_slice %arg3[%multiple_of3A_2814, %multiple_of3A_2817] : memref<10000x10000xf32, #tpu.memory_space<hbm>> -> memref<8x128xf32, #tpu.memory_space<hbm>>
        %dma_start3A_2822 = arith.constant 96 : i32
        %dma_start3A_2823 = arith.constant 0 : i32
        %dma_start3A_2824 = tpu.memref_slice %arg8[%dma_start3A_2822, %dma_start3A_2823] : memref<128x128xf32, #tpu.memory_space<vmem>> -> memref<8x128xf32, #tpu.memory_space<vmem>>
        %dma_start3A_2825 = tpu.memref_slice %arg3[%multiple_of3A_2814, %multiple_of3A_2817] : memref<10000x10000xf32, #tpu.memory_space<hbm>> -> memref<8x128xf32, #tpu.memory_space<hbm>>
        tpu.enqueue_dma source(%dma_start3A_2825 : memref<8x128xf32, #tpu.memory_space<hbm>>) target(%dma_start3A_2824 : memref<8x128xf32, #tpu.memory_space<vmem>>) target_semaphore(%arg13 : memref<!tpu.dma_semaphore, #tpu.memory_space<semaphore_mem>>)
        %slice3A_2826 = vector.extract_strided_slice %mul3A_2634 {offsets = [13], sizes = [1], strides = [1]} : vector<16xi32> to vector<1xi32>
        %squeeze3A_2827 = vector.extract %slice3A_2826[0] : i32 from vector<1xi32>
        %multiple_of3A_2828 = tpu.assume_multiple %squeeze3A_2827, 8 : i32
        %slice3A_2829 = vector.extract_strided_slice %mul3A_2643 {offsets = [13], sizes = [1], strides = [1]} : vector<16xi32> to vector<1xi32>
        %squeeze3A_2830 = vector.extract %slice3A_2829[0] : i32 from vector<1xi32>
        %multiple_of3A_2831 = tpu.assume_multiple %squeeze3A_2830, 128 : i32
        %dma_start3A_2832 = arith.constant 104 : i32
        %dma_start3A_2833 = arith.constant 0 : i32
        %dma_start3A_2834 = tpu.memref_slice %arg8[%dma_start3A_2832, %dma_start3A_2833] : memref<128x128xf32, #tpu.memory_space<vmem>> -> memref<8x128xf32, #tpu.memory_space<vmem>>
        %dma_start3A_2835 = tpu.memref_slice %arg3[%multiple_of3A_2828, %multiple_of3A_2831] : memref<10000x10000xf32, #tpu.memory_space<hbm>> -> memref<8x128xf32, #tpu.memory_space<hbm>>
        %dma_start3A_2836 = arith.constant 104 : i32
        %dma_start3A_2837 = arith.constant 0 : i32
        %dma_start3A_2838 = tpu.memref_slice %arg8[%dma_start3A_2836, %dma_start3A_2837] : memref<128x128xf32, #tpu.memory_space<vmem>> -> memref<8x128xf32, #tpu.memory_space<vmem>>
        %dma_start3A_2839 = tpu.memref_slice %arg3[%multiple_of3A_2828, %multiple_of3A_2831] : memref<10000x10000xf32, #tpu.memory_space<hbm>> -> memref<8x128xf32, #tpu.memory_space<hbm>>
        tpu.enqueue_dma source(%dma_start3A_2839 : memref<8x128xf32, #tpu.memory_space<hbm>>) target(%dma_start3A_2838 : memref<8x128xf32, #tpu.memory_space<vmem>>) target_semaphore(%arg13 : memref<!tpu.dma_semaphore, #tpu.memory_space<semaphore_mem>>)
        %slice3A_2840 = vector.extract_strided_slice %mul3A_2634 {offsets = [14], sizes = [1], strides = [1]} : vector<16xi32> to vector<1xi32>
        %squeeze3A_2841 = vector.extract %slice3A_2840[0] : i32 from vector<1xi32>
        %multiple_of3A_2842 = tpu.assume_multiple %squeeze3A_2841, 8 : i32
        %slice3A_2843 = vector.extract_strided_slice %mul3A_2643 {offsets = [14], sizes = [1], strides = [1]} : vector<16xi32> to vector<1xi32>
        %squeeze3A_2844 = vector.extract %slice3A_2843[0] : i32 from vector<1xi32>
        %multiple_of3A_2845 = tpu.assume_multiple %squeeze3A_2844, 128 : i32
        %dma_start3A_2846 = arith.constant 112 : i32
        %dma_start3A_2847 = arith.constant 0 : i32
        %dma_start3A_2848 = tpu.memref_slice %arg8[%dma_start3A_2846, %dma_start3A_2847] : memref<128x128xf32, #tpu.memory_space<vmem>> -> memref<8x128xf32, #tpu.memory_space<vmem>>
        %dma_start3A_2849 = tpu.memref_slice %arg3[%multiple_of3A_2842, %multiple_of3A_2845] : memref<10000x10000xf32, #tpu.memory_space<hbm>> -> memref<8x128xf32, #tpu.memory_space<hbm>>
        %dma_start3A_2850 = arith.constant 112 : i32
        %dma_start3A_2851 = arith.constant 0 : i32
        %dma_start3A_2852 = tpu.memref_slice %arg8[%dma_start3A_2850, %dma_start3A_2851] : memref<128x128xf32, #tpu.memory_space<vmem>> -> memref<8x128xf32, #tpu.memory_space<vmem>>
        %dma_start3A_2853 = tpu.memref_slice %arg3[%multiple_of3A_2842, %multiple_of3A_2845] : memref<10000x10000xf32, #tpu.memory_space<hbm>> -> memref<8x128xf32, #tpu.memory_space<hbm>>
        tpu.enqueue_dma source(%dma_start3A_2853 : memref<8x128xf32, #tpu.memory_space<hbm>>) target(%dma_start3A_2852 : memref<8x128xf32, #tpu.memory_space<vmem>>) target_semaphore(%arg13 : memref<!tpu.dma_semaphore, #tpu.memory_space<semaphore_mem>>)
        %slice3A_2854 = vector.extract_strided_slice %mul3A_2634 {offsets = [15], sizes = [1], strides = [1]} : vector<16xi32> to vector<1xi32>
        %squeeze3A_2855 = vector.extract %slice3A_2854[0] : i32 from vector<1xi32>
        %multiple_of3A_2856 = tpu.assume_multiple %squeeze3A_2855, 8 : i32
        %slice3A_2857 = vector.extract_strided_slice %mul3A_2643 {offsets = [15], sizes = [1], strides = [1]} : vector<16xi32> to vector<1xi32>
        %squeeze3A_2858 = vector.extract %slice3A_2857[0] : i32 from vector<1xi32>
        %multiple_of3A_2859 = tpu.assume_multiple %squeeze3A_2858, 128 : i32
        %dma_start3A_2860 = arith.constant 120 : i32
        %dma_start3A_2861 = arith.constant 0 : i32
        %dma_start3A_2862 = tpu.memref_slice %arg8[%dma_start3A_2860, %dma_start3A_2861] : memref<128x128xf32, #tpu.memory_space<vmem>> -> memref<8x128xf32, #tpu.memory_space<vmem>>
        %dma_start3A_2863 = tpu.memref_slice %arg3[%multiple_of3A_2856, %multiple_of3A_2859] : memref<10000x10000xf32, #tpu.memory_space<hbm>> -> memref<8x128xf32, #tpu.memory_space<hbm>>
        %dma_start3A_2864 = arith.constant 120 : i32
        %dma_start3A_2865 = arith.constant 0 : i32
        %dma_start3A_2866 = tpu.memref_slice %arg8[%dma_start3A_2864, %dma_start3A_2865] : memref<128x128xf32, #tpu.memory_space<vmem>> -> memref<8x128xf32, #tpu.memory_space<vmem>>
        %dma_start3A_2867 = tpu.memref_slice %arg3[%multiple_of3A_2856, %multiple_of3A_2859] : memref<10000x10000xf32, #tpu.memory_space<hbm>> -> memref<8x128xf32, #tpu.memory_space<hbm>>
        tpu.enqueue_dma source(%dma_start3A_2867 : memref<8x128xf32, #tpu.memory_space<hbm>>) target(%dma_start3A_2866 : memref<8x128xf32, #tpu.memory_space<vmem>>) target_semaphore(%arg13 : memref<!tpu.dma_semaphore, #tpu.memory_space<semaphore_mem>>)
      } else {
      }
      %dma_wait3A_1804 = arith.constant 0 : i32
      %dma_wait3A_1805 = arith.constant 0 : i32
      %dma_wait3A_1806 = tpu.memref_slice %arg3[%dma_wait3A_1804, %dma_wait3A_1805] : memref<10000x10000xf32, #tpu.memory_space<hbm>> -> memref<128x128xf32, #tpu.memory_space<hbm>>
      %dma_wait3A_1807 = arith.constant 0 : i32
      %dma_wait3A_1808 = arith.constant 0 : i32
      %dma_wait3A_1809 = tpu.memref_slice %arg3[%dma_wait3A_1807, %dma_wait3A_1808] : memref<10000x10000xf32, #tpu.memory_space<hbm>> -> memref<128x128xf32, #tpu.memory_space<hbm>>
      tpu.wait_dma2 semaphore(%arg14 : memref<!tpu.dma_semaphore, #tpu.memory_space<semaphore_mem>>) src(%dma_wait3A_1809 : memref<128x128xf32, #tpu.memory_space<hbm>>) dst(%arg9 : memref<128x128xf32, #tpu.memory_space<vmem>>)
      %add3A_1810 = arith.constant 2 : i32
      %add3A_1811 = arith.addi %mul3A_737, %add3A_1810 : i32
      %mul3A_1812 = arith.constant 16 : i32
      %mul3A_1813 = arith.muli %add3A_1811, %mul3A_1812 : i32
      %multiple_of3A_1814 = tpu.assume_multiple %mul3A_1813, 16 : i32
      %get3A_1815 = arith.index_cast %multiple_of3A_1814 : i32 to index
      %get3A_1816 = tpu.vector_load %arg5[%get3A_1815] {strides = array<i32>} : memref<512xi32, #tpu.memory_space<vmem>>, vector<16xi32>,
      %get3A_1817 = vector.shape_cast %get3A_1816 : vector<16xi32> to vector<16xi32>
      %get3A_1818 = arith.index_cast %multiple_of3A_1814 : i32 to index
      %get3A_1819 = tpu.vector_load %arg6[%get3A_1818] {strides = array<i32>} : memref<512xi32, #tpu.memory_space<vmem>>, vector<16xi32>,
      %get3A_1820 = vector.shape_cast %get3A_1819 : vector<16xi32> to vector<16xi32>
      %broadcast_in_dim3A_1821 = arith.constant 0.000000e+00 : f32
      %broadcast_in_dim3A_1822 = vector.broadcast %broadcast_in_dim3A_1821 : f32 to vector<16xf32>
      %iota3A_1823 = tpu.iota {dimensions = array<i32: 0>} : vector<16xi32>
      %and3A_1824 = arith.constant 15 : i32
      %and3A_1825 = vector.broadcast %and3A_1824 : i32 to vector<16xi32>
      %and3A_1826 = arith.andi %get3A_1820, %and3A_1825 : vector<16xi32>
      %mul3A_1827 = arith.constant 8 : i32
      %mul3A_1828 = vector.broadcast %mul3A_1827 : i32 to vector<16xi32>
      %mul3A_1829 = arith.muli %iota3A_1823, %mul3A_1828 : vector<16xi32>
      %and3A_1830 = arith.constant 7 : i32
      %and3A_1831 = vector.broadcast %and3A_1830 : i32 to vector<16xi32>
      %and3A_1832 = arith.andi %get3A_1817, %and3A_1831 : vector<16xi32>
      %add3A_1833 = arith.addi %mul3A_1829, %and3A_1832 : vector<16xi32>
      %and3A_1834 = arith.constant 112 : i32
      %and3A_1835 = vector.broadcast %and3A_1834 : i32 to vector<16xi32>
      %and3A_1836 = arith.andi %get3A_1820, %and3A_1835 : vector<16xi32>
      %slice3A_1837 = vector.extract_strided_slice %add3A_1833 {offsets = [0], sizes = [1], strides = [1]} : vector<16xi32> to vector<1xi32>
      %squeeze3A_1838 = vector.extract %slice3A_1837[0] : i32 from vector<1xi32>
      %slice3A_1839 = vector.extract_strided_slice %and3A_1836 {offsets = [0], sizes = [1], strides = [1]} : vector<16xi32> to vector<1xi32>
      %squeeze3A_1840 = vector.extract %slice3A_1839[0] : i32 from vector<1xi32>
      %multiple_of3A_1841 = tpu.assume_multiple %squeeze3A_1840, 16 : i32
      %get3A_1842 = arith.index_cast %squeeze3A_1838 : i32 to index
      %get3A_1843 = arith.index_cast %multiple_of3A_1841 : i32 to index
      %get3A_1844 = tpu.vector_load %arg9[%get3A_1842, %get3A_1843] {strides = array<i32>} : memref<128x128xf32, #tpu.memory_space<vmem>>, vector<1x16xf32>,
      %get3A_1845 = vector.shape_cast %get3A_1844 : vector<1x16xf32> to vector<16xf32>
      %lt3A_1846 = arith.constant 0 : i32
      %lt3A_1847 = vector.broadcast %lt3A_1846 : i32 to vector<16xi32>
      %lt3A_1848 = arith.cmpi slt, %and3A_1826, %lt3A_1847 : vector<16xi32>
      %add3A_1849 = arith.constant 16 : i32
      %add3A_1850 = vector.broadcast %add3A_1849 : i32 to vector<16xi32>
      %add3A_1851 = arith.addi %and3A_1826, %add3A_1850 : vector<16xi32>
      %select_n3A_1852 = arith.select %lt3A_1848, %add3A_1851, %and3A_1826 : vector<16xi1>, vector<16xi32>
      %broadcast_in_dim3A_1853 = vector.shape_cast %select_n3A_1852 : vector<16xi32> to vector<16x1xi32>
      %gather3A_1854 = vector.shape_cast %broadcast_in_dim3A_1853 : vector<16x1xi32> to vector<16xi32>
      %gather3A_1855 = tpu.dynamic_gather %get3A_1845[%gather3A_1854] in [0] : vector<16xf32>, vector<16xi32> -> vector<16xf32>
      %eq3A_1856 = arith.constant 0 : i32
      %eq3A_1857 = vector.broadcast %eq3A_1856 : i32 to vector<16xi32>
      %eq3A_1858 = arith.cmpi eq, %iota3A_1823, %eq3A_1857 : vector<16xi32>
      %select_n3A_1859 = arith.select %eq3A_1858, %gather3A_1855, %broadcast_in_dim3A_1822 : vector<16xi1>, vector<16xf32>
      %slice3A_1860 = vector.extract_strided_slice %add3A_1833 {offsets = [1], sizes = [1], strides = [1]} : vector<16xi32> to vector<1xi32>
      %squeeze3A_1861 = vector.extract %slice3A_1860[0] : i32 from vector<1xi32>
      %slice3A_1862 = vector.extract_strided_slice %and3A_1836 {offsets = [1], sizes = [1], strides = [1]} : vector<16xi32> to vector<1xi32>
      %squeeze3A_1863 = vector.extract %slice3A_1862[0] : i32 from vector<1xi32>
      %multiple_of3A_1864 = tpu.assume_multiple %squeeze3A_1863, 16 : i32
      %get3A_1865 = arith.index_cast %squeeze3A_1861 : i32 to index
      %get3A_1866 = arith.index_cast %multiple_of3A_1864 : i32 to index
      %get3A_1867 = tpu.vector_load %arg9[%get3A_1865, %get3A_1866] {strides = array<i32>} : memref<128x128xf32, #tpu.memory_space<vmem>>, vector<1x16xf32>,
      %get3A_1868 = vector.shape_cast %get3A_1867 : vector<1x16xf32> to vector<16xf32>
      %lt3A_1869 = arith.constant 0 : i32
      %lt3A_1870 = vector.broadcast %lt3A_1869 : i32 to vector<16xi32>
      %lt3A_1871 = arith.cmpi slt, %and3A_1826, %lt3A_1870 : vector<16xi32>
      %add3A_1872 = arith.constant 16 : i32
      %add3A_1873 = vector.broadcast %add3A_1872 : i32 to vector<16xi32>
      %add3A_1874 = arith.addi %and3A_1826, %add3A_1873 : vector<16xi32>
      %select_n3A_1875 = arith.select %lt3A_1871, %add3A_1874, %and3A_1826 : vector<16xi1>, vector<16xi32>
      %broadcast_in_dim3A_1876 = vector.shape_cast %select_n3A_1875 : vector<16xi32> to vector<16x1xi32>
      %gather3A_1877 = vector.shape_cast %broadcast_in_dim3A_1876 : vector<16x1xi32> to vector<16xi32>
      %gather3A_1878 = tpu.dynamic_gather %get3A_1868[%gather3A_1877] in [0] : vector<16xf32>, vector<16xi32> -> vector<16xf32>
      %eq3A_1879 = arith.constant 1 : i32
      %eq3A_1880 = vector.broadcast %eq3A_1879 : i32 to vector<16xi32>
      %eq3A_1881 = arith.cmpi eq, %iota3A_1823, %eq3A_1880 : vector<16xi32>
      %select_n3A_1882 = arith.select %eq3A_1881, %gather3A_1878, %select_n3A_1859 : vector<16xi1>, vector<16xf32>
      %slice3A_1883 = vector.extract_strided_slice %add3A_1833 {offsets = [2], sizes = [1], strides = [1]} : vector<16xi32> to vector<1xi32>
      %squeeze3A_1884 = vector.extract %slice3A_1883[0] : i32 from vector<1xi32>
      %slice3A_1885 = vector.extract_strided_slice %and3A_1836 {offsets = [2], sizes = [1], strides = [1]} : vector<16xi32> to vector<1xi32>
      %squeeze3A_1886 = vector.extract %slice3A_1885[0] : i32 from vector<1xi32>
      %multiple_of3A_1887 = tpu.assume_multiple %squeeze3A_1886, 16 : i32
      %get3A_1888 = arith.index_cast %squeeze3A_1884 : i32 to index
      %get3A_1889 = arith.index_cast %multiple_of3A_1887 : i32 to index
      %get3A_1890 = tpu.vector_load %arg9[%get3A_1888, %get3A_1889] {strides = array<i32>} : memref<128x128xf32, #tpu.memory_space<vmem>>, vector<1x16xf32>,
      %get3A_1891 = vector.shape_cast %get3A_1890 : vector<1x16xf32> to vector<16xf32>
      %lt3A_1892 = arith.constant 0 : i32
      %lt3A_1893 = vector.broadcast %lt3A_1892 : i32 to vector<16xi32>
      %lt3A_1894 = arith.cmpi slt, %and3A_1826, %lt3A_1893 : vector<16xi32>
      %add3A_1895 = arith.constant 16 : i32
      %add3A_1896 = vector.broadcast %add3A_1895 : i32 to vector<16xi32>
      %add3A_1897 = arith.addi %and3A_1826, %add3A_1896 : vector<16xi32>
      %select_n3A_1898 = arith.select %lt3A_1894, %add3A_1897, %and3A_1826 : vector<16xi1>, vector<16xi32>
      %broadcast_in_dim3A_1899 = vector.shape_cast %select_n3A_1898 : vector<16xi32> to vector<16x1xi32>
      %gather3A_1900 = vector.shape_cast %broadcast_in_dim3A_1899 : vector<16x1xi32> to vector<16xi32>
      %gather3A_1901 = tpu.dynamic_gather %get3A_1891[%gather3A_1900] in [0] : vector<16xf32>, vector<16xi32> -> vector<16xf32>
      %eq3A_1902 = arith.constant 2 : i32
      %eq3A_1903 = vector.broadcast %eq3A_1902 : i32 to vector<16xi32>
      %eq3A_1904 = arith.cmpi eq, %iota3A_1823, %eq3A_1903 : vector<16xi32>
      %select_n3A_1905 = arith.select %eq3A_1904, %gather3A_1901, %select_n3A_1882 : vector<16xi1>, vector<16xf32>
      %slice3A_1906 = vector.extract_strided_slice %add3A_1833 {offsets = [3], sizes = [1], strides = [1]} : vector<16xi32> to vector<1xi32>
      %squeeze3A_1907 = vector.extract %slice3A_1906[0] : i32 from vector<1xi32>
      %slice3A_1908 = vector.extract_strided_slice %and3A_1836 {offsets = [3], sizes = [1], strides = [1]} : vector<16xi32> to vector<1xi32>
      %squeeze3A_1909 = vector.extract %slice3A_1908[0] : i32 from vector<1xi32>
      %multiple_of3A_1910 = tpu.assume_multiple %squeeze3A_1909, 16 : i32
      %get3A_1911 = arith.index_cast %squeeze3A_1907 : i32 to index
      %get3A_1912 = arith.index_cast %multiple_of3A_1910 : i32 to index
      %get3A_1913 = tpu.vector_load %arg9[%get3A_1911, %get3A_1912] {strides = array<i32>} : memref<128x128xf32, #tpu.memory_space<vmem>>, vector<1x16xf32>,
      %get3A_1914 = vector.shape_cast %get3A_1913 : vector<1x16xf32> to vector<16xf32>
      %lt3A_1915 = arith.constant 0 : i32
      %lt3A_1916 = vector.broadcast %lt3A_1915 : i32 to vector<16xi32>
      %lt3A_1917 = arith.cmpi slt, %and3A_1826, %lt3A_1916 : vector<16xi32>
      %add3A_1918 = arith.constant 16 : i32
      %add3A_1919 = vector.broadcast %add3A_1918 : i32 to vector<16xi32>
      %add3A_1920 = arith.addi %and3A_1826, %add3A_1919 : vector<16xi32>
      %select_n3A_1921 = arith.select %lt3A_1917, %add3A_1920, %and3A_1826 : vector<16xi1>, vector<16xi32>
      %broadcast_in_dim3A_1922 = vector.shape_cast %select_n3A_1921 : vector<16xi32> to vector<16x1xi32>
      %gather3A_1923 = vector.shape_cast %broadcast_in_dim3A_1922 : vector<16x1xi32> to vector<16xi32>
      %gather3A_1924 = tpu.dynamic_gather %get3A_1914[%gather3A_1923] in [0] : vector<16xf32>, vector<16xi32> -> vector<16xf32>
      %eq3A_1925 = arith.constant 3 : i32
      %eq3A_1926 = vector.broadcast %eq3A_1925 : i32 to vector<16xi32>
      %eq3A_1927 = arith.cmpi eq, %iota3A_1823, %eq3A_1926 : vector<16xi32>
      %select_n3A_1928 = arith.select %eq3A_1927, %gather3A_1924, %select_n3A_1905 : vector<16xi1>, vector<16xf32>
      %slice3A_1929 = vector.extract_strided_slice %add3A_1833 {offsets = [4], sizes = [1], strides = [1]} : vector<16xi32> to vector<1xi32>
      %squeeze3A_1930 = vector.extract %slice3A_1929[0] : i32 from vector<1xi32>
      %slice3A_1931 = vector.extract_strided_slice %and3A_1836 {offsets = [4], sizes = [1], strides = [1]} : vector<16xi32> to vector<1xi32>
      %squeeze3A_1932 = vector.extract %slice3A_1931[0] : i32 from vector<1xi32>
      %multiple_of3A_1933 = tpu.assume_multiple %squeeze3A_1932, 16 : i32
      %get3A_1934 = arith.index_cast %squeeze3A_1930 : i32 to index
      %get3A_1935 = arith.index_cast %multiple_of3A_1933 : i32 to index
      %get3A_1936 = tpu.vector_load %arg9[%get3A_1934, %get3A_1935] {strides = array<i32>} : memref<128x128xf32, #tpu.memory_space<vmem>>, vector<1x16xf32>,
      %get3A_1937 = vector.shape_cast %get3A_1936 : vector<1x16xf32> to vector<16xf32>
      %lt3A_1938 = arith.constant 0 : i32
      %lt3A_1939 = vector.broadcast %lt3A_1938 : i32 to vector<16xi32>
      %lt3A_1940 = arith.cmpi slt, %and3A_1826, %lt3A_1939 : vector<16xi32>
      %add3A_1941 = arith.constant 16 : i32
      %add3A_1942 = vector.broadcast %add3A_1941 : i32 to vector<16xi32>
      %add3A_1943 = arith.addi %and3A_1826, %add3A_1942 : vector<16xi32>
      %select_n3A_1944 = arith.select %lt3A_1940, %add3A_1943, %and3A_1826 : vector<16xi1>, vector<16xi32>
      %broadcast_in_dim3A_1945 = vector.shape_cast %select_n3A_1944 : vector<16xi32> to vector<16x1xi32>
      %gather3A_1946 = vector.shape_cast %broadcast_in_dim3A_1945 : vector<16x1xi32> to vector<16xi32>
      %gather3A_1947 = tpu.dynamic_gather %get3A_1937[%gather3A_1946] in [0] : vector<16xf32>, vector<16xi32> -> vector<16xf32>
      %eq3A_1948 = arith.constant 4 : i32
      %eq3A_1949 = vector.broadcast %eq3A_1948 : i32 to vector<16xi32>
      %eq3A_1950 = arith.cmpi eq, %iota3A_1823, %eq3A_1949 : vector<16xi32>
      %select_n3A_1951 = arith.select %eq3A_1950, %gather3A_1947, %select_n3A_1928 : vector<16xi1>, vector<16xf32>
      %slice3A_1952 = vector.extract_strided_slice %add3A_1833 {offsets = [5], sizes = [1], strides = [1]} : vector<16xi32> to vector<1xi32>
      %squeeze3A_1953 = vector.extract %slice3A_1952[0] : i32 from vector<1xi32>
      %slice3A_1954 = vector.extract_strided_slice %and3A_1836 {offsets = [5], sizes = [1], strides = [1]} : vector<16xi32> to vector<1xi32>
      %squeeze3A_1955 = vector.extract %slice3A_1954[0] : i32 from vector<1xi32>
      %multiple_of3A_1956 = tpu.assume_multiple %squeeze3A_1955, 16 : i32
      %get3A_1957 = arith.index_cast %squeeze3A_1953 : i32 to index
      %get3A_1958 = arith.index_cast %multiple_of3A_1956 : i32 to index
      %get3A_1959 = tpu.vector_load %arg9[%get3A_1957, %get3A_1958] {strides = array<i32>} : memref<128x128xf32, #tpu.memory_space<vmem>>, vector<1x16xf32>,
      %get3A_1960 = vector.shape_cast %get3A_1959 : vector<1x16xf32> to vector<16xf32>
      %lt3A_1961 = arith.constant 0 : i32
      %lt3A_1962 = vector.broadcast %lt3A_1961 : i32 to vector<16xi32>
      %lt3A_1963 = arith.cmpi slt, %and3A_1826, %lt3A_1962 : vector<16xi32>
      %add3A_1964 = arith.constant 16 : i32
      %add3A_1965 = vector.broadcast %add3A_1964 : i32 to vector<16xi32>
      %add3A_1966 = arith.addi %and3A_1826, %add3A_1965 : vector<16xi32>
      %select_n3A_1967 = arith.select %lt3A_1963, %add3A_1966, %and3A_1826 : vector<16xi1>, vector<16xi32>
      %broadcast_in_dim3A_1968 = vector.shape_cast %select_n3A_1967 : vector<16xi32> to vector<16x1xi32>
      %gather3A_1969 = vector.shape_cast %broadcast_in_dim3A_1968 : vector<16x1xi32> to vector<16xi32>
      %gather3A_1970 = tpu.dynamic_gather %get3A_1960[%gather3A_1969] in [0] : vector<16xf32>, vector<16xi32> -> vector<16xf32>
      %eq3A_1971 = arith.constant 5 : i32
      %eq3A_1972 = vector.broadcast %eq3A_1971 : i32 to vector<16xi32>
      %eq3A_1973 = arith.cmpi eq, %iota3A_1823, %eq3A_1972 : vector<16xi32>
      %select_n3A_1974 = arith.select %eq3A_1973, %gather3A_1970, %select_n3A_1951 : vector<16xi1>, vector<16xf32>
      %slice3A_1975 = vector.extract_strided_slice %add3A_1833 {offsets = [6], sizes = [1], strides = [1]} : vector<16xi32> to vector<1xi32>
      %squeeze3A_1976 = vector.extract %slice3A_1975[0] : i32 from vector<1xi32>
      %slice3A_1977 = vector.extract_strided_slice %and3A_1836 {offsets = [6], sizes = [1], strides = [1]} : vector<16xi32> to vector<1xi32>
      %squeeze3A_1978 = vector.extract %slice3A_1977[0] : i32 from vector<1xi32>
      %multiple_of3A_1979 = tpu.assume_multiple %squeeze3A_1978, 16 : i32
      %get3A_1980 = arith.index_cast %squeeze3A_1976 : i32 to index
      %get3A_1981 = arith.index_cast %multiple_of3A_1979 : i32 to index
      %get3A_1982 = tpu.vector_load %arg9[%get3A_1980, %get3A_1981] {strides = array<i32>} : memref<128x128xf32, #tpu.memory_space<vmem>>, vector<1x16xf32>,
      %get3A_1983 = vector.shape_cast %get3A_1982 : vector<1x16xf32> to vector<16xf32>
      %lt3A_1984 = arith.constant 0 : i32
      %lt3A_1985 = vector.broadcast %lt3A_1984 : i32 to vector<16xi32>
      %lt3A_1986 = arith.cmpi slt, %and3A_1826, %lt3A_1985 : vector<16xi32>
      %add3A_1987 = arith.constant 16 : i32
      %add3A_1988 = vector.broadcast %add3A_1987 : i32 to vector<16xi32>
      %add3A_1989 = arith.addi %and3A_1826, %add3A_1988 : vector<16xi32>
      %select_n3A_1990 = arith.select %lt3A_1986, %add3A_1989, %and3A_1826 : vector<16xi1>, vector<16xi32>
      %broadcast_in_dim3A_1991 = vector.shape_cast %select_n3A_1990 : vector<16xi32> to vector<16x1xi32>
      %gather3A_1992 = vector.shape_cast %broadcast_in_dim3A_1991 : vector<16x1xi32> to vector<16xi32>
      %gather3A_1993 = tpu.dynamic_gather %get3A_1983[%gather3A_1992] in [0] : vector<16xf32>, vector<16xi32> -> vector<16xf32>
      %eq3A_1994 = arith.constant 6 : i32
      %eq3A_1995 = vector.broadcast %eq3A_1994 : i32 to vector<16xi32>
      %eq3A_1996 = arith.cmpi eq, %iota3A_1823, %eq3A_1995 : vector<16xi32>
      %select_n3A_1997 = arith.select %eq3A_1996, %gather3A_1993, %select_n3A_1974 : vector<16xi1>, vector<16xf32>
      %slice3A_1998 = vector.extract_strided_slice %add3A_1833 {offsets = [7], sizes = [1], strides = [1]} : vector<16xi32> to vector<1xi32>
      %squeeze3A_1999 = vector.extract %slice3A_1998[0] : i32 from vector<1xi32>
      %slice3A_2000 = vector.extract_strided_slice %and3A_1836 {offsets = [7], sizes = [1], strides = [1]} : vector<16xi32> to vector<1xi32>
      %squeeze3A_2001 = vector.extract %slice3A_2000[0] : i32 from vector<1xi32>
      %multiple_of3A_2002 = tpu.assume_multiple %squeeze3A_2001, 16 : i32
      %get3A_2003 = arith.index_cast %squeeze3A_1999 : i32 to index
      %get3A_2004 = arith.index_cast %multiple_of3A_2002 : i32 to index
      %get3A_2005 = tpu.vector_load %arg9[%get3A_2003, %get3A_2004] {strides = array<i32>} : memref<128x128xf32, #tpu.memory_space<vmem>>, vector<1x16xf32>,
      %get3A_2006 = vector.shape_cast %get3A_2005 : vector<1x16xf32> to vector<16xf32>
      %lt3A_2007 = arith.constant 0 : i32
      %lt3A_2008 = vector.broadcast %lt3A_2007 : i32 to vector<16xi32>
      %lt3A_2009 = arith.cmpi slt, %and3A_1826, %lt3A_2008 : vector<16xi32>
      %add3A_2010 = arith.constant 16 : i32
      %add3A_2011 = vector.broadcast %add3A_2010 : i32 to vector<16xi32>
      %add3A_2012 = arith.addi %and3A_1826, %add3A_2011 : vector<16xi32>
      %select_n3A_2013 = arith.select %lt3A_2009, %add3A_2012, %and3A_1826 : vector<16xi1>, vector<16xi32>
      %broadcast_in_dim3A_2014 = vector.shape_cast %select_n3A_2013 : vector<16xi32> to vector<16x1xi32>
      %gather3A_2015 = vector.shape_cast %broadcast_in_dim3A_2014 : vector<16x1xi32> to vector<16xi32>
      %gather3A_2016 = tpu.dynamic_gather %get3A_2006[%gather3A_2015] in [0] : vector<16xf32>, vector<16xi32> -> vector<16xf32>
      %eq3A_2017 = arith.constant 7 : i32
      %eq3A_2018 = vector.broadcast %eq3A_2017 : i32 to vector<16xi32>
      %eq3A_2019 = arith.cmpi eq, %iota3A_1823, %eq3A_2018 : vector<16xi32>
      %select_n3A_2020 = arith.select %eq3A_2019, %gather3A_2016, %select_n3A_1997 : vector<16xi1>, vector<16xf32>
      %slice3A_2021 = vector.extract_strided_slice %add3A_1833 {offsets = [8], sizes = [1], strides = [1]} : vector<16xi32> to vector<1xi32>
      %squeeze3A_2022 = vector.extract %slice3A_2021[0] : i32 from vector<1xi32>
      %slice3A_2023 = vector.extract_strided_slice %and3A_1836 {offsets = [8], sizes = [1], strides = [1]} : vector<16xi32> to vector<1xi32>
      %squeeze3A_2024 = vector.extract %slice3A_2023[0] : i32 from vector<1xi32>
      %multiple_of3A_2025 = tpu.assume_multiple %squeeze3A_2024, 16 : i32
      %get3A_2026 = arith.index_cast %squeeze3A_2022 : i32 to index
      %get3A_2027 = arith.index_cast %multiple_of3A_2025 : i32 to index
      %get3A_2028 = tpu.vector_load %arg9[%get3A_2026, %get3A_2027] {strides = array<i32>} : memref<128x128xf32, #tpu.memory_space<vmem>>, vector<1x16xf32>,
      %get3A_2029 = vector.shape_cast %get3A_2028 : vector<1x16xf32> to vector<16xf32>
      %lt3A_2030 = arith.constant 0 : i32
      %lt3A_2031 = vector.broadcast %lt3A_2030 : i32 to vector<16xi32>
      %lt3A_2032 = arith.cmpi slt, %and3A_1826, %lt3A_2031 : vector<16xi32>
      %add3A_2033 = arith.constant 16 : i32
      %add3A_2034 = vector.broadcast %add3A_2033 : i32 to vector<16xi32>
      %add3A_2035 = arith.addi %and3A_1826, %add3A_2034 : vector<16xi32>
      %select_n3A_2036 = arith.select %lt3A_2032, %add3A_2035, %and3A_1826 : vector<16xi1>, vector<16xi32>
      %broadcast_in_dim3A_2037 = vector.shape_cast %select_n3A_2036 : vector<16xi32> to vector<16x1xi32>
      %gather3A_2038 = vector.shape_cast %broadcast_in_dim3A_2037 : vector<16x1xi32> to vector<16xi32>
      %gather3A_2039 = tpu.dynamic_gather %get3A_2029[%gather3A_2038] in [0] : vector<16xf32>, vector<16xi32> -> vector<16xf32>
      %eq3A_2040 = arith.constant 8 : i32
      %eq3A_2041 = vector.broadcast %eq3A_2040 : i32 to vector<16xi32>
      %eq3A_2042 = arith.cmpi eq, %iota3A_1823, %eq3A_2041 : vector<16xi32>
      %select_n3A_2043 = arith.select %eq3A_2042, %gather3A_2039, %select_n3A_2020 : vector<16xi1>, vector<16xf32>
      %slice3A_2044 = vector.extract_strided_slice %add3A_1833 {offsets = [9], sizes = [1], strides = [1]} : vector<16xi32> to vector<1xi32>
      %squeeze3A_2045 = vector.extract %slice3A_2044[0] : i32 from vector<1xi32>
      %slice3A_2046 = vector.extract_strided_slice %and3A_1836 {offsets = [9], sizes = [1], strides = [1]} : vector<16xi32> to vector<1xi32>
      %squeeze3A_2047 = vector.extract %slice3A_2046[0] : i32 from vector<1xi32>
      %multiple_of3A_2048 = tpu.assume_multiple %squeeze3A_2047, 16 : i32
      %get3A_2049 = arith.index_cast %squeeze3A_2045 : i32 to index
      %get3A_2050 = arith.index_cast %multiple_of3A_2048 : i32 to index
      %get3A_2051 = tpu.vector_load %arg9[%get3A_2049, %get3A_2050] {strides = array<i32>} : memref<128x128xf32, #tpu.memory_space<vmem>>, vector<1x16xf32>,
      %get3A_2052 = vector.shape_cast %get3A_2051 : vector<1x16xf32> to vector<16xf32>
      %lt3A_2053 = arith.constant 0 : i32
      %lt3A_2054 = vector.broadcast %lt3A_2053 : i32 to vector<16xi32>
      %lt3A_2055 = arith.cmpi slt, %and3A_1826, %lt3A_2054 : vector<16xi32>
      %add3A_2056 = arith.constant 16 : i32
      %add3A_2057 = vector.broadcast %add3A_2056 : i32 to vector<16xi32>
      %add3A_2058 = arith.addi %and3A_1826, %add3A_2057 : vector<16xi32>
      %select_n3A_2059 = arith.select %lt3A_2055, %add3A_2058, %and3A_1826 : vector<16xi1>, vector<16xi32>
      %broadcast_in_dim3A_2060 = vector.shape_cast %select_n3A_2059 : vector<16xi32> to vector<16x1xi32>
      %gather3A_2061 = vector.shape_cast %broadcast_in_dim3A_2060 : vector<16x1xi32> to vector<16xi32>
      %gather3A_2062 = tpu.dynamic_gather %get3A_2052[%gather3A_2061] in [0] : vector<16xf32>, vector<16xi32> -> vector<16xf32>
      %eq3A_2063 = arith.constant 9 : i32
      %eq3A_2064 = vector.broadcast %eq3A_2063 : i32 to vector<16xi32>
      %eq3A_2065 = arith.cmpi eq, %iota3A_1823, %eq3A_2064 : vector<16xi32>
      %select_n3A_2066 = arith.select %eq3A_2065, %gather3A_2062, %select_n3A_2043 : vector<16xi1>, vector<16xf32>
      %slice3A_2067 = vector.extract_strided_slice %add3A_1833 {offsets = [10], sizes = [1], strides = [1]} : vector<16xi32> to vector<1xi32>
      %squeeze3A_2068 = vector.extract %slice3A_2067[0] : i32 from vector<1xi32>
      %slice3A_2069 = vector.extract_strided_slice %and3A_1836 {offsets = [10], sizes = [1], strides = [1]} : vector<16xi32> to vector<1xi32>
      %squeeze3A_2070 = vector.extract %slice3A_2069[0] : i32 from vector<1xi32>
      %multiple_of3A_2071 = tpu.assume_multiple %squeeze3A_2070, 16 : i32
      %get3A_2072 = arith.index_cast %squeeze3A_2068 : i32 to index
      %get3A_2073 = arith.index_cast %multiple_of3A_2071 : i32 to index
      %get3A_2074 = tpu.vector_load %arg9[%get3A_2072, %get3A_2073] {strides = array<i32>} : memref<128x128xf32, #tpu.memory_space<vmem>>, vector<1x16xf32>,
      %get3A_2075 = vector.shape_cast %get3A_2074 : vector<1x16xf32> to vector<16xf32>
      %lt3A_2076 = arith.constant 0 : i32
      %lt3A_2077 = vector.broadcast %lt3A_2076 : i32 to vector<16xi32>
      %lt3A_2078 = arith.cmpi slt, %and3A_1826, %lt3A_2077 : vector<16xi32>
      %add3A_2079 = arith.constant 16 : i32
      %add3A_2080 = vector.broadcast %add3A_2079 : i32 to vector<16xi32>
      %add3A_2081 = arith.addi %and3A_1826, %add3A_2080 : vector<16xi32>
      %select_n3A_2082 = arith.select %lt3A_2078, %add3A_2081, %and3A_1826 : vector<16xi1>, vector<16xi32>
      %broadcast_in_dim3A_2083 = vector.shape_cast %select_n3A_2082 : vector<16xi32> to vector<16x1xi32>
      %gather3A_2084 = vector.shape_cast %broadcast_in_dim3A_2083 : vector<16x1xi32> to vector<16xi32>
      %gather3A_2085 = tpu.dynamic_gather %get3A_2075[%gather3A_2084] in [0] : vector<16xf32>, vector<16xi32> -> vector<16xf32>
      %eq3A_2086 = arith.constant 10 : i32
      %eq3A_2087 = vector.broadcast %eq3A_2086 : i32 to vector<16xi32>
      %eq3A_2088 = arith.cmpi eq, %iota3A_1823, %eq3A_2087 : vector<16xi32>
      %select_n3A_2089 = arith.select %eq3A_2088, %gather3A_2085, %select_n3A_2066 : vector<16xi1>, vector<16xf32>
      %slice3A_2090 = vector.extract_strided_slice %add3A_1833 {offsets = [11], sizes = [1], strides = [1]} : vector<16xi32> to vector<1xi32>
      %squeeze3A_2091 = vector.extract %slice3A_2090[0] : i32 from vector<1xi32>
      %slice3A_2092 = vector.extract_strided_slice %and3A_1836 {offsets = [11], sizes = [1], strides = [1]} : vector<16xi32> to vector<1xi32>
      %squeeze3A_2093 = vector.extract %slice3A_2092[0] : i32 from vector<1xi32>
      %multiple_of3A_2094 = tpu.assume_multiple %squeeze3A_2093, 16 : i32
      %get3A_2095 = arith.index_cast %squeeze3A_2091 : i32 to index
      %get3A_2096 = arith.index_cast %multiple_of3A_2094 : i32 to index
      %get3A_2097 = tpu.vector_load %arg9[%get3A_2095, %get3A_2096] {strides = array<i32>} : memref<128x128xf32, #tpu.memory_space<vmem>>, vector<1x16xf32>,
      %get3A_2098 = vector.shape_cast %get3A_2097 : vector<1x16xf32> to vector<16xf32>
      %lt3A_2099 = arith.constant 0 : i32
      %lt3A_2100 = vector.broadcast %lt3A_2099 : i32 to vector<16xi32>
      %lt3A_2101 = arith.cmpi slt, %and3A_1826, %lt3A_2100 : vector<16xi32>
      %add3A_2102 = arith.constant 16 : i32
      %add3A_2103 = vector.broadcast %add3A_2102 : i32 to vector<16xi32>
      %add3A_2104 = arith.addi %and3A_1826, %add3A_2103 : vector<16xi32>
      %select_n3A_2105 = arith.select %lt3A_2101, %add3A_2104, %and3A_1826 : vector<16xi1>, vector<16xi32>
      %broadcast_in_dim3A_2106 = vector.shape_cast %select_n3A_2105 : vector<16xi32> to vector<16x1xi32>
      %gather3A_2107 = vector.shape_cast %broadcast_in_dim3A_2106 : vector<16x1xi32> to vector<16xi32>
      %gather3A_2108 = tpu.dynamic_gather %get3A_2098[%gather3A_2107] in [0] : vector<16xf32>, vector<16xi32> -> vector<16xf32>
      %eq3A_2109 = arith.constant 11 : i32
      %eq3A_2110 = vector.broadcast %eq3A_2109 : i32 to vector<16xi32>
      %eq3A_2111 = arith.cmpi eq, %iota3A_1823, %eq3A_2110 : vector<16xi32>
      %select_n3A_2112 = arith.select %eq3A_2111, %gather3A_2108, %select_n3A_2089 : vector<16xi1>, vector<16xf32>
      %slice3A_2113 = vector.extract_strided_slice %add3A_1833 {offsets = [12], sizes = [1], strides = [1]} : vector<16xi32> to vector<1xi32>
      %squeeze3A_2114 = vector.extract %slice3A_2113[0] : i32 from vector<1xi32>
      %slice3A_2115 = vector.extract_strided_slice %and3A_1836 {offsets = [12], sizes = [1], strides = [1]} : vector<16xi32> to vector<1xi32>
      %squeeze3A_2116 = vector.extract %slice3A_2115[0] : i32 from vector<1xi32>
      %multiple_of3A_2117 = tpu.assume_multiple %squeeze3A_2116, 16 : i32
      %get3A_2118 = arith.index_cast %squeeze3A_2114 : i32 to index
      %get3A_2119 = arith.index_cast %multiple_of3A_2117 : i32 to index
      %get3A_2120 = tpu.vector_load %arg9[%get3A_2118, %get3A_2119] {strides = array<i32>} : memref<128x128xf32, #tpu.memory_space<vmem>>, vector<1x16xf32>,
      %get3A_2121 = vector.shape_cast %get3A_2120 : vector<1x16xf32> to vector<16xf32>
      %lt3A_2122 = arith.constant 0 : i32
      %lt3A_2123 = vector.broadcast %lt3A_2122 : i32 to vector<16xi32>
      %lt3A_2124 = arith.cmpi slt, %and3A_1826, %lt3A_2123 : vector<16xi32>
      %add3A_2125 = arith.constant 16 : i32
      %add3A_2126 = vector.broadcast %add3A_2125 : i32 to vector<16xi32>
      %add3A_2127 = arith.addi %and3A_1826, %add3A_2126 : vector<16xi32>
      %select_n3A_2128 = arith.select %lt3A_2124, %add3A_2127, %and3A_1826 : vector<16xi1>, vector<16xi32>
      %broadcast_in_dim3A_2129 = vector.shape_cast %select_n3A_2128 : vector<16xi32> to vector<16x1xi32>
      %gather3A_2130 = vector.shape_cast %broadcast_in_dim3A_2129 : vector<16x1xi32> to vector<16xi32>
      %gather3A_2131 = tpu.dynamic_gather %get3A_2121[%gather3A_2130] in [0] : vector<16xf32>, vector<16xi32> -> vector<16xf32>
      %eq3A_2132 = arith.constant 12 : i32
      %eq3A_2133 = vector.broadcast %eq3A_2132 : i32 to vector<16xi32>
      %eq3A_2134 = arith.cmpi eq, %iota3A_1823, %eq3A_2133 : vector<16xi32>
      %select_n3A_2135 = arith.select %eq3A_2134, %gather3A_2131, %select_n3A_2112 : vector<16xi1>, vector<16xf32>
      %slice3A_2136 = vector.extract_strided_slice %add3A_1833 {offsets = [13], sizes = [1], strides = [1]} : vector<16xi32> to vector<1xi32>
      %squeeze3A_2137 = vector.extract %slice3A_2136[0] : i32 from vector<1xi32>
      %slice3A_2138 = vector.extract_strided_slice %and3A_1836 {offsets = [13], sizes = [1], strides = [1]} : vector<16xi32> to vector<1xi32>
      %squeeze3A_2139 = vector.extract %slice3A_2138[0] : i32 from vector<1xi32>
      %multiple_of3A_2140 = tpu.assume_multiple %squeeze3A_2139, 16 : i32
      %get3A_2141 = arith.index_cast %squeeze3A_2137 : i32 to index
      %get3A_2142 = arith.index_cast %multiple_of3A_2140 : i32 to index
      %get3A_2143 = tpu.vector_load %arg9[%get3A_2141, %get3A_2142] {strides = array<i32>} : memref<128x128xf32, #tpu.memory_space<vmem>>, vector<1x16xf32>,
      %get3A_2144 = vector.shape_cast %get3A_2143 : vector<1x16xf32> to vector<16xf32>
      %lt3A_2145 = arith.constant 0 : i32
      %lt3A_2146 = vector.broadcast %lt3A_2145 : i32 to vector<16xi32>
      %lt3A_2147 = arith.cmpi slt, %and3A_1826, %lt3A_2146 : vector<16xi32>
      %add3A_2148 = arith.constant 16 : i32
      %add3A_2149 = vector.broadcast %add3A_2148 : i32 to vector<16xi32>
      %add3A_2150 = arith.addi %and3A_1826, %add3A_2149 : vector<16xi32>
      %select_n3A_2151 = arith.select %lt3A_2147, %add3A_2150, %and3A_1826 : vector<16xi1>, vector<16xi32>
      %broadcast_in_dim3A_2152 = vector.shape_cast %select_n3A_2151 : vector<16xi32> to vector<16x1xi32>
      %gather3A_2153 = vector.shape_cast %broadcast_in_dim3A_2152 : vector<16x1xi32> to vector<16xi32>
      %gather3A_2154 = tpu.dynamic_gather %get3A_2144[%gather3A_2153] in [0] : vector<16xf32>, vector<16xi32> -> vector<16xf32>
      %eq3A_2155 = arith.constant 13 : i32
      %eq3A_2156 = vector.broadcast %eq3A_2155 : i32 to vector<16xi32>
      %eq3A_2157 = arith.cmpi eq, %iota3A_1823, %eq3A_2156 : vector<16xi32>
      %select_n3A_2158 = arith.select %eq3A_2157, %gather3A_2154, %select_n3A_2135 : vector<16xi1>, vector<16xf32>
      %slice3A_2159 = vector.extract_strided_slice %add3A_1833 {offsets = [14], sizes = [1], strides = [1]} : vector<16xi32> to vector<1xi32>
      %squeeze3A_2160 = vector.extract %slice3A_2159[0] : i32 from vector<1xi32>
      %slice3A_2161 = vector.extract_strided_slice %and3A_1836 {offsets = [14], sizes = [1], strides = [1]} : vector<16xi32> to vector<1xi32>
      %squeeze3A_2162 = vector.extract %slice3A_2161[0] : i32 from vector<1xi32>
      %multiple_of3A_2163 = tpu.assume_multiple %squeeze3A_2162, 16 : i32
      %get3A_2164 = arith.index_cast %squeeze3A_2160 : i32 to index
      %get3A_2165 = arith.index_cast %multiple_of3A_2163 : i32 to index
      %get3A_2166 = tpu.vector_load %arg9[%get3A_2164, %get3A_2165] {strides = array<i32>} : memref<128x128xf32, #tpu.memory_space<vmem>>, vector<1x16xf32>,
      %get3A_2167 = vector.shape_cast %get3A_2166 : vector<1x16xf32> to vector<16xf32>
      %lt3A_2168 = arith.constant 0 : i32
      %lt3A_2169 = vector.broadcast %lt3A_2168 : i32 to vector<16xi32>
      %lt3A_2170 = arith.cmpi slt, %and3A_1826, %lt3A_2169 : vector<16xi32>
      %add3A_2171 = arith.constant 16 : i32
      %add3A_2172 = vector.broadcast %add3A_2171 : i32 to vector<16xi32>
      %add3A_2173 = arith.addi %and3A_1826, %add3A_2172 : vector<16xi32>
      %select_n3A_2174 = arith.select %lt3A_2170, %add3A_2173, %and3A_1826 : vector<16xi1>, vector<16xi32>
      %broadcast_in_dim3A_2175 = vector.shape_cast %select_n3A_2174 : vector<16xi32> to vector<16x1xi32>
      %gather3A_2176 = vector.shape_cast %broadcast_in_dim3A_2175 : vector<16x1xi32> to vector<16xi32>
      %gather3A_2177 = tpu.dynamic_gather %get3A_2167[%gather3A_2176] in [0] : vector<16xf32>, vector<16xi32> -> vector<16xf32>
      %eq3A_2178 = arith.constant 14 : i32
      %eq3A_2179 = vector.broadcast %eq3A_2178 : i32 to vector<16xi32>
      %eq3A_2180 = arith.cmpi eq, %iota3A_1823, %eq3A_2179 : vector<16xi32>
      %select_n3A_2181 = arith.select %eq3A_2180, %gather3A_2177, %select_n3A_2158 : vector<16xi1>, vector<16xf32>
      %slice3A_2182 = vector.extract_strided_slice %add3A_1833 {offsets = [15], sizes = [1], strides = [1]} : vector<16xi32> to vector<1xi32>
      %squeeze3A_2183 = vector.extract %slice3A_2182[0] : i32 from vector<1xi32>
      %slice3A_2184 = vector.extract_strided_slice %and3A_1836 {offsets = [15], sizes = [1], strides = [1]} : vector<16xi32> to vector<1xi32>
      %squeeze3A_2185 = vector.extract %slice3A_2184[0] : i32 from vector<1xi32>
      %multiple_of3A_2186 = tpu.assume_multiple %squeeze3A_2185, 16 : i32
      %get3A_2187 = arith.index_cast %squeeze3A_2183 : i32 to index
      %get3A_2188 = arith.index_cast %multiple_of3A_2186 : i32 to index
      %get3A_2189 = tpu.vector_load %arg9[%get3A_2187, %get3A_2188] {strides = array<i32>} : memref<128x128xf32, #tpu.memory_space<vmem>>, vector<1x16xf32>,
      %get3A_2190 = vector.shape_cast %get3A_2189 : vector<1x16xf32> to vector<16xf32>
      %lt3A_2191 = arith.constant 0 : i32
      %lt3A_2192 = vector.broadcast %lt3A_2191 : i32 to vector<16xi32>
      %lt3A_2193 = arith.cmpi slt, %and3A_1826, %lt3A_2192 : vector<16xi32>
      %add3A_2194 = arith.constant 16 : i32
      %add3A_2195 = vector.broadcast %add3A_2194 : i32 to vector<16xi32>
      %add3A_2196 = arith.addi %and3A_1826, %add3A_2195 : vector<16xi32>
      %select_n3A_2197 = arith.select %lt3A_2193, %add3A_2196, %and3A_1826 : vector<16xi1>, vector<16xi32>
      %broadcast_in_dim3A_2198 = vector.shape_cast %select_n3A_2197 : vector<16xi32> to vector<16x1xi32>
      %gather3A_2199 = vector.shape_cast %broadcast_in_dim3A_2198 : vector<16x1xi32> to vector<16xi32>
      %gather3A_2200 = tpu.dynamic_gather %get3A_2190[%gather3A_2199] in [0] : vector<16xf32>, vector<16xi32> -> vector<16xf32>
      %eq3A_2201 = arith.constant 15 : i32
      %eq3A_2202 = vector.broadcast %eq3A_2201 : i32 to vector<16xi32>
      %eq3A_2203 = arith.cmpi eq, %iota3A_1823, %eq3A_2202 : vector<16xi32>
      %select_n3A_2204 = arith.select %eq3A_2203, %gather3A_2200, %select_n3A_2181 : vector<16xi1>, vector<16xf32>
      %swap3A_2205 = arith.index_cast %multiple_of3A_1814 : i32 to index
      %swap3A_2206 = tpu.vector_load %arg11[%swap3A_2205] {strides = array<i32>} : memref<512xf32, #tpu.memory_space<vmem>>, vector<16xf32>,
      %swap3A_2207 = vector.shape_cast %swap3A_2206 : vector<16xf32> to vector<16xf32>
      %swap3A_2208 = vector.shape_cast %select_n3A_2204 : vector<16xf32> to vector<16xf32>
      tpu.vector_store %arg11[%swap3A_2205], %swap3A_2208 {strides = array<i32>} : memref<512xf32, #tpu.memory_space<vmem>>, vector<16xf32>,
      %add3A_2209 = arith.constant 3 : i32
      %add3A_2210 = arith.addi %mul3A_737, %add3A_2209 : i32
      %add3A_2211 = arith.constant 3 : i32
      %add3A_2212 = arith.addi %add3A_2210, %add3A_2211 : i32
      %lt3A_2213 = arith.constant 32 : i32
      %lt3A_2214 = arith.cmpi slt, %add3A_2212, %lt3A_2213 : i32
      %convert_element_type3A_2215 = arith.extui %lt3A_2214 : i1 to i32
      %cond3A_2216 = arith.constant 0 : i32
      %cond3A_2217 = arith.cmpi ne, %convert_element_type3A_2215, %cond3A_2216 : i32
      scf.if %cond3A_2217 {
        %mul3A_2623 = arith.constant 16 : i32
        %mul3A_2624 = arith.muli %add3A_2212, %mul3A_2623 : i32
        %multiple_of3A_2625 = tpu.assume_multiple %mul3A_2624, 16 : i32
        %get3A_2626 = arith.index_cast %multiple_of3A_2625 : i32 to index
        %get3A_2627 = tpu.vector_load %arg5[%get3A_2626] {strides = array<i32>} : memref<512xi32, #tpu.memory_space<vmem>>, vector<16xi32>,
        %get3A_2628 = vector.shape_cast %get3A_2627 : vector<16xi32> to vector<16xi32>
        %shift_right_arithmetic3A_2629 = arith.constant 3 : i32
        %shift_right_arithmetic3A_2630 = vector.broadcast %shift_right_arithmetic3A_2629 : i32 to vector<16xi32>
        %shift_right_arithmetic3A_2631 = arith.shrsi %get3A_2628, %shift_right_arithmetic3A_2630 : vector<16xi32>
        %mul3A_2632 = arith.constant 8 : i32
        %mul3A_2633 = vector.broadcast %mul3A_2632 : i32 to vector<16xi32>
        %mul3A_2634 = arith.muli %shift_right_arithmetic3A_2631, %mul3A_2633 : vector<16xi32>
        %get3A_2635 = arith.index_cast %multiple_of3A_2625 : i32 to index
        %get3A_2636 = tpu.vector_load %arg6[%get3A_2635] {strides = array<i32>} : memref<512xi32, #tpu.memory_space<vmem>>, vector<16xi32>,
        %get3A_2637 = vector.shape_cast %get3A_2636 : vector<16xi32> to vector<16xi32>
        %shift_right_arithmetic3A_2638 = arith.constant 7 : i32
        %shift_right_arithmetic3A_2639 = vector.broadcast %shift_right_arithmetic3A_2638 : i32 to vector<16xi32>
        %shift_right_arithmetic3A_2640 = arith.shrsi %get3A_2637, %shift_right_arithmetic3A_2639 : vector<16xi32>
        %mul3A_2641 = arith.constant 128 : i32
        %mul3A_2642 = vector.broadcast %mul3A_2641 : i32 to vector<16xi32>
        %mul3A_2643 = arith.muli %shift_right_arithmetic3A_2640, %mul3A_2642 : vector<16xi32>
        %slice3A_2644 = vector.extract_strided_slice %mul3A_2634 {offsets = [0], sizes = [1], strides = [1]} : vector<16xi32> to vector<1xi32>
        %squeeze3A_2645 = vector.extract %slice3A_2644[0] : i32 from vector<1xi32>
        %multiple_of3A_2646 = tpu.assume_multiple %squeeze3A_2645, 8 : i32
        %slice3A_2647 = vector.extract_strided_slice %mul3A_2643 {offsets = [0], sizes = [1], strides = [1]} : vector<16xi32> to vector<1xi32>
        %squeeze3A_2648 = vector.extract %slice3A_2647[0] : i32 from vector<1xi32>
        %multiple_of3A_2649 = tpu.assume_multiple %squeeze3A_2648, 128 : i32
        %dma_start3A_2650 = arith.constant 0 : i32
        %dma_start3A_2651 = arith.constant 0 : i32
        %dma_start3A_2652 = tpu.memref_slice %arg9[%dma_start3A_2650, %dma_start3A_2651] : memref<128x128xf32, #tpu.memory_space<vmem>> -> memref<8x128xf32, #tpu.memory_space<vmem>>
        %dma_start3A_2653 = tpu.memref_slice %arg3[%multiple_of3A_2646, %multiple_of3A_2649] : memref<10000x10000xf32, #tpu.memory_space<hbm>> -> memref<8x128xf32, #tpu.memory_space<hbm>>
        %dma_start3A_2654 = arith.constant 0 : i32
        %dma_start3A_2655 = arith.constant 0 : i32
        %dma_start3A_2656 = tpu.memref_slice %arg9[%dma_start3A_2654, %dma_start3A_2655] : memref<128x128xf32, #tpu.memory_space<vmem>> -> memref<8x128xf32, #tpu.memory_space<vmem>>
        %dma_start3A_2657 = tpu.memref_slice %arg3[%multiple_of3A_2646, %multiple_of3A_2649] : memref<10000x10000xf32, #tpu.memory_space<hbm>> -> memref<8x128xf32, #tpu.memory_space<hbm>>
        tpu.enqueue_dma source(%dma_start3A_2657 : memref<8x128xf32, #tpu.memory_space<hbm>>) target(%dma_start3A_2656 : memref<8x128xf32, #tpu.memory_space<vmem>>) target_semaphore(%arg14 : memref<!tpu.dma_semaphore, #tpu.memory_space<semaphore_mem>>)
        %slice3A_2658 = vector.extract_strided_slice %mul3A_2634 {offsets = [1], sizes = [1], strides = [1]} : vector<16xi32> to vector<1xi32>
        %squeeze3A_2659 = vector.extract %slice3A_2658[0] : i32 from vector<1xi32>
        %multiple_of3A_2660 = tpu.assume_multiple %squeeze3A_2659, 8 : i32
        %slice3A_2661 = vector.extract_strided_slice %mul3A_2643 {offsets = [1], sizes = [1], strides = [1]} : vector<16xi32> to vector<1xi32>
        %squeeze3A_2662 = vector.extract %slice3A_2661[0] : i32 from vector<1xi32>
        %multiple_of3A_2663 = tpu.assume_multiple %squeeze3A_2662, 128 : i32
        %dma_start3A_2664 = arith.constant 8 : i32
        %dma_start3A_2665 = arith.constant 0 : i32
        %dma_start3A_2666 = tpu.memref_slice %arg9[%dma_start3A_2664, %dma_start3A_2665] : memref<128x128xf32, #tpu.memory_space<vmem>> -> memref<8x128xf32, #tpu.memory_space<vmem>>
        %dma_start3A_2667 = tpu.memref_slice %arg3[%multiple_of3A_2660, %multiple_of3A_2663] : memref<10000x10000xf32, #tpu.memory_space<hbm>> -> memref<8x128xf32, #tpu.memory_space<hbm>>
        %dma_start3A_2668 = arith.constant 8 : i32
        %dma_start3A_2669 = arith.constant 0 : i32
        %dma_start3A_2670 = tpu.memref_slice %arg9[%dma_start3A_2668, %dma_start3A_2669] : memref<128x128xf32, #tpu.memory_space<vmem>> -> memref<8x128xf32, #tpu.memory_space<vmem>>
        %dma_start3A_2671 = tpu.memref_slice %arg3[%multiple_of3A_2660, %multiple_of3A_2663] : memref<10000x10000xf32, #tpu.memory_space<hbm>> -> memref<8x128xf32, #tpu.memory_space<hbm>>
        tpu.enqueue_dma source(%dma_start3A_2671 : memref<8x128xf32, #tpu.memory_space<hbm>>) target(%dma_start3A_2670 : memref<8x128xf32, #tpu.memory_space<vmem>>) target_semaphore(%arg14 : memref<!tpu.dma_semaphore, #tpu.memory_space<semaphore_mem>>)
        %slice3A_2672 = vector.extract_strided_slice %mul3A_2634 {offsets = [2], sizes = [1], strides = [1]} : vector<16xi32> to vector<1xi32>
        %squeeze3A_2673 = vector.extract %slice3A_2672[0] : i32 from vector<1xi32>
        %multiple_of3A_2674 = tpu.assume_multiple %squeeze3A_2673, 8 : i32
        %slice3A_2675 = vector.extract_strided_slice %mul3A_2643 {offsets = [2], sizes = [1], strides = [1]} : vector<16xi32> to vector<1xi32>
        %squeeze3A_2676 = vector.extract %slice3A_2675[0] : i32 from vector<1xi32>
        %multiple_of3A_2677 = tpu.assume_multiple %squeeze3A_2676, 128 : i32
        %dma_start3A_2678 = arith.constant 16 : i32
        %dma_start3A_2679 = arith.constant 0 : i32
        %dma_start3A_2680 = tpu.memref_slice %arg9[%dma_start3A_2678, %dma_start3A_2679] : memref<128x128xf32, #tpu.memory_space<vmem>> -> memref<8x128xf32, #tpu.memory_space<vmem>>
        %dma_start3A_2681 = tpu.memref_slice %arg3[%multiple_of3A_2674, %multiple_of3A_2677] : memref<10000x10000xf32, #tpu.memory_space<hbm>> -> memref<8x128xf32, #tpu.memory_space<hbm>>
        %dma_start3A_2682 = arith.constant 16 : i32
        %dma_start3A_2683 = arith.constant 0 : i32
        %dma_start3A_2684 = tpu.memref_slice %arg9[%dma_start3A_2682, %dma_start3A_2683] : memref<128x128xf32, #tpu.memory_space<vmem>> -> memref<8x128xf32, #tpu.memory_space<vmem>>
        %dma_start3A_2685 = tpu.memref_slice %arg3[%multiple_of3A_2674, %multiple_of3A_2677] : memref<10000x10000xf32, #tpu.memory_space<hbm>> -> memref<8x128xf32, #tpu.memory_space<hbm>>
        tpu.enqueue_dma source(%dma_start3A_2685 : memref<8x128xf32, #tpu.memory_space<hbm>>) target(%dma_start3A_2684 : memref<8x128xf32, #tpu.memory_space<vmem>>) target_semaphore(%arg14 : memref<!tpu.dma_semaphore, #tpu.memory_space<semaphore_mem>>)
        %slice3A_2686 = vector.extract_strided_slice %mul3A_2634 {offsets = [3], sizes = [1], strides = [1]} : vector<16xi32> to vector<1xi32>
        %squeeze3A_2687 = vector.extract %slice3A_2686[0] : i32 from vector<1xi32>
        %multiple_of3A_2688 = tpu.assume_multiple %squeeze3A_2687, 8 : i32
        %slice3A_2689 = vector.extract_strided_slice %mul3A_2643 {offsets = [3], sizes = [1], strides = [1]} : vector<16xi32> to vector<1xi32>
        %squeeze3A_2690 = vector.extract %slice3A_2689[0] : i32 from vector<1xi32>
        %multiple_of3A_2691 = tpu.assume_multiple %squeeze3A_2690, 128 : i32
        %dma_start3A_2692 = arith.constant 24 : i32
        %dma_start3A_2693 = arith.constant 0 : i32
        %dma_start3A_2694 = tpu.memref_slice %arg9[%dma_start3A_2692, %dma_start3A_2693] : memref<128x128xf32, #tpu.memory_space<vmem>> -> memref<8x128xf32, #tpu.memory_space<vmem>>
        %dma_start3A_2695 = tpu.memref_slice %arg3[%multiple_of3A_2688, %multiple_of3A_2691] : memref<10000x10000xf32, #tpu.memory_space<hbm>> -> memref<8x128xf32, #tpu.memory_space<hbm>>
        %dma_start3A_2696 = arith.constant 24 : i32
        %dma_start3A_2697 = arith.constant 0 : i32
        %dma_start3A_2698 = tpu.memref_slice %arg9[%dma_start3A_2696, %dma_start3A_2697] : memref<128x128xf32, #tpu.memory_space<vmem>> -> memref<8x128xf32, #tpu.memory_space<vmem>>
        %dma_start3A_2699 = tpu.memref_slice %arg3[%multiple_of3A_2688, %multiple_of3A_2691] : memref<10000x10000xf32, #tpu.memory_space<hbm>> -> memref<8x128xf32, #tpu.memory_space<hbm>>
        tpu.enqueue_dma source(%dma_start3A_2699 : memref<8x128xf32, #tpu.memory_space<hbm>>) target(%dma_start3A_2698 : memref<8x128xf32, #tpu.memory_space<vmem>>) target_semaphore(%arg14 : memref<!tpu.dma_semaphore, #tpu.memory_space<semaphore_mem>>)
        %slice3A_2700 = vector.extract_strided_slice %mul3A_2634 {offsets = [4], sizes = [1], strides = [1]} : vector<16xi32> to vector<1xi32>
        %squeeze3A_2701 = vector.extract %slice3A_2700[0] : i32 from vector<1xi32>
        %multiple_of3A_2702 = tpu.assume_multiple %squeeze3A_2701, 8 : i32
        %slice3A_2703 = vector.extract_strided_slice %mul3A_2643 {offsets = [4], sizes = [1], strides = [1]} : vector<16xi32> to vector<1xi32>
        %squeeze3A_2704 = vector.extract %slice3A_2703[0] : i32 from vector<1xi32>
        %multiple_of3A_2705 = tpu.assume_multiple %squeeze3A_2704, 128 : i32
        %dma_start3A_2706 = arith.constant 32 : i32
        %dma_start3A_2707 = arith.constant 0 : i32
        %dma_start3A_2708 = tpu.memref_slice %arg9[%dma_start3A_2706, %dma_start3A_2707] : memref<128x128xf32, #tpu.memory_space<vmem>> -> memref<8x128xf32, #tpu.memory_space<vmem>>
        %dma_start3A_2709 = tpu.memref_slice %arg3[%multiple_of3A_2702, %multiple_of3A_2705] : memref<10000x10000xf32, #tpu.memory_space<hbm>> -> memref<8x128xf32, #tpu.memory_space<hbm>>
        %dma_start3A_2710 = arith.constant 32 : i32
        %dma_start3A_2711 = arith.constant 0 : i32
        %dma_start3A_2712 = tpu.memref_slice %arg9[%dma_start3A_2710, %dma_start3A_2711] : memref<128x128xf32, #tpu.memory_space<vmem>> -> memref<8x128xf32, #tpu.memory_space<vmem>>
        %dma_start3A_2713 = tpu.memref_slice %arg3[%multiple_of3A_2702, %multiple_of3A_2705] : memref<10000x10000xf32, #tpu.memory_space<hbm>> -> memref<8x128xf32, #tpu.memory_space<hbm>>
        tpu.enqueue_dma source(%dma_start3A_2713 : memref<8x128xf32, #tpu.memory_space<hbm>>) target(%dma_start3A_2712 : memref<8x128xf32, #tpu.memory_space<vmem>>) target_semaphore(%arg14 : memref<!tpu.dma_semaphore, #tpu.memory_space<semaphore_mem>>)
        %slice3A_2714 = vector.extract_strided_slice %mul3A_2634 {offsets = [5], sizes = [1], strides = [1]} : vector<16xi32> to vector<1xi32>
        %squeeze3A_2715 = vector.extract %slice3A_2714[0] : i32 from vector<1xi32>
        %multiple_of3A_2716 = tpu.assume_multiple %squeeze3A_2715, 8 : i32
        %slice3A_2717 = vector.extract_strided_slice %mul3A_2643 {offsets = [5], sizes = [1], strides = [1]} : vector<16xi32> to vector<1xi32>
        %squeeze3A_2718 = vector.extract %slice3A_2717[0] : i32 from vector<1xi32>
        %multiple_of3A_2719 = tpu.assume_multiple %squeeze3A_2718, 128 : i32
        %dma_start3A_2720 = arith.constant 40 : i32
        %dma_start3A_2721 = arith.constant 0 : i32
        %dma_start3A_2722 = tpu.memref_slice %arg9[%dma_start3A_2720, %dma_start3A_2721] : memref<128x128xf32, #tpu.memory_space<vmem>> -> memref<8x128xf32, #tpu.memory_space<vmem>>
        %dma_start3A_2723 = tpu.memref_slice %arg3[%multiple_of3A_2716, %multiple_of3A_2719] : memref<10000x10000xf32, #tpu.memory_space<hbm>> -> memref<8x128xf32, #tpu.memory_space<hbm>>
        %dma_start3A_2724 = arith.constant 40 : i32
        %dma_start3A_2725 = arith.constant 0 : i32
        %dma_start3A_2726 = tpu.memref_slice %arg9[%dma_start3A_2724, %dma_start3A_2725] : memref<128x128xf32, #tpu.memory_space<vmem>> -> memref<8x128xf32, #tpu.memory_space<vmem>>
        %dma_start3A_2727 = tpu.memref_slice %arg3[%multiple_of3A_2716, %multiple_of3A_2719] : memref<10000x10000xf32, #tpu.memory_space<hbm>> -> memref<8x128xf32, #tpu.memory_space<hbm>>
        tpu.enqueue_dma source(%dma_start3A_2727 : memref<8x128xf32, #tpu.memory_space<hbm>>) target(%dma_start3A_2726 : memref<8x128xf32, #tpu.memory_space<vmem>>) target_semaphore(%arg14 : memref<!tpu.dma_semaphore, #tpu.memory_space<semaphore_mem>>)
        %slice3A_2728 = vector.extract_strided_slice %mul3A_2634 {offsets = [6], sizes = [1], strides = [1]} : vector<16xi32> to vector<1xi32>
        %squeeze3A_2729 = vector.extract %slice3A_2728[0] : i32 from vector<1xi32>
        %multiple_of3A_2730 = tpu.assume_multiple %squeeze3A_2729, 8 : i32
        %slice3A_2731 = vector.extract_strided_slice %mul3A_2643 {offsets = [6], sizes = [1], strides = [1]} : vector<16xi32> to vector<1xi32>
        %squeeze3A_2732 = vector.extract %slice3A_2731[0] : i32 from vector<1xi32>
        %multiple_of3A_2733 = tpu.assume_multiple %squeeze3A_2732, 128 : i32
        %dma_start3A_2734 = arith.constant 48 : i32
        %dma_start3A_2735 = arith.constant 0 : i32
        %dma_start3A_2736 = tpu.memref_slice %arg9[%dma_start3A_2734, %dma_start3A_2735] : memref<128x128xf32, #tpu.memory_space<vmem>> -> memref<8x128xf32, #tpu.memory_space<vmem>>
        %dma_start3A_2737 = tpu.memref_slice %arg3[%multiple_of3A_2730, %multiple_of3A_2733] : memref<10000x10000xf32, #tpu.memory_space<hbm>> -> memref<8x128xf32, #tpu.memory_space<hbm>>
        %dma_start3A_2738 = arith.constant 48 : i32
        %dma_start3A_2739 = arith.constant 0 : i32
        %dma_start3A_2740 = tpu.memref_slice %arg9[%dma_start3A_2738, %dma_start3A_2739] : memref<128x128xf32, #tpu.memory_space<vmem>> -> memref<8x128xf32, #tpu.memory_space<vmem>>
        %dma_start3A_2741 = tpu.memref_slice %arg3[%multiple_of3A_2730, %multiple_of3A_2733] : memref<10000x10000xf32, #tpu.memory_space<hbm>> -> memref<8x128xf32, #tpu.memory_space<hbm>>
        tpu.enqueue_dma source(%dma_start3A_2741 : memref<8x128xf32, #tpu.memory_space<hbm>>) target(%dma_start3A_2740 : memref<8x128xf32, #tpu.memory_space<vmem>>) target_semaphore(%arg14 : memref<!tpu.dma_semaphore, #tpu.memory_space<semaphore_mem>>)
        %slice3A_2742 = vector.extract_strided_slice %mul3A_2634 {offsets = [7], sizes = [1], strides = [1]} : vector<16xi32> to vector<1xi32>
        %squeeze3A_2743 = vector.extract %slice3A_2742[0] : i32 from vector<1xi32>
        %multiple_of3A_2744 = tpu.assume_multiple %squeeze3A_2743, 8 : i32
        %slice3A_2745 = vector.extract_strided_slice %mul3A_2643 {offsets = [7], sizes = [1], strides = [1]} : vector<16xi32> to vector<1xi32>
        %squeeze3A_2746 = vector.extract %slice3A_2745[0] : i32 from vector<1xi32>
        %multiple_of3A_2747 = tpu.assume_multiple %squeeze3A_2746, 128 : i32
        %dma_start3A_2748 = arith.constant 56 : i32
        %dma_start3A_2749 = arith.constant 0 : i32
        %dma_start3A_2750 = tpu.memref_slice %arg9[%dma_start3A_2748, %dma_start3A_2749] : memref<128x128xf32, #tpu.memory_space<vmem>> -> memref<8x128xf32, #tpu.memory_space<vmem>>
        %dma_start3A_2751 = tpu.memref_slice %arg3[%multiple_of3A_2744, %multiple_of3A_2747] : memref<10000x10000xf32, #tpu.memory_space<hbm>> -> memref<8x128xf32, #tpu.memory_space<hbm>>
        %dma_start3A_2752 = arith.constant 56 : i32
        %dma_start3A_2753 = arith.constant 0 : i32
        %dma_start3A_2754 = tpu.memref_slice %arg9[%dma_start3A_2752, %dma_start3A_2753] : memref<128x128xf32, #tpu.memory_space<vmem>> -> memref<8x128xf32, #tpu.memory_space<vmem>>
        %dma_start3A_2755 = tpu.memref_slice %arg3[%multiple_of3A_2744, %multiple_of3A_2747] : memref<10000x10000xf32, #tpu.memory_space<hbm>> -> memref<8x128xf32, #tpu.memory_space<hbm>>
        tpu.enqueue_dma source(%dma_start3A_2755 : memref<8x128xf32, #tpu.memory_space<hbm>>) target(%dma_start3A_2754 : memref<8x128xf32, #tpu.memory_space<vmem>>) target_semaphore(%arg14 : memref<!tpu.dma_semaphore, #tpu.memory_space<semaphore_mem>>)
        %slice3A_2756 = vector.extract_strided_slice %mul3A_2634 {offsets = [8], sizes = [1], strides = [1]} : vector<16xi32> to vector<1xi32>
        %squeeze3A_2757 = vector.extract %slice3A_2756[0] : i32 from vector<1xi32>
        %multiple_of3A_2758 = tpu.assume_multiple %squeeze3A_2757, 8 : i32
        %slice3A_2759 = vector.extract_strided_slice %mul3A_2643 {offsets = [8], sizes = [1], strides = [1]} : vector<16xi32> to vector<1xi32>
        %squeeze3A_2760 = vector.extract %slice3A_2759[0] : i32 from vector<1xi32>
        %multiple_of3A_2761 = tpu.assume_multiple %squeeze3A_2760, 128 : i32
        %dma_start3A_2762 = arith.constant 64 : i32
        %dma_start3A_2763 = arith.constant 0 : i32
        %dma_start3A_2764 = tpu.memref_slice %arg9[%dma_start3A_2762, %dma_start3A_2763] : memref<128x128xf32, #tpu.memory_space<vmem>> -> memref<8x128xf32, #tpu.memory_space<vmem>>
        %dma_start3A_2765 = tpu.memref_slice %arg3[%multiple_of3A_2758, %multiple_of3A_2761] : memref<10000x10000xf32, #tpu.memory_space<hbm>> -> memref<8x128xf32, #tpu.memory_space<hbm>>
        %dma_start3A_2766 = arith.constant 64 : i32
        %dma_start3A_2767 = arith.constant 0 : i32
        %dma_start3A_2768 = tpu.memref_slice %arg9[%dma_start3A_2766, %dma_start3A_2767] : memref<128x128xf32, #tpu.memory_space<vmem>> -> memref<8x128xf32, #tpu.memory_space<vmem>>
        %dma_start3A_2769 = tpu.memref_slice %arg3[%multiple_of3A_2758, %multiple_of3A_2761] : memref<10000x10000xf32, #tpu.memory_space<hbm>> -> memref<8x128xf32, #tpu.memory_space<hbm>>
        tpu.enqueue_dma source(%dma_start3A_2769 : memref<8x128xf32, #tpu.memory_space<hbm>>) target(%dma_start3A_2768 : memref<8x128xf32, #tpu.memory_space<vmem>>) target_semaphore(%arg14 : memref<!tpu.dma_semaphore, #tpu.memory_space<semaphore_mem>>)
        %slice3A_2770 = vector.extract_strided_slice %mul3A_2634 {offsets = [9], sizes = [1], strides = [1]} : vector<16xi32> to vector<1xi32>
        %squeeze3A_2771 = vector.extract %slice3A_2770[0] : i32 from vector<1xi32>
        %multiple_of3A_2772 = tpu.assume_multiple %squeeze3A_2771, 8 : i32
        %slice3A_2773 = vector.extract_strided_slice %mul3A_2643 {offsets = [9], sizes = [1], strides = [1]} : vector<16xi32> to vector<1xi32>
        %squeeze3A_2774 = vector.extract %slice3A_2773[0] : i32 from vector<1xi32>
        %multiple_of3A_2775 = tpu.assume_multiple %squeeze3A_2774, 128 : i32
        %dma_start3A_2776 = arith.constant 72 : i32
        %dma_start3A_2777 = arith.constant 0 : i32
        %dma_start3A_2778 = tpu.memref_slice %arg9[%dma_start3A_2776, %dma_start3A_2777] : memref<128x128xf32, #tpu.memory_space<vmem>> -> memref<8x128xf32, #tpu.memory_space<vmem>>
        %dma_start3A_2779 = tpu.memref_slice %arg3[%multiple_of3A_2772, %multiple_of3A_2775] : memref<10000x10000xf32, #tpu.memory_space<hbm>> -> memref<8x128xf32, #tpu.memory_space<hbm>>
        %dma_start3A_2780 = arith.constant 72 : i32
        %dma_start3A_2781 = arith.constant 0 : i32
        %dma_start3A_2782 = tpu.memref_slice %arg9[%dma_start3A_2780, %dma_start3A_2781] : memref<128x128xf32, #tpu.memory_space<vmem>> -> memref<8x128xf32, #tpu.memory_space<vmem>>
        %dma_start3A_2783 = tpu.memref_slice %arg3[%multiple_of3A_2772, %multiple_of3A_2775] : memref<10000x10000xf32, #tpu.memory_space<hbm>> -> memref<8x128xf32, #tpu.memory_space<hbm>>
        tpu.enqueue_dma source(%dma_start3A_2783 : memref<8x128xf32, #tpu.memory_space<hbm>>) target(%dma_start3A_2782 : memref<8x128xf32, #tpu.memory_space<vmem>>) target_semaphore(%arg14 : memref<!tpu.dma_semaphore, #tpu.memory_space<semaphore_mem>>)
        %slice3A_2784 = vector.extract_strided_slice %mul3A_2634 {offsets = [10], sizes = [1], strides = [1]} : vector<16xi32> to vector<1xi32>
        %squeeze3A_2785 = vector.extract %slice3A_2784[0] : i32 from vector<1xi32>
        %multiple_of3A_2786 = tpu.assume_multiple %squeeze3A_2785, 8 : i32
        %slice3A_2787 = vector.extract_strided_slice %mul3A_2643 {offsets = [10], sizes = [1], strides = [1]} : vector<16xi32> to vector<1xi32>
        %squeeze3A_2788 = vector.extract %slice3A_2787[0] : i32 from vector<1xi32>
        %multiple_of3A_2789 = tpu.assume_multiple %squeeze3A_2788, 128 : i32
        %dma_start3A_2790 = arith.constant 80 : i32
        %dma_start3A_2791 = arith.constant 0 : i32
        %dma_start3A_2792 = tpu.memref_slice %arg9[%dma_start3A_2790, %dma_start3A_2791] : memref<128x128xf32, #tpu.memory_space<vmem>> -> memref<8x128xf32, #tpu.memory_space<vmem>>
        %dma_start3A_2793 = tpu.memref_slice %arg3[%multiple_of3A_2786, %multiple_of3A_2789] : memref<10000x10000xf32, #tpu.memory_space<hbm>> -> memref<8x128xf32, #tpu.memory_space<hbm>>
        %dma_start3A_2794 = arith.constant 80 : i32
        %dma_start3A_2795 = arith.constant 0 : i32
        %dma_start3A_2796 = tpu.memref_slice %arg9[%dma_start3A_2794, %dma_start3A_2795] : memref<128x128xf32, #tpu.memory_space<vmem>> -> memref<8x128xf32, #tpu.memory_space<vmem>>
        %dma_start3A_2797 = tpu.memref_slice %arg3[%multiple_of3A_2786, %multiple_of3A_2789] : memref<10000x10000xf32, #tpu.memory_space<hbm>> -> memref<8x128xf32, #tpu.memory_space<hbm>>
        tpu.enqueue_dma source(%dma_start3A_2797 : memref<8x128xf32, #tpu.memory_space<hbm>>) target(%dma_start3A_2796 : memref<8x128xf32, #tpu.memory_space<vmem>>) target_semaphore(%arg14 : memref<!tpu.dma_semaphore, #tpu.memory_space<semaphore_mem>>)
        %slice3A_2798 = vector.extract_strided_slice %mul3A_2634 {offsets = [11], sizes = [1], strides = [1]} : vector<16xi32> to vector<1xi32>
        %squeeze3A_2799 = vector.extract %slice3A_2798[0] : i32 from vector<1xi32>
        %multiple_of3A_2800 = tpu.assume_multiple %squeeze3A_2799, 8 : i32
        %slice3A_2801 = vector.extract_strided_slice %mul3A_2643 {offsets = [11], sizes = [1], strides = [1]} : vector<16xi32> to vector<1xi32>
        %squeeze3A_2802 = vector.extract %slice3A_2801[0] : i32 from vector<1xi32>
        %multiple_of3A_2803 = tpu.assume_multiple %squeeze3A_2802, 128 : i32
        %dma_start3A_2804 = arith.constant 88 : i32
        %dma_start3A_2805 = arith.constant 0 : i32
        %dma_start3A_2806 = tpu.memref_slice %arg9[%dma_start3A_2804, %dma_start3A_2805] : memref<128x128xf32, #tpu.memory_space<vmem>> -> memref<8x128xf32, #tpu.memory_space<vmem>>
        %dma_start3A_2807 = tpu.memref_slice %arg3[%multiple_of3A_2800, %multiple_of3A_2803] : memref<10000x10000xf32, #tpu.memory_space<hbm>> -> memref<8x128xf32, #tpu.memory_space<hbm>>
        %dma_start3A_2808 = arith.constant 88 : i32
        %dma_start3A_2809 = arith.constant 0 : i32
        %dma_start3A_2810 = tpu.memref_slice %arg9[%dma_start3A_2808, %dma_start3A_2809] : memref<128x128xf32, #tpu.memory_space<vmem>> -> memref<8x128xf32, #tpu.memory_space<vmem>>
        %dma_start3A_2811 = tpu.memref_slice %arg3[%multiple_of3A_2800, %multiple_of3A_2803] : memref<10000x10000xf32, #tpu.memory_space<hbm>> -> memref<8x128xf32, #tpu.memory_space<hbm>>
        tpu.enqueue_dma source(%dma_start3A_2811 : memref<8x128xf32, #tpu.memory_space<hbm>>) target(%dma_start3A_2810 : memref<8x128xf32, #tpu.memory_space<vmem>>) target_semaphore(%arg14 : memref<!tpu.dma_semaphore, #tpu.memory_space<semaphore_mem>>)
        %slice3A_2812 = vector.extract_strided_slice %mul3A_2634 {offsets = [12], sizes = [1], strides = [1]} : vector<16xi32> to vector<1xi32>
        %squeeze3A_2813 = vector.extract %slice3A_2812[0] : i32 from vector<1xi32>
        %multiple_of3A_2814 = tpu.assume_multiple %squeeze3A_2813, 8 : i32
        %slice3A_2815 = vector.extract_strided_slice %mul3A_2643 {offsets = [12], sizes = [1], strides = [1]} : vector<16xi32> to vector<1xi32>
        %squeeze3A_2816 = vector.extract %slice3A_2815[0] : i32 from vector<1xi32>
        %multiple_of3A_2817 = tpu.assume_multiple %squeeze3A_2816, 128 : i32
        %dma_start3A_2818 = arith.constant 96 : i32
        %dma_start3A_2819 = arith.constant 0 : i32
        %dma_start3A_2820 = tpu.memref_slice %arg9[%dma_start3A_2818, %dma_start3A_2819] : memref<128x128xf32, #tpu.memory_space<vmem>> -> memref<8x128xf32, #tpu.memory_space<vmem>>
        %dma_start3A_2821 = tpu.memref_slice %arg3[%multiple_of3A_2814, %multiple_of3A_2817] : memref<10000x10000xf32, #tpu.memory_space<hbm>> -> memref<8x128xf32, #tpu.memory_space<hbm>>
        %dma_start3A_2822 = arith.constant 96 : i32
        %dma_start3A_2823 = arith.constant 0 : i32
        %dma_start3A_2824 = tpu.memref_slice %arg9[%dma_start3A_2822, %dma_start3A_2823] : memref<128x128xf32, #tpu.memory_space<vmem>> -> memref<8x128xf32, #tpu.memory_space<vmem>>
        %dma_start3A_2825 = tpu.memref_slice %arg3[%multiple_of3A_2814, %multiple_of3A_2817] : memref<10000x10000xf32, #tpu.memory_space<hbm>> -> memref<8x128xf32, #tpu.memory_space<hbm>>
        tpu.enqueue_dma source(%dma_start3A_2825 : memref<8x128xf32, #tpu.memory_space<hbm>>) target(%dma_start3A_2824 : memref<8x128xf32, #tpu.memory_space<vmem>>) target_semaphore(%arg14 : memref<!tpu.dma_semaphore, #tpu.memory_space<semaphore_mem>>)
        %slice3A_2826 = vector.extract_strided_slice %mul3A_2634 {offsets = [13], sizes = [1], strides = [1]} : vector<16xi32> to vector<1xi32>
        %squeeze3A_2827 = vector.extract %slice3A_2826[0] : i32 from vector<1xi32>
        %multiple_of3A_2828 = tpu.assume_multiple %squeeze3A_2827, 8 : i32
        %slice3A_2829 = vector.extract_strided_slice %mul3A_2643 {offsets = [13], sizes = [1], strides = [1]} : vector<16xi32> to vector<1xi32>
        %squeeze3A_2830 = vector.extract %slice3A_2829[0] : i32 from vector<1xi32>
        %multiple_of3A_2831 = tpu.assume_multiple %squeeze3A_2830, 128 : i32
        %dma_start3A_2832 = arith.constant 104 : i32
        %dma_start3A_2833 = arith.constant 0 : i32
        %dma_start3A_2834 = tpu.memref_slice %arg9[%dma_start3A_2832, %dma_start3A_2833] : memref<128x128xf32, #tpu.memory_space<vmem>> -> memref<8x128xf32, #tpu.memory_space<vmem>>
        %dma_start3A_2835 = tpu.memref_slice %arg3[%multiple_of3A_2828, %multiple_of3A_2831] : memref<10000x10000xf32, #tpu.memory_space<hbm>> -> memref<8x128xf32, #tpu.memory_space<hbm>>
        %dma_start3A_2836 = arith.constant 104 : i32
        %dma_start3A_2837 = arith.constant 0 : i32
        %dma_start3A_2838 = tpu.memref_slice %arg9[%dma_start3A_2836, %dma_start3A_2837] : memref<128x128xf32, #tpu.memory_space<vmem>> -> memref<8x128xf32, #tpu.memory_space<vmem>>
        %dma_start3A_2839 = tpu.memref_slice %arg3[%multiple_of3A_2828, %multiple_of3A_2831] : memref<10000x10000xf32, #tpu.memory_space<hbm>> -> memref<8x128xf32, #tpu.memory_space<hbm>>
        tpu.enqueue_dma source(%dma_start3A_2839 : memref<8x128xf32, #tpu.memory_space<hbm>>) target(%dma_start3A_2838 : memref<8x128xf32, #tpu.memory_space<vmem>>) target_semaphore(%arg14 : memref<!tpu.dma_semaphore, #tpu.memory_space<semaphore_mem>>)
        %slice3A_2840 = vector.extract_strided_slice %mul3A_2634 {offsets = [14], sizes = [1], strides = [1]} : vector<16xi32> to vector<1xi32>
        %squeeze3A_2841 = vector.extract %slice3A_2840[0] : i32 from vector<1xi32>
        %multiple_of3A_2842 = tpu.assume_multiple %squeeze3A_2841, 8 : i32
        %slice3A_2843 = vector.extract_strided_slice %mul3A_2643 {offsets = [14], sizes = [1], strides = [1]} : vector<16xi32> to vector<1xi32>
        %squeeze3A_2844 = vector.extract %slice3A_2843[0] : i32 from vector<1xi32>
        %multiple_of3A_2845 = tpu.assume_multiple %squeeze3A_2844, 128 : i32
        %dma_start3A_2846 = arith.constant 112 : i32
        %dma_start3A_2847 = arith.constant 0 : i32
        %dma_start3A_2848 = tpu.memref_slice %arg9[%dma_start3A_2846, %dma_start3A_2847] : memref<128x128xf32, #tpu.memory_space<vmem>> -> memref<8x128xf32, #tpu.memory_space<vmem>>
        %dma_start3A_2849 = tpu.memref_slice %arg3[%multiple_of3A_2842, %multiple_of3A_2845] : memref<10000x10000xf32, #tpu.memory_space<hbm>> -> memref<8x128xf32, #tpu.memory_space<hbm>>
        %dma_start3A_2850 = arith.constant 112 : i32
        %dma_start3A_2851 = arith.constant 0 : i32
        %dma_start3A_2852 = tpu.memref_slice %arg9[%dma_start3A_2850, %dma_start3A_2851] : memref<128x128xf32, #tpu.memory_space<vmem>> -> memref<8x128xf32, #tpu.memory_space<vmem>>
        %dma_start3A_2853 = tpu.memref_slice %arg3[%multiple_of3A_2842, %multiple_of3A_2845] : memref<10000x10000xf32, #tpu.memory_space<hbm>> -> memref<8x128xf32, #tpu.memory_space<hbm>>
        tpu.enqueue_dma source(%dma_start3A_2853 : memref<8x128xf32, #tpu.memory_space<hbm>>) target(%dma_start3A_2852 : memref<8x128xf32, #tpu.memory_space<vmem>>) target_semaphore(%arg14 : memref<!tpu.dma_semaphore, #tpu.memory_space<semaphore_mem>>)
        %slice3A_2854 = vector.extract_strided_slice %mul3A_2634 {offsets = [15], sizes = [1], strides = [1]} : vector<16xi32> to vector<1xi32>
        %squeeze3A_2855 = vector.extract %slice3A_2854[0] : i32 from vector<1xi32>
        %multiple_of3A_2856 = tpu.assume_multiple %squeeze3A_2855, 8 : i32
        %slice3A_2857 = vector.extract_strided_slice %mul3A_2643 {offsets = [15], sizes = [1], strides = [1]} : vector<16xi32> to vector<1xi32>
        %squeeze3A_2858 = vector.extract %slice3A_2857[0] : i32 from vector<1xi32>
        %multiple_of3A_2859 = tpu.assume_multiple %squeeze3A_2858, 128 : i32
        %dma_start3A_2860 = arith.constant 120 : i32
        %dma_start3A_2861 = arith.constant 0 : i32
        %dma_start3A_2862 = tpu.memref_slice %arg9[%dma_start3A_2860, %dma_start3A_2861] : memref<128x128xf32, #tpu.memory_space<vmem>> -> memref<8x128xf32, #tpu.memory_space<vmem>>
        %dma_start3A_2863 = tpu.memref_slice %arg3[%multiple_of3A_2856, %multiple_of3A_2859] : memref<10000x10000xf32, #tpu.memory_space<hbm>> -> memref<8x128xf32, #tpu.memory_space<hbm>>
        %dma_start3A_2864 = arith.constant 120 : i32
        %dma_start3A_2865 = arith.constant 0 : i32
        %dma_start3A_2866 = tpu.memref_slice %arg9[%dma_start3A_2864, %dma_start3A_2865] : memref<128x128xf32, #tpu.memory_space<vmem>> -> memref<8x128xf32, #tpu.memory_space<vmem>>
        %dma_start3A_2867 = tpu.memref_slice %arg3[%multiple_of3A_2856, %multiple_of3A_2859] : memref<10000x10000xf32, #tpu.memory_space<hbm>> -> memref<8x128xf32, #tpu.memory_space<hbm>>
        tpu.enqueue_dma source(%dma_start3A_2867 : memref<8x128xf32, #tpu.memory_space<hbm>>) target(%dma_start3A_2866 : memref<8x128xf32, #tpu.memory_space<vmem>>) target_semaphore(%arg14 : memref<!tpu.dma_semaphore, #tpu.memory_space<semaphore_mem>>)
      } else {
      }
      %dma_wait3A_2218 = arith.constant 0 : i32
      %dma_wait3A_2219 = arith.constant 0 : i32
      %dma_wait3A_2220 = tpu.memref_slice %arg3[%dma_wait3A_2218, %dma_wait3A_2219] : memref<10000x10000xf32, #tpu.memory_space<hbm>> -> memref<128x128xf32, #tpu.memory_space<hbm>>
      %dma_wait3A_2221 = arith.constant 0 : i32
      %dma_wait3A_2222 = arith.constant 0 : i32
      %dma_wait3A_2223 = tpu.memref_slice %arg3[%dma_wait3A_2221, %dma_wait3A_2222] : memref<10000x10000xf32, #tpu.memory_space<hbm>> -> memref<128x128xf32, #tpu.memory_space<hbm>>
      tpu.wait_dma2 semaphore(%arg15 : memref<!tpu.dma_semaphore, #tpu.memory_space<semaphore_mem>>) src(%dma_wait3A_2223 : memref<128x128xf32, #tpu.memory_space<hbm>>) dst(%arg10 : memref<128x128xf32, #tpu.memory_space<vmem>>)
      %add3A_2224 = arith.constant 3 : i32
      %add3A_2225 = arith.addi %mul3A_737, %add3A_2224 : i32
      %mul3A_2226 = arith.constant 16 : i32
      %mul3A_2227 = arith.muli %add3A_2225, %mul3A_2226 : i32
      %multiple_of3A_2228 = tpu.assume_multiple %mul3A_2227, 16 : i32
      %get3A_2229 = arith.index_cast %multiple_of3A_2228 : i32 to index
      %get3A_2230 = tpu.vector_load %arg5[%get3A_2229] {strides = array<i32>} : memref<512xi32, #tpu.memory_space<vmem>>, vector<16xi32>,
      %get3A_2231 = vector.shape_cast %get3A_2230 : vector<16xi32> to vector<16xi32>
      %get3A_2232 = arith.index_cast %multiple_of3A_2228 : i32 to index
      %get3A_2233 = tpu.vector_load %arg6[%get3A_2232] {strides = array<i32>} : memref<512xi32, #tpu.memory_space<vmem>>, vector<16xi32>,
      %get3A_2234 = vector.shape_cast %get3A_2233 : vector<16xi32> to vector<16xi32>
      %broadcast_in_dim3A_2235 = arith.constant 0.000000e+00 : f32
      %broadcast_in_dim3A_2236 = vector.broadcast %broadcast_in_dim3A_2235 : f32 to vector<16xf32>
      %iota3A_2237 = tpu.iota {dimensions = array<i32: 0>} : vector<16xi32>
      %and3A_2238 = arith.constant 15 : i32
      %and3A_2239 = vector.broadcast %and3A_2238 : i32 to vector<16xi32>
      %and3A_2240 = arith.andi %get3A_2234, %and3A_2239 : vector<16xi32>
      %mul3A_2241 = arith.constant 8 : i32
      %mul3A_2242 = vector.broadcast %mul3A_2241 : i32 to vector<16xi32>
      %mul3A_2243 = arith.muli %iota3A_2237, %mul3A_2242 : vector<16xi32>
      %and3A_2244 = arith.constant 7 : i32
      %and3A_2245 = vector.broadcast %and3A_2244 : i32 to vector<16xi32>
      %and3A_2246 = arith.andi %get3A_2231, %and3A_2245 : vector<16xi32>
      %add3A_2247 = arith.addi %mul3A_2243, %and3A_2246 : vector<16xi32>
      %and3A_2248 = arith.constant 112 : i32
      %and3A_2249 = vector.broadcast %and3A_2248 : i32 to vector<16xi32>
      %and3A_2250 = arith.andi %get3A_2234, %and3A_2249 : vector<16xi32>
      %slice3A_2251 = vector.extract_strided_slice %add3A_2247 {offsets = [0], sizes = [1], strides = [1]} : vector<16xi32> to vector<1xi32>
      %squeeze3A_2252 = vector.extract %slice3A_2251[0] : i32 from vector<1xi32>
      %slice3A_2253 = vector.extract_strided_slice %and3A_2250 {offsets = [0], sizes = [1], strides = [1]} : vector<16xi32> to vector<1xi32>
      %squeeze3A_2254 = vector.extract %slice3A_2253[0] : i32 from vector<1xi32>
      %multiple_of3A_2255 = tpu.assume_multiple %squeeze3A_2254, 16 : i32
      %get3A_2256 = arith.index_cast %squeeze3A_2252 : i32 to index
      %get3A_2257 = arith.index_cast %multiple_of3A_2255 : i32 to index
      %get3A_2258 = tpu.vector_load %arg10[%get3A_2256, %get3A_2257] {strides = array<i32>} : memref<128x128xf32, #tpu.memory_space<vmem>>, vector<1x16xf32>,
      %get3A_2259 = vector.shape_cast %get3A_2258 : vector<1x16xf32> to vector<16xf32>
      %lt3A_2260 = arith.constant 0 : i32
      %lt3A_2261 = vector.broadcast %lt3A_2260 : i32 to vector<16xi32>
      %lt3A_2262 = arith.cmpi slt, %and3A_2240, %lt3A_2261 : vector<16xi32>
      %add3A_2263 = arith.constant 16 : i32
      %add3A_2264 = vector.broadcast %add3A_2263 : i32 to vector<16xi32>
      %add3A_2265 = arith.addi %and3A_2240, %add3A_2264 : vector<16xi32>
      %select_n3A_2266 = arith.select %lt3A_2262, %add3A_2265, %and3A_2240 : vector<16xi1>, vector<16xi32>
      %broadcast_in_dim3A_2267 = vector.shape_cast %select_n3A_2266 : vector<16xi32> to vector<16x1xi32>
      %gather3A_2268 = vector.shape_cast %broadcast_in_dim3A_2267 : vector<16x1xi32> to vector<16xi32>
      %gather3A_2269 = tpu.dynamic_gather %get3A_2259[%gather3A_2268] in [0] : vector<16xf32>, vector<16xi32> -> vector<16xf32>
      %eq3A_2270 = arith.constant 0 : i32
      %eq3A_2271 = vector.broadcast %eq3A_2270 : i32 to vector<16xi32>
      %eq3A_2272 = arith.cmpi eq, %iota3A_2237, %eq3A_2271 : vector<16xi32>
      %select_n3A_2273 = arith.select %eq3A_2272, %gather3A_2269, %broadcast_in_dim3A_2236 : vector<16xi1>, vector<16xf32>
      %slice3A_2274 = vector.extract_strided_slice %add3A_2247 {offsets = [1], sizes = [1], strides = [1]} : vector<16xi32> to vector<1xi32>
      %squeeze3A_2275 = vector.extract %slice3A_2274[0] : i32 from vector<1xi32>
      %slice3A_2276 = vector.extract_strided_slice %and3A_2250 {offsets = [1], sizes = [1], strides = [1]} : vector<16xi32> to vector<1xi32>
      %squeeze3A_2277 = vector.extract %slice3A_2276[0] : i32 from vector<1xi32>
      %multiple_of3A_2278 = tpu.assume_multiple %squeeze3A_2277, 16 : i32
      %get3A_2279 = arith.index_cast %squeeze3A_2275 : i32 to index
      %get3A_2280 = arith.index_cast %multiple_of3A_2278 : i32 to index
      %get3A_2281 = tpu.vector_load %arg10[%get3A_2279, %get3A_2280] {strides = array<i32>} : memref<128x128xf32, #tpu.memory_space<vmem>>, vector<1x16xf32>,
      %get3A_2282 = vector.shape_cast %get3A_2281 : vector<1x16xf32> to vector<16xf32>
      %lt3A_2283 = arith.constant 0 : i32
      %lt3A_2284 = vector.broadcast %lt3A_2283 : i32 to vector<16xi32>
      %lt3A_2285 = arith.cmpi slt, %and3A_2240, %lt3A_2284 : vector<16xi32>
      %add3A_2286 = arith.constant 16 : i32
      %add3A_2287 = vector.broadcast %add3A_2286 : i32 to vector<16xi32>
      %add3A_2288 = arith.addi %and3A_2240, %add3A_2287 : vector<16xi32>
      %select_n3A_2289 = arith.select %lt3A_2285, %add3A_2288, %and3A_2240 : vector<16xi1>, vector<16xi32>
      %broadcast_in_dim3A_2290 = vector.shape_cast %select_n3A_2289 : vector<16xi32> to vector<16x1xi32>
      %gather3A_2291 = vector.shape_cast %broadcast_in_dim3A_2290 : vector<16x1xi32> to vector<16xi32>
      %gather3A_2292 = tpu.dynamic_gather %get3A_2282[%gather3A_2291] in [0] : vector<16xf32>, vector<16xi32> -> vector<16xf32>
      %eq3A_2293 = arith.constant 1 : i32
      %eq3A_2294 = vector.broadcast %eq3A_2293 : i32 to vector<16xi32>
      %eq3A_2295 = arith.cmpi eq, %iota3A_2237, %eq3A_2294 : vector<16xi32>
      %select_n3A_2296 = arith.select %eq3A_2295, %gather3A_2292, %select_n3A_2273 : vector<16xi1>, vector<16xf32>
      %slice3A_2297 = vector.extract_strided_slice %add3A_2247 {offsets = [2], sizes = [1], strides = [1]} : vector<16xi32> to vector<1xi32>
      %squeeze3A_2298 = vector.extract %slice3A_2297[0] : i32 from vector<1xi32>
      %slice3A_2299 = vector.extract_strided_slice %and3A_2250 {offsets = [2], sizes = [1], strides = [1]} : vector<16xi32> to vector<1xi32>
      %squeeze3A_2300 = vector.extract %slice3A_2299[0] : i32 from vector<1xi32>
      %multiple_of3A_2301 = tpu.assume_multiple %squeeze3A_2300, 16 : i32
      %get3A_2302 = arith.index_cast %squeeze3A_2298 : i32 to index
      %get3A_2303 = arith.index_cast %multiple_of3A_2301 : i32 to index
      %get3A_2304 = tpu.vector_load %arg10[%get3A_2302, %get3A_2303] {strides = array<i32>} : memref<128x128xf32, #tpu.memory_space<vmem>>, vector<1x16xf32>,
      %get3A_2305 = vector.shape_cast %get3A_2304 : vector<1x16xf32> to vector<16xf32>
      %lt3A_2306 = arith.constant 0 : i32
      %lt3A_2307 = vector.broadcast %lt3A_2306 : i32 to vector<16xi32>
      %lt3A_2308 = arith.cmpi slt, %and3A_2240, %lt3A_2307 : vector<16xi32>
      %add3A_2309 = arith.constant 16 : i32
      %add3A_2310 = vector.broadcast %add3A_2309 : i32 to vector<16xi32>
      %add3A_2311 = arith.addi %and3A_2240, %add3A_2310 : vector<16xi32>
      %select_n3A_2312 = arith.select %lt3A_2308, %add3A_2311, %and3A_2240 : vector<16xi1>, vector<16xi32>
      %broadcast_in_dim3A_2313 = vector.shape_cast %select_n3A_2312 : vector<16xi32> to vector<16x1xi32>
      %gather3A_2314 = vector.shape_cast %broadcast_in_dim3A_2313 : vector<16x1xi32> to vector<16xi32>
      %gather3A_2315 = tpu.dynamic_gather %get3A_2305[%gather3A_2314] in [0] : vector<16xf32>, vector<16xi32> -> vector<16xf32>
      %eq3A_2316 = arith.constant 2 : i32
      %eq3A_2317 = vector.broadcast %eq3A_2316 : i32 to vector<16xi32>
      %eq3A_2318 = arith.cmpi eq, %iota3A_2237, %eq3A_2317 : vector<16xi32>
      %select_n3A_2319 = arith.select %eq3A_2318, %gather3A_2315, %select_n3A_2296 : vector<16xi1>, vector<16xf32>
      %slice3A_2320 = vector.extract_strided_slice %add3A_2247 {offsets = [3], sizes = [1], strides = [1]} : vector<16xi32> to vector<1xi32>
      %squeeze3A_2321 = vector.extract %slice3A_2320[0] : i32 from vector<1xi32>
      %slice3A_2322 = vector.extract_strided_slice %and3A_2250 {offsets = [3], sizes = [1], strides = [1]} : vector<16xi32> to vector<1xi32>
      %squeeze3A_2323 = vector.extract %slice3A_2322[0] : i32 from vector<1xi32>
      %multiple_of3A_2324 = tpu.assume_multiple %squeeze3A_2323, 16 : i32
      %get3A_2325 = arith.index_cast %squeeze3A_2321 : i32 to index
      %get3A_2326 = arith.index_cast %multiple_of3A_2324 : i32 to index
      %get3A_2327 = tpu.vector_load %arg10[%get3A_2325, %get3A_2326] {strides = array<i32>} : memref<128x128xf32, #tpu.memory_space<vmem>>, vector<1x16xf32>,
      %get3A_2328 = vector.shape_cast %get3A_2327 : vector<1x16xf32> to vector<16xf32>
      %lt3A_2329 = arith.constant 0 : i32
      %lt3A_2330 = vector.broadcast %lt3A_2329 : i32 to vector<16xi32>
      %lt3A_2331 = arith.cmpi slt, %and3A_2240, %lt3A_2330 : vector<16xi32>
      %add3A_2332 = arith.constant 16 : i32
      %add3A_2333 = vector.broadcast %add3A_2332 : i32 to vector<16xi32>
      %add3A_2334 = arith.addi %and3A_2240, %add3A_2333 : vector<16xi32>
      %select_n3A_2335 = arith.select %lt3A_2331, %add3A_2334, %and3A_2240 : vector<16xi1>, vector<16xi32>
      %broadcast_in_dim3A_2336 = vector.shape_cast %select_n3A_2335 : vector<16xi32> to vector<16x1xi32>
      %gather3A_2337 = vector.shape_cast %broadcast_in_dim3A_2336 : vector<16x1xi32> to vector<16xi32>
      %gather3A_2338 = tpu.dynamic_gather %get3A_2328[%gather3A_2337] in [0] : vector<16xf32>, vector<16xi32> -> vector<16xf32>
      %eq3A_2339 = arith.constant 3 : i32
      %eq3A_2340 = vector.broadcast %eq3A_2339 : i32 to vector<16xi32>
      %eq3A_2341 = arith.cmpi eq, %iota3A_2237, %eq3A_2340 : vector<16xi32>
      %select_n3A_2342 = arith.select %eq3A_2341, %gather3A_2338, %select_n3A_2319 : vector<16xi1>, vector<16xf32>
      %slice3A_2343 = vector.extract_strided_slice %add3A_2247 {offsets = [4], sizes = [1], strides = [1]} : vector<16xi32> to vector<1xi32>
      %squeeze3A_2344 = vector.extract %slice3A_2343[0] : i32 from vector<1xi32>
      %slice3A_2345 = vector.extract_strided_slice %and3A_2250 {offsets = [4], sizes = [1], strides = [1]} : vector<16xi32> to vector<1xi32>
      %squeeze3A_2346 = vector.extract %slice3A_2345[0] : i32 from vector<1xi32>
      %multiple_of3A_2347 = tpu.assume_multiple %squeeze3A_2346, 16 : i32
      %get3A_2348 = arith.index_cast %squeeze3A_2344 : i32 to index
      %get3A_2349 = arith.index_cast %multiple_of3A_2347 : i32 to index
      %get3A_2350 = tpu.vector_load %arg10[%get3A_2348, %get3A_2349] {strides = array<i32>} : memref<128x128xf32, #tpu.memory_space<vmem>>, vector<1x16xf32>,
      %get3A_2351 = vector.shape_cast %get3A_2350 : vector<1x16xf32> to vector<16xf32>
      %lt3A_2352 = arith.constant 0 : i32
      %lt3A_2353 = vector.broadcast %lt3A_2352 : i32 to vector<16xi32>
      %lt3A_2354 = arith.cmpi slt, %and3A_2240, %lt3A_2353 : vector<16xi32>
      %add3A_2355 = arith.constant 16 : i32
      %add3A_2356 = vector.broadcast %add3A_2355 : i32 to vector<16xi32>
      %add3A_2357 = arith.addi %and3A_2240, %add3A_2356 : vector<16xi32>
      %select_n3A_2358 = arith.select %lt3A_2354, %add3A_2357, %and3A_2240 : vector<16xi1>, vector<16xi32>
      %broadcast_in_dim3A_2359 = vector.shape_cast %select_n3A_2358 : vector<16xi32> to vector<16x1xi32>
      %gather3A_2360 = vector.shape_cast %broadcast_in_dim3A_2359 : vector<16x1xi32> to vector<16xi32>
      %gather3A_2361 = tpu.dynamic_gather %get3A_2351[%gather3A_2360] in [0] : vector<16xf32>, vector<16xi32> -> vector<16xf32>
      %eq3A_2362 = arith.constant 4 : i32
      %eq3A_2363 = vector.broadcast %eq3A_2362 : i32 to vector<16xi32>
      %eq3A_2364 = arith.cmpi eq, %iota3A_2237, %eq3A_2363 : vector<16xi32>
      %select_n3A_2365 = arith.select %eq3A_2364, %gather3A_2361, %select_n3A_2342 : vector<16xi1>, vector<16xf32>
      %slice3A_2366 = vector.extract_strided_slice %add3A_2247 {offsets = [5], sizes = [1], strides = [1]} : vector<16xi32> to vector<1xi32>
      %squeeze3A_2367 = vector.extract %slice3A_2366[0] : i32 from vector<1xi32>
      %slice3A_2368 = vector.extract_strided_slice %and3A_2250 {offsets = [5], sizes = [1], strides = [1]} : vector<16xi32> to vector<1xi32>
      %squeeze3A_2369 = vector.extract %slice3A_2368[0] : i32 from vector<1xi32>
      %multiple_of3A_2370 = tpu.assume_multiple %squeeze3A_2369, 16 : i32
      %get3A_2371 = arith.index_cast %squeeze3A_2367 : i32 to index
      %get3A_2372 = arith.index_cast %multiple_of3A_2370 : i32 to index
      %get3A_2373 = tpu.vector_load %arg10[%get3A_2371, %get3A_2372] {strides = array<i32>} : memref<128x128xf32, #tpu.memory_space<vmem>>, vector<1x16xf32>,
      %get3A_2374 = vector.shape_cast %get3A_2373 : vector<1x16xf32> to vector<16xf32>
      %lt3A_2375 = arith.constant 0 : i32
      %lt3A_2376 = vector.broadcast %lt3A_2375 : i32 to vector<16xi32>
      %lt3A_2377 = arith.cmpi slt, %and3A_2240, %lt3A_2376 : vector<16xi32>
      %add3A_2378 = arith.constant 16 : i32
      %add3A_2379 = vector.broadcast %add3A_2378 : i32 to vector<16xi32>
      %add3A_2380 = arith.addi %and3A_2240, %add3A_2379 : vector<16xi32>
      %select_n3A_2381 = arith.select %lt3A_2377, %add3A_2380, %and3A_2240 : vector<16xi1>, vector<16xi32>
      %broadcast_in_dim3A_2382 = vector.shape_cast %select_n3A_2381 : vector<16xi32> to vector<16x1xi32>
      %gather3A_2383 = vector.shape_cast %broadcast_in_dim3A_2382 : vector<16x1xi32> to vector<16xi32>
      %gather3A_2384 = tpu.dynamic_gather %get3A_2374[%gather3A_2383] in [0] : vector<16xf32>, vector<16xi32> -> vector<16xf32>
      %eq3A_2385 = arith.constant 5 : i32
      %eq3A_2386 = vector.broadcast %eq3A_2385 : i32 to vector<16xi32>
      %eq3A_2387 = arith.cmpi eq, %iota3A_2237, %eq3A_2386 : vector<16xi32>
      %select_n3A_2388 = arith.select %eq3A_2387, %gather3A_2384, %select_n3A_2365 : vector<16xi1>, vector<16xf32>
      %slice3A_2389 = vector.extract_strided_slice %add3A_2247 {offsets = [6], sizes = [1], strides = [1]} : vector<16xi32> to vector<1xi32>
      %squeeze3A_2390 = vector.extract %slice3A_2389[0] : i32 from vector<1xi32>
      %slice3A_2391 = vector.extract_strided_slice %and3A_2250 {offsets = [6], sizes = [1], strides = [1]} : vector<16xi32> to vector<1xi32>
      %squeeze3A_2392 = vector.extract %slice3A_2391[0] : i32 from vector<1xi32>
      %multiple_of3A_2393 = tpu.assume_multiple %squeeze3A_2392, 16 : i32
      %get3A_2394 = arith.index_cast %squeeze3A_2390 : i32 to index
      %get3A_2395 = arith.index_cast %multiple_of3A_2393 : i32 to index
      %get3A_2396 = tpu.vector_load %arg10[%get3A_2394, %get3A_2395] {strides = array<i32>} : memref<128x128xf32, #tpu.memory_space<vmem>>, vector<1x16xf32>,
      %get3A_2397 = vector.shape_cast %get3A_2396 : vector<1x16xf32> to vector<16xf32>
      %lt3A_2398 = arith.constant 0 : i32
      %lt3A_2399 = vector.broadcast %lt3A_2398 : i32 to vector<16xi32>
      %lt3A_2400 = arith.cmpi slt, %and3A_2240, %lt3A_2399 : vector<16xi32>
      %add3A_2401 = arith.constant 16 : i32
      %add3A_2402 = vector.broadcast %add3A_2401 : i32 to vector<16xi32>
      %add3A_2403 = arith.addi %and3A_2240, %add3A_2402 : vector<16xi32>
      %select_n3A_2404 = arith.select %lt3A_2400, %add3A_2403, %and3A_2240 : vector<16xi1>, vector<16xi32>
      %broadcast_in_dim3A_2405 = vector.shape_cast %select_n3A_2404 : vector<16xi32> to vector<16x1xi32>
      %gather3A_2406 = vector.shape_cast %broadcast_in_dim3A_2405 : vector<16x1xi32> to vector<16xi32>
      %gather3A_2407 = tpu.dynamic_gather %get3A_2397[%gather3A_2406] in [0] : vector<16xf32>, vector<16xi32> -> vector<16xf32>
      %eq3A_2408 = arith.constant 6 : i32
      %eq3A_2409 = vector.broadcast %eq3A_2408 : i32 to vector<16xi32>
      %eq3A_2410 = arith.cmpi eq, %iota3A_2237, %eq3A_2409 : vector<16xi32>
      %select_n3A_2411 = arith.select %eq3A_2410, %gather3A_2407, %select_n3A_2388 : vector<16xi1>, vector<16xf32>
      %slice3A_2412 = vector.extract_strided_slice %add3A_2247 {offsets = [7], sizes = [1], strides = [1]} : vector<16xi32> to vector<1xi32>
      %squeeze3A_2413 = vector.extract %slice3A_2412[0] : i32 from vector<1xi32>
      %slice3A_2414 = vector.extract_strided_slice %and3A_2250 {offsets = [7], sizes = [1], strides = [1]} : vector<16xi32> to vector<1xi32>
      %squeeze3A_2415 = vector.extract %slice3A_2414[0] : i32 from vector<1xi32>
      %multiple_of3A_2416 = tpu.assume_multiple %squeeze3A_2415, 16 : i32
      %get3A_2417 = arith.index_cast %squeeze3A_2413 : i32 to index
      %get3A_2418 = arith.index_cast %multiple_of3A_2416 : i32 to index
      %get3A_2419 = tpu.vector_load %arg10[%get3A_2417, %get3A_2418] {strides = array<i32>} : memref<128x128xf32, #tpu.memory_space<vmem>>, vector<1x16xf32>,
      %get3A_2420 = vector.shape_cast %get3A_2419 : vector<1x16xf32> to vector<16xf32>
      %lt3A_2421 = arith.constant 0 : i32
      %lt3A_2422 = vector.broadcast %lt3A_2421 : i32 to vector<16xi32>
      %lt3A_2423 = arith.cmpi slt, %and3A_2240, %lt3A_2422 : vector<16xi32>
      %add3A_2424 = arith.constant 16 : i32
      %add3A_2425 = vector.broadcast %add3A_2424 : i32 to vector<16xi32>
      %add3A_2426 = arith.addi %and3A_2240, %add3A_2425 : vector<16xi32>
      %select_n3A_2427 = arith.select %lt3A_2423, %add3A_2426, %and3A_2240 : vector<16xi1>, vector<16xi32>
      %broadcast_in_dim3A_2428 = vector.shape_cast %select_n3A_2427 : vector<16xi32> to vector<16x1xi32>
      %gather3A_2429 = vector.shape_cast %broadcast_in_dim3A_2428 : vector<16x1xi32> to vector<16xi32>
      %gather3A_2430 = tpu.dynamic_gather %get3A_2420[%gather3A_2429] in [0] : vector<16xf32>, vector<16xi32> -> vector<16xf32>
      %eq3A_2431 = arith.constant 7 : i32
      %eq3A_2432 = vector.broadcast %eq3A_2431 : i32 to vector<16xi32>
      %eq3A_2433 = arith.cmpi eq, %iota3A_2237, %eq3A_2432 : vector<16xi32>
      %select_n3A_2434 = arith.select %eq3A_2433, %gather3A_2430, %select_n3A_2411 : vector<16xi1>, vector<16xf32>
      %slice3A_2435 = vector.extract_strided_slice %add3A_2247 {offsets = [8], sizes = [1], strides = [1]} : vector<16xi32> to vector<1xi32>
      %squeeze3A_2436 = vector.extract %slice3A_2435[0] : i32 from vector<1xi32>
      %slice3A_2437 = vector.extract_strided_slice %and3A_2250 {offsets = [8], sizes = [1], strides = [1]} : vector<16xi32> to vector<1xi32>
      %squeeze3A_2438 = vector.extract %slice3A_2437[0] : i32 from vector<1xi32>
      %multiple_of3A_2439 = tpu.assume_multiple %squeeze3A_2438, 16 : i32
      %get3A_2440 = arith.index_cast %squeeze3A_2436 : i32 to index
      %get3A_2441 = arith.index_cast %multiple_of3A_2439 : i32 to index
      %get3A_2442 = tpu.vector_load %arg10[%get3A_2440, %get3A_2441] {strides = array<i32>} : memref<128x128xf32, #tpu.memory_space<vmem>>, vector<1x16xf32>,
      %get3A_2443 = vector.shape_cast %get3A_2442 : vector<1x16xf32> to vector<16xf32>
      %lt3A_2444 = arith.constant 0 : i32
      %lt3A_2445 = vector.broadcast %lt3A_2444 : i32 to vector<16xi32>
      %lt3A_2446 = arith.cmpi slt, %and3A_2240, %lt3A_2445 : vector<16xi32>
      %add3A_2447 = arith.constant 16 : i32
      %add3A_2448 = vector.broadcast %add3A_2447 : i32 to vector<16xi32>
      %add3A_2449 = arith.addi %and3A_2240, %add3A_2448 : vector<16xi32>
      %select_n3A_2450 = arith.select %lt3A_2446, %add3A_2449, %and3A_2240 : vector<16xi1>, vector<16xi32>
      %broadcast_in_dim3A_2451 = vector.shape_cast %select_n3A_2450 : vector<16xi32> to vector<16x1xi32>
      %gather3A_2452 = vector.shape_cast %broadcast_in_dim3A_2451 : vector<16x1xi32> to vector<16xi32>
      %gather3A_2453 = tpu.dynamic_gather %get3A_2443[%gather3A_2452] in [0] : vector<16xf32>, vector<16xi32> -> vector<16xf32>
      %eq3A_2454 = arith.constant 8 : i32
      %eq3A_2455 = vector.broadcast %eq3A_2454 : i32 to vector<16xi32>
      %eq3A_2456 = arith.cmpi eq, %iota3A_2237, %eq3A_2455 : vector<16xi32>
      %select_n3A_2457 = arith.select %eq3A_2456, %gather3A_2453, %select_n3A_2434 : vector<16xi1>, vector<16xf32>
      %slice3A_2458 = vector.extract_strided_slice %add3A_2247 {offsets = [9], sizes = [1], strides = [1]} : vector<16xi32> to vector<1xi32>
      %squeeze3A_2459 = vector.extract %slice3A_2458[0] : i32 from vector<1xi32>
      %slice3A_2460 = vector.extract_strided_slice %and3A_2250 {offsets = [9], sizes = [1], strides = [1]} : vector<16xi32> to vector<1xi32>
      %squeeze3A_2461 = vector.extract %slice3A_2460[0] : i32 from vector<1xi32>
      %multiple_of3A_2462 = tpu.assume_multiple %squeeze3A_2461, 16 : i32
      %get3A_2463 = arith.index_cast %squeeze3A_2459 : i32 to index
      %get3A_2464 = arith.index_cast %multiple_of3A_2462 : i32 to index
      %get3A_2465 = tpu.vector_load %arg10[%get3A_2463, %get3A_2464] {strides = array<i32>} : memref<128x128xf32, #tpu.memory_space<vmem>>, vector<1x16xf32>,
      %get3A_2466 = vector.shape_cast %get3A_2465 : vector<1x16xf32> to vector<16xf32>
      %lt3A_2467 = arith.constant 0 : i32
      %lt3A_2468 = vector.broadcast %lt3A_2467 : i32 to vector<16xi32>
      %lt3A_2469 = arith.cmpi slt, %and3A_2240, %lt3A_2468 : vector<16xi32>
      %add3A_2470 = arith.constant 16 : i32
      %add3A_2471 = vector.broadcast %add3A_2470 : i32 to vector<16xi32>
      %add3A_2472 = arith.addi %and3A_2240, %add3A_2471 : vector<16xi32>
      %select_n3A_2473 = arith.select %lt3A_2469, %add3A_2472, %and3A_2240 : vector<16xi1>, vector<16xi32>
      %broadcast_in_dim3A_2474 = vector.shape_cast %select_n3A_2473 : vector<16xi32> to vector<16x1xi32>
      %gather3A_2475 = vector.shape_cast %broadcast_in_dim3A_2474 : vector<16x1xi32> to vector<16xi32>
      %gather3A_2476 = tpu.dynamic_gather %get3A_2466[%gather3A_2475] in [0] : vector<16xf32>, vector<16xi32> -> vector<16xf32>
      %eq3A_2477 = arith.constant 9 : i32
      %eq3A_2478 = vector.broadcast %eq3A_2477 : i32 to vector<16xi32>
      %eq3A_2479 = arith.cmpi eq, %iota3A_2237, %eq3A_2478 : vector<16xi32>
      %select_n3A_2480 = arith.select %eq3A_2479, %gather3A_2476, %select_n3A_2457 : vector<16xi1>, vector<16xf32>
      %slice3A_2481 = vector.extract_strided_slice %add3A_2247 {offsets = [10], sizes = [1], strides = [1]} : vector<16xi32> to vector<1xi32>
      %squeeze3A_2482 = vector.extract %slice3A_2481[0] : i32 from vector<1xi32>
      %slice3A_2483 = vector.extract_strided_slice %and3A_2250 {offsets = [10], sizes = [1], strides = [1]} : vector<16xi32> to vector<1xi32>
      %squeeze3A_2484 = vector.extract %slice3A_2483[0] : i32 from vector<1xi32>
      %multiple_of3A_2485 = tpu.assume_multiple %squeeze3A_2484, 16 : i32
      %get3A_2486 = arith.index_cast %squeeze3A_2482 : i32 to index
      %get3A_2487 = arith.index_cast %multiple_of3A_2485 : i32 to index
      %get3A_2488 = tpu.vector_load %arg10[%get3A_2486, %get3A_2487] {strides = array<i32>} : memref<128x128xf32, #tpu.memory_space<vmem>>, vector<1x16xf32>,
      %get3A_2489 = vector.shape_cast %get3A_2488 : vector<1x16xf32> to vector<16xf32>
      %lt3A_2490 = arith.constant 0 : i32
      %lt3A_2491 = vector.broadcast %lt3A_2490 : i32 to vector<16xi32>
      %lt3A_2492 = arith.cmpi slt, %and3A_2240, %lt3A_2491 : vector<16xi32>
      %add3A_2493 = arith.constant 16 : i32
      %add3A_2494 = vector.broadcast %add3A_2493 : i32 to vector<16xi32>
      %add3A_2495 = arith.addi %and3A_2240, %add3A_2494 : vector<16xi32>
      %select_n3A_2496 = arith.select %lt3A_2492, %add3A_2495, %and3A_2240 : vector<16xi1>, vector<16xi32>
      %broadcast_in_dim3A_2497 = vector.shape_cast %select_n3A_2496 : vector<16xi32> to vector<16x1xi32>
      %gather3A_2498 = vector.shape_cast %broadcast_in_dim3A_2497 : vector<16x1xi32> to vector<16xi32>
      %gather3A_2499 = tpu.dynamic_gather %get3A_2489[%gather3A_2498] in [0] : vector<16xf32>, vector<16xi32> -> vector<16xf32>
      %eq3A_2500 = arith.constant 10 : i32
      %eq3A_2501 = vector.broadcast %eq3A_2500 : i32 to vector<16xi32>
      %eq3A_2502 = arith.cmpi eq, %iota3A_2237, %eq3A_2501 : vector<16xi32>
      %select_n3A_2503 = arith.select %eq3A_2502, %gather3A_2499, %select_n3A_2480 : vector<16xi1>, vector<16xf32>
      %slice3A_2504 = vector.extract_strided_slice %add3A_2247 {offsets = [11], sizes = [1], strides = [1]} : vector<16xi32> to vector<1xi32>
      %squeeze3A_2505 = vector.extract %slice3A_2504[0] : i32 from vector<1xi32>
      %slice3A_2506 = vector.extract_strided_slice %and3A_2250 {offsets = [11], sizes = [1], strides = [1]} : vector<16xi32> to vector<1xi32>
      %squeeze3A_2507 = vector.extract %slice3A_2506[0] : i32 from vector<1xi32>
      %multiple_of3A_2508 = tpu.assume_multiple %squeeze3A_2507, 16 : i32
      %get3A_2509 = arith.index_cast %squeeze3A_2505 : i32 to index
      %get3A_2510 = arith.index_cast %multiple_of3A_2508 : i32 to index
      %get3A_2511 = tpu.vector_load %arg10[%get3A_2509, %get3A_2510] {strides = array<i32>} : memref<128x128xf32, #tpu.memory_space<vmem>>, vector<1x16xf32>,
      %get3A_2512 = vector.shape_cast %get3A_2511 : vector<1x16xf32> to vector<16xf32>
      %lt3A_2513 = arith.constant 0 : i32
      %lt3A_2514 = vector.broadcast %lt3A_2513 : i32 to vector<16xi32>
      %lt3A_2515 = arith.cmpi slt, %and3A_2240, %lt3A_2514 : vector<16xi32>
      %add3A_2516 = arith.constant 16 : i32
      %add3A_2517 = vector.broadcast %add3A_2516 : i32 to vector<16xi32>
      %add3A_2518 = arith.addi %and3A_2240, %add3A_2517 : vector<16xi32>
      %select_n3A_2519 = arith.select %lt3A_2515, %add3A_2518, %and3A_2240 : vector<16xi1>, vector<16xi32>
      %broadcast_in_dim3A_2520 = vector.shape_cast %select_n3A_2519 : vector<16xi32> to vector<16x1xi32>
      %gather3A_2521 = vector.shape_cast %broadcast_in_dim3A_2520 : vector<16x1xi32> to vector<16xi32>
      %gather3A_2522 = tpu.dynamic_gather %get3A_2512[%gather3A_2521] in [0] : vector<16xf32>, vector<16xi32> -> vector<16xf32>
      %eq3A_2523 = arith.constant 11 : i32
      %eq3A_2524 = vector.broadcast %eq3A_2523 : i32 to vector<16xi32>
      %eq3A_2525 = arith.cmpi eq, %iota3A_2237, %eq3A_2524 : vector<16xi32>
      %select_n3A_2526 = arith.select %eq3A_2525, %gather3A_2522, %select_n3A_2503 : vector<16xi1>, vector<16xf32>
      %slice3A_2527 = vector.extract_strided_slice %add3A_2247 {offsets = [12], sizes = [1], strides = [1]} : vector<16xi32> to vector<1xi32>
      %squeeze3A_2528 = vector.extract %slice3A_2527[0] : i32 from vector<1xi32>
      %slice3A_2529 = vector.extract_strided_slice %and3A_2250 {offsets = [12], sizes = [1], strides = [1]} : vector<16xi32> to vector<1xi32>
      %squeeze3A_2530 = vector.extract %slice3A_2529[0] : i32 from vector<1xi32>
      %multiple_of3A_2531 = tpu.assume_multiple %squeeze3A_2530, 16 : i32
      %get3A_2532 = arith.index_cast %squeeze3A_2528 : i32 to index
      %get3A_2533 = arith.index_cast %multiple_of3A_2531 : i32 to index
      %get3A_2534 = tpu.vector_load %arg10[%get3A_2532, %get3A_2533] {strides = array<i32>} : memref<128x128xf32, #tpu.memory_space<vmem>>, vector<1x16xf32>,
      %get3A_2535 = vector.shape_cast %get3A_2534 : vector<1x16xf32> to vector<16xf32>
      %lt3A_2536 = arith.constant 0 : i32
      %lt3A_2537 = vector.broadcast %lt3A_2536 : i32 to vector<16xi32>
      %lt3A_2538 = arith.cmpi slt, %and3A_2240, %lt3A_2537 : vector<16xi32>
      %add3A_2539 = arith.constant 16 : i32
      %add3A_2540 = vector.broadcast %add3A_2539 : i32 to vector<16xi32>
      %add3A_2541 = arith.addi %and3A_2240, %add3A_2540 : vector<16xi32>
      %select_n3A_2542 = arith.select %lt3A_2538, %add3A_2541, %and3A_2240 : vector<16xi1>, vector<16xi32>
      %broadcast_in_dim3A_2543 = vector.shape_cast %select_n3A_2542 : vector<16xi32> to vector<16x1xi32>
      %gather3A_2544 = vector.shape_cast %broadcast_in_dim3A_2543 : vector<16x1xi32> to vector<16xi32>
      %gather3A_2545 = tpu.dynamic_gather %get3A_2535[%gather3A_2544] in [0] : vector<16xf32>, vector<16xi32> -> vector<16xf32>
      %eq3A_2546 = arith.constant 12 : i32
      %eq3A_2547 = vector.broadcast %eq3A_2546 : i32 to vector<16xi32>
      %eq3A_2548 = arith.cmpi eq, %iota3A_2237, %eq3A_2547 : vector<16xi32>
      %select_n3A_2549 = arith.select %eq3A_2548, %gather3A_2545, %select_n3A_2526 : vector<16xi1>, vector<16xf32>
      %slice3A_2550 = vector.extract_strided_slice %add3A_2247 {offsets = [13], sizes = [1], strides = [1]} : vector<16xi32> to vector<1xi32>
      %squeeze3A_2551 = vector.extract %slice3A_2550[0] : i32 from vector<1xi32>
      %slice3A_2552 = vector.extract_strided_slice %and3A_2250 {offsets = [13], sizes = [1], strides = [1]} : vector<16xi32> to vector<1xi32>
      %squeeze3A_2553 = vector.extract %slice3A_2552[0] : i32 from vector<1xi32>
      %multiple_of3A_2554 = tpu.assume_multiple %squeeze3A_2553, 16 : i32
      %get3A_2555 = arith.index_cast %squeeze3A_2551 : i32 to index
      %get3A_2556 = arith.index_cast %multiple_of3A_2554 : i32 to index
      %get3A_2557 = tpu.vector_load %arg10[%get3A_2555, %get3A_2556] {strides = array<i32>} : memref<128x128xf32, #tpu.memory_space<vmem>>, vector<1x16xf32>,
      %get3A_2558 = vector.shape_cast %get3A_2557 : vector<1x16xf32> to vector<16xf32>
      %lt3A_2559 = arith.constant 0 : i32
      %lt3A_2560 = vector.broadcast %lt3A_2559 : i32 to vector<16xi32>
      %lt3A_2561 = arith.cmpi slt, %and3A_2240, %lt3A_2560 : vector<16xi32>
      %add3A_2562 = arith.constant 16 : i32
      %add3A_2563 = vector.broadcast %add3A_2562 : i32 to vector<16xi32>
      %add3A_2564 = arith.addi %and3A_2240, %add3A_2563 : vector<16xi32>
      %select_n3A_2565 = arith.select %lt3A_2561, %add3A_2564, %and3A_2240 : vector<16xi1>, vector<16xi32>
      %broadcast_in_dim3A_2566 = vector.shape_cast %select_n3A_2565 : vector<16xi32> to vector<16x1xi32>
      %gather3A_2567 = vector.shape_cast %broadcast_in_dim3A_2566 : vector<16x1xi32> to vector<16xi32>
      %gather3A_2568 = tpu.dynamic_gather %get3A_2558[%gather3A_2567] in [0] : vector<16xf32>, vector<16xi32> -> vector<16xf32>
      %eq3A_2569 = arith.constant 13 : i32
      %eq3A_2570 = vector.broadcast %eq3A_2569 : i32 to vector<16xi32>
      %eq3A_2571 = arith.cmpi eq, %iota3A_2237, %eq3A_2570 : vector<16xi32>
      %select_n3A_2572 = arith.select %eq3A_2571, %gather3A_2568, %select_n3A_2549 : vector<16xi1>, vector<16xf32>
      %slice3A_2573 = vector.extract_strided_slice %add3A_2247 {offsets = [14], sizes = [1], strides = [1]} : vector<16xi32> to vector<1xi32>
      %squeeze3A_2574 = vector.extract %slice3A_2573[0] : i32 from vector<1xi32>
      %slice3A_2575 = vector.extract_strided_slice %and3A_2250 {offsets = [14], sizes = [1], strides = [1]} : vector<16xi32> to vector<1xi32>
      %squeeze3A_2576 = vector.extract %slice3A_2575[0] : i32 from vector<1xi32>
      %multiple_of3A_2577 = tpu.assume_multiple %squeeze3A_2576, 16 : i32
      %get3A_2578 = arith.index_cast %squeeze3A_2574 : i32 to index
      %get3A_2579 = arith.index_cast %multiple_of3A_2577 : i32 to index
      %get3A_2580 = tpu.vector_load %arg10[%get3A_2578, %get3A_2579] {strides = array<i32>} : memref<128x128xf32, #tpu.memory_space<vmem>>, vector<1x16xf32>,
      %get3A_2581 = vector.shape_cast %get3A_2580 : vector<1x16xf32> to vector<16xf32>
      %lt3A_2582 = arith.constant 0 : i32
      %lt3A_2583 = vector.broadcast %lt3A_2582 : i32 to vector<16xi32>
      %lt3A_2584 = arith.cmpi slt, %and3A_2240, %lt3A_2583 : vector<16xi32>
      %add3A_2585 = arith.constant 16 : i32
      %add3A_2586 = vector.broadcast %add3A_2585 : i32 to vector<16xi32>
      %add3A_2587 = arith.addi %and3A_2240, %add3A_2586 : vector<16xi32>
      %select_n3A_2588 = arith.select %lt3A_2584, %add3A_2587, %and3A_2240 : vector<16xi1>, vector<16xi32>
      %broadcast_in_dim3A_2589 = vector.shape_cast %select_n3A_2588 : vector<16xi32> to vector<16x1xi32>
      %gather3A_2590 = vector.shape_cast %broadcast_in_dim3A_2589 : vector<16x1xi32> to vector<16xi32>
      %gather3A_2591 = tpu.dynamic_gather %get3A_2581[%gather3A_2590] in [0] : vector<16xf32>, vector<16xi32> -> vector<16xf32>
      %eq3A_2592 = arith.constant 14 : i32
      %eq3A_2593 = vector.broadcast %eq3A_2592 : i32 to vector<16xi32>
      %eq3A_2594 = arith.cmpi eq, %iota3A_2237, %eq3A_2593 : vector<16xi32>
      %select_n3A_2595 = arith.select %eq3A_2594, %gather3A_2591, %select_n3A_2572 : vector<16xi1>, vector<16xf32>
      %slice3A_2596 = vector.extract_strided_slice %add3A_2247 {offsets = [15], sizes = [1], strides = [1]} : vector<16xi32> to vector<1xi32>
      %squeeze3A_2597 = vector.extract %slice3A_2596[0] : i32 from vector<1xi32>
      %slice3A_2598 = vector.extract_strided_slice %and3A_2250 {offsets = [15], sizes = [1], strides = [1]} : vector<16xi32> to vector<1xi32>
      %squeeze3A_2599 = vector.extract %slice3A_2598[0] : i32 from vector<1xi32>
      %multiple_of3A_2600 = tpu.assume_multiple %squeeze3A_2599, 16 : i32
      %get3A_2601 = arith.index_cast %squeeze3A_2597 : i32 to index
      %get3A_2602 = arith.index_cast %multiple_of3A_2600 : i32 to index
      %get3A_2603 = tpu.vector_load %arg10[%get3A_2601, %get3A_2602] {strides = array<i32>} : memref<128x128xf32, #tpu.memory_space<vmem>>, vector<1x16xf32>,
      %get3A_2604 = vector.shape_cast %get3A_2603 : vector<1x16xf32> to vector<16xf32>
      %lt3A_2605 = arith.constant 0 : i32
      %lt3A_2606 = vector.broadcast %lt3A_2605 : i32 to vector<16xi32>
      %lt3A_2607 = arith.cmpi slt, %and3A_2240, %lt3A_2606 : vector<16xi32>
      %add3A_2608 = arith.constant 16 : i32
      %add3A_2609 = vector.broadcast %add3A_2608 : i32 to vector<16xi32>
      %add3A_2610 = arith.addi %and3A_2240, %add3A_2609 : vector<16xi32>
      %select_n3A_2611 = arith.select %lt3A_2607, %add3A_2610, %and3A_2240 : vector<16xi1>, vector<16xi32>
      %broadcast_in_dim3A_2612 = vector.shape_cast %select_n3A_2611 : vector<16xi32> to vector<16x1xi32>
      %gather3A_2613 = vector.shape_cast %broadcast_in_dim3A_2612 : vector<16x1xi32> to vector<16xi32>
      %gather3A_2614 = tpu.dynamic_gather %get3A_2604[%gather3A_2613] in [0] : vector<16xf32>, vector<16xi32> -> vector<16xf32>
      %eq3A_2615 = arith.constant 15 : i32
      %eq3A_2616 = vector.broadcast %eq3A_2615 : i32 to vector<16xi32>
      %eq3A_2617 = arith.cmpi eq, %iota3A_2237, %eq3A_2616 : vector<16xi32>
      %select_n3A_2618 = arith.select %eq3A_2617, %gather3A_2614, %select_n3A_2595 : vector<16xi1>, vector<16xf32>
      %swap3A_2619 = arith.index_cast %multiple_of3A_2228 : i32 to index
      %swap3A_2620 = tpu.vector_load %arg11[%swap3A_2619] {strides = array<i32>} : memref<512xf32, #tpu.memory_space<vmem>>, vector<16xf32>,
      %swap3A_2621 = vector.shape_cast %swap3A_2620 : vector<16xf32> to vector<16xf32>
      %swap3A_2622 = vector.shape_cast %select_n3A_2618 : vector<16xf32> to vector<16xf32>
      tpu.vector_store %arg11[%swap3A_2619], %swap3A_2622 {strides = array<i32>} : memref<512xf32, #tpu.memory_space<vmem>>, vector<16xf32>,
    }
    %scan3A_734 = arith.constant 8 : i32
    "tpu.region"() ({
      %run_scoped3A_735 = tpu.sem_alloc : memref<!tpu.dma_semaphore, #tpu.memory_space<semaphore_mem>>
      %dma_start3A_736 = tpu.memref_slice %arg4[%mul3A_2] : memref<16384xf32, #tpu.memory_space<hbm>> -> memref<512xf32, #tpu.memory_space<hbm>>
      %dma_start3A_737 = tpu.memref_slice %arg4[%mul3A_2] : memref<16384xf32, #tpu.memory_space<hbm>> -> memref<512xf32, #tpu.memory_space<hbm>>
      tpu.enqueue_dma source(%arg11 : memref<512xf32, #tpu.memory_space<vmem>>) target(%dma_start3A_737 : memref<512xf32, #tpu.memory_space<hbm>>) target_semaphore(%run_scoped3A_735 : memref<!tpu.dma_semaphore, #tpu.memory_space<semaphore_mem>>)
      %dma_wait3A = tpu.memref_slice %arg4[%mul3A_2] : memref<16384xf32, #tpu.memory_space<hbm>> -> memref<512xf32, #tpu.memory_space<hbm>>
      %dma_wait3A_738 = tpu.memref_slice %arg4[%mul3A_2] : memref<16384xf32, #tpu.memory_space<hbm>> -> memref<512xf32, #tpu.memory_space<hbm>>
      tpu.wait_dma2 semaphore(%run_scoped3A_735 : memref<!tpu.dma_semaphore, #tpu.memory_space<semaphore_mem>>) src(%arg11 : memref<512xf32, #tpu.memory_space<vmem>>) dst(%dma_wait3A_738 : memref<512xf32, #tpu.memory_space<hbm>>)
      tpu.yield
    }) : () -> ()
    return
  }
}

</mosaic_0001>

<sc_bundles>
// kernel: kernel.3.cloned.1.call-start
scs
__scs_entry_jumppad:
0x0: {  	(pc) =	sbr.rel $0x88, $3  }
0x1: {  	(tag) =	ssettag $0x0;
	lr =	simm.s32 $0x1  }
0x2: {  	[smem:$0x3F9F] =	sst lr;
	_ =	strace $0xD0000000  }
0x3: {  	_ = 	snop  }
0x4: {  	_ = 	snop  }
0x5: {  	_ = 	snop  }
0x6: {  	_ = 	snop  }
0x7: {  	_ = 	snop  }
__scs_overlays_trampoline_lowered:
0x8: {  	[smem:$0x3FAE] =	sst s0  }
0x9: {  	[smem:$0x3FAF] =	sst s1  }
0xa: {  	[smem:$0x3FB0] =	sst s2  }
0xb: {  	[smem:$0x3FB1] =	sst s3  }
0xc: {  	[smem:$0x3FB2] =	sst s4  }
0xd: {  	[smem:$0x3FB3] =	sst s5  }
0xe: {  	[smem:$0x3FB4] =	sst s6  }
0xf: {  	[smem:$0x3FB5] =	sst s7  }
0x10: {  	[smem:$0x3FB6] =	sst s8  }
0x11: {  	[smem:$0x3FB7] =	sst s9;
	s0 =	simm.s32 @!p0 $0x0  }
0x12: {  	s1 =	sld [smem:$0x3F9D];
	s0 =	simm.s32 @p0 $0x1  }
0x13: {  	[smem:$0x3FB8] =	sst s0;
	s0 =	simm.s32 @!p1 $0x0  }
0x14: {  	s2 =	sld [smem:$0x3F9C];
	s0 =	simm.s32 @p1 $0x1  }
0x15: {  	[smem:$0x3FB9] =	sst s0;
	s0 =	simm.s32 @!p2 $0x0  }
0x16: {  	s3 =	sld [smem:$0x3FDB];
	s0 =	simm.s32 @p2 $0x1  }
0x17: {  	s4 =	simm.s32 $0x1BF5;
	[smem:$0x3FBB] =	sst s0  }
0x18: {  	s0 =	sld [smem:$0x3F9E];
	_ =	swait.ge [sflag:s4], $0x0  }
0x19: {  	s7 =	sld [smem:$0x3F9F]  }
0x1a: {  	s8 =	sadd.s32 $0xFFFFE003, lr  }
0x1b: {  	s9 =	sadd.s32 $0xFFFFFEF7, lr;
	s5 =	simm.s32 $0xFFFFFFFF;
	p2 =	slt.u32 s8, $0xFFFFF086  }
0x1c: {  	p1 =	slt.u32 s9, $0xF7A;
	s5 =	simm.s32 @!p2 $0x0  }
0x1d: {  	s5 =	simm.s32 @p1 $0x1;
	p0 =	seq.s32 s7, s2  }
0x1e: {  	s7 =	smul.u32 @!p0 $0xF7A, s2;
	p2 =	seq.s32 @!p0 s5, $0x0  }
0x1f: {  	s9 =	smul.u32 $0xF7A, s1;
	s8 =	simm.s32 @!p0 $0x1BF5;
	p2 =	por !p2, p0  }
0x20: {  	[sflag:s8] =	ssyncset.s32 @!p0 $0xFFFFF086;
	s6 =	sadd.s32 @!p0 s3, s7;
	s7 =	simm.s32 @!p0 $0x108  }
0x21: {  	s3 =	sadd.s32 s3, s9;
	s6 =	sadd.s32 @!p0 $0x88, s6;
	s7 =	simm.s32 @p2 $0x1082  }
0x22: {  	[simem:s7], [sflag:s8] =	dma.local @!p0 [hbm:s6], $0xF7A  }
0x23: {  	s9 =	sor.u32 $0xD0000000, s2;
	s6 =	simm.s32 $0x108;
	_ =	swait.ge @!p0 [sflag:s8], $0x0  }
0x24: {  	s3 =	sadd.s32 $0x88, s3;
	s6 =	simm.s32 @!p1 $0x1082;
	[sflag:s4] =	ssyncset.s32 $0xFFFFF086  }
0x25: {  	[simem:s6], [sflag:s4] =	dma.local [hbm:s3], $0xF7A  }
0x26: {  	[smem:$0x3F9F] =	sst s1;
	(tag) =	ssettag s2;
	_ =	strace s9  }
0x27: {  	s1 =	sld [smem:$0x3FAF]  }
0x28: {  	s2 =	sld [smem:$0x3FB0]  }
0x29: {  	s4 =	sld [smem:$0x3FB2]  }
0x2a: {  	p0 =	seq.s32 s5, $0x0;
	s5 =	sld [smem:$0x3FB3]  }
0x2b: {  	s6 =	sld [smem:$0x3FB4]  }
0x2c: {  	s7 =	sld [smem:$0x3FB5]  }
0x2d: {  	s3 =	simm.s32 $0x108;
	s8 =	sld [smem:$0x3FB6]  }
0x2e: {  	s3 =	simm.s32 @!p0 $0x1082;
	s9 =	sld [smem:$0x3FB7]  }
0x2f: {  	lr =	sadd.s32 s0, s3;
	s0 =	sld [smem:$0x3FAE]  }
0x30: {  	s3 =	sld [smem:$0x3FB1]  }
0x31: {  	[smem:$0x3FBA] =	sst s10  }
0x32: {  	s10 =	sld [smem:$0x3FB8];
	_ =	sdelay $0x3  }
0x33: {  	p0 =	seq.s32 s10, $0x1;
	s10 =	sld [smem:$0x3FBA];
	_ =	sdelay $0x3  }
0x34: {  	[smem:$0x3FBA] =	sst s10  }
0x35: {  	s10 =	sld [smem:$0x3FB9];
	_ =	sdelay $0x3  }
0x36: {  	p1 =	seq.s32 s10, $0x1;
	s10 =	sld [smem:$0x3FBA];
	_ =	sdelay $0x3  }
0x37: {  	[smem:$0x3FBA] =	sst s10  }
0x38: {  	s10 =	sld [smem:$0x3FBB]  }
0x39: {  	_ = 	snop;
	(pc) =	sbr.ind lr, $3  }
0x3a: {  	_ = 	snop  }
0x3b: {  	_ = 	snop  }
0x3c: {  	p2 =	seq.s32 s10, $0x1;
	s10 =	sld [smem:$0x3FBA]  }
0x3d: {  	_ =	shalt  }
0x3e: {  	_ =	shalt  }
0x3f: {  	_ =	shalt  }
0x40: {  	_ =	shalt  }
0x41: {  	_ =	shalt  }
0x42: {  	_ =	shalt  }
0x43: {  	_ =	shalt  }
0x44: {  	_ =	shalt  }
0x45: {  	_ =	shalt  }
0x46: {  	_ =	shalt  }
0x47: {  	_ =	shalt  }
0x48: {  	_ =	shalt  }
0x49: {  	_ =	shalt  }
0x4a: {  	_ =	shalt  }
0x4b: {  	_ =	shalt  }
0x4c: {  	_ =	shalt  }
0x4d: {  	_ =	shalt  }
0x4e: {  	_ =	shalt  }
0x4f: {  	_ =	shalt  }
0x50: {  	_ =	shalt  }
0x51: {  	_ =	shalt  }
0x52: {  	_ =	shalt  }
0x53: {  	_ =	shalt  }
0x54: {  	_ =	shalt  }
0x55: {  	_ =	shalt  }
0x56: {  	_ =	shalt  }
0x57: {  	_ =	shalt  }
0x58: {  	_ =	shalt  }
0x59: {  	_ =	shalt  }
0x5a: {  	_ =	shalt  }
0x5b: {  	_ =	shalt  }
0x5c: {  	_ =	shalt  }
0x5d: {  	_ =	shalt  }
0x5e: {  	_ =	shalt  }
0x5f: {  	_ =	shalt  }
0x60: {  	_ =	shalt  }
0x61: {  	_ =	shalt  }
0x62: {  	_ =	shalt  }
0x63: {  	_ =	shalt  }
0x64: {  	_ =	shalt  }
0x65: {  	_ =	shalt  }
0x66: {  	_ =	shalt  }
0x67: {  	_ =	shalt  }
0x68: {  	_ =	shalt  }
0x69: {  	_ =	shalt  }
0x6a: {  	_ =	shalt  }
0x6b: {  	_ =	shalt  }
0x6c: {  	_ =	shalt  }
0x6d: {  	_ =	shalt  }
0x6e: {  	_ =	shalt  }
0x6f: {  	_ =	shalt  }
0x70: {  	_ =	shalt  }
0x71: {  	_ =	shalt  }
0x72: {  	_ =	shalt  }
0x73: {  	_ =	shalt  }
0x74: {  	_ =	shalt  }
0x75: {  	_ =	shalt  }
0x76: {  	_ =	shalt  }
0x77: {  	_ =	shalt  }
0x78: {  	_ =	shalt  }
0x79: {  	_ =	shalt  }
0x7a: {  	_ =	shalt  }
0x7b: {  	_ =	shalt  }
0x7c: {  	_ =	shalt  }
0x7d: {  	_ =	shalt  }
0x7e: {  	_ =	shalt  }
0x7f: {  	_ =	shalt  }
0x80: {  	_ =	shalt  }
0x81: {  	_ =	shalt  }
0x82: {  	_ =	shalt  }
0x83: {  	_ =	shalt  }
0x84: {  	_ =	shalt  }
0x85: {  	_ =	shalt  }
0x86: {  	_ =	shalt  }
0x87: {  	_ =	shalt  }
.Lfunc_end0:
.L_simem_size_0:
called_computation_lowered:
.L_overlay_start_0:
0x88: {  	s2 =	sld [smem:$0x3FD9]  }
0x89: {  	s3 =	sld [smem:$0x3FFE];
	_ =	sdelay $0x1  }
0x8a: {  	s1 =	srdreg.scid  }
0x8b: {  	s0 =	sand.u32 $0x1, s1  }
0x8c: {  	s18 =	sshll.u32 s0, $0xA;
	s2 =	sadd.s32 s3, s2  }
0x8d: {  	s2 =	sadd.s32 s2, s18  }
0x8e: {  	[smem:$0x3FC6] =	sst s2  }
0x8f: {  	_ = 	snop  }
0x90: {  	s2 =	sld [smem:$0x3FC9]  }
0x91: {  	s19 =	sld [smem:$0x3FC8]  }
0x92: {  	s4 =	sld [smem:$0x3FD0];
	(tm) =	ssettm $0x1  }
0x93: {  	s5 =	sld [smem:$0x3FFB];
	_ =	sdelay $0x3  }
0x94: {  	_ =	strace s5  }
0x95: {  	s5 =	sld [smem:$0x3FFC];
	_ =	sdelay $0x3  }
0x96: {  	_ =	strace s5  }
0x97: {  	s5 =	sld [smem:$0x3FFD];
	_ =	sdelay $0x3  }
0x98: {  	_ =	strace s5  }
0x99: {  	_ =	strace $0x8FFFFFFF  }
0x9a: {  	s20 =	sld [smem:$0x3FDB];
	_ =	sdelay $0x1  }
0x9b: {  	s6 =	simm.s32 $_scs_section_size  }
0x9c: {  	s7 =	simm.s32 $_size__tile_overlayer_lowered;
	s8 =	simm.s32 $_tile_overlayer_lowered  }
0x9d: {  	s23 =	simm.s32 $0x1BFF;
	s22 =	sshll.u32 s8, $0x1;
	s5 =	sadd.s32 s6, s20  }
0x9e: {  	s9 =	simm.s32 $0x0;
	s21 =	sshll.u32 s7, $0x1;
	s7 =	sadd.s32 s22, s5  }
0x9f: {  	[timem:s9], [sflag:s23] =	dma.local [hbm:s7], s21  }
0xa0: {  	_ =	swait.ge [sflag:s23], s21  }
0xa1: {  	s6 =	ssub.s32 $0x0, s21;
	[sflag:s23] =	ssyncset.done $0x0  }
0xa2: {  	[sflag:s23] =	ssyncadd.s32 s6;
	_ =	sdelay $0x1  }
0xa3: {  	s24 =	simm.s32 $0x1B8B  }
0xa4: {  	_ =	swait.ge [sflag:s24], $0x1  }
0xa5: {  	[sflag:s24] =	ssyncset.done $0x0  }
0xa6: {  	s25 =	simm.s32 $0x1B8E;
	[sflag:s24] =	ssyncadd.s32 $0xFFFFFFFF  }
0xa7: {  	s26 =	simm.s32 $execute0_lowered;
	[smem:$0x3FD2] =	sst s25  }
0xa8: {  	s6 =	sshll.u32 s26, $0x1;
	_ =	strace $0x80000046;
	[dreg:$0x1] =	wrdreg $0xFFFFFFFF  }
0xa9: {  	s28 =	simm.s32 $_size_execute0_lowered;
	s5 =	sadd.s32 s5, s6;
	[dreg:$0x0] =	wrdreg $0x0  }
0xaa: {  	s6 =	sshll.u32 s28, $0x1;
	[dreg:$0x2] =	wrdreg s5  }
0xab: {  	[dreg:$0x3] =	wrdreg s6  }
0xac: {  	[dreg:$0x4] =	wrdreg $0xC0  }
0xad: {  	_ =	task [dreg:s9], $0x5FFFF  }
0xae: {  	[dreg:$0x1] =	wrdreg $0xFFFFFFFF  }
0xaf: {  	[dreg:$0x0] =	wrdreg $0x60  }
0xb0: {  	[dreg:$0x2] =	wrdreg s2  }
0xb1: {  	[dreg:$0x3] =	wrdreg s19  }
0xb2: {  	[dreg:$0x4] =	wrdreg s4  }
0xb3: {  	[dreg:$0x5] =	wrdreg $0x9  }
0xb4: {  	_ =	task.clear_ibuf [dreg:s9], $0x6FFFF;
	_ =	strace $0x90000046  }
0xb5: {  	s29 =	simm.s32 $0x9;
	_ =	strace $0x80000048  }
0xb6: {  	_ =	swait.ge [sflag:s29], $0x1  }
0xb7: {  	[sflag:s29] =	ssyncadd.s32 $0xFFFFFFFF  }
0xb8: {  	_ =	strace $0x90000048  }
0xb9: {  	_ =	sfence  }
0xba: {  	s30 =	sld [smem:$0x0];
	_ =	sdelay $0x2  }
0xbb: {  	s31 =	sshll.u32 s1, $0xD;
	s1 =	sshrl.u32 s1, $0x2  }
0xbc: {  	s3 =	sand.u32 $0x4000, s31;
	s1 =	sadd.s32 s1, s30  }
0xbd: {  	s0 =	sor.u32 s3, s0;
	s1 =	sshll.u32 s1, $0x11  }
0xbe: {  	s0 =	sor.u32 s1, s0  }
0xbf: {  	s0 =	sadd.s32 $0x8F2B, s0  }
0xc0: {  	[sflag:s0] =	ssyncadd.remote.s32 $0x1  }
0xc1: {  	_ =	sfence.sel $0xFFFF  }
0xc2: {  	[dreg:$0x0] =	wrdreg $0xFFFFFFFF;
	(pc) =	sbr.abs _section_cstart, $3  }
0xc3: {  	[dreg:$0x1] =	wrdreg $0xFFFFFFFF  }
0xc4: {  	_ =	task.clear_ibuf [dreg:s9], $0x2FFFF;
	_ =	strace $0x9FFFFFFF  }
0xc5: {  	(tm) =	ssettm $0x7FFFFFFF  }
tec
execute0_lowered:
.L_overlay_start_1:
0x0: {  	(tag) =	ssettag $0x1  }
0x1: {  	s0 =	rddreg [dreg:$0x0]  }
0x2: {  	s2 =	rddreg [dreg:$0x1]  }
0x3: {  	s1 =	rddreg [dreg:$0x2]  }
0x4: {  	s3 =	srdreg.scid;
	s5 =	stileid.u32  }
0x5: {  	s12 =	simm.s32 $0xEC00;
	s13 =	simm.s32 $0xF000;
	s14 =	simm.s32 $0xF400  }
0x6: {  	s15 =	simm.s32 $0xF800;
	s16 =	simm.s32 $0xFC00;
	s17 =	simm.s32 $0x10000  }
0x7: {  	s18 =	simm.s32 $0x1;
	s19 =	simm.s32 $0x2;
	s4 =	sand.u32 $0x1, s3  }
0x8: {  	s3 =	simm.s32 $0x0;
	s5 =	sshll.u32 s5, $0xA;
	s6 =	sshll.u32 s4, $0x9  }
0x9: {  	[smem:$0x7FF] =	sst s3;
	s4 =	ssub.s32 $0x2, s4;
	s5 =	sor.u32 s6, s5  }
0xa: {  	v0 =	vlaneseq.u32;
	vm0 =	vmmov $0x1;
	_ =	strace $0x80000047;
	s7 =	sshrl.u32 s4, $0x1;
	s6 =	sshrl.u32 s5, $0x2  }
.Ltmp0:
0xb: {  	vm1 =	vmmov $0x3;
	vm2 =	vmmov $0x7;
	vm3 =	vmmov $0xf;
	s29 =	sshrl.u32 s5, $0x3;
	s6 =	sadd.s32 s0, s6;
	(pc) =	sbr.rel .LBB2_1-.Ltmp0, $4  }
0xc: {  	vm4 =	vmmov $0x1f;
	vm5 =	vmmov $0x3f;
	vm6 =	vmmov $0x7f;
	s4 =	ssub.s32 s4, s7;
	s0 =	sadd.s32 s1, s29;
	[dreg:$0x4] =	wrdreg s6  }
0xd: {  	vm7 =	vmmov $0xff;
	vm8 =	vmmov $0x1ff;
	vm9 =	vmmov $0x3ff;
	s20 =	simm.s32 $0x3;
	s31 =	smax.u32 s4, $0x1;
	[dreg:$0x6] =	wrdreg s0  }
0xe: {  	vm10 =	vmmov $0x7ff;
	vm11 =	vmmov $0xfff;
	vm12 =	vmmov $0x1fff;
	s21 =	simm.s32 $0x4;
	s30 =	sadd.s32 $0x10, s6;
	[dreg:$0x7] =	wrdreg s31  }
0xf: {  	vm13 =	vmmov $0x3fff;
	vm14 =	vmmov $0x7fff;
	v0 =	vmul.u32 $0x8, v0;
	s5 =	simm.s32 $0x5;
	s1 =	simm.s32 $0x0;
	[dreg:$0x5] =	wrdreg s30  }
.LBB2_9:
0x10: {  	s0 =	rddreg [dreg:$0x6];
	s1 =	simm.s32 $0x10400;
	s5 =	simm.s32 $0x5  }
0x11: {  	[hbm4b:s0+s3] =	stream.linear.scatter [tilespmem:s1], [sflag:$0x5], $0x200, $0x38;
	[tilespmem:$0x10600] =	vst v63  }
0x12: {  	_ =	swait.ge [sflag:s5], $0x200  }
0x13: {  	s30 =	rddreg [dreg:$0x8]  }
0x14: {  	s31 =	rddreg [dreg:$0x7];
	s1 =	sadd.s32 $0x1, s30  }
0x15: {  	p0 =	sne.s32 s1, s31  }
.Ltmp1:
0x16: {  	_ = 	snop;
	(pc) =	sbr.rel @!p0 .LBB2_10-.Ltmp1, $3  }
0x17: {  	_ =	sdelay $0x1  }
0x18: {  	[sflag:s5] =	ssyncset.done $0x0  }
0x19: {  	[sflag:s5] =	ssyncadd.s32 $0xFFFFFE00  }
.LBB2_1:
0x1a: {  	[dreg:$0x8] =	wrdreg s1  }
0x1b: {  	s0 =	rddreg [dreg:$0x4];
	s28 =	simm.s32 $0x80;
	s4 =	simm.s32 $0x100  }
0x1c: {  	[tilespmem:s3], [sflag:$0x5] =	stream.strided.gather [hbm4b:s0+s28], $0x200, s4, s28, $0x38;
	[tilespmem:$0x10600] =	vst v63  }
0x1d: {  	_ =	swait.ge [sflag:s5], $0x200  }
0x1e: {  	[sflag:s5] =	ssyncset.done $0x0  }
0x1f: {  	s6 =	simm.s32 $0x200;
	s29 =	rddreg [dreg:$0x5];
	[sflag:s5] =	ssyncadd.s32 $0xFFFFFE00  }
0x20: {  	[tilespmem:s6], [sflag:$0x5] =	stream.strided.gather [hbm4b:s29+s28], $0x200, s4, s28, $0x38;
	[tilespmem:$0x10600] =	vst v63  }
0x21: {  	_ =	swait.ge [sflag:s5], $0x200  }
0x22: {  	[sflag:s5] =	ssyncset.done $0x0  }
0x23: {  	[sflag:s5] =	ssyncadd.s32 $0xFFFFFE00  }
0x24: {  	v1 =	vld [tilespmem:$0x0];
	_ =	sdelay $0x1  }
0x25: {  	v2 =	vld [tilespmem:$0x200];
	_ =	sdelay $0x2  }
0x26: {  	v1 =	vshrl.u32 v1, $0x3  }
0x27: {  	v1 =	vmul.u32 $0x2780, v1  }
0x28: {  	v2 =	vand.u32 $0xFFFFFF80, v2  }
0x29: {  	v2 =	vadd.s32 s2, v2;
	(v2sf) =	vpush v1, $0x0  }
0x2a: {  	(v2sf) =	vpush v2, $0x0  }
0x2b: {  	(v2sf) =	vpush v1, $0x1;
	_ =	sdelay $0x1  }
0x2c: {  	(v2sf) =	vpush v2, $0x1;
	_ =	sdelay $0x1  }
0x2d: {  	(v2sf) =	vpush v1, $0x2  }
0x2e: {  	(v2sf) =	vpush v2, $0x2;
	_ =	sdelay $0x5  }
0x2f: {  	(v2sf) =	vpush v1, $0x3  }
0x30: {  	(v2sf) =	vpush v2, $0x3  }
0x31: {  	s22 =	spop (v2sf);
	(v2sf) =	vpush v1, $0x4  }
0x32: {  	s23 =	spop (v2sf);
	(v2sf) =	vpush v2, $0x4  }
0x33: {  	s31 =	spop (v2sf);
	(v2sf) =	vpush v1, $0x5;
	_ =	sdelay $0x1  }
0x34: {  	s0 =	spop (v2sf);
	(v2sf) =	vpush v2, $0x5;
	_ =	sdelay $0x1  }
0x35: {  	s4 =	spop (v2sf)  }
0x36: {  	s5 =	spop (v2sf);
	(v2sf) =	vpush v1, $0x6  }
0x37: {  	(v2sf) =	vpush v2, $0x6  }
0x38: {  	s30 =	simm.s32 $0x400;
	s22 =	sadd.s32 s22, s23;
	(v2sf) =	vpush v1, $0x7  }
0x39: {  	[tilespmem:s30], [sflag:$0x1] =	stream.linear.gather [hbm4b:s22+s3], $0x400, $0x38;
	[tilespmem:$0x10600] =	vst v63  }
0x3a: {  	s1 =	simm.s32 $0x800;
	s22 =	sadd.s32 s31, s0;
	(v2sf) =	vpush v2, $0x7  }
0x3b: {  	[tilespmem:s1], [sflag:$0x1] =	stream.linear.gather [hbm4b:s22+s3], $0x400, $0x38;
	[tilespmem:$0x10600] =	vst v63  }
0x3c: {  	s7 =	spop (v2sf)  }
0x3d: {  	s8 =	spop (v2sf)  }
0x3e: {  	s10 =	spop (v2sf);
	(v2sf) =	vpush v1, $0x8  }
0x3f: {  	s11 =	spop (v2sf);
	(v2sf) =	vpush v2, $0x8  }
0x40: {  	s6 =	simm.s32 $0xC00;
	s22 =	sadd.s32 s4, s5;
	s24 =	spop (v2sf);
	(v2sf) =	vpush v1, $0x9  }
0x41: {  	[tilespmem:s6], [sflag:$0x1] =	stream.linear.gather [hbm4b:s22+s3], $0x400, $0x38;
	[tilespmem:$0x10600] =	vst v63  }
0x42: {  	s25 =	spop (v2sf);
	(v2sf) =	vpush v2, $0x9  }
0x43: {  	s9 =	simm.s32 $0x1000;
	s22 =	sadd.s32 s7, s8  }
0x44: {  	[tilespmem:s9], [sflag:$0x1] =	stream.linear.gather [hbm4b:s22+s3], $0x400, $0x38;
	[tilespmem:$0x10600] =	vst v63  }
0x45: {  	s28 =	spop (v2sf);
	(v2sf) =	vpush v1, $0xA  }
0x46: {  	s29 =	spop (v2sf);
	(v2sf) =	vpush v2, $0xA  }
0x47: {  	s23 =	simm.s32 $0x1400;
	s22 =	sadd.s32 s10, s11;
	s31 =	spop (v2sf);
	(v2sf) =	vpush v1, $0xB  }
0x48: {  	[tilespmem:s23], [sflag:$0x1] =	stream.linear.gather [hbm4b:s22+s3], $0x400, $0x38;
	[tilespmem:$0x10600] =	vst v63  }
0x49: {  	s26 =	simm.s32 $0x1800;
	s22 =	sadd.s32 s24, s25;
	s0 =	spop (v2sf);
	(v2sf) =	vpush v2, $0xB  }
0x4a: {  	[tilespmem:s26], [sflag:$0x1] =	stream.linear.gather [hbm4b:s22+s3], $0x400, $0x38;
	[tilespmem:$0x10600] =	vst v63  }
0x4b: {  	s30 =	simm.s32 $0x1C00;
	s22 =	sadd.s32 s28, s29  }
0x4c: {  	[tilespmem:s30], [sflag:$0x1] =	stream.linear.gather [hbm4b:s22+s3], $0x400, $0x38;
	[tilespmem:$0x10600] =	vst v63  }
0x4d: {  	s4 =	spop (v2sf);
	(v2sf) =	vpush v1, $0xC  }
0x4e: {  	s5 =	spop (v2sf);
	(v2sf) =	vpush v2, $0xC  }
0x4f: {  	s1 =	simm.s32 $0x2000;
	s22 =	sadd.s32 s31, s0;
	s7 =	spop (v2sf);
	(v2sf) =	vpush v1, $0xD  }
0x50: {  	[tilespmem:s1], [sflag:$0x1] =	stream.linear.gather [hbm4b:s22+s3], $0x400, $0x38;
	[tilespmem:$0x10600] =	vst v63  }
0x51: {  	s8 =	spop (v2sf);
	(v2sf) =	vpush v2, $0xD  }
0x52: {  	s6 =	simm.s32 $0x2400;
	s22 =	sadd.s32 s4, s5  }
0x53: {  	[tilespmem:s6], [sflag:$0x1] =	stream.linear.gather [hbm4b:s22+s3], $0x400, $0x38;
	[tilespmem:$0x10600] =	vst v63  }
0x54: {  	s10 =	spop (v2sf);
	(v2sf) =	vpush v1, $0xE  }
0x55: {  	s11 =	spop (v2sf);
	(v2sf) =	vpush v2, $0xE  }
0x56: {  	s9 =	simm.s32 $0x2800;
	s22 =	sadd.s32 s7, s8;
	s24 =	spop (v2sf);
	(v2sf) =	vpush v1, $0xF  }
0x57: {  	[tilespmem:s9], [sflag:$0x1] =	stream.linear.gather [hbm4b:s22+s3], $0x400, $0x38;
	[tilespmem:$0x10600] =	vst v63  }
0x58: {  	s23 =	simm.s32 $0x2C00;
	s22 =	sadd.s32 s10, s11;
	s25 =	spop (v2sf);
	(v2sf) =	vpush v2, $0xF  }
0x59: {  	[tilespmem:s23], [sflag:$0x1] =	stream.linear.gather [hbm4b:s22+s3], $0x400, $0x38;
	[tilespmem:$0x10600] =	vst v63  }
0x5a: {  	s26 =	simm.s32 $0x3000;
	s22 =	sadd.s32 s24, s25  }
0x5b: {  	[tilespmem:s26], [sflag:$0x1] =	stream.linear.gather [hbm4b:s22+s3], $0x400, $0x38;
	[tilespmem:$0x10600] =	vst v63  }
0x5c: {  	s28 =	spop (v2sf)  }
0x5d: {  	s29 =	spop (v2sf)  }
0x5e: {  	s30 =	simm.s32 $0x3400;
	s22 =	sadd.s32 s28, s29;
	s31 =	spop (v2sf)  }
0x5f: {  	[tilespmem:s30], [sflag:$0x1] =	stream.linear.gather [hbm4b:s22+s3], $0x400, $0x38;
	[tilespmem:$0x10600] =	vst v63  }
0x60: {  	s0 =	spop (v2sf)  }
0x61: {  	s1 =	simm.s32 $0x3800;
	s22 =	sadd.s32 s31, s0  }
0x62: {  	[tilespmem:s1], [sflag:$0x1] =	stream.linear.gather [hbm4b:s22+s3], $0x400, $0x38;
	[tilespmem:$0x10600] =	vst v63  }
0x63: {  	s4 =	spop (v2sf)  }
0x64: {  	s5 =	spop (v2sf)  }
0x65: {  	s6 =	simm.s32 $0x3C00;
	s22 =	sadd.s32 s4, s5;
	s7 =	spop (v2sf)  }
0x66: {  	[tilespmem:s6], [sflag:$0x1] =	stream.linear.gather [hbm4b:s22+s3], $0x400, $0x38;
	[tilespmem:$0x10600] =	vst v63  }
0x67: {  	s8 =	spop (v2sf)  }
0x68: {  	s9 =	simm.s32 $0x4000;
	s22 =	sadd.s32 s7, s8  }
0x69: {  	[tilespmem:s9], [sflag:$0x1] =	stream.linear.gather [hbm4b:s22+s3], $0x400, $0x38;
	[tilespmem:$0x10600] =	vst v63  }
0x6a: {  	v1 =	vld [tilespmem:$0x10];
	_ =	sdelay $0x1  }
0x6b: {  	v2 =	vld [tilespmem:$0x210];
	_ =	sdelay $0x2  }
0x6c: {  	v1 =	vshrl.u32 v1, $0x3  }
0x6d: {  	v1 =	vmul.u32 $0x2780, v1  }
0x6e: {  	v2 =	vand.u32 $0xFFFFFF80, v2  }
0x6f: {  	v2 =	vadd.s32 s2, v2;
	(v2sf) =	vpush v1, $0x0  }
0x70: {  	(v2sf) =	vpush v2, $0x0  }
0x71: {  	(v2sf) =	vpush v1, $0x1  }
0x72: {  	(v2sf) =	vpush v2, $0x1  }
0x73: {  	(v2sf) =	vpush v1, $0x2  }
0x74: {  	(v2sf) =	vpush v2, $0x2  }
0x75: {  	(v2sf) =	vpush v1, $0x3;
	_ =	sdelay $0x1  }
0x76: {  	(v2sf) =	vpush v2, $0x3;
	_ =	sdelay $0x2  }
0x77: {  	(v2sf) =	vpush v1, $0x4;
	_ =	sdelay $0x1  }
0x78: {  	(v2sf) =	vpush v2, $0x4  }
0x79: {  	(v2sf) =	vpush v1, $0x5  }
0x7a: {  	s10 =	spop (v2sf)  }
0x7b: {  	(v2sf) =	vpush v2, $0x5;
	s11 =	spop (v2sf)  }
0x7c: {  	s24 =	spop (v2sf)  }
0x7d: {  	s25 =	spop (v2sf)  }
0x7e: {  	(v2sf) =	vpush v1, $0x6;
	s28 =	spop (v2sf)  }
0x7f: {  	s29 =	spop (v2sf);
	(v2sf) =	vpush v2, $0x6  }
0x80: {  	s31 =	spop (v2sf);
	(v2sf) =	vpush v1, $0x7;
	_ =	sdelay $0x1  }
0x81: {  	s0 =	spop (v2sf);
	(v2sf) =	vpush v2, $0x7  }
0x82: {  	s23 =	simm.s32 $0x4400;
	s22 =	sadd.s32 s10, s11  }
0x83: {  	[tilespmem:s23], [sflag:$0x2] =	stream.linear.gather [hbm4b:s22+s3], $0x400, $0x38;
	[tilespmem:$0x10600] =	vst v63  }
0x84: {  	s26 =	simm.s32 $0x4800;
	s22 =	sadd.s32 s24, s25;
	s4 =	spop (v2sf);
	(v2sf) =	vpush v1, $0x8  }
0x85: {  	[tilespmem:s26], [sflag:$0x2] =	stream.linear.gather [hbm4b:s22+s3], $0x400, $0x38;
	[tilespmem:$0x10600] =	vst v63  }
0x86: {  	s5 =	spop (v2sf);
	(v2sf) =	vpush v2, $0x8  }
0x87: {  	s30 =	simm.s32 $0x4C00;
	s22 =	sadd.s32 s28, s29;
	s7 =	spop (v2sf);
	(v2sf) =	vpush v1, $0x9  }
0x88: {  	[tilespmem:s30], [sflag:$0x2] =	stream.linear.gather [hbm4b:s22+s3], $0x400, $0x38;
	[tilespmem:$0x10600] =	vst v63  }
0x89: {  	s8 =	spop (v2sf);
	(v2sf) =	vpush v2, $0x9  }
0x8a: {  	s1 =	simm.s32 $0x5000;
	s22 =	sadd.s32 s31, s0  }
0x8b: {  	[tilespmem:s1], [sflag:$0x2] =	stream.linear.gather [hbm4b:s22+s3], $0x400, $0x38;
	[tilespmem:$0x10600] =	vst v63  }
0x8c: {  	s10 =	spop (v2sf);
	(v2sf) =	vpush v1, $0xA  }
0x8d: {  	s11 =	spop (v2sf);
	(v2sf) =	vpush v2, $0xA  }
0x8e: {  	s6 =	simm.s32 $0x5400;
	s22 =	sadd.s32 s4, s5;
	s24 =	spop (v2sf);
	(v2sf) =	vpush v1, $0xB  }
0x8f: {  	[tilespmem:s6], [sflag:$0x2] =	stream.linear.gather [hbm4b:s22+s3], $0x400, $0x38;
	[tilespmem:$0x10600] =	vst v63  }
0x90: {  	s25 =	spop (v2sf);
	(v2sf) =	vpush v2, $0xB  }
0x91: {  	s9 =	simm.s32 $0x5800;
	s22 =	sadd.s32 s7, s8  }
0x92: {  	[tilespmem:s9], [sflag:$0x2] =	stream.linear.gather [hbm4b:s22+s3], $0x400, $0x38;
	[tilespmem:$0x10600] =	vst v63  }
0x93: {  	s23 =	simm.s32 $0x5C00;
	s22 =	sadd.s32 s10, s11;
	s28 =	spop (v2sf);
	(v2sf) =	vpush v1, $0xC  }
0x94: {  	[tilespmem:s23], [sflag:$0x2] =	stream.linear.gather [hbm4b:s22+s3], $0x400, $0x38;
	[tilespmem:$0x10600] =	vst v63  }
0x95: {  	s29 =	spop (v2sf);
	(v2sf) =	vpush v2, $0xC  }
0x96: {  	s26 =	simm.s32 $0x6000;
	s22 =	sadd.s32 s24, s25;
	s31 =	spop (v2sf);
	(v2sf) =	vpush v1, $0xD  }
0x97: {  	[tilespmem:s26], [sflag:$0x2] =	stream.linear.gather [hbm4b:s22+s3], $0x400, $0x38;
	[tilespmem:$0x10600] =	vst v63  }
0x98: {  	s0 =	spop (v2sf);
	(v2sf) =	vpush v2, $0xD  }
0x99: {  	s30 =	simm.s32 $0x6400;
	s22 =	sadd.s32 s28, s29  }
0x9a: {  	[tilespmem:s30], [sflag:$0x2] =	stream.linear.gather [hbm4b:s22+s3], $0x400, $0x38;
	[tilespmem:$0x10600] =	vst v63  }
0x9b: {  	s4 =	spop (v2sf);
	(v2sf) =	vpush v1, $0xE  }
0x9c: {  	s5 =	spop (v2sf);
	(v2sf) =	vpush v2, $0xE  }
0x9d: {  	s1 =	simm.s32 $0x6800;
	s22 =	sadd.s32 s31, s0;
	s7 =	spop (v2sf);
	(v2sf) =	vpush v1, $0xF  }
0x9e: {  	[tilespmem:s1], [sflag:$0x2] =	stream.linear.gather [hbm4b:s22+s3], $0x400, $0x38;
	[tilespmem:$0x10600] =	vst v63  }
0x9f: {  	s8 =	spop (v2sf);
	(v2sf) =	vpush v2, $0xF  }
0xa0: {  	s6 =	simm.s32 $0x6C00;
	s22 =	sadd.s32 s4, s5  }
0xa1: {  	[tilespmem:s6], [sflag:$0x2] =	stream.linear.gather [hbm4b:s22+s3], $0x400, $0x38;
	[tilespmem:$0x10600] =	vst v63  }
0xa2: {  	s9 =	simm.s32 $0x7000;
	s22 =	sadd.s32 s7, s8;
	s10 =	spop (v2sf)  }
0xa3: {  	[tilespmem:s9], [sflag:$0x2] =	stream.linear.gather [hbm4b:s22+s3], $0x400, $0x38;
	[tilespmem:$0x10600] =	vst v63  }
0xa4: {  	s11 =	spop (v2sf)  }
0xa5: {  	s23 =	simm.s32 $0x7400;
	s22 =	sadd.s32 s10, s11;
	s24 =	spop (v2sf)  }
0xa6: {  	[tilespmem:s23], [sflag:$0x2] =	stream.linear.gather [hbm4b:s22+s3], $0x400, $0x38;
	[tilespmem:$0x10600] =	vst v63  }
0xa7: {  	s25 =	spop (v2sf)  }
0xa8: {  	s26 =	simm.s32 $0x7800;
	s22 =	sadd.s32 s24, s25  }
0xa9: {  	[tilespmem:s26], [sflag:$0x2] =	stream.linear.gather [hbm4b:s22+s3], $0x400, $0x38;
	[tilespmem:$0x10600] =	vst v63  }
0xaa: {  	s28 =	spop (v2sf)  }
0xab: {  	s29 =	spop (v2sf)  }
0xac: {  	s30 =	simm.s32 $0x7C00;
	s22 =	sadd.s32 s28, s29;
	s31 =	spop (v2sf)  }
0xad: {  	[tilespmem:s30], [sflag:$0x2] =	stream.linear.gather [hbm4b:s22+s3], $0x400, $0x38;
	[tilespmem:$0x10600] =	vst v63  }
0xae: {  	s0 =	spop (v2sf)  }
0xaf: {  	s1 =	simm.s32 $0x8000;
	s22 =	sadd.s32 s31, s0  }
0xb0: {  	[tilespmem:s1], [sflag:$0x2] =	stream.linear.gather [hbm4b:s22+s3], $0x400, $0x38;
	[tilespmem:$0x10600] =	vst v63  }
0xb1: {  	v1 =	vld [tilespmem:$0x20];
	_ =	sdelay $0x1  }
0xb2: {  	v2 =	vld [tilespmem:$0x220];
	_ =	sdelay $0x2  }
0xb3: {  	v1 =	vshrl.u32 v1, $0x3  }
0xb4: {  	v1 =	vmul.u32 $0x2780, v1  }
0xb5: {  	v2 =	vand.u32 $0xFFFFFF80, v2  }
0xb6: {  	v2 =	vadd.s32 s2, v2;
	(v2sf) =	vpush v1, $0x0  }
0xb7: {  	(v2sf) =	vpush v2, $0x0  }
0xb8: {  	(v2sf) =	vpush v1, $0x1;
	_ =	sdelay $0x1  }
0xb9: {  	(v2sf) =	vpush v2, $0x1  }
0xba: {  	(v2sf) =	vpush v1, $0x2;
	_ =	sdelay $0x1  }
0xbb: {  	(v2sf) =	vpush v2, $0x2  }
0xbc: {  	(v2sf) =	vpush v1, $0x3;
	_ =	sdelay $0x1  }
0xbd: {  	(v2sf) =	vpush v2, $0x3  }
0xbe: {  	(v2sf) =	vpush v1, $0x4;
	_ =	sdelay $0x1  }
0xbf: {  	(v2sf) =	vpush v2, $0x4  }
0xc0: {  	(v2sf) =	vpush v1, $0x5  }
0xc1: {  	s4 =	spop (v2sf)  }
0xc2: {  	(v2sf) =	vpush v2, $0x5;
	s5 =	spop (v2sf)  }
0xc3: {  	s7 =	simm.s32 $0x8400;
	(v2sf) =	vpush v1, $0x6;
	s22 =	sadd.s32 s4, s5;
	s6 =	spop (v2sf)  }
0xc4: {  	[tilespmem:s7], [sflag:$0x3] =	stream.linear.gather [hbm4b:s22+s3], $0x400, $0x38;
	[tilespmem:$0x10600] =	vst v63  }
0xc5: {  	(v2sf) =	vpush v2, $0x6;
	s8 =	spop (v2sf)  }
0xc6: {  	s10 =	simm.s32 $0x8800;
	(v2sf) =	vpush v1, $0x7;
	s22 =	sadd.s32 s6, s8;
	s9 =	spop (v2sf)  }
0xc7: {  	[tilespmem:s10], [sflag:$0x3] =	stream.linear.gather [hbm4b:s22+s3], $0x400, $0x38;
	[tilespmem:$0x10600] =	vst v63  }
0xc8: {  	(v2sf) =	vpush v2, $0x7;
	s11 =	spop (v2sf)  }
0xc9: {  	s25 =	simm.s32 $0x8C00;
	(v2sf) =	vpush v1, $0x8;
	s22 =	sadd.s32 s9, s11;
	s24 =	spop (v2sf)  }
0xca: {  	[tilespmem:s25], [sflag:$0x3] =	stream.linear.gather [hbm4b:s22+s3], $0x400, $0x38;
	[tilespmem:$0x10600] =	vst v63  }
0xcb: {  	(v2sf) =	vpush v2, $0x8;
	s26 =	spop (v2sf)  }
0xcc: {  	s29 =	simm.s32 $0x9000;
	(v2sf) =	vpush v1, $0x9;
	s22 =	sadd.s32 s24, s26;
	s28 =	spop (v2sf)  }
0xcd: {  	[tilespmem:s29], [sflag:$0x3] =	stream.linear.gather [hbm4b:s22+s3], $0x400, $0x38;
	[tilespmem:$0x10600] =	vst v63  }
0xce: {  	(v2sf) =	vpush v2, $0x9;
	s30 =	spop (v2sf)  }
0xcf: {  	s1 =	simm.s32 $0x9400;
	(v2sf) =	vpush v1, $0xA;
	s22 =	sadd.s32 s28, s30;
	s31 =	spop (v2sf)  }
0xd0: {  	[tilespmem:s1], [sflag:$0x3] =	stream.linear.gather [hbm4b:s22+s3], $0x400, $0x38;
	[tilespmem:$0x10600] =	vst v63  }
0xd1: {  	s4 =	spop (v2sf);
	(v2sf) =	vpush v2, $0xA  }
0xd2: {  	s6 =	simm.s32 $0x9800;
	s22 =	sadd.s32 s31, s4;
	s5 =	spop (v2sf);
	(v2sf) =	vpush v1, $0xB  }
0xd3: {  	[tilespmem:s6], [sflag:$0x3] =	stream.linear.gather [hbm4b:s22+s3], $0x400, $0x38;
	[tilespmem:$0x10600] =	vst v63  }
0xd4: {  	s7 =	spop (v2sf);
	(v2sf) =	vpush v2, $0xB  }
0xd5: {  	s9 =	simm.s32 $0x9C00;
	s22 =	sadd.s32 s5, s7;
	s8 =	spop (v2sf);
	(v2sf) =	vpush v1, $0xC  }
0xd6: {  	[tilespmem:s9], [sflag:$0x3] =	stream.linear.gather [hbm4b:s22+s3], $0x400, $0x38;
	[tilespmem:$0x10600] =	vst v63  }
0xd7: {  	s10 =	spop (v2sf);
	(v2sf) =	vpush v2, $0xC  }
0xd8: {  	s24 =	simm.s32 $0xA000;
	s22 =	sadd.s32 s8, s10;
	s11 =	spop (v2sf);
	(v2sf) =	vpush v1, $0xD  }
0xd9: {  	[tilespmem:s24], [sflag:$0x3] =	stream.linear.gather [hbm4b:s22+s3], $0x400, $0x38;
	[tilespmem:$0x10600] =	vst v63  }
0xda: {  	s25 =	spop (v2sf);
	(v2sf) =	vpush v2, $0xD  }
0xdb: {  	s28 =	simm.s32 $0xA400;
	s22 =	sadd.s32 s11, s25;
	s26 =	spop (v2sf);
	(v2sf) =	vpush v1, $0xE  }
0xdc: {  	[tilespmem:s28], [sflag:$0x3] =	stream.linear.gather [hbm4b:s22+s3], $0x400, $0x38;
	[tilespmem:$0x10600] =	vst v63  }
0xdd: {  	s29 =	spop (v2sf);
	(v2sf) =	vpush v2, $0xE  }
0xde: {  	s31 =	simm.s32 $0xA800;
	s22 =	sadd.s32 s26, s29;
	s30 =	spop (v2sf)  }
0xdf: {  	[tilespmem:s31], [sflag:$0x3] =	stream.linear.gather [hbm4b:s22+s3], $0x400, $0x38;
	[tilespmem:$0x10600] =	vst v63  }
0xe0: {  	(v2sf) =	vpush v1, $0xF;
	s0 =	spop (v2sf)  }
0xe1: {  	s4 =	simm.s32 $0xAC00;
	(v2sf) =	vpush v2, $0xF;
	s22 =	sadd.s32 s30, s0;
	s1 =	spop (v2sf)  }
0xe2: {  	[tilespmem:s4], [sflag:$0x3] =	stream.linear.gather [hbm4b:s22+s3], $0x400, $0x38;
	[tilespmem:$0x10600] =	vst v63  }
0xe3: {  	s5 =	spop (v2sf)  }
0xe4: {  	s7 =	simm.s32 $0xB000;
	s22 =	sadd.s32 s1, s5;
	s6 =	spop (v2sf)  }
0xe5: {  	[tilespmem:s7], [sflag:$0x3] =	stream.linear.gather [hbm4b:s22+s3], $0x400, $0x38;
	[tilespmem:$0x10600] =	vst v63  }
0xe6: {  	s8 =	spop (v2sf)  }
0xe7: {  	s10 =	simm.s32 $0xB400;
	s22 =	sadd.s32 s6, s8;
	s9 =	spop (v2sf)  }
0xe8: {  	[tilespmem:s10], [sflag:$0x3] =	stream.linear.gather [hbm4b:s22+s3], $0x400, $0x38;
	[tilespmem:$0x10600] =	vst v63  }
0xe9: {  	s11 =	spop (v2sf)  }
0xea: {  	s25 =	simm.s32 $0xB800;
	s22 =	sadd.s32 s9, s11;
	s24 =	spop (v2sf)  }
0xeb: {  	[tilespmem:s25], [sflag:$0x3] =	stream.linear.gather [hbm4b:s22+s3], $0x400, $0x38;
	[tilespmem:$0x10600] =	vst v63  }
0xec: {  	s26 =	spop (v2sf)  }
0xed: {  	s29 =	simm.s32 $0xBC00;
	s22 =	sadd.s32 s24, s26  }
0xee: {  	[tilespmem:s29], [sflag:$0x3] =	stream.linear.gather [hbm4b:s22+s3], $0x400, $0x38;
	[tilespmem:$0x10600] =	vst v63  }
.Ltmp2:
0xef: {  	s28 =	spop (v2sf);
	(pc) =	sbr.rel .LBB2_2-.Ltmp2, $4  }
0xf0: {  	s30 =	spop (v2sf)  }
0xf1: {  	s31 =	simm.s32 $0xC000;
	s22 =	sadd.s32 s28, s30  }
0xf2: {  	[tilespmem:s31], [sflag:$0x3] =	stream.linear.gather [hbm4b:s22+s3], $0x400, $0x38;
	[tilespmem:$0x10600] =	vst v63  }
0xf3: {  	s22 =	simm.s32 $0x0  }
.LBB2_8:
0xf4: {  	_ =	swait.ge [sflag:s21], $0x4000  }
0xf5: {  	[sflag:s21] =	ssyncset.done $0x0  }
0xf6: {  	[sflag:s21] =	ssyncadd.s32 $0xFFFFC000  }
0xf7: {  	v1 =	vld [tilespmem:s23+$0x30]  }
0xf8: {  	v2 =	vld [tilespmem:s23+$0x230];
	_ =	sdelay $0x3  }
0xf9: {  	v1 =	vand.u32 $0x7, v1  }
0xfa: {  	v3 =	vand.u32 $0x70, v2;
	(v2sf) =	vpush v1, $0x0  }
0xfb: {  	v1 =	vor.u32 v0, v1;
	(v2sf) =	vpush v3, $0x0  }
0xfc: {  	(v2sf) =	vpush v1, $0x1  }
0xfd: {  	(v2sf) =	vpush v3, $0x1  }
0xfe: {  	v1 =	vshll.u32 v1, $0x7;
	(v2sf) =	vpush v3, $0x2  }
0xff: {  	(v2sf) =	vpush v1, $0x3  }
0x100: {  	(v2sf) =	vpush v1, $0x2  }
0x101: {  	(v2sf) =	vpush v3, $0x3  }
0x102: {  	(v2sf) =	vpush v3, $0x4  }
0x103: {  	(v2sf) =	vpush v1, $0x5  }
0x104: {  	(v2sf) =	vpush v1, $0x4  }
0x105: {  	(v2sf) =	vpush v3, $0x5  }
0x106: {  	(v2sf) =	vpush v3, $0x6  }
0x107: {  	(v2sf) =	vpush v1, $0x7  }
0x108: {  	(v2sf) =	vpush v1, $0x6  }
0x109: {  	s0 =	spop (v2sf);
	(v2sf) =	vpush v3, $0x7  }
0x10a: {  	s1 =	spop (v2sf);
	(v2sf) =	vpush v3, $0x8  }
0x10b: {  	s4 =	spop (v2sf);
	(v2sf) =	vpush v1, $0x9  }
0x10c: {  	s5 =	spop (v2sf);
	(v2sf) =	vpush v1, $0x8  }
0x10d: {  	s6 =	spop (v2sf);
	(v2sf) =	vpush v3, $0x9  }
0x10e: {  	s7 =	spop (v2sf);
	(v2sf) =	vpush v3, $0xA  }
0x10f: {  	s8 =	spop (v2sf);
	(v2sf) =	vpush v1, $0xB  }
0x110: {  	s9 =	spop (v2sf);
	(v2sf) =	vpush v1, $0xA  }
0x111: {  	s10 =	spop (v2sf);
	(v2sf) =	vpush v3, $0xB  }
0x112: {  	s11 =	spop (v2sf);
	(v2sf) =	vpush v3, $0xC  }
0x113: {  	s24 =	spop (v2sf);
	(v2sf) =	vpush v1, $0xD  }
0x114: {  	s25 =	spop (v2sf);
	(v2sf) =	vpush v1, $0xC  }
0x115: {  	s26 =	spop (v2sf);
	(v2sf) =	vpush v3, $0xD  }
0x116: {  	s28 =	spop (v2sf);
	(v2sf) =	vpush v3, $0xE  }
0x117: {  	s29 =	spop (v2sf);
	(v2sf) =	vpush v1, $0xF  }
0x118: {  	s30 =	spop (v2sf);
	(v2sf) =	vpush v1, $0xE  }
0x119: {  	s0 =	sshll.u32 s0, $0x7;
	s31 =	spop (v2sf);
	(v2sf) =	vpush v3, $0xF  }
0x11a: {  	s0 =	sor.u32 s1, s0;
	s4 =	sshll.u32 s4, $0x7;
	s1 =	spop (v2sf)  }
0x11b: {  	s5 =	sor.u32 s5, s4;
	v1 =	vld [tilespmem:s0+$0xC400];
	s4 =	spop (v2sf)  }
0x11c: {  	v3 =	vld [tilespmem:s5+$0xC400];
	s5 =	sor.u32 s6, s8;
	s6 =	spop (v2sf)  }
0x11d: {  	s7 =	sor.u32 s9, s7;
	v4 =	vld [tilespmem:s5+$0xC400];
	s8 =	spop (v2sf)  }
0x11e: {  	v5 =	vld [tilespmem:s7+$0xC400];
	s9 =	sor.u32 s10, s24;
	s10 =	spop (v2sf)  }
0x11f: {  	v6 =	vld [tilespmem:s9+$0xC400];
	s11 =	sor.u32 s25, s11;
	s24 =	spop (v2sf)  }
0x120: {  	v2 =	vand.u32 $0xF, v2;
	v7 =	vld [tilespmem:s11+$0xC400];
	s25 =	sor.u32 s26, s29;
	s26 =	spop (v2sf)  }
0x121: {  	v8 =	vld [tilespmem:s25+$0xC400];
	s28 =	sor.u32 s30, s28;
	v1 =	vperm.xlane v1, v2;
	v3 =	vperm.xlane v3, v2;
	s29 =	spop (v2sf)  }
0x122: {  	v9 =	vld [tilespmem:s28+$0xC400];
	s30 =	sor.u32 s31, s4;
	v4 =	vperm.xlane v4, v2;
	s31 =	spop (v2sf)  }
0x123: {  	v10 =	vld [tilespmem:s30+$0xC400];
	s1 =	sor.u32 s6, s1;
	v1 =	vsel vm0, v1, v3;
	v3 =	vperm.xlane v5, v2;
	s5 =	spop (v2sf)  }
0x124: {  	v52 =	vperm.xlane v6, v2;
	v51 =	vld [tilespmem:s1+$0xC400];
	s6 =	sor.u32 s8, s24;
	v1 =	vsel vm1, v1, v4;
	s8 =	spop (v2sf)  }
0x125: {  	v53 =	vld [tilespmem:s6+$0xC400];
	s9 =	sor.u32 s26, s10;
	v1 =	vsel vm2, v1, v3;
	v3 =	vperm.xlane v7, v2;
	s11 =	spop (v2sf)  }
0x126: {  	v55 =	vperm.xlane v8, v2;
	v54 =	vld [tilespmem:s9+$0xC400];
	v1 =	vsel vm3, v1, v52;
	s24 =	sor.u32 s29, s5;
	s25 =	spop (v2sf)  }
0x127: {  	v1 =	vsel vm4, v1, v3;
	v3 =	vperm.xlane v9, v2;
	v56 =	vld [tilespmem:s24+$0xC400];
	s26 =	sor.u32 s8, s31;
	s28 =	spop (v2sf)  }
0x128: {  	v58 =	vperm.xlane v10, v2;
	v1 =	vsel vm5, v1, v55;
	v57 =	vld [tilespmem:s26+$0xC400];
	s29 =	sor.u32 s11, s28;
	s30 =	spop (v2sf)  }
0x129: {  	v1 =	vsel vm6, v1, v3;
	v3 =	vperm.xlane v51, v2;
	v59 =	vld [tilespmem:s29+$0xC400];
	s31 =	sor.u32 s30, s25  }
0x12a: {  	v60 =	vperm.xlane v53, v2;
	v1 =	vsel vm7, v1, v58;
	v61 =	vld [tilespmem:s31+$0xC400]  }
0x12b: {  	v1 =	vsel vm8, v1, v3;
	v3 =	vperm.xlane v54, v2  }
0x12c: {  	s22 =	sadd.s32 $0x100, s22;
	v1 =	vsel vm9, v1, v60;
	v62 =	vperm.xlane v56, v2  }
0x12d: {  	p0 =	sne.s32 s22, $0x800;
	v1 =	vsel vm10, v1, v3;
	v3 =	vperm.xlane v57, v2  }
.Ltmp3:
0x12e: {  	v1 =	vsel vm11, v1, v62;
	v63 =	vperm.xlane v59, v2;
	(pc) =	sbr.rel @!p0 .LBB2_9-.Ltmp3, $4  }
0x12f: {  	v1 =	vsel vm12, v1, v3;
	v2 =	vperm.xlane v61, v2  }
0x130: {  	v1 =	vsel vm13, v1, v63  }
0x131: {  	v1 =	vsel vm14, v1, v2  }
0x132: {  	[tilespmem:s23+$0x10430] =	vst v1  }
.LBB2_2:
0x133: {  	s23 =	sshra.s32 s22, $0x2  }
0x134: {  	v1 =	vld [tilespmem:s23+$0x30];
	_ =	sdelay $0x1  }
0x135: {  	v2 =	vld [tilespmem:s23+$0x230];
	_ =	sdelay $0x2  }
0x136: {  	v1 =	vshrl.u32 v1, $0x3  }
0x137: {  	v1 =	vmul.u32 $0x2780, v1  }
0x138: {  	v2 =	vand.u32 $0xFFFFFF80, v2  }
0x139: {  	v2 =	vadd.s32 s2, v2;
	(v2sf) =	vpush v1, $0x0  }
0x13a: {  	(v2sf) =	vpush v2, $0x0;
	_ =	sdelay $0x6  }
0x13b: {  	(v2sf) =	vpush v1, $0x1;
	_ =	sdelay $0x1  }
0x13c: {  	(v2sf) =	vpush v2, $0x1  }
0x13d: {  	(v2sf) =	vpush v1, $0x2;
	_ =	sdelay $0x1  }
0x13e: {  	(v2sf) =	vpush v2, $0x2  }
0x13f: {  	(v2sf) =	vpush v1, $0x3  }
0x140: {  	(v2sf) =	vpush v2, $0x3;
	s24 =	spop (v2sf)  }
0x141: {  	s25 =	spop (v2sf);
	(v2sf) =	vpush v1, $0x4  }
0x142: {  	(v2sf) =	vpush v2, $0x4  }
0x143: {  	(v2sf) =	vpush v1, $0x5;
	_ =	sdelay $0x1  }
0x144: {  	(v2sf) =	vpush v2, $0x5  }
0x145: {  	(v2sf) =	vpush v1, $0x6;
	_ =	sdelay $0x1  }
0x146: {  	s0 =	simm.s32 $0xC400;
	s24 =	sadd.s32 s24, s25;
	s31 =	spop (v2sf);
	(v2sf) =	vpush v2, $0x6  }
0x147: {  	[tilespmem:s0], [sflag:$0x4] =	stream.linear.gather [hbm4b:s24+s3], $0x400, $0x38;
	(v2sf) =	vpush v1, $0x7;
	[tilespmem:$0x10600] =	vst v63  }
0x148: {  	s0 =	spop (v2sf)  }
0x149: {  	s1 =	simm.s32 $0xC800;
	s24 =	sadd.s32 s31, s0;
	s4 =	spop (v2sf);
	(v2sf) =	vpush v2, $0x7  }
0x14a: {  	[tilespmem:s1], [sflag:$0x4] =	stream.linear.gather [hbm4b:s24+s3], $0x400, $0x38;
	[tilespmem:$0x10600] =	vst v63  }
0x14b: {  	s5 =	spop (v2sf)  }
0x14c: {  	s7 =	spop (v2sf)  }
0x14d: {  	s8 =	spop (v2sf)  }
0x14e: {  	s10 =	spop (v2sf);
	(v2sf) =	vpush v1, $0x8  }
0x14f: {  	s11 =	spop (v2sf);
	(v2sf) =	vpush v2, $0x8  }
0x150: {  	s6 =	simm.s32 $0xCC00;
	s24 =	sadd.s32 s4, s5;
	s28 =	spop (v2sf);
	(v2sf) =	vpush v1, $0x9  }
0x151: {  	[tilespmem:s6], [sflag:$0x4] =	stream.linear.gather [hbm4b:s24+s3], $0x400, $0x38;
	[tilespmem:$0x10600] =	vst v63  }
0x152: {  	s29 =	spop (v2sf);
	(v2sf) =	vpush v2, $0x9  }
0x153: {  	s9 =	simm.s32 $0xD000;
	s24 =	sadd.s32 s7, s8;
	s31 =	spop (v2sf);
	(v2sf) =	vpush v1, $0xA  }
0x154: {  	[tilespmem:s9], [sflag:$0x4] =	stream.linear.gather [hbm4b:s24+s3], $0x400, $0x38;
	[tilespmem:$0x10600] =	vst v63  }
0x155: {  	s0 =	spop (v2sf);
	(v2sf) =	vpush v2, $0xA  }
0x156: {  	s26 =	simm.s32 $0xD400;
	s24 =	sadd.s32 s10, s11;
	s4 =	spop (v2sf);
	(v2sf) =	vpush v1, $0xB  }
0x157: {  	[tilespmem:s26], [sflag:$0x4] =	stream.linear.gather [hbm4b:s24+s3], $0x400, $0x38;
	[tilespmem:$0x10600] =	vst v63  }
0x158: {  	s5 =	spop (v2sf);
	(v2sf) =	vpush v2, $0xB  }
0x159: {  	s30 =	simm.s32 $0xD800;
	s24 =	sadd.s32 s28, s29  }
0x15a: {  	[tilespmem:s30], [sflag:$0x4] =	stream.linear.gather [hbm4b:s24+s3], $0x400, $0x38;
	[tilespmem:$0x10600] =	vst v63  }
0x15b: {  	s1 =	simm.s32 $0xDC00;
	s24 =	sadd.s32 s31, s0  }
0x15c: {  	[tilespmem:s1], [sflag:$0x4] =	stream.linear.gather [hbm4b:s24+s3], $0x400, $0x38;
	[tilespmem:$0x10600] =	vst v63  }
0x15d: {  	s7 =	spop (v2sf);
	(v2sf) =	vpush v1, $0xC  }
0x15e: {  	s8 =	spop (v2sf);
	(v2sf) =	vpush v2, $0xC  }
0x15f: {  	s6 =	simm.s32 $0xE000;
	s24 =	sadd.s32 s4, s5;
	s10 =	spop (v2sf);
	(v2sf) =	vpush v1, $0xD  }
0x160: {  	[tilespmem:s6], [sflag:$0x4] =	stream.linear.gather [hbm4b:s24+s3], $0x400, $0x38;
	[tilespmem:$0x10600] =	vst v63  }
0x161: {  	s11 =	spop (v2sf);
	(v2sf) =	vpush v2, $0xD  }
0x162: {  	s9 =	simm.s32 $0xE400;
	s24 =	sadd.s32 s7, s8;
	s28 =	spop (v2sf);
	(v2sf) =	vpush v1, $0xE  }
0x163: {  	[tilespmem:s9], [sflag:$0x4] =	stream.linear.gather [hbm4b:s24+s3], $0x400, $0x38;
	[tilespmem:$0x10600] =	vst v63  }
0x164: {  	s29 =	spop (v2sf);
	(v2sf) =	vpush v2, $0xE  }
0x165: {  	s26 =	simm.s32 $0xE800;
	s24 =	sadd.s32 s10, s11;
	s30 =	spop (v2sf);
	(v2sf) =	vpush v1, $0xF  }
0x166: {  	[tilespmem:s26], [sflag:$0x4] =	stream.linear.gather [hbm4b:s24+s3], $0x400, $0x38;
	[tilespmem:$0x10600] =	vst v63  }
0x167: {  	s31 =	spop (v2sf);
	(v2sf) =	vpush v2, $0xF  }
0x168: {  	s24 =	sadd.s32 s28, s29  }
0x169: {  	[tilespmem:s12], [sflag:$0x4] =	stream.linear.gather [hbm4b:s24+s3], $0x400, $0x38;
	[tilespmem:$0x10600] =	vst v63  }
0x16a: {  	s24 =	sadd.s32 s30, s31  }
0x16b: {  	[tilespmem:s13], [sflag:$0x4] =	stream.linear.gather [hbm4b:s24+s3], $0x400, $0x38;
	[tilespmem:$0x10600] =	vst v63  }
0x16c: {  	s0 =	spop (v2sf)  }
0x16d: {  	s1 =	spop (v2sf)  }
0x16e: {  	s24 =	sadd.s32 s0, s1;
	s4 =	spop (v2sf)  }
0x16f: {  	[tilespmem:s14], [sflag:$0x4] =	stream.linear.gather [hbm4b:s24+s3], $0x400, $0x38;
	[tilespmem:$0x10600] =	vst v63  }
0x170: {  	s5 =	spop (v2sf)  }
0x171: {  	s24 =	sadd.s32 s4, s5;
	s6 =	spop (v2sf)  }
0x172: {  	[tilespmem:s15], [sflag:$0x4] =	stream.linear.gather [hbm4b:s24+s3], $0x400, $0x38;
	[tilespmem:$0x10600] =	vst v63  }
0x173: {  	s7 =	spop (v2sf)  }
0x174: {  	s24 =	sadd.s32 s6, s7;
	s8 =	spop (v2sf)  }
0x175: {  	[tilespmem:s16], [sflag:$0x4] =	stream.linear.gather [hbm4b:s24+s3], $0x400, $0x38;
	[tilespmem:$0x10600] =	vst v63  }
0x176: {  	s9 =	spop (v2sf)  }
0x177: {  	s24 =	sadd.s32 s8, s9  }
0x178: {  	[tilespmem:s17], [sflag:$0x4] =	stream.linear.gather [hbm4b:s24+s3], $0x400, $0x38;
	[tilespmem:$0x10600] =	vst v63  }
0x179: {  	_ =	swait.ge [sflag:s18], $0x4000  }
0x17a: {  	[sflag:s18] =	ssyncset.done $0x0  }
0x17b: {  	[sflag:s18] =	ssyncadd.s32 $0xFFFFC000  }
0x17c: {  	v1 =	vld [tilespmem:s23+$0x0]  }
0x17d: {  	v2 =	vld [tilespmem:s23+$0x200];
	_ =	sdelay $0x3  }
0x17e: {  	v1 =	vand.u32 $0x7, v1  }
0x17f: {  	v3 =	vand.u32 $0x70, v2;
	(v2sf) =	vpush v1, $0x0  }
0x180: {  	v1 =	vor.u32 v0, v1;
	(v2sf) =	vpush v3, $0x0  }
0x181: {  	(v2sf) =	vpush v1, $0x1  }
0x182: {  	(v2sf) =	vpush v3, $0x1  }
0x183: {  	v1 =	vshll.u32 v1, $0x7;
	(v2sf) =	vpush v3, $0x2  }
0x184: {  	(v2sf) =	vpush v1, $0x3  }
0x185: {  	(v2sf) =	vpush v1, $0x2  }
0x186: {  	(v2sf) =	vpush v3, $0x3  }
0x187: {  	(v2sf) =	vpush v3, $0x4  }
0x188: {  	(v2sf) =	vpush v1, $0x5  }
0x189: {  	(v2sf) =	vpush v1, $0x4  }
0x18a: {  	(v2sf) =	vpush v3, $0x5  }
0x18b: {  	(v2sf) =	vpush v3, $0x6  }
0x18c: {  	(v2sf) =	vpush v1, $0x7  }
0x18d: {  	(v2sf) =	vpush v1, $0x6  }
0x18e: {  	s10 =	spop (v2sf);
	(v2sf) =	vpush v3, $0x7  }
0x18f: {  	s25 =	spop (v2sf);
	(v2sf) =	vpush v3, $0x8  }
0x190: {  	s26 =	spop (v2sf);
	(v2sf) =	vpush v1, $0x9  }
0x191: {  	s28 =	spop (v2sf);
	(v2sf) =	vpush v1, $0x8  }
0x192: {  	s29 =	spop (v2sf);
	(v2sf) =	vpush v3, $0x9  }
0x193: {  	s30 =	spop (v2sf);
	(v2sf) =	vpush v3, $0xA  }
0x194: {  	s31 =	spop (v2sf);
	(v2sf) =	vpush v1, $0xB  }
0x195: {  	s0 =	spop (v2sf);
	(v2sf) =	vpush v1, $0xA  }
0x196: {  	s1 =	spop (v2sf);
	(v2sf) =	vpush v3, $0xB  }
0x197: {  	s11 =	spop (v2sf);
	(v2sf) =	vpush v3, $0xC  }
0x198: {  	s8 =	spop (v2sf);
	(v2sf) =	vpush v1, $0xD  }
0x199: {  	s9 =	spop (v2sf);
	(v2sf) =	vpush v1, $0xC  }
0x19a: {  	s5 =	spop (v2sf);
	(v2sf) =	vpush v3, $0xD  }
0x19b: {  	s6 =	spop (v2sf);
	(v2sf) =	vpush v3, $0xE  }
0x19c: {  	s7 =	spop (v2sf);
	(v2sf) =	vpush v1, $0xF  }
0x19d: {  	s4 =	spop (v2sf);
	(v2sf) =	vpush v1, $0xE  }
0x19e: {  	s24 =	sshll.u32 s10, $0x7;
	s10 =	spop (v2sf);
	(v2sf) =	vpush v3, $0xF  }
0x19f: {  	s24 =	sor.u32 s25, s24;
	s26 =	sshll.u32 s26, $0x7;
	s25 =	spop (v2sf)  }
0x1a0: {  	s28 =	sor.u32 s28, s26;
	v1 =	vld [tilespmem:s24+$0x400];
	s26 =	spop (v2sf)  }
0x1a1: {  	s29 =	sor.u32 s29, s31;
	v3 =	vld [tilespmem:s28+$0x400];
	s28 =	spop (v2sf)  }
0x1a2: {  	v4 =	vld [tilespmem:s29+$0x400];
	s0 =	sor.u32 s0, s30;
	s24 =	spop (v2sf)  }
0x1a3: {  	v5 =	vld [tilespmem:s0+$0x400];
	s30 =	sor.u32 s1, s8;
	s1 =	spop (v2sf)  }
0x1a4: {  	v6 =	vld [tilespmem:s30+$0x400];
	s31 =	sor.u32 s9, s11;
	s8 =	spop (v2sf)  }
0x1a5: {  	v2 =	vand.u32 $0xF, v2;
	v7 =	vld [tilespmem:s31+$0x400];
	s9 =	sor.u32 s5, s7;
	s11 =	spop (v2sf)  }
0x1a6: {  	v8 =	vld [tilespmem:s9+$0x400];
	s6 =	sor.u32 s4, s6;
	v1 =	vperm.xlane v1, v2;
	v3 =	vperm.xlane v3, v2;
	s7 =	spop (v2sf)  }
0x1a7: {  	v4 =	vperm.xlane v4, v2;
	v9 =	vld [tilespmem:s6+$0x400];
	s26 =	sor.u32 s10, s26;
	s29 =	spop (v2sf)  }
0x1a8: {  	v10 =	vld [tilespmem:s26+$0x400];
	s30 =	sor.u32 s28, s25;
	v1 =	vsel vm0, v1, v3;
	v3 =	vperm.xlane v5, v2;
	s31 =	spop (v2sf)  }
0x1a9: {  	v52 =	vperm.xlane v6, v2;
	v51 =	vld [tilespmem:s30+$0x400];
	s8 =	sor.u32 s24, s8;
	v1 =	vsel vm1, v1, v4;
	s9 =	spop (v2sf)  }
0x1aa: {  	v53 =	vld [tilespmem:s8+$0x400];
	s10 =	sor.u32 s11, s1;
	v1 =	vsel vm2, v1, v3;
	v3 =	vperm.xlane v7, v2;
	s11 =	spop (v2sf)  }
0x1ab: {  	v55 =	vperm.xlane v8, v2;
	v54 =	vld [tilespmem:s10+$0x400];
	v1 =	vsel vm3, v1, v52;
	s24 =	sor.u32 s7, s31;
	s25 =	spop (v2sf)  }
0x1ac: {  	v1 =	vsel vm4, v1, v3;
	v3 =	vperm.xlane v9, v2;
	v56 =	vld [tilespmem:s24+$0x400];
	s26 =	sor.u32 s9, s29;
	s28 =	spop (v2sf)  }
0x1ad: {  	v58 =	vperm.xlane v10, v2;
	v1 =	vsel vm5, v1, v55;
	v57 =	vld [tilespmem:s26+$0x400];
	s29 =	sor.u32 s11, s28;
	s30 =	spop (v2sf)  }
0x1ae: {  	v1 =	vsel vm6, v1, v3;
	v3 =	vperm.xlane v51, v2;
	v59 =	vld [tilespmem:s29+$0x400];
	s31 =	sor.u32 s30, s25  }
0x1af: {  	v60 =	vperm.xlane v53, v2;
	v1 =	vsel vm7, v1, v58;
	v61 =	vld [tilespmem:s31+$0x400]  }
0x1b0: {  	v1 =	vsel vm8, v1, v3;
	v3 =	vperm.xlane v54, v2  }
0x1b1: {  	v1 =	vsel vm9, v1, v60;
	v62 =	vperm.xlane v56, v2  }
0x1b2: {  	p0 =	seq.s32 s22, $0x700;
	v1 =	vsel vm10, v1, v3;
	v3 =	vperm.xlane v57, v2  }
.Ltmp4:
0x1b3: {  	v1 =	vsel vm11, v1, v62;
	v63 =	vperm.xlane v59, v2;
	(pc) =	sbr.rel @p0 .LBB2_4-.Ltmp4, $4  }
0x1b4: {  	v1 =	vsel vm12, v1, v3;
	v2 =	vperm.xlane v61, v2  }
0x1b5: {  	v1 =	vsel vm13, v1, v63  }
0x1b6: {  	v1 =	vsel vm14, v1, v2  }
0x1b7: {  	[tilespmem:s23+$0x10400] =	vst v1  }
0x1b8: {  	v1 =	vld [tilespmem:s23+$0x40];
	_ =	sdelay $0x1  }
0x1b9: {  	v2 =	vld [tilespmem:s23+$0x240];
	_ =	sdelay $0x2  }
0x1ba: {  	v1 =	vshrl.u32 v1, $0x3  }
0x1bb: {  	v1 =	vmul.u32 $0x2780, v1  }
0x1bc: {  	v2 =	vand.u32 $0xFFFFFF80, v2  }
0x1bd: {  	v2 =	vadd.s32 s2, v2;
	(v2sf) =	vpush v1, $0x0  }
0x1be: {  	(v2sf) =	vpush v2, $0x0  }
0x1bf: {  	(v2sf) =	vpush v1, $0x1;
	_ =	sdelay $0x1  }
0x1c0: {  	(v2sf) =	vpush v2, $0x1  }
0x1c1: {  	(v2sf) =	vpush v1, $0x2;
	_ =	sdelay $0x1  }
0x1c2: {  	(v2sf) =	vpush v2, $0x2  }
0x1c3: {  	(v2sf) =	vpush v1, $0x3;
	_ =	sdelay $0x1  }
0x1c4: {  	(v2sf) =	vpush v2, $0x3  }
0x1c5: {  	(v2sf) =	vpush v1, $0x4;
	_ =	sdelay $0x1  }
0x1c6: {  	(v2sf) =	vpush v2, $0x4  }
0x1c7: {  	(v2sf) =	vpush v1, $0x5  }
0x1c8: {  	s0 =	spop (v2sf)  }
0x1c9: {  	(v2sf) =	vpush v2, $0x5;
	s1 =	spop (v2sf)  }
0x1ca: {  	s4 =	simm.s32 $0x400;
	(v2sf) =	vpush v1, $0x6;
	s0 =	sadd.s32 s0, s1;
	s31 =	spop (v2sf)  }
0x1cb: {  	[tilespmem:s4], [sflag:$0x1] =	stream.linear.gather [hbm4b:s0+s3], $0x400, $0x38;
	[tilespmem:$0x10600] =	vst v63  }
0x1cc: {  	(v2sf) =	vpush v2, $0x6;
	s4 =	spop (v2sf)  }
0x1cd: {  	s6 =	simm.s32 $0x800;
	(v2sf) =	vpush v1, $0x7;
	s0 =	sadd.s32 s31, s4;
	s5 =	spop (v2sf)  }
0x1ce: {  	[tilespmem:s6], [sflag:$0x1] =	stream.linear.gather [hbm4b:s0+s3], $0x400, $0x38;
	[tilespmem:$0x10600] =	vst v63  }
0x1cf: {  	(v2sf) =	vpush v2, $0x7;
	s7 =	spop (v2sf)  }
0x1d0: {  	s9 =	simm.s32 $0xC00;
	(v2sf) =	vpush v1, $0x8;
	s0 =	sadd.s32 s5, s7;
	s8 =	spop (v2sf)  }
0x1d1: {  	[tilespmem:s9], [sflag:$0x1] =	stream.linear.gather [hbm4b:s0+s3], $0x400, $0x38;
	[tilespmem:$0x10600] =	vst v63  }
0x1d2: {  	(v2sf) =	vpush v2, $0x8;
	s10 =	spop (v2sf)  }
0x1d3: {  	s24 =	simm.s32 $0x1000;
	(v2sf) =	vpush v1, $0x9;
	s0 =	sadd.s32 s8, s10;
	s11 =	spop (v2sf)  }
0x1d4: {  	[tilespmem:s24], [sflag:$0x1] =	stream.linear.gather [hbm4b:s0+s3], $0x400, $0x38;
	[tilespmem:$0x10600] =	vst v63  }
0x1d5: {  	(v2sf) =	vpush v2, $0x9;
	s25 =	spop (v2sf)  }
0x1d6: {  	s28 =	simm.s32 $0x1400;
	(v2sf) =	vpush v1, $0xA;
	s0 =	sadd.s32 s11, s25;
	s26 =	spop (v2sf)  }
0x1d7: {  	[tilespmem:s28], [sflag:$0x1] =	stream.linear.gather [hbm4b:s0+s3], $0x400, $0x38;
	[tilespmem:$0x10600] =	vst v63  }
0x1d8: {  	s29 =	spop (v2sf);
	(v2sf) =	vpush v2, $0xA  }
0x1d9: {  	s31 =	simm.s32 $0x1800;
	s0 =	sadd.s32 s26, s29;
	s30 =	spop (v2sf);
	(v2sf) =	vpush v1, $0xB  }
0x1da: {  	[tilespmem:s31], [sflag:$0x1] =	stream.linear.gather [hbm4b:s0+s3], $0x400, $0x38;
	[tilespmem:$0x10600] =	vst v63  }
0x1db: {  	s4 =	spop (v2sf);
	(v2sf) =	vpush v2, $0xB  }
0x1dc: {  	s6 =	simm.s32 $0x1C00;
	s0 =	sadd.s32 s30, s4;
	s5 =	spop (v2sf);
	(v2sf) =	vpush v1, $0xC  }
0x1dd: {  	[tilespmem:s6], [sflag:$0x1] =	stream.linear.gather [hbm4b:s0+s3], $0x400, $0x38;
	[tilespmem:$0x10600] =	vst v63  }
0x1de: {  	s7 =	spop (v2sf);
	(v2sf) =	vpush v2, $0xC  }
0x1df: {  	s9 =	simm.s32 $0x2000;
	s0 =	sadd.s32 s5, s7;
	s8 =	spop (v2sf);
	(v2sf) =	vpush v1, $0xD  }
0x1e0: {  	[tilespmem:s9], [sflag:$0x1] =	stream.linear.gather [hbm4b:s0+s3], $0x400, $0x38;
	[tilespmem:$0x10600] =	vst v63  }
0x1e1: {  	s10 =	spop (v2sf);
	(v2sf) =	vpush v2, $0xD  }
0x1e2: {  	s24 =	simm.s32 $0x2400;
	s0 =	sadd.s32 s8, s10;
	s11 =	spop (v2sf);
	(v2sf) =	vpush v1, $0xE  }
0x1e3: {  	[tilespmem:s24], [sflag:$0x1] =	stream.linear.gather [hbm4b:s0+s3], $0x400, $0x38;
	[tilespmem:$0x10600] =	vst v63  }
0x1e4: {  	s25 =	spop (v2sf);
	(v2sf) =	vpush v2, $0xE  }
0x1e5: {  	s28 =	simm.s32 $0x2800;
	s0 =	sadd.s32 s11, s25;
	s26 =	spop (v2sf);
	(v2sf) =	vpush v1, $0xF  }
0x1e6: {  	[tilespmem:s28], [sflag:$0x1] =	stream.linear.gather [hbm4b:s0+s3], $0x400, $0x38;
	[tilespmem:$0x10600] =	vst v63  }
0x1e7: {  	s29 =	spop (v2sf);
	(v2sf) =	vpush v2, $0xF  }
0x1e8: {  	s31 =	simm.s32 $0x2C00;
	s0 =	sadd.s32 s26, s29;
	s30 =	spop (v2sf)  }
0x1e9: {  	[tilespmem:s31], [sflag:$0x1] =	stream.linear.gather [hbm4b:s0+s3], $0x400, $0x38;
	[tilespmem:$0x10600] =	vst v63  }
0x1ea: {  	s5 =	spop (v2sf)  }
0x1eb: {  	s7 =	simm.s32 $0x3000;
	s0 =	sadd.s32 s30, s5;
	s6 =	spop (v2sf)  }
0x1ec: {  	[tilespmem:s7], [sflag:$0x1] =	stream.linear.gather [hbm4b:s0+s3], $0x400, $0x38;
	[tilespmem:$0x10600] =	vst v63  }
0x1ed: {  	s8 =	spop (v2sf)  }
0x1ee: {  	s10 =	simm.s32 $0x3400;
	s0 =	sadd.s32 s6, s8;
	s9 =	spop (v2sf)  }
0x1ef: {  	[tilespmem:s10], [sflag:$0x1] =	stream.linear.gather [hbm4b:s0+s3], $0x400, $0x38;
	[tilespmem:$0x10600] =	vst v63  }
0x1f0: {  	s11 =	spop (v2sf)  }
0x1f1: {  	s25 =	simm.s32 $0x3800;
	s0 =	sadd.s32 s9, s11;
	s24 =	spop (v2sf)  }
0x1f2: {  	[tilespmem:s25], [sflag:$0x1] =	stream.linear.gather [hbm4b:s0+s3], $0x400, $0x38;
	[tilespmem:$0x10600] =	vst v63  }
0x1f3: {  	s26 =	spop (v2sf)  }
0x1f4: {  	s29 =	simm.s32 $0x3C00;
	s0 =	sadd.s32 s24, s26;
	s28 =	spop (v2sf)  }
0x1f5: {  	[tilespmem:s29], [sflag:$0x1] =	stream.linear.gather [hbm4b:s0+s3], $0x400, $0x38;
	[tilespmem:$0x10600] =	vst v63  }
0x1f6: {  	s30 =	spop (v2sf)  }
0x1f7: {  	s31 =	simm.s32 $0x4000;
	s0 =	sadd.s32 s28, s30  }
0x1f8: {  	[tilespmem:s31], [sflag:$0x1] =	stream.linear.gather [hbm4b:s0+s3], $0x400, $0x38;
	[tilespmem:$0x10600] =	vst v63  }
.LBB2_4:
0x1f9: {  	_ =	swait.ge [sflag:s19], $0x4000  }
0x1fa: {  	[sflag:s19] =	ssyncset.done $0x0  }
0x1fb: {  	[sflag:s19] =	ssyncadd.s32 $0xFFFFC000  }
0x1fc: {  	v1 =	vld [tilespmem:s23+$0x10]  }
0x1fd: {  	v2 =	vld [tilespmem:s23+$0x210];
	_ =	sdelay $0x3  }
0x1fe: {  	v1 =	vand.u32 $0x7, v1  }
0x1ff: {  	v3 =	vand.u32 $0x70, v2;
	(v2sf) =	vpush v1, $0x0  }
0x200: {  	v1 =	vor.u32 v0, v1;
	(v2sf) =	vpush v3, $0x0  }
0x201: {  	(v2sf) =	vpush v1, $0x1  }
0x202: {  	(v2sf) =	vpush v3, $0x1  }
0x203: {  	v1 =	vshll.u32 v1, $0x7;
	(v2sf) =	vpush v3, $0x2  }
0x204: {  	(v2sf) =	vpush v1, $0x3  }
0x205: {  	(v2sf) =	vpush v1, $0x2  }
0x206: {  	(v2sf) =	vpush v3, $0x3  }
0x207: {  	(v2sf) =	vpush v3, $0x4  }
0x208: {  	(v2sf) =	vpush v1, $0x5  }
0x209: {  	(v2sf) =	vpush v1, $0x4  }
0x20a: {  	(v2sf) =	vpush v3, $0x5  }
0x20b: {  	(v2sf) =	vpush v3, $0x6  }
0x20c: {  	(v2sf) =	vpush v1, $0x7  }
0x20d: {  	(v2sf) =	vpush v1, $0x6  }
0x20e: {  	s0 =	spop (v2sf);
	(v2sf) =	vpush v3, $0x7  }
0x20f: {  	s1 =	spop (v2sf);
	(v2sf) =	vpush v3, $0x8  }
0x210: {  	s4 =	spop (v2sf);
	(v2sf) =	vpush v1, $0x9  }
0x211: {  	s5 =	spop (v2sf);
	(v2sf) =	vpush v1, $0x8  }
0x212: {  	s6 =	spop (v2sf);
	(v2sf) =	vpush v3, $0x9  }
0x213: {  	s7 =	spop (v2sf);
	(v2sf) =	vpush v3, $0xA  }
0x214: {  	s8 =	spop (v2sf);
	(v2sf) =	vpush v1, $0xB  }
0x215: {  	s9 =	spop (v2sf);
	(v2sf) =	vpush v1, $0xA  }
0x216: {  	s10 =	spop (v2sf);
	(v2sf) =	vpush v3, $0xB  }
0x217: {  	s11 =	spop (v2sf);
	(v2sf) =	vpush v3, $0xC  }
0x218: {  	s24 =	spop (v2sf);
	(v2sf) =	vpush v1, $0xD  }
0x219: {  	s25 =	spop (v2sf);
	(v2sf) =	vpush v1, $0xC  }
0x21a: {  	s26 =	spop (v2sf);
	(v2sf) =	vpush v3, $0xD  }
0x21b: {  	s28 =	spop (v2sf);
	(v2sf) =	vpush v3, $0xE  }
0x21c: {  	s29 =	spop (v2sf);
	(v2sf) =	vpush v1, $0xF  }
0x21d: {  	s30 =	spop (v2sf);
	(v2sf) =	vpush v1, $0xE  }
0x21e: {  	s0 =	sshll.u32 s0, $0x7;
	s31 =	spop (v2sf);
	(v2sf) =	vpush v3, $0xF  }
0x21f: {  	s0 =	sor.u32 s1, s0;
	s4 =	sshll.u32 s4, $0x7;
	s1 =	spop (v2sf)  }
0x220: {  	s5 =	sor.u32 s5, s4;
	v1 =	vld [tilespmem:s0+$0x4400];
	s4 =	spop (v2sf)  }
0x221: {  	v3 =	vld [tilespmem:s5+$0x4400];
	s5 =	sor.u32 s6, s8;
	s6 =	spop (v2sf)  }
0x222: {  	s7 =	sor.u32 s9, s7;
	v4 =	vld [tilespmem:s5+$0x4400];
	s8 =	spop (v2sf)  }
0x223: {  	v5 =	vld [tilespmem:s7+$0x4400];
	s9 =	sor.u32 s10, s24;
	s10 =	spop (v2sf)  }
0x224: {  	v6 =	vld [tilespmem:s9+$0x4400];
	s11 =	sor.u32 s25, s11;
	s24 =	spop (v2sf)  }
0x225: {  	v2 =	vand.u32 $0xF, v2;
	v7 =	vld [tilespmem:s11+$0x4400];
	s25 =	sor.u32 s26, s29;
	s26 =	spop (v2sf)  }
0x226: {  	v8 =	vld [tilespmem:s25+$0x4400];
	s28 =	sor.u32 s30, s28;
	v1 =	vperm.xlane v1, v2;
	v3 =	vperm.xlane v3, v2;
	s29 =	spop (v2sf)  }
0x227: {  	v9 =	vld [tilespmem:s28+$0x4400];
	s30 =	sor.u32 s31, s4;
	v4 =	vperm.xlane v4, v2;
	s31 =	spop (v2sf)  }
0x228: {  	v10 =	vld [tilespmem:s30+$0x4400];
	s1 =	sor.u32 s6, s1;
	v1 =	vsel vm0, v1, v3;
	v3 =	vperm.xlane v5, v2;
	s5 =	spop (v2sf)  }
0x229: {  	v52 =	vperm.xlane v6, v2;
	v51 =	vld [tilespmem:s1+$0x4400];
	s6 =	sor.u32 s8, s24;
	v1 =	vsel vm1, v1, v4;
	s8 =	spop (v2sf)  }
0x22a: {  	v53 =	vld [tilespmem:s6+$0x4400];
	s9 =	sor.u32 s26, s10;
	v1 =	vsel vm2, v1, v3;
	v3 =	vperm.xlane v7, v2;
	s11 =	spop (v2sf)  }
0x22b: {  	v55 =	vperm.xlane v8, v2;
	v54 =	vld [tilespmem:s9+$0x4400];
	v1 =	vsel vm3, v1, v52;
	s24 =	sor.u32 s29, s5;
	s25 =	spop (v2sf)  }
0x22c: {  	v1 =	vsel vm4, v1, v3;
	v3 =	vperm.xlane v9, v2;
	v56 =	vld [tilespmem:s24+$0x4400];
	s26 =	sor.u32 s8, s31;
	s28 =	spop (v2sf)  }
0x22d: {  	v58 =	vperm.xlane v10, v2;
	v1 =	vsel vm5, v1, v55;
	v57 =	vld [tilespmem:s26+$0x4400];
	s29 =	sor.u32 s11, s28;
	s30 =	spop (v2sf)  }
0x22e: {  	v1 =	vsel vm6, v1, v3;
	v3 =	vperm.xlane v51, v2;
	v59 =	vld [tilespmem:s29+$0x4400];
	s31 =	sor.u32 s30, s25  }
0x22f: {  	v60 =	vperm.xlane v53, v2;
	v1 =	vsel vm7, v1, v58;
	v61 =	vld [tilespmem:s31+$0x4400]  }
0x230: {  	v1 =	vsel vm8, v1, v3;
	v3 =	vperm.xlane v54, v2  }
0x231: {  	v1 =	vsel vm9, v1, v60;
	v62 =	vperm.xlane v56, v2  }
0x232: {  	v1 =	vsel vm10, v1, v3;
	v3 =	vperm.xlane v57, v2  }
.Ltmp5:
0x233: {  	v1 =	vsel vm11, v1, v62;
	v63 =	vperm.xlane v59, v2;
	(pc) =	sbr.rel @p0 .LBB2_6-.Ltmp5, $4  }
0x234: {  	v1 =	vsel vm12, v1, v3;
	v2 =	vperm.xlane v61, v2  }
0x235: {  	v1 =	vsel vm13, v1, v63  }
0x236: {  	v1 =	vsel vm14, v1, v2  }
0x237: {  	[tilespmem:s23+$0x10410] =	vst v1  }
0x238: {  	v1 =	vld [tilespmem:s23+$0x50];
	_ =	sdelay $0x1  }
0x239: {  	v2 =	vld [tilespmem:s23+$0x250];
	_ =	sdelay $0x2  }
0x23a: {  	v1 =	vshrl.u32 v1, $0x3  }
0x23b: {  	v1 =	vmul.u32 $0x2780, v1  }
0x23c: {  	v2 =	vand.u32 $0xFFFFFF80, v2  }
0x23d: {  	v2 =	vadd.s32 s2, v2;
	(v2sf) =	vpush v1, $0x0  }
0x23e: {  	(v2sf) =	vpush v2, $0x0  }
0x23f: {  	(v2sf) =	vpush v1, $0x1;
	_ =	sdelay $0x1  }
0x240: {  	(v2sf) =	vpush v2, $0x1  }
0x241: {  	(v2sf) =	vpush v1, $0x2;
	_ =	sdelay $0x1  }
0x242: {  	(v2sf) =	vpush v2, $0x2  }
0x243: {  	(v2sf) =	vpush v1, $0x3;
	_ =	sdelay $0x1  }
0x244: {  	(v2sf) =	vpush v2, $0x3  }
0x245: {  	(v2sf) =	vpush v1, $0x4;
	_ =	sdelay $0x1  }
0x246: {  	(v2sf) =	vpush v2, $0x4  }
0x247: {  	(v2sf) =	vpush v1, $0x5  }
0x248: {  	s0 =	spop (v2sf)  }
0x249: {  	(v2sf) =	vpush v2, $0x5;
	s1 =	spop (v2sf)  }
0x24a: {  	s4 =	simm.s32 $0x4400;
	(v2sf) =	vpush v1, $0x6;
	s0 =	sadd.s32 s0, s1;
	s31 =	spop (v2sf)  }
0x24b: {  	[tilespmem:s4], [sflag:$0x2] =	stream.linear.gather [hbm4b:s0+s3], $0x400, $0x38;
	[tilespmem:$0x10600] =	vst v63  }
0x24c: {  	(v2sf) =	vpush v2, $0x6;
	s4 =	spop (v2sf)  }
0x24d: {  	s6 =	simm.s32 $0x4800;
	(v2sf) =	vpush v1, $0x7;
	s0 =	sadd.s32 s31, s4;
	s5 =	spop (v2sf)  }
0x24e: {  	[tilespmem:s6], [sflag:$0x2] =	stream.linear.gather [hbm4b:s0+s3], $0x400, $0x38;
	[tilespmem:$0x10600] =	vst v63  }
0x24f: {  	(v2sf) =	vpush v2, $0x7;
	s7 =	spop (v2sf)  }
0x250: {  	s9 =	simm.s32 $0x4C00;
	(v2sf) =	vpush v1, $0x8;
	s0 =	sadd.s32 s5, s7;
	s8 =	spop (v2sf)  }
0x251: {  	[tilespmem:s9], [sflag:$0x2] =	stream.linear.gather [hbm4b:s0+s3], $0x400, $0x38;
	[tilespmem:$0x10600] =	vst v63  }
0x252: {  	(v2sf) =	vpush v2, $0x8;
	s10 =	spop (v2sf)  }
0x253: {  	s24 =	simm.s32 $0x5000;
	(v2sf) =	vpush v1, $0x9;
	s0 =	sadd.s32 s8, s10;
	s11 =	spop (v2sf)  }
0x254: {  	[tilespmem:s24], [sflag:$0x2] =	stream.linear.gather [hbm4b:s0+s3], $0x400, $0x38;
	[tilespmem:$0x10600] =	vst v63  }
0x255: {  	(v2sf) =	vpush v2, $0x9;
	s25 =	spop (v2sf)  }
0x256: {  	s28 =	simm.s32 $0x5400;
	(v2sf) =	vpush v1, $0xA;
	s0 =	sadd.s32 s11, s25;
	s26 =	spop (v2sf)  }
0x257: {  	[tilespmem:s28], [sflag:$0x2] =	stream.linear.gather [hbm4b:s0+s3], $0x400, $0x38;
	[tilespmem:$0x10600] =	vst v63  }
0x258: {  	s29 =	spop (v2sf);
	(v2sf) =	vpush v2, $0xA  }
0x259: {  	s31 =	simm.s32 $0x5800;
	s0 =	sadd.s32 s26, s29;
	s30 =	spop (v2sf);
	(v2sf) =	vpush v1, $0xB  }
0x25a: {  	[tilespmem:s31], [sflag:$0x2] =	stream.linear.gather [hbm4b:s0+s3], $0x400, $0x38;
	[tilespmem:$0x10600] =	vst v63  }
0x25b: {  	s4 =	spop (v2sf);
	(v2sf) =	vpush v2, $0xB  }
0x25c: {  	s6 =	simm.s32 $0x5C00;
	s0 =	sadd.s32 s30, s4;
	s5 =	spop (v2sf);
	(v2sf) =	vpush v1, $0xC  }
0x25d: {  	[tilespmem:s6], [sflag:$0x2] =	stream.linear.gather [hbm4b:s0+s3], $0x400, $0x38;
	[tilespmem:$0x10600] =	vst v63  }
0x25e: {  	s7 =	spop (v2sf);
	(v2sf) =	vpush v2, $0xC  }
0x25f: {  	s9 =	simm.s32 $0x6000;
	s0 =	sadd.s32 s5, s7;
	s8 =	spop (v2sf);
	(v2sf) =	vpush v1, $0xD  }
0x260: {  	[tilespmem:s9], [sflag:$0x2] =	stream.linear.gather [hbm4b:s0+s3], $0x400, $0x38;
	[tilespmem:$0x10600] =	vst v63  }
0x261: {  	s10 =	spop (v2sf);
	(v2sf) =	vpush v2, $0xD  }
0x262: {  	s24 =	simm.s32 $0x6400;
	s0 =	sadd.s32 s8, s10;
	s11 =	spop (v2sf);
	(v2sf) =	vpush v1, $0xE  }
0x263: {  	[tilespmem:s24], [sflag:$0x2] =	stream.linear.gather [hbm4b:s0+s3], $0x400, $0x38;
	[tilespmem:$0x10600] =	vst v63  }
0x264: {  	s25 =	spop (v2sf);
	(v2sf) =	vpush v2, $0xE  }
0x265: {  	s28 =	simm.s32 $0x6800;
	s0 =	sadd.s32 s11, s25;
	s26 =	spop (v2sf);
	(v2sf) =	vpush v1, $0xF  }
0x266: {  	[tilespmem:s28], [sflag:$0x2] =	stream.linear.gather [hbm4b:s0+s3], $0x400, $0x38;
	[tilespmem:$0x10600] =	vst v63  }
0x267: {  	s29 =	spop (v2sf);
	(v2sf) =	vpush v2, $0xF  }
0x268: {  	s31 =	simm.s32 $0x6C00;
	s0 =	sadd.s32 s26, s29;
	s30 =	spop (v2sf)  }
0x269: {  	[tilespmem:s31], [sflag:$0x2] =	stream.linear.gather [hbm4b:s0+s3], $0x400, $0x38;
	[tilespmem:$0x10600] =	vst v63  }
0x26a: {  	s5 =	spop (v2sf)  }
0x26b: {  	s7 =	simm.s32 $0x7000;
	s0 =	sadd.s32 s30, s5;
	s6 =	spop (v2sf)  }
0x26c: {  	[tilespmem:s7], [sflag:$0x2] =	stream.linear.gather [hbm4b:s0+s3], $0x400, $0x38;
	[tilespmem:$0x10600] =	vst v63  }
0x26d: {  	s8 =	spop (v2sf)  }
0x26e: {  	s10 =	simm.s32 $0x7400;
	s0 =	sadd.s32 s6, s8;
	s9 =	spop (v2sf)  }
0x26f: {  	[tilespmem:s10], [sflag:$0x2] =	stream.linear.gather [hbm4b:s0+s3], $0x400, $0x38;
	[tilespmem:$0x10600] =	vst v63  }
0x270: {  	s11 =	spop (v2sf)  }
0x271: {  	s25 =	simm.s32 $0x7800;
	s0 =	sadd.s32 s9, s11;
	s24 =	spop (v2sf)  }
0x272: {  	[tilespmem:s25], [sflag:$0x2] =	stream.linear.gather [hbm4b:s0+s3], $0x400, $0x38;
	[tilespmem:$0x10600] =	vst v63  }
0x273: {  	s26 =	spop (v2sf)  }
0x274: {  	s29 =	simm.s32 $0x7C00;
	s0 =	sadd.s32 s24, s26;
	s28 =	spop (v2sf)  }
0x275: {  	[tilespmem:s29], [sflag:$0x2] =	stream.linear.gather [hbm4b:s0+s3], $0x400, $0x38;
	[tilespmem:$0x10600] =	vst v63  }
0x276: {  	s30 =	spop (v2sf)  }
0x277: {  	s31 =	simm.s32 $0x8000;
	s0 =	sadd.s32 s28, s30  }
0x278: {  	[tilespmem:s31], [sflag:$0x2] =	stream.linear.gather [hbm4b:s0+s3], $0x400, $0x38;
	[tilespmem:$0x10600] =	vst v63  }
.LBB2_6:
0x279: {  	_ =	swait.ge [sflag:s20], $0x4000  }
0x27a: {  	[sflag:s20] =	ssyncset.done $0x0  }
0x27b: {  	[sflag:s20] =	ssyncadd.s32 $0xFFFFC000  }
0x27c: {  	v1 =	vld [tilespmem:s23+$0x20]  }
0x27d: {  	v2 =	vld [tilespmem:s23+$0x220];
	_ =	sdelay $0x3  }
0x27e: {  	v1 =	vand.u32 $0x7, v1  }
0x27f: {  	v3 =	vand.u32 $0x70, v2;
	(v2sf) =	vpush v1, $0x0  }
0x280: {  	v1 =	vor.u32 v0, v1;
	(v2sf) =	vpush v3, $0x0  }
0x281: {  	(v2sf) =	vpush v1, $0x1  }
0x282: {  	(v2sf) =	vpush v3, $0x1  }
0x283: {  	v1 =	vshll.u32 v1, $0x7;
	(v2sf) =	vpush v3, $0x2  }
0x284: {  	(v2sf) =	vpush v1, $0x3  }
0x285: {  	(v2sf) =	vpush v1, $0x2  }
0x286: {  	(v2sf) =	vpush v3, $0x3  }
0x287: {  	(v2sf) =	vpush v3, $0x4  }
0x288: {  	(v2sf) =	vpush v1, $0x5  }
0x289: {  	(v2sf) =	vpush v1, $0x4  }
0x28a: {  	(v2sf) =	vpush v3, $0x5  }
0x28b: {  	(v2sf) =	vpush v3, $0x6  }
0x28c: {  	(v2sf) =	vpush v1, $0x7  }
0x28d: {  	(v2sf) =	vpush v1, $0x6  }
0x28e: {  	s0 =	spop (v2sf);
	(v2sf) =	vpush v3, $0x7  }
0x28f: {  	s1 =	spop (v2sf);
	(v2sf) =	vpush v3, $0x8  }
0x290: {  	s4 =	spop (v2sf);
	(v2sf) =	vpush v1, $0x9  }
0x291: {  	s5 =	spop (v2sf);
	(v2sf) =	vpush v1, $0x8  }
0x292: {  	s6 =	spop (v2sf);
	(v2sf) =	vpush v3, $0x9  }
0x293: {  	s7 =	spop (v2sf);
	(v2sf) =	vpush v3, $0xA  }
0x294: {  	s8 =	spop (v2sf);
	(v2sf) =	vpush v1, $0xB  }
0x295: {  	s9 =	spop (v2sf);
	(v2sf) =	vpush v1, $0xA  }
0x296: {  	s10 =	spop (v2sf);
	(v2sf) =	vpush v3, $0xB  }
0x297: {  	s11 =	spop (v2sf);
	(v2sf) =	vpush v3, $0xC  }
0x298: {  	s24 =	spop (v2sf);
	(v2sf) =	vpush v1, $0xD  }
0x299: {  	s25 =	spop (v2sf);
	(v2sf) =	vpush v1, $0xC  }
0x29a: {  	s26 =	spop (v2sf);
	(v2sf) =	vpush v3, $0xD  }
0x29b: {  	s28 =	spop (v2sf);
	(v2sf) =	vpush v3, $0xE  }
0x29c: {  	s29 =	spop (v2sf);
	(v2sf) =	vpush v1, $0xF  }
0x29d: {  	s30 =	spop (v2sf);
	(v2sf) =	vpush v1, $0xE  }
0x29e: {  	s0 =	sshll.u32 s0, $0x7;
	s31 =	spop (v2sf);
	(v2sf) =	vpush v3, $0xF  }
0x29f: {  	s0 =	sor.u32 s1, s0;
	s4 =	sshll.u32 s4, $0x7;
	s1 =	spop (v2sf)  }
0x2a0: {  	s5 =	sor.u32 s5, s4;
	v1 =	vld [tilespmem:s0+$0x8400];
	s4 =	spop (v2sf)  }
0x2a1: {  	v3 =	vld [tilespmem:s5+$0x8400];
	s5 =	sor.u32 s6, s8;
	s6 =	spop (v2sf)  }
0x2a2: {  	s7 =	sor.u32 s9, s7;
	v4 =	vld [tilespmem:s5+$0x8400];
	s8 =	spop (v2sf)  }
0x2a3: {  	v5 =	vld [tilespmem:s7+$0x8400];
	s9 =	sor.u32 s10, s24;
	s10 =	spop (v2sf)  }
0x2a4: {  	v6 =	vld [tilespmem:s9+$0x8400];
	s11 =	sor.u32 s25, s11;
	s24 =	spop (v2sf)  }
0x2a5: {  	v2 =	vand.u32 $0xF, v2;
	v7 =	vld [tilespmem:s11+$0x8400];
	s25 =	sor.u32 s26, s29;
	s26 =	spop (v2sf)  }
0x2a6: {  	v8 =	vld [tilespmem:s25+$0x8400];
	s28 =	sor.u32 s30, s28;
	v1 =	vperm.xlane v1, v2;
	v3 =	vperm.xlane v3, v2;
	s29 =	spop (v2sf)  }
0x2a7: {  	v9 =	vld [tilespmem:s28+$0x8400];
	s30 =	sor.u32 s31, s4;
	v4 =	vperm.xlane v4, v2;
	s31 =	spop (v2sf)  }
0x2a8: {  	v10 =	vld [tilespmem:s30+$0x8400];
	s1 =	sor.u32 s6, s1;
	v1 =	vsel vm0, v1, v3;
	v3 =	vperm.xlane v5, v2;
	s5 =	spop (v2sf)  }
0x2a9: {  	v52 =	vperm.xlane v6, v2;
	v51 =	vld [tilespmem:s1+$0x8400];
	s6 =	sor.u32 s8, s24;
	v1 =	vsel vm1, v1, v4;
	s8 =	spop (v2sf)  }
0x2aa: {  	v53 =	vld [tilespmem:s6+$0x8400];
	s9 =	sor.u32 s26, s10;
	v1 =	vsel vm2, v1, v3;
	v3 =	vperm.xlane v7, v2;
	s11 =	spop (v2sf)  }
0x2ab: {  	v55 =	vperm.xlane v8, v2;
	v54 =	vld [tilespmem:s9+$0x8400];
	v1 =	vsel vm3, v1, v52;
	s24 =	sor.u32 s29, s5;
	s25 =	spop (v2sf)  }
0x2ac: {  	v1 =	vsel vm4, v1, v3;
	v3 =	vperm.xlane v9, v2;
	v56 =	vld [tilespmem:s24+$0x8400];
	s26 =	sor.u32 s8, s31;
	s28 =	spop (v2sf)  }
0x2ad: {  	v58 =	vperm.xlane v10, v2;
	v1 =	vsel vm5, v1, v55;
	v57 =	vld [tilespmem:s26+$0x8400];
	s29 =	sor.u32 s11, s28;
	s30 =	spop (v2sf)  }
0x2ae: {  	v1 =	vsel vm6, v1, v3;
	v3 =	vperm.xlane v51, v2;
	v59 =	vld [tilespmem:s29+$0x8400];
	s31 =	sor.u32 s30, s25  }
0x2af: {  	v60 =	vperm.xlane v53, v2;
	v1 =	vsel vm7, v1, v58;
	v61 =	vld [tilespmem:s31+$0x8400]  }
0x2b0: {  	v1 =	vsel vm8, v1, v3;
	v3 =	vperm.xlane v54, v2  }
0x2b1: {  	v1 =	vsel vm9, v1, v60;
	v62 =	vperm.xlane v56, v2  }
0x2b2: {  	v1 =	vsel vm10, v1, v3;
	v3 =	vperm.xlane v57, v2  }
.Ltmp6:
0x2b3: {  	v1 =	vsel vm11, v1, v62;
	v63 =	vperm.xlane v59, v2;
	(pc) =	sbr.rel @p0 .LBB2_8-.Ltmp6, $4  }
0x2b4: {  	v1 =	vsel vm12, v1, v3;
	v2 =	vperm.xlane v61, v2  }
0x2b5: {  	v1 =	vsel vm13, v1, v63  }
0x2b6: {  	v1 =	vsel vm14, v1, v2  }
0x2b7: {  	[tilespmem:s23+$0x10420] =	vst v1  }
0x2b8: {  	v1 =	vld [tilespmem:s23+$0x60];
	_ =	sdelay $0x1  }
0x2b9: {  	v2 =	vld [tilespmem:s23+$0x260];
	_ =	sdelay $0x2  }
0x2ba: {  	v1 =	vshrl.u32 v1, $0x3  }
0x2bb: {  	v1 =	vmul.u32 $0x2780, v1  }
0x2bc: {  	v2 =	vand.u32 $0xFFFFFF80, v2  }
0x2bd: {  	v2 =	vadd.s32 s2, v2;
	(v2sf) =	vpush v1, $0x0  }
0x2be: {  	(v2sf) =	vpush v2, $0x0  }
0x2bf: {  	(v2sf) =	vpush v1, $0x1;
	_ =	sdelay $0x1  }
0x2c0: {  	(v2sf) =	vpush v2, $0x1  }
0x2c1: {  	(v2sf) =	vpush v1, $0x2;
	_ =	sdelay $0x1  }
0x2c2: {  	(v2sf) =	vpush v2, $0x2  }
0x2c3: {  	(v2sf) =	vpush v1, $0x3;
	_ =	sdelay $0x1  }
0x2c4: {  	(v2sf) =	vpush v2, $0x3  }
0x2c5: {  	(v2sf) =	vpush v1, $0x4;
	_ =	sdelay $0x1  }
0x2c6: {  	(v2sf) =	vpush v2, $0x4  }
0x2c7: {  	(v2sf) =	vpush v1, $0x5  }
0x2c8: {  	s0 =	spop (v2sf)  }
0x2c9: {  	(v2sf) =	vpush v2, $0x5;
	s1 =	spop (v2sf)  }
0x2ca: {  	s4 =	simm.s32 $0x8400;
	(v2sf) =	vpush v1, $0x6;
	s0 =	sadd.s32 s0, s1;
	s31 =	spop (v2sf)  }
0x2cb: {  	[tilespmem:s4], [sflag:$0x3] =	stream.linear.gather [hbm4b:s0+s3], $0x400, $0x38;
	[tilespmem:$0x10600] =	vst v63  }
0x2cc: {  	(v2sf) =	vpush v2, $0x6;
	s4 =	spop (v2sf)  }
0x2cd: {  	s6 =	simm.s32 $0x8800;
	(v2sf) =	vpush v1, $0x7;
	s0 =	sadd.s32 s31, s4;
	s5 =	spop (v2sf)  }
0x2ce: {  	[tilespmem:s6], [sflag:$0x3] =	stream.linear.gather [hbm4b:s0+s3], $0x400, $0x38;
	[tilespmem:$0x10600] =	vst v63  }
0x2cf: {  	(v2sf) =	vpush v2, $0x7;
	s7 =	spop (v2sf)  }
0x2d0: {  	s9 =	simm.s32 $0x8C00;
	(v2sf) =	vpush v1, $0x8;
	s0 =	sadd.s32 s5, s7;
	s8 =	spop (v2sf)  }
0x2d1: {  	[tilespmem:s9], [sflag:$0x3] =	stream.linear.gather [hbm4b:s0+s3], $0x400, $0x38;
	[tilespmem:$0x10600] =	vst v63  }
0x2d2: {  	(v2sf) =	vpush v2, $0x8;
	s10 =	spop (v2sf)  }
0x2d3: {  	s24 =	simm.s32 $0x9000;
	(v2sf) =	vpush v1, $0x9;
	s0 =	sadd.s32 s8, s10;
	s11 =	spop (v2sf)  }
0x2d4: {  	[tilespmem:s24], [sflag:$0x3] =	stream.linear.gather [hbm4b:s0+s3], $0x400, $0x38;
	[tilespmem:$0x10600] =	vst v63  }
0x2d5: {  	(v2sf) =	vpush v2, $0x9;
	s25 =	spop (v2sf)  }
0x2d6: {  	s28 =	simm.s32 $0x9400;
	(v2sf) =	vpush v1, $0xA;
	s0 =	sadd.s32 s11, s25;
	s26 =	spop (v2sf)  }
0x2d7: {  	[tilespmem:s28], [sflag:$0x3] =	stream.linear.gather [hbm4b:s0+s3], $0x400, $0x38;
	[tilespmem:$0x10600] =	vst v63  }
0x2d8: {  	s29 =	spop (v2sf);
	(v2sf) =	vpush v2, $0xA  }
0x2d9: {  	s31 =	simm.s32 $0x9800;
	s0 =	sadd.s32 s26, s29;
	s30 =	spop (v2sf);
	(v2sf) =	vpush v1, $0xB  }
0x2da: {  	[tilespmem:s31], [sflag:$0x3] =	stream.linear.gather [hbm4b:s0+s3], $0x400, $0x38;
	[tilespmem:$0x10600] =	vst v63  }
0x2db: {  	s4 =	spop (v2sf);
	(v2sf) =	vpush v2, $0xB  }
0x2dc: {  	s6 =	simm.s32 $0x9C00;
	s0 =	sadd.s32 s30, s4;
	s5 =	spop (v2sf);
	(v2sf) =	vpush v1, $0xC  }
0x2dd: {  	[tilespmem:s6], [sflag:$0x3] =	stream.linear.gather [hbm4b:s0+s3], $0x400, $0x38;
	[tilespmem:$0x10600] =	vst v63  }
0x2de: {  	s7 =	spop (v2sf);
	(v2sf) =	vpush v2, $0xC  }
0x2df: {  	s9 =	simm.s32 $0xA000;
	s0 =	sadd.s32 s5, s7;
	s8 =	spop (v2sf);
	(v2sf) =	vpush v1, $0xD  }
0x2e0: {  	[tilespmem:s9], [sflag:$0x3] =	stream.linear.gather [hbm4b:s0+s3], $0x400, $0x38;
	[tilespmem:$0x10600] =	vst v63  }
0x2e1: {  	s10 =	spop (v2sf);
	(v2sf) =	vpush v2, $0xD  }
0x2e2: {  	s24 =	simm.s32 $0xA400;
	s0 =	sadd.s32 s8, s10;
	s11 =	spop (v2sf);
	(v2sf) =	vpush v1, $0xE  }
0x2e3: {  	[tilespmem:s24], [sflag:$0x3] =	stream.linear.gather [hbm4b:s0+s3], $0x400, $0x38;
	[tilespmem:$0x10600] =	vst v63  }
0x2e4: {  	s25 =	spop (v2sf);
	(v2sf) =	vpush v2, $0xE  }
0x2e5: {  	s28 =	simm.s32 $0xA800;
	s0 =	sadd.s32 s11, s25;
	s26 =	spop (v2sf);
	(v2sf) =	vpush v1, $0xF  }
0x2e6: {  	[tilespmem:s28], [sflag:$0x3] =	stream.linear.gather [hbm4b:s0+s3], $0x400, $0x38;
	[tilespmem:$0x10600] =	vst v63  }
0x2e7: {  	s29 =	spop (v2sf);
	(v2sf) =	vpush v2, $0xF  }
0x2e8: {  	s31 =	simm.s32 $0xAC00;
	s0 =	sadd.s32 s26, s29;
	s30 =	spop (v2sf)  }
0x2e9: {  	[tilespmem:s31], [sflag:$0x3] =	stream.linear.gather [hbm4b:s0+s3], $0x400, $0x38;
	[tilespmem:$0x10600] =	vst v63  }
0x2ea: {  	s5 =	spop (v2sf)  }
0x2eb: {  	s7 =	simm.s32 $0xB000;
	s0 =	sadd.s32 s30, s5;
	s6 =	spop (v2sf)  }
0x2ec: {  	[tilespmem:s7], [sflag:$0x3] =	stream.linear.gather [hbm4b:s0+s3], $0x400, $0x38;
	[tilespmem:$0x10600] =	vst v63  }
0x2ed: {  	s8 =	spop (v2sf)  }
0x2ee: {  	s10 =	simm.s32 $0xB400;
	s0 =	sadd.s32 s6, s8;
	s9 =	spop (v2sf)  }
0x2ef: {  	[tilespmem:s10], [sflag:$0x3] =	stream.linear.gather [hbm4b:s0+s3], $0x400, $0x38;
	[tilespmem:$0x10600] =	vst v63  }
0x2f0: {  	s11 =	spop (v2sf)  }
0x2f1: {  	s25 =	simm.s32 $0xB800;
	s0 =	sadd.s32 s9, s11;
	s24 =	spop (v2sf)  }
0x2f2: {  	[tilespmem:s25], [sflag:$0x3] =	stream.linear.gather [hbm4b:s0+s3], $0x400, $0x38;
	[tilespmem:$0x10600] =	vst v63  }
0x2f3: {  	s29 =	simm.s32 $0xBC00;
	s26 =	spop (v2sf)  }
.Ltmp7:
0x2f4: {  	s0 =	sadd.s32 s24, s26;
	s28 =	spop (v2sf);
	(pc) =	sbr.rel .LBB2_8-.Ltmp7, $4  }
0x2f5: {  	[tilespmem:s29], [sflag:$0x3] =	stream.linear.gather [hbm4b:s0+s3], $0x400, $0x38;
	[tilespmem:$0x10600] =	vst v63  }
0x2f6: {  	s30 =	spop (v2sf)  }
0x2f7: {  	s31 =	simm.s32 $0xC000;
	s0 =	sadd.s32 s28, s30  }
0x2f8: {  	[tilespmem:s31], [sflag:$0x3] =	stream.linear.gather [hbm4b:s0+s3], $0x400, $0x38;
	[tilespmem:$0x10600] =	vst v63  }
.LBB2_10:
0x2f9: {  	_ =	sfence.sel $0x180000  }
0x2fa: {  	[bflag:$0x0] =	sbarrier.arrive $0xFFFF  }
0x2fb: {  	_ =	strace $0x90000047  }
0x2fc: {  	s0 =	stileid.u32;
	[bflag:$0x2] =	sbarrier.arrive $0xFFFF  }
0x2fd: {  	p0 =	sne.s32 s0, $0x0;
	s0 =	rddreg [dreg:$0x3]  }
0x2fe: {  	s0 =	sadd.s32 @!p0 $0x100000, s0  }
0x2ff: {  	[sflag:s0] =	ssyncadd.tile.s32 @!p0 $0x1;
	_ =	shalt  }
.Lfunc_end2:
_tile_overlayer_lowered:
.L_overlay_start_2:
0x300: {  	(tag) =	ssettag $0x2  }
0x301: {  	s0 =	rddreg [dreg:$0x0];
	s2 =	stileid.u32  }
0x302: {  	s1 =	rddreg [dreg:$0x1];
	p0 =	sne.s32 s2, $0x0  }
0x303: {  	s3 =	rddreg [dreg:$0x2];
	[bflag:$0x3] =	sbarrier.arrive $0xFFFF;
	s2 =	simm.s32 @!p0 $0x1C05  }
0x304: {  	[timem:s3], [sflag:s2] =	dma.local @!p0 [hbm:s0], s1  }
0x305: {  	s0 =	simm.s32 @!p0 $0x5  }
0x306: {  	_ =	swait.ge @!p0 [sflag:s0], s1  }
0x307: {  	s1 =	ssub.s32 @!p0 $0x0, s1;
	[sflag:s0] =	ssyncset.done @!p0 $0x0  }
0x308: {  	[sflag:s0] =	ssyncadd.s32 @!p0 s1  }
0x309: {  	[bflag:$0x3] =	sbarrier.arrive $0xFFFF  }
0x30a: {  	_ =	shalt  }

</sc_bundles>
